<compile_context>
chip_gen: v7x
topology: tpu7x:2x2x1
jax: 0.10.2.dev20260603
libtpu: 0.0.44.dev20260713+nightly
codegen_flags: <defaults>
</compile_context>

<pallas_src>
import functools

import jax
import jax.numpy as jnp
from jax import lax
from jax.experimental import pallas as pl
from jax.experimental.pallas import tpu as pltpu
from jax.experimental.pallas import tpu_sc as plsc

VOCAB = 1000000
DIM = 64
B = 4096
L = 200
EPS = 1e-12

NC = 2
NS = 16
LANES = 16
NW = NC * NS
TOK = B * L
TPW = TOK // NW
CHUNK = 512
GATHER = 128
KG = CHUNK // GATHER
NCHUNK = TPW // CHUNK
IDS_MINOR = 128
PADW = 128
KV = DIM // LANES


def _rsqrt(x):
    i = lax.bitcast_convert_type(x, jnp.int32)
    y = lax.bitcast_convert_type(
        jnp.int32(0x5F3759DF) - lax.shift_right_logical(i, 1), jnp.float32)
    for _ in range(3):
        y = y * (1.5 - 0.5 * x * y * y)
    return y


def _sc_body(ids_hbm, table_hbm, w_hbm, b_hbm, out_hbm,
             idx0, idx1, rows0, rows1, obuf, w_v, b_v,
             sem_g0, sem_g1, sem_o0):
    wid = lax.axis_index("s") * NC + lax.axis_index("c")
    base = wid * TPW
    ids_row0 = wid * (TPW // IDS_MINOR)

    pltpu.sync_copy(w_hbm, w_v)
    pltpu.sync_copy(b_hbm, b_v)

    inv_dim = jnp.float32(1.0 / DIM)

    def stage_idx(i, idx_v):
        pltpu.sync_copy(ids_hbm.at[pl.ds(ids_row0 + i * KG, KG)], idx_v)
        for j in range(KG):
            for g in range(GATHER // LANES):
                v = idx_v[j, pl.ds(g * LANES, LANES)]
                idx_v[j, pl.ds(g * LANES, LANES)] = v + v

    def fire_gather(idx_v, rows, sem):
        for j in range(KG):
            pltpu.async_copy(table_hbm.at[idx_v.at[j]],
                             rows.at[pl.ds(j * GATHER, GATHER)], sem)

    def wait_gather(rows, sem):
        pltpu.make_async_copy(table_hbm.at[pl.ds(0, CHUNK)], rows, sem).wait()

    def compute(rows):
        wb = ([w_v[pl.ds(k * LANES, LANES)] for k in range(KV)]
              + [b_v[pl.ds(k * LANES, LANES)] for k in range(KV)])

        def one(t, off, orow, wb):
            vs = [rows[t, pl.ds(k * LANES, LANES)] for k in range(KV)]
            s = (vs[0] + vs[1]) + (vs[2] + vs[3])
            sq = (vs[0] * vs[0] + vs[1] * vs[1]) + (vs[2] * vs[2]
                                                    + vs[3] * vs[3])
            mean = jnp.sum(s) * inv_dim
            msq = jnp.sum(sq) * inv_dim
            var = msq - mean * mean
            rstd = _rsqrt(jnp.maximum(var, 0.0) + jnp.float32(EPS))
            c = -(mean * rstd)
            for k in range(KV):
                obuf[orow, pl.ds(off + k * LANES, LANES)] = (
                    (vs[k] * rstd + c) * wb[k] + wb[KV + k])

        def norm_body(u, wb):
            for pp in range(2):
                orow = u * 2 + pp
                one(orow * 2, 0, orow, wb)
                one(orow * 2 + 1, DIM, orow, wb)
            return wb

        lax.fori_loop(0, CHUNK // 4, norm_body, tuple(wb))

    OROWS = CHUNK // 2
    obase = base // 2

    def fire_out(i, sem):
        pltpu.async_copy(obuf, out_hbm.at[pl.ds(obase + i * OROWS, OROWS)],
                         sem)

    def wait_out(sem):
        pltpu.make_async_copy(obuf, out_hbm.at[pl.ds(0, OROWS)], sem).wait()

    stage_idx(0, idx0)
    fire_gather(idx0, rows0, sem_g0)
    stage_idx(1, idx1)
    fire_gather(idx1, rows1, sem_g1)

    def body(h, _):
        i0 = 2 * h
        i1 = 2 * h + 1

        wait_gather(rows0, sem_g0)

        @pl.when(h > 0)
        def _():
            wait_out(sem_o0)
        compute(rows0)
        fire_out(i0, sem_o0)

        @pl.when(h < NCHUNK // 2 - 1)
        def _():
            stage_idx(i0 + 2, idx0)
            fire_gather(idx0, rows0, sem_g0)

        wait_gather(rows1, sem_g1)
        wait_out(sem_o0)
        compute(rows1)
        fire_out(i1, sem_o0)

        @pl.when(h < NCHUNK // 2 - 1)
        def _():
            stage_idx(i1 + 2, idx1)
            fire_gather(idx1, rows1, sem_g1)
        return 0

    lax.fori_loop(0, NCHUNK // 2, body, 0)
    wait_out(sem_o0)


@jax.jit
def _sc_embed_ln(ids2d, table_view, ln_weight, ln_bias):
    mesh = plsc.VectorSubcoreMesh(
        core_axis_name="c", subcore_axis_name="s",
        num_cores=NC, num_subcores=NS)
    return pl.kernel(
        _sc_body,
        out_type=jax.ShapeDtypeStruct((TOK // 2, 2 * DIM), jnp.float32),
        mesh=mesh,
        compiler_params=pltpu.CompilerParams(
            needs_layout_passes=False, use_tc_tiling_on_sc=False),
        scratch_types=[
            pltpu.VMEM((KG, GATHER), jnp.int32),
            pltpu.VMEM((KG, GATHER), jnp.int32),
            pltpu.VMEM((CHUNK, DIM), jnp.float32),
            pltpu.VMEM((CHUNK, DIM), jnp.float32),
            pltpu.VMEM((CHUNK // 2, 2 * DIM), jnp.float32),
            pltpu.VMEM((DIM,), jnp.float32),
            pltpu.VMEM((DIM,), jnp.float32),
            pltpu.SemaphoreType.DMA,
            pltpu.SemaphoreType.DMA,
            pltpu.SemaphoreType.DMA,
        ],
    )(ids2d, table_view, ln_weight, ln_bias)


def kernel(input_ids, table, ln_weight, ln_bias):
    table_pad = jnp.pad(table, ((0, 0), (0, PADW - DIM)))
    table_view = table_pad.reshape(2 * VOCAB, DIM)
    ids2d = input_ids.astype(jnp.int32).reshape(TOK // IDS_MINOR, IDS_MINOR)
    out = _sc_embed_ln(ids2d, table_view, ln_weight, ln_bias)
    return out.reshape(B, L, DIM)

# --- scband reference (transcript-rebuilt; emitter-appended) ---
"""Pipeline reference for scband-embedding-component-7679401526001 (READ-ONLY COPY).

The authoritative reference and input builder live on the scoring server;
editing this copy changes nothing except your own understanding.
"""

import jax, jax.numpy as jnp
import numpy as np

VOCAB = 1000000
DIM = 64
B = 4096
L = 200
EPS = 1e-12


def setup_inputs(seed: int = 0) -> dict:
    key = jax.random.key(seed)
    k_ids, k_tab = jax.random.split(key)
    input_ids = jax.random.randint(k_ids, (B, L), 0, VOCAB, dtype=jnp.int64 if jax.config.jax_enable_x64 else jnp.int32)
    table = jax.random.normal(k_tab, (VOCAB, DIM), dtype=jnp.float32)
    # padding_idx=0 row is initialized to zero in torch.nn.Embedding
    table = table.at[0].set(0.0)
    ln_weight = jnp.ones((DIM,), dtype=jnp.float32)
    ln_bias = jnp.zeros((DIM,), dtype=jnp.float32)
    return {"input_ids": input_ids, "table": table, "ln_weight": ln_weight, "ln_bias": ln_bias}


def reference(input_ids, table, ln_weight, ln_bias):
    # word embedding lookup (gather)
    embeds = jnp.take(table, input_ids, axis=0)  # [B, L, DIM]
    # pos_embedding == 'none' -> no positional embedding
    # LayerNorm (normalization=True, norm='LayerNorm', eps=1e-12)
    mean = jnp.mean(embeds, axis=-1, keepdims=True)
    var = jnp.mean((embeds - mean) ** 2, axis=-1, keepdims=True)
    x_norm = (embeds - mean) / jnp.sqrt(var + EPS)
    out = ln_weight * x_norm + ln_bias
    # dropout p=0.0 (eval) -> identity
    return out

if __name__ == "__main__":
    import jax
    _d = setup_inputs()
    print(jax.jit(kernel)(*tuple(_d.values())))

</pallas_src>

<mosaic_0001>
#map = affine_map<(d0, d1) -> (0, 0)>
#map1 = affine_map<(d0, d1) -> (0)>
module attributes {stable_mosaic.version = 14 : i64} {
  func.func @_sc_body(%arg0: i32, %arg1: i32, %arg2: memref<6400x128xi32, #tpu.memory_space<hbm>>, %arg3: memref<2000000x64xf32, #tpu.memory_space<hbm>>, %arg4: memref<64xf32, #tpu.memory_space<hbm>>, %arg5: memref<64xf32, #tpu.memory_space<hbm>>, %arg6: memref<409600x128xf32, #tpu.memory_space<hbm>>, %arg7: memref<4x128xi32, #tpu.memory_space<vmem>>, %arg8: memref<4x128xi32, #tpu.memory_space<vmem>>, %arg9: memref<512x64xf32, #tpu.memory_space<vmem>>, %arg10: memref<512x64xf32, #tpu.memory_space<vmem>>, %arg11: memref<256x128xf32, #tpu.memory_space<vmem>>, %arg12: memref<64xf32, #tpu.memory_space<vmem>>, %arg13: memref<64xf32, #tpu.memory_space<vmem>>, %arg14: memref<!tpu.dma_semaphore, #tpu.memory_space<semaphore_mem>>, %arg15: memref<!tpu.dma_semaphore, #tpu.memory_space<semaphore_mem>>, %arg16: memref<!tpu.dma_semaphore, #tpu.memory_space<semaphore_mem>>) attributes {dimension_semantics = [#tpu.dimension_semantics<core_parallel>, #tpu.dimension_semantics<subcore_parallel>], iteration_bounds = array<i64: 2, 16>, scalar_prefetch = 0 : i64, scratch_operands = 10 : i64, tpu.core_type = #tpu.core_type<sc_vector_subcore>, window_params = [{transform_indices = #map}, {transform_indices = #map}, {transform_indices = #map1}, {transform_indices = #map1}, {transform_indices = #map}]} {
    %mul3A = arith.constant 2 : i32
    %mul3A_0 = arith.muli %arg1, %mul3A : i32
    %add3A = arith.addi %mul3A_0, %arg0 : i32
    %mul3A_1 = arith.constant 25600 : i32
    %mul3A_2 = arith.muli %add3A, %mul3A_1 : i32
    %mul3A_3 = arith.constant 200 : i32
    %mul3A_4 = arith.muli %add3A, %mul3A_3 : i32
    "tpu.region"() ({
      %run_scoped3A = tpu.sem_alloc : memref<!tpu.dma_semaphore, #tpu.memory_space<semaphore_mem>>
      tpu.enqueue_dma source(%arg4 : memref<64xf32, #tpu.memory_space<hbm>>) target(%arg12 : memref<64xf32, #tpu.memory_space<vmem>>) target_semaphore(%run_scoped3A : memref<!tpu.dma_semaphore, #tpu.memory_space<semaphore_mem>>)
      tpu.wait_dma2 semaphore(%run_scoped3A : memref<!tpu.dma_semaphore, #tpu.memory_space<semaphore_mem>>) src(%arg4 : memref<64xf32, #tpu.memory_space<hbm>>) dst(%arg12 : memref<64xf32, #tpu.memory_space<vmem>>)
      tpu.yield
    }) : () -> ()
    "tpu.region"() ({
      %run_scoped3A = tpu.sem_alloc : memref<!tpu.dma_semaphore, #tpu.memory_space<semaphore_mem>>
      tpu.enqueue_dma source(%arg5 : memref<64xf32, #tpu.memory_space<hbm>>) target(%arg13 : memref<64xf32, #tpu.memory_space<vmem>>) target_semaphore(%run_scoped3A : memref<!tpu.dma_semaphore, #tpu.memory_space<semaphore_mem>>)
      tpu.wait_dma2 semaphore(%run_scoped3A : memref<!tpu.dma_semaphore, #tpu.memory_space<semaphore_mem>>) src(%arg5 : memref<64xf32, #tpu.memory_space<hbm>>) dst(%arg13 : memref<64xf32, #tpu.memory_space<vmem>>)
      tpu.yield
    }) : () -> ()
    %jit3A = arith.constant 2 : i32
    %div3A = arith.divsi %mul3A_2, %jit3A : i32
    %sign3A = arith.constant 0 : i32
    %sign3A_5 = arith.cmpi sgt, %mul3A_2, %sign3A : i32
    %sign3A_6 = arith.extui %sign3A_5 : i1 to i32
    %sign3A_7 = arith.constant 0 : i32
    %sign3A_8 = arith.cmpi slt, %mul3A_2, %sign3A_7 : i32
    %sign3A_9 = arith.extui %sign3A_8 : i1 to i32
    %sign3A_10 = arith.subi %sign3A_6, %sign3A_9 : i32
    %sign3A_11 = arith.constant 0 : i32
    %sign3A_12 = arith.cmpi sgt, %jit3A, %sign3A_11 : i32
    %sign3A_13 = arith.extui %sign3A_12 : i1 to i32
    %sign3A_14 = arith.constant 0 : i32
    %sign3A_15 = arith.cmpi slt, %jit3A, %sign3A_14 : i32
    %sign3A_16 = arith.extui %sign3A_15 : i1 to i32
    %sign3A_17 = arith.subi %sign3A_13, %sign3A_16 : i32
    %ne3A = arith.cmpi ne, %sign3A_10, %sign3A_17 : i32
    %rem3A = arith.remsi %mul3A_2, %jit3A : i32
    %ne3A_18 = arith.constant 0 : i32
    %ne3A_19 = arith.cmpi ne, %rem3A, %ne3A_18 : i32
    %and3A = arith.andi %ne3A, %ne3A_19 : i1
    %sub3A = arith.constant 1 : i32
    %sub3A_20 = arith.subi %div3A, %sub3A : i32
    %select_n3A = arith.select %and3A, %sub3A_20, %div3A : i32
    %add3A_21 = arith.constant 0 : i32
    %add3A_22 = arith.addi %mul3A_4, %add3A_21 : i32
    "tpu.region"() ({
      %run_scoped3A = tpu.sem_alloc : memref<!tpu.dma_semaphore, #tpu.memory_space<semaphore_mem>>
      %dma_start3A_690 = arith.constant 0 : i32
      %dma_start3A_691 = tpu.memref_slice %arg2[%add3A_22, %dma_start3A_690] : memref<6400x128xi32, #tpu.memory_space<hbm>> -> memref<4x128xi32, #tpu.memory_space<hbm>>
      %dma_start3A_692 = arith.constant 0 : i32
      %dma_start3A_693 = tpu.memref_slice %arg2[%add3A_22, %dma_start3A_692] : memref<6400x128xi32, #tpu.memory_space<hbm>> -> memref<4x128xi32, #tpu.memory_space<hbm>>
      tpu.enqueue_dma source(%dma_start3A_693 : memref<4x128xi32, #tpu.memory_space<hbm>>) target(%arg7 : memref<4x128xi32, #tpu.memory_space<vmem>>) target_semaphore(%run_scoped3A : memref<!tpu.dma_semaphore, #tpu.memory_space<semaphore_mem>>)
      %dma_wait3A_694 = arith.constant 0 : i32
      %dma_wait3A_695 = tpu.memref_slice %arg2[%add3A_22, %dma_wait3A_694] : memref<6400x128xi32, #tpu.memory_space<hbm>> -> memref<4x128xi32, #tpu.memory_space<hbm>>
      %dma_wait3A_696 = arith.constant 0 : i32
      %dma_wait3A_697 = tpu.memref_slice %arg2[%add3A_22, %dma_wait3A_696] : memref<6400x128xi32, #tpu.memory_space<hbm>> -> memref<4x128xi32, #tpu.memory_space<hbm>>
      tpu.wait_dma2 semaphore(%run_scoped3A : memref<!tpu.dma_semaphore, #tpu.memory_space<semaphore_mem>>) src(%dma_wait3A_697 : memref<4x128xi32, #tpu.memory_space<hbm>>) dst(%arg7 : memref<4x128xi32, #tpu.memory_space<vmem>>)
      tpu.yield
    }) : () -> ()
    %get3A = arith.constant 0 : i32
    %get3A_23 = arith.index_cast %get3A : i32 to index
    %get3A_24 = arith.constant 0 : index
    %get3A_25 = tpu.vector_load %arg7[%get3A_23, %get3A_24] {strides = array<i32>} : memref<4x128xi32, #tpu.memory_space<vmem>>, vector<16xi32>,
    %add3A_26 = arith.addi %get3A_25, %get3A_25 : vector<16xi32>
    %swap3A = arith.constant 0 : i32
    %swap3A_27 = arith.index_cast %swap3A : i32 to index
    %swap3A_28 = arith.constant 0 : index
    %swap3A_29 = tpu.vector_load %arg7[%swap3A_27, %swap3A_28] {strides = array<i32>} : memref<4x128xi32, #tpu.memory_space<vmem>>, vector<16xi32>,
    tpu.vector_store %arg7[%swap3A_27, %swap3A_28], %add3A_26 {strides = array<i32>} : memref<4x128xi32, #tpu.memory_space<vmem>>, vector<16xi32>,
    %get3A_30 = arith.constant 0 : i32
    %get3A_31 = arith.index_cast %get3A_30 : i32 to index
    %get3A_32 = arith.constant 16 : index
    %get3A_33 = tpu.vector_load %arg7[%get3A_31, %get3A_32] {strides = array<i32>} : memref<4x128xi32, #tpu.memory_space<vmem>>, vector<16xi32>,
    %add3A_34 = arith.addi %get3A_33, %get3A_33 : vector<16xi32>
    %swap3A_35 = arith.constant 0 : i32
    %swap3A_36 = arith.index_cast %swap3A_35 : i32 to index
    %swap3A_37 = arith.constant 16 : index
    %swap3A_38 = tpu.vector_load %arg7[%swap3A_36, %swap3A_37] {strides = array<i32>} : memref<4x128xi32, #tpu.memory_space<vmem>>, vector<16xi32>,
    tpu.vector_store %arg7[%swap3A_36, %swap3A_37], %add3A_34 {strides = array<i32>} : memref<4x128xi32, #tpu.memory_space<vmem>>, vector<16xi32>,
    %get3A_39 = arith.constant 0 : i32
    %get3A_40 = arith.index_cast %get3A_39 : i32 to index
    %get3A_41 = arith.constant 32 : index
    %get3A_42 = tpu.vector_load %arg7[%get3A_40, %get3A_41] {strides = array<i32>} : memref<4x128xi32, #tpu.memory_space<vmem>>, vector<16xi32>,
    %add3A_43 = arith.addi %get3A_42, %get3A_42 : vector<16xi32>
    %swap3A_44 = arith.constant 0 : i32
    %swap3A_45 = arith.index_cast %swap3A_44 : i32 to index
    %swap3A_46 = arith.constant 32 : index
    %swap3A_47 = tpu.vector_load %arg7[%swap3A_45, %swap3A_46] {strides = array<i32>} : memref<4x128xi32, #tpu.memory_space<vmem>>, vector<16xi32>,
    tpu.vector_store %arg7[%swap3A_45, %swap3A_46], %add3A_43 {strides = array<i32>} : memref<4x128xi32, #tpu.memory_space<vmem>>, vector<16xi32>,
    %get3A_48 = arith.constant 0 : i32
    %get3A_49 = arith.index_cast %get3A_48 : i32 to index
    %get3A_50 = arith.constant 48 : index
    %get3A_51 = tpu.vector_load %arg7[%get3A_49, %get3A_50] {strides = array<i32>} : memref<4x128xi32, #tpu.memory_space<vmem>>, vector<16xi32>,
    %add3A_52 = arith.addi %get3A_51, %get3A_51 : vector<16xi32>
    %swap3A_53 = arith.constant 0 : i32
    %swap3A_54 = arith.index_cast %swap3A_53 : i32 to index
    %swap3A_55 = arith.constant 48 : index
    %swap3A_56 = tpu.vector_load %arg7[%swap3A_54, %swap3A_55] {strides = array<i32>} : memref<4x128xi32, #tpu.memory_space<vmem>>, vector<16xi32>,
    tpu.vector_store %arg7[%swap3A_54, %swap3A_55], %add3A_52 {strides = array<i32>} : memref<4x128xi32, #tpu.memory_space<vmem>>, vector<16xi32>,
    %get3A_57 = arith.constant 0 : i32
    %get3A_58 = arith.index_cast %get3A_57 : i32 to index
    %get3A_59 = arith.constant 64 : index
    %get3A_60 = tpu.vector_load %arg7[%get3A_58, %get3A_59] {strides = array<i32>} : memref<4x128xi32, #tpu.memory_space<vmem>>, vector<16xi32>,
    %add3A_61 = arith.addi %get3A_60, %get3A_60 : vector<16xi32>
    %swap3A_62 = arith.constant 0 : i32
    %swap3A_63 = arith.index_cast %swap3A_62 : i32 to index
    %swap3A_64 = arith.constant 64 : index
    %swap3A_65 = tpu.vector_load %arg7[%swap3A_63, %swap3A_64] {strides = array<i32>} : memref<4x128xi32, #tpu.memory_space<vmem>>, vector<16xi32>,
    tpu.vector_store %arg7[%swap3A_63, %swap3A_64], %add3A_61 {strides = array<i32>} : memref<4x128xi32, #tpu.memory_space<vmem>>, vector<16xi32>,
    %get3A_66 = arith.constant 0 : i32
    %get3A_67 = arith.index_cast %get3A_66 : i32 to index
    %get3A_68 = arith.constant 80 : index
    %get3A_69 = tpu.vector_load %arg7[%get3A_67, %get3A_68] {strides = array<i32>} : memref<4x128xi32, #tpu.memory_space<vmem>>, vector<16xi32>,
    %add3A_70 = arith.addi %get3A_69, %get3A_69 : vector<16xi32>
    %swap3A_71 = arith.constant 0 : i32
    %swap3A_72 = arith.index_cast %swap3A_71 : i32 to index
    %swap3A_73 = arith.constant 80 : index
    %swap3A_74 = tpu.vector_load %arg7[%swap3A_72, %swap3A_73] {strides = array<i32>} : memref<4x128xi32, #tpu.memory_space<vmem>>, vector<16xi32>,
    tpu.vector_store %arg7[%swap3A_72, %swap3A_73], %add3A_70 {strides = array<i32>} : memref<4x128xi32, #tpu.memory_space<vmem>>, vector<16xi32>,
    %get3A_75 = arith.constant 0 : i32
    %get3A_76 = arith.index_cast %get3A_75 : i32 to index
    %get3A_77 = arith.constant 96 : index
    %get3A_78 = tpu.vector_load %arg7[%get3A_76, %get3A_77] {strides = array<i32>} : memref<4x128xi32, #tpu.memory_space<vmem>>, vector<16xi32>,
    %add3A_79 = arith.addi %get3A_78, %get3A_78 : vector<16xi32>
    %swap3A_80 = arith.constant 0 : i32
    %swap3A_81 = arith.index_cast %swap3A_80 : i32 to index
    %swap3A_82 = arith.constant 96 : index
    %swap3A_83 = tpu.vector_load %arg7[%swap3A_81, %swap3A_82] {strides = array<i32>} : memref<4x128xi32, #tpu.memory_space<vmem>>, vector<16xi32>,
    tpu.vector_store %arg7[%swap3A_81, %swap3A_82], %add3A_79 {strides = array<i32>} : memref<4x128xi32, #tpu.memory_space<vmem>>, vector<16xi32>,
    %get3A_84 = arith.constant 0 : i32
    %get3A_85 = arith.index_cast %get3A_84 : i32 to index
    %get3A_86 = arith.constant 112 : index
    %get3A_87 = tpu.vector_load %arg7[%get3A_85, %get3A_86] {strides = array<i32>} : memref<4x128xi32, #tpu.memory_space<vmem>>, vector<16xi32>,
    %add3A_88 = arith.addi %get3A_87, %get3A_87 : vector<16xi32>
    %swap3A_89 = arith.constant 0 : i32
    %swap3A_90 = arith.index_cast %swap3A_89 : i32 to index
    %swap3A_91 = arith.constant 112 : index
    %swap3A_92 = tpu.vector_load %arg7[%swap3A_90, %swap3A_91] {strides = array<i32>} : memref<4x128xi32, #tpu.memory_space<vmem>>, vector<16xi32>,
    tpu.vector_store %arg7[%swap3A_90, %swap3A_91], %add3A_88 {strides = array<i32>} : memref<4x128xi32, #tpu.memory_space<vmem>>, vector<16xi32>,
    %get3A_93 = arith.constant 1 : i32
    %get3A_94 = arith.index_cast %get3A_93 : i32 to index
    %get3A_95 = arith.constant 0 : index
    %get3A_96 = tpu.vector_load %arg7[%get3A_94, %get3A_95] {strides = array<i32>} : memref<4x128xi32, #tpu.memory_space<vmem>>, vector<16xi32>,
    %add3A_97 = arith.addi %get3A_96, %get3A_96 : vector<16xi32>
    %swap3A_98 = arith.constant 1 : i32
    %swap3A_99 = arith.index_cast %swap3A_98 : i32 to index
    %swap3A_100 = arith.constant 0 : index
    %swap3A_101 = tpu.vector_load %arg7[%swap3A_99, %swap3A_100] {strides = array<i32>} : memref<4x128xi32, #tpu.memory_space<vmem>>, vector<16xi32>,
    tpu.vector_store %arg7[%swap3A_99, %swap3A_100], %add3A_97 {strides = array<i32>} : memref<4x128xi32, #tpu.memory_space<vmem>>, vector<16xi32>,
    %get3A_102 = arith.constant 1 : i32
    %get3A_103 = arith.index_cast %get3A_102 : i32 to index
    %get3A_104 = arith.constant 16 : index
    %get3A_105 = tpu.vector_load %arg7[%get3A_103, %get3A_104] {strides = array<i32>} : memref<4x128xi32, #tpu.memory_space<vmem>>, vector<16xi32>,
    %add3A_106 = arith.addi %get3A_105, %get3A_105 : vector<16xi32>
    %swap3A_107 = arith.constant 1 : i32
    %swap3A_108 = arith.index_cast %swap3A_107 : i32 to index
    %swap3A_109 = arith.constant 16 : index
    %swap3A_110 = tpu.vector_load %arg7[%swap3A_108, %swap3A_109] {strides = array<i32>} : memref<4x128xi32, #tpu.memory_space<vmem>>, vector<16xi32>,
    tpu.vector_store %arg7[%swap3A_108, %swap3A_109], %add3A_106 {strides = array<i32>} : memref<4x128xi32, #tpu.memory_space<vmem>>, vector<16xi32>,
    %get3A_111 = arith.constant 1 : i32
    %get3A_112 = arith.index_cast %get3A_111 : i32 to index
    %get3A_113 = arith.constant 32 : index
    %get3A_114 = tpu.vector_load %arg7[%get3A_112, %get3A_113] {strides = array<i32>} : memref<4x128xi32, #tpu.memory_space<vmem>>, vector<16xi32>,
    %add3A_115 = arith.addi %get3A_114, %get3A_114 : vector<16xi32>
    %swap3A_116 = arith.constant 1 : i32
    %swap3A_117 = arith.index_cast %swap3A_116 : i32 to index
    %swap3A_118 = arith.constant 32 : index
    %swap3A_119 = tpu.vector_load %arg7[%swap3A_117, %swap3A_118] {strides = array<i32>} : memref<4x128xi32, #tpu.memory_space<vmem>>, vector<16xi32>,
    tpu.vector_store %arg7[%swap3A_117, %swap3A_118], %add3A_115 {strides = array<i32>} : memref<4x128xi32, #tpu.memory_space<vmem>>, vector<16xi32>,
    %get3A_120 = arith.constant 1 : i32
    %get3A_121 = arith.index_cast %get3A_120 : i32 to index
    %get3A_122 = arith.constant 48 : index
    %get3A_123 = tpu.vector_load %arg7[%get3A_121, %get3A_122] {strides = array<i32>} : memref<4x128xi32, #tpu.memory_space<vmem>>, vector<16xi32>,
    %add3A_124 = arith.addi %get3A_123, %get3A_123 : vector<16xi32>
    %swap3A_125 = arith.constant 1 : i32
    %swap3A_126 = arith.index_cast %swap3A_125 : i32 to index
    %swap3A_127 = arith.constant 48 : index
    %swap3A_128 = tpu.vector_load %arg7[%swap3A_126, %swap3A_127] {strides = array<i32>} : memref<4x128xi32, #tpu.memory_space<vmem>>, vector<16xi32>,
    tpu.vector_store %arg7[%swap3A_126, %swap3A_127], %add3A_124 {strides = array<i32>} : memref<4x128xi32, #tpu.memory_space<vmem>>, vector<16xi32>,
    %get3A_129 = arith.constant 1 : i32
    %get3A_130 = arith.index_cast %get3A_129 : i32 to index
    %get3A_131 = arith.constant 64 : index
    %get3A_132 = tpu.vector_load %arg7[%get3A_130, %get3A_131] {strides = array<i32>} : memref<4x128xi32, #tpu.memory_space<vmem>>, vector<16xi32>,
    %add3A_133 = arith.addi %get3A_132, %get3A_132 : vector<16xi32>
    %swap3A_134 = arith.constant 1 : i32
    %swap3A_135 = arith.index_cast %swap3A_134 : i32 to index
    %swap3A_136 = arith.constant 64 : index
    %swap3A_137 = tpu.vector_load %arg7[%swap3A_135, %swap3A_136] {strides = array<i32>} : memref<4x128xi32, #tpu.memory_space<vmem>>, vector<16xi32>,
    tpu.vector_store %arg7[%swap3A_135, %swap3A_136], %add3A_133 {strides = array<i32>} : memref<4x128xi32, #tpu.memory_space<vmem>>, vector<16xi32>,
    %get3A_138 = arith.constant 1 : i32
    %get3A_139 = arith.index_cast %get3A_138 : i32 to index
    %get3A_140 = arith.constant 80 : index
    %get3A_141 = tpu.vector_load %arg7[%get3A_139, %get3A_140] {strides = array<i32>} : memref<4x128xi32, #tpu.memory_space<vmem>>, vector<16xi32>,
    %add3A_142 = arith.addi %get3A_141, %get3A_141 : vector<16xi32>
    %swap3A_143 = arith.constant 1 : i32
    %swap3A_144 = arith.index_cast %swap3A_143 : i32 to index
    %swap3A_145 = arith.constant 80 : index
    %swap3A_146 = tpu.vector_load %arg7[%swap3A_144, %swap3A_145] {strides = array<i32>} : memref<4x128xi32, #tpu.memory_space<vmem>>, vector<16xi32>,
    tpu.vector_store %arg7[%swap3A_144, %swap3A_145], %add3A_142 {strides = array<i32>} : memref<4x128xi32, #tpu.memory_space<vmem>>, vector<16xi32>,
    %get3A_147 = arith.constant 1 : i32
    %get3A_148 = arith.index_cast %get3A_147 : i32 to index
    %get3A_149 = arith.constant 96 : index
    %get3A_150 = tpu.vector_load %arg7[%get3A_148, %get3A_149] {strides = array<i32>} : memref<4x128xi32, #tpu.memory_space<vmem>>, vector<16xi32>,
    %add3A_151 = arith.addi %get3A_150, %get3A_150 : vector<16xi32>
    %swap3A_152 = arith.constant 1 : i32
    %swap3A_153 = arith.index_cast %swap3A_152 : i32 to index
    %swap3A_154 = arith.constant 96 : index
    %swap3A_155 = tpu.vector_load %arg7[%swap3A_153, %swap3A_154] {strides = array<i32>} : memref<4x128xi32, #tpu.memory_space<vmem>>, vector<16xi32>,
    tpu.vector_store %arg7[%swap3A_153, %swap3A_154], %add3A_151 {strides = array<i32>} : memref<4x128xi32, #tpu.memory_space<vmem>>, vector<16xi32>,
    %get3A_156 = arith.constant 1 : i32
    %get3A_157 = arith.index_cast %get3A_156 : i32 to index
    %get3A_158 = arith.constant 112 : index
    %get3A_159 = tpu.vector_load %arg7[%get3A_157, %get3A_158] {strides = array<i32>} : memref<4x128xi32, #tpu.memory_space<vmem>>, vector<16xi32>,
    %add3A_160 = arith.addi %get3A_159, %get3A_159 : vector<16xi32>
    %swap3A_161 = arith.constant 1 : i32
    %swap3A_162 = arith.index_cast %swap3A_161 : i32 to index
    %swap3A_163 = arith.constant 112 : index
    %swap3A_164 = tpu.vector_load %arg7[%swap3A_162, %swap3A_163] {strides = array<i32>} : memref<4x128xi32, #tpu.memory_space<vmem>>, vector<16xi32>,
    tpu.vector_store %arg7[%swap3A_162, %swap3A_163], %add3A_160 {strides = array<i32>} : memref<4x128xi32, #tpu.memory_space<vmem>>, vector<16xi32>,
    %get3A_165 = arith.constant 2 : i32
    %get3A_166 = arith.index_cast %get3A_165 : i32 to index
    %get3A_167 = arith.constant 0 : index
    %get3A_168 = tpu.vector_load %arg7[%get3A_166, %get3A_167] {strides = array<i32>} : memref<4x128xi32, #tpu.memory_space<vmem>>, vector<16xi32>,
    %add3A_169 = arith.addi %get3A_168, %get3A_168 : vector<16xi32>
    %swap3A_170 = arith.constant 2 : i32
    %swap3A_171 = arith.index_cast %swap3A_170 : i32 to index
    %swap3A_172 = arith.constant 0 : index
    %swap3A_173 = tpu.vector_load %arg7[%swap3A_171, %swap3A_172] {strides = array<i32>} : memref<4x128xi32, #tpu.memory_space<vmem>>, vector<16xi32>,
    tpu.vector_store %arg7[%swap3A_171, %swap3A_172], %add3A_169 {strides = array<i32>} : memref<4x128xi32, #tpu.memory_space<vmem>>, vector<16xi32>,
    %get3A_174 = arith.constant 2 : i32
    %get3A_175 = arith.index_cast %get3A_174 : i32 to index
    %get3A_176 = arith.constant 16 : index
    %get3A_177 = tpu.vector_load %arg7[%get3A_175, %get3A_176] {strides = array<i32>} : memref<4x128xi32, #tpu.memory_space<vmem>>, vector<16xi32>,
    %add3A_178 = arith.addi %get3A_177, %get3A_177 : vector<16xi32>
    %swap3A_179 = arith.constant 2 : i32
    %swap3A_180 = arith.index_cast %swap3A_179 : i32 to index
    %swap3A_181 = arith.constant 16 : index
    %swap3A_182 = tpu.vector_load %arg7[%swap3A_180, %swap3A_181] {strides = array<i32>} : memref<4x128xi32, #tpu.memory_space<vmem>>, vector<16xi32>,
    tpu.vector_store %arg7[%swap3A_180, %swap3A_181], %add3A_178 {strides = array<i32>} : memref<4x128xi32, #tpu.memory_space<vmem>>, vector<16xi32>,
    %get3A_183 = arith.constant 2 : i32
    %get3A_184 = arith.index_cast %get3A_183 : i32 to index
    %get3A_185 = arith.constant 32 : index
    %get3A_186 = tpu.vector_load %arg7[%get3A_184, %get3A_185] {strides = array<i32>} : memref<4x128xi32, #tpu.memory_space<vmem>>, vector<16xi32>,
    %add3A_187 = arith.addi %get3A_186, %get3A_186 : vector<16xi32>
    %swap3A_188 = arith.constant 2 : i32
    %swap3A_189 = arith.index_cast %swap3A_188 : i32 to index
    %swap3A_190 = arith.constant 32 : index
    %swap3A_191 = tpu.vector_load %arg7[%swap3A_189, %swap3A_190] {strides = array<i32>} : memref<4x128xi32, #tpu.memory_space<vmem>>, vector<16xi32>,
    tpu.vector_store %arg7[%swap3A_189, %swap3A_190], %add3A_187 {strides = array<i32>} : memref<4x128xi32, #tpu.memory_space<vmem>>, vector<16xi32>,
    %get3A_192 = arith.constant 2 : i32
    %get3A_193 = arith.index_cast %get3A_192 : i32 to index
    %get3A_194 = arith.constant 48 : index
    %get3A_195 = tpu.vector_load %arg7[%get3A_193, %get3A_194] {strides = array<i32>} : memref<4x128xi32, #tpu.memory_space<vmem>>, vector<16xi32>,
    %add3A_196 = arith.addi %get3A_195, %get3A_195 : vector<16xi32>
    %swap3A_197 = arith.constant 2 : i32
    %swap3A_198 = arith.index_cast %swap3A_197 : i32 to index
    %swap3A_199 = arith.constant 48 : index
    %swap3A_200 = tpu.vector_load %arg7[%swap3A_198, %swap3A_199] {strides = array<i32>} : memref<4x128xi32, #tpu.memory_space<vmem>>, vector<16xi32>,
    tpu.vector_store %arg7[%swap3A_198, %swap3A_199], %add3A_196 {strides = array<i32>} : memref<4x128xi32, #tpu.memory_space<vmem>>, vector<16xi32>,
    %get3A_201 = arith.constant 2 : i32
    %get3A_202 = arith.index_cast %get3A_201 : i32 to index
    %get3A_203 = arith.constant 64 : index
    %get3A_204 = tpu.vector_load %arg7[%get3A_202, %get3A_203] {strides = array<i32>} : memref<4x128xi32, #tpu.memory_space<vmem>>, vector<16xi32>,
    %add3A_205 = arith.addi %get3A_204, %get3A_204 : vector<16xi32>
    %swap3A_206 = arith.constant 2 : i32
    %swap3A_207 = arith.index_cast %swap3A_206 : i32 to index
    %swap3A_208 = arith.constant 64 : index
    %swap3A_209 = tpu.vector_load %arg7[%swap3A_207, %swap3A_208] {strides = array<i32>} : memref<4x128xi32, #tpu.memory_space<vmem>>, vector<16xi32>,
    tpu.vector_store %arg7[%swap3A_207, %swap3A_208], %add3A_205 {strides = array<i32>} : memref<4x128xi32, #tpu.memory_space<vmem>>, vector<16xi32>,
    %get3A_210 = arith.constant 2 : i32
    %get3A_211 = arith.index_cast %get3A_210 : i32 to index
    %get3A_212 = arith.constant 80 : index
    %get3A_213 = tpu.vector_load %arg7[%get3A_211, %get3A_212] {strides = array<i32>} : memref<4x128xi32, #tpu.memory_space<vmem>>, vector<16xi32>,
    %add3A_214 = arith.addi %get3A_213, %get3A_213 : vector<16xi32>
    %swap3A_215 = arith.constant 2 : i32
    %swap3A_216 = arith.index_cast %swap3A_215 : i32 to index
    %swap3A_217 = arith.constant 80 : index
    %swap3A_218 = tpu.vector_load %arg7[%swap3A_216, %swap3A_217] {strides = array<i32>} : memref<4x128xi32, #tpu.memory_space<vmem>>, vector<16xi32>,
    tpu.vector_store %arg7[%swap3A_216, %swap3A_217], %add3A_214 {strides = array<i32>} : memref<4x128xi32, #tpu.memory_space<vmem>>, vector<16xi32>,
    %get3A_219 = arith.constant 2 : i32
    %get3A_220 = arith.index_cast %get3A_219 : i32 to index
    %get3A_221 = arith.constant 96 : index
    %get3A_222 = tpu.vector_load %arg7[%get3A_220, %get3A_221] {strides = array<i32>} : memref<4x128xi32, #tpu.memory_space<vmem>>, vector<16xi32>,
    %add3A_223 = arith.addi %get3A_222, %get3A_222 : vector<16xi32>
    %swap3A_224 = arith.constant 2 : i32
    %swap3A_225 = arith.index_cast %swap3A_224 : i32 to index
    %swap3A_226 = arith.constant 96 : index
    %swap3A_227 = tpu.vector_load %arg7[%swap3A_225, %swap3A_226] {strides = array<i32>} : memref<4x128xi32, #tpu.memory_space<vmem>>, vector<16xi32>,
    tpu.vector_store %arg7[%swap3A_225, %swap3A_226], %add3A_223 {strides = array<i32>} : memref<4x128xi32, #tpu.memory_space<vmem>>, vector<16xi32>,
    %get3A_228 = arith.constant 2 : i32
    %get3A_229 = arith.index_cast %get3A_228 : i32 to index
    %get3A_230 = arith.constant 112 : index
    %get3A_231 = tpu.vector_load %arg7[%get3A_229, %get3A_230] {strides = array<i32>} : memref<4x128xi32, #tpu.memory_space<vmem>>, vector<16xi32>,
    %add3A_232 = arith.addi %get3A_231, %get3A_231 : vector<16xi32>
    %swap3A_233 = arith.constant 2 : i32
    %swap3A_234 = arith.index_cast %swap3A_233 : i32 to index
    %swap3A_235 = arith.constant 112 : index
    %swap3A_236 = tpu.vector_load %arg7[%swap3A_234, %swap3A_235] {strides = array<i32>} : memref<4x128xi32, #tpu.memory_space<vmem>>, vector<16xi32>,
    tpu.vector_store %arg7[%swap3A_234, %swap3A_235], %add3A_232 {strides = array<i32>} : memref<4x128xi32, #tpu.memory_space<vmem>>, vector<16xi32>,
    %get3A_237 = arith.constant 3 : i32
    %get3A_238 = arith.index_cast %get3A_237 : i32 to index
    %get3A_239 = arith.constant 0 : index
    %get3A_240 = tpu.vector_load %arg7[%get3A_238, %get3A_239] {strides = array<i32>} : memref<4x128xi32, #tpu.memory_space<vmem>>, vector<16xi32>,
    %add3A_241 = arith.addi %get3A_240, %get3A_240 : vector<16xi32>
    %swap3A_242 = arith.constant 3 : i32
    %swap3A_243 = arith.index_cast %swap3A_242 : i32 to index
    %swap3A_244 = arith.constant 0 : index
    %swap3A_245 = tpu.vector_load %arg7[%swap3A_243, %swap3A_244] {strides = array<i32>} : memref<4x128xi32, #tpu.memory_space<vmem>>, vector<16xi32>,
    tpu.vector_store %arg7[%swap3A_243, %swap3A_244], %add3A_241 {strides = array<i32>} : memref<4x128xi32, #tpu.memory_space<vmem>>, vector<16xi32>,
    %get3A_246 = arith.constant 3 : i32
    %get3A_247 = arith.index_cast %get3A_246 : i32 to index
    %get3A_248 = arith.constant 16 : index
    %get3A_249 = tpu.vector_load %arg7[%get3A_247, %get3A_248] {strides = array<i32>} : memref<4x128xi32, #tpu.memory_space<vmem>>, vector<16xi32>,
    %add3A_250 = arith.addi %get3A_249, %get3A_249 : vector<16xi32>
    %swap3A_251 = arith.constant 3 : i32
    %swap3A_252 = arith.index_cast %swap3A_251 : i32 to index
    %swap3A_253 = arith.constant 16 : index
    %swap3A_254 = tpu.vector_load %arg7[%swap3A_252, %swap3A_253] {strides = array<i32>} : memref<4x128xi32, #tpu.memory_space<vmem>>, vector<16xi32>,
    tpu.vector_store %arg7[%swap3A_252, %swap3A_253], %add3A_250 {strides = array<i32>} : memref<4x128xi32, #tpu.memory_space<vmem>>, vector<16xi32>,
    %get3A_255 = arith.constant 3 : i32
    %get3A_256 = arith.index_cast %get3A_255 : i32 to index
    %get3A_257 = arith.constant 32 : index
    %get3A_258 = tpu.vector_load %arg7[%get3A_256, %get3A_257] {strides = array<i32>} : memref<4x128xi32, #tpu.memory_space<vmem>>, vector<16xi32>,
    %add3A_259 = arith.addi %get3A_258, %get3A_258 : vector<16xi32>
    %swap3A_260 = arith.constant 3 : i32
    %swap3A_261 = arith.index_cast %swap3A_260 : i32 to index
    %swap3A_262 = arith.constant 32 : index
    %swap3A_263 = tpu.vector_load %arg7[%swap3A_261, %swap3A_262] {strides = array<i32>} : memref<4x128xi32, #tpu.memory_space<vmem>>, vector<16xi32>,
    tpu.vector_store %arg7[%swap3A_261, %swap3A_262], %add3A_259 {strides = array<i32>} : memref<4x128xi32, #tpu.memory_space<vmem>>, vector<16xi32>,
    %get3A_264 = arith.constant 3 : i32
    %get3A_265 = arith.index_cast %get3A_264 : i32 to index
    %get3A_266 = arith.constant 48 : index
    %get3A_267 = tpu.vector_load %arg7[%get3A_265, %get3A_266] {strides = array<i32>} : memref<4x128xi32, #tpu.memory_space<vmem>>, vector<16xi32>,
    %add3A_268 = arith.addi %get3A_267, %get3A_267 : vector<16xi32>
    %swap3A_269 = arith.constant 3 : i32
    %swap3A_270 = arith.index_cast %swap3A_269 : i32 to index
    %swap3A_271 = arith.constant 48 : index
    %swap3A_272 = tpu.vector_load %arg7[%swap3A_270, %swap3A_271] {strides = array<i32>} : memref<4x128xi32, #tpu.memory_space<vmem>>, vector<16xi32>,
    tpu.vector_store %arg7[%swap3A_270, %swap3A_271], %add3A_268 {strides = array<i32>} : memref<4x128xi32, #tpu.memory_space<vmem>>, vector<16xi32>,
    %get3A_273 = arith.constant 3 : i32
    %get3A_274 = arith.index_cast %get3A_273 : i32 to index
    %get3A_275 = arith.constant 64 : index
    %get3A_276 = tpu.vector_load %arg7[%get3A_274, %get3A_275] {strides = array<i32>} : memref<4x128xi32, #tpu.memory_space<vmem>>, vector<16xi32>,
    %add3A_277 = arith.addi %get3A_276, %get3A_276 : vector<16xi32>
    %swap3A_278 = arith.constant 3 : i32
    %swap3A_279 = arith.index_cast %swap3A_278 : i32 to index
    %swap3A_280 = arith.constant 64 : index
    %swap3A_281 = tpu.vector_load %arg7[%swap3A_279, %swap3A_280] {strides = array<i32>} : memref<4x128xi32, #tpu.memory_space<vmem>>, vector<16xi32>,
    tpu.vector_store %arg7[%swap3A_279, %swap3A_280], %add3A_277 {strides = array<i32>} : memref<4x128xi32, #tpu.memory_space<vmem>>, vector<16xi32>,
    %get3A_282 = arith.constant 3 : i32
    %get3A_283 = arith.index_cast %get3A_282 : i32 to index
    %get3A_284 = arith.constant 80 : index
    %get3A_285 = tpu.vector_load %arg7[%get3A_283, %get3A_284] {strides = array<i32>} : memref<4x128xi32, #tpu.memory_space<vmem>>, vector<16xi32>,
    %add3A_286 = arith.addi %get3A_285, %get3A_285 : vector<16xi32>
    %swap3A_287 = arith.constant 3 : i32
    %swap3A_288 = arith.index_cast %swap3A_287 : i32 to index
    %swap3A_289 = arith.constant 80 : index
    %swap3A_290 = tpu.vector_load %arg7[%swap3A_288, %swap3A_289] {strides = array<i32>} : memref<4x128xi32, #tpu.memory_space<vmem>>, vector<16xi32>,
    tpu.vector_store %arg7[%swap3A_288, %swap3A_289], %add3A_286 {strides = array<i32>} : memref<4x128xi32, #tpu.memory_space<vmem>>, vector<16xi32>,
    %get3A_291 = arith.constant 3 : i32
    %get3A_292 = arith.index_cast %get3A_291 : i32 to index
    %get3A_293 = arith.constant 96 : index
    %get3A_294 = tpu.vector_load %arg7[%get3A_292, %get3A_293] {strides = array<i32>} : memref<4x128xi32, #tpu.memory_space<vmem>>, vector<16xi32>,
    %add3A_295 = arith.addi %get3A_294, %get3A_294 : vector<16xi32>
    %swap3A_296 = arith.constant 3 : i32
    %swap3A_297 = arith.index_cast %swap3A_296 : i32 to index
    %swap3A_298 = arith.constant 96 : index
    %swap3A_299 = tpu.vector_load %arg7[%swap3A_297, %swap3A_298] {strides = array<i32>} : memref<4x128xi32, #tpu.memory_space<vmem>>, vector<16xi32>,
    tpu.vector_store %arg7[%swap3A_297, %swap3A_298], %add3A_295 {strides = array<i32>} : memref<4x128xi32, #tpu.memory_space<vmem>>, vector<16xi32>,
    %get3A_300 = arith.constant 3 : i32
    %get3A_301 = arith.index_cast %get3A_300 : i32 to index
    %get3A_302 = arith.constant 112 : index
    %get3A_303 = tpu.vector_load %arg7[%get3A_301, %get3A_302] {strides = array<i32>} : memref<4x128xi32, #tpu.memory_space<vmem>>, vector<16xi32>,
    %add3A_304 = arith.addi %get3A_303, %get3A_303 : vector<16xi32>
    %swap3A_305 = arith.constant 3 : i32
    %swap3A_306 = arith.index_cast %swap3A_305 : i32 to index
    %swap3A_307 = arith.constant 112 : index
    %swap3A_308 = tpu.vector_load %arg7[%swap3A_306, %swap3A_307] {strides = array<i32>} : memref<4x128xi32, #tpu.memory_space<vmem>>, vector<16xi32>,
    tpu.vector_store %arg7[%swap3A_306, %swap3A_307], %add3A_304 {strides = array<i32>} : memref<4x128xi32, #tpu.memory_space<vmem>>, vector<16xi32>,
    %dma_start3A = arith.constant 0 : i32
    %dma_start3A_309 = arith.constant 0 : i32
    %dma_start3A_310 = arith.constant 0 : i32
    %dma_start3A_311 = tpu.memref_slice %arg9[%dma_start3A_309, %dma_start3A_310] : memref<512x64xf32, #tpu.memory_space<vmem>> -> memref<128x64xf32, #tpu.memory_space<vmem>>
    %dma_start3A_312 = arith.constant 0 : i32
    %dma_start3A_313 = tpu.memref_slice %arg7[%dma_start3A, %dma_start3A_312] : memref<4x128xi32, #tpu.memory_space<vmem>> -> memref<1x128xi32, #tpu.memory_space<vmem>>
    %dma_start3A_314 = tpu.memref_squeeze %dma_start3A_313 : memref<1x128xi32, #tpu.memory_space<vmem>> -> memref<128xi32, #tpu.memory_space<vmem>>
    %dma_start3A_315 = arith.constant 0 : i32
    %dma_start3A_316 = arith.constant 0 : i32
    %dma_start3A_317 = tpu.memref_slice %arg3[%dma_start3A_315, %dma_start3A_316] : memref<2000000x64xf32, #tpu.memory_space<hbm>> -> memref<2000000x64xf32, #tpu.memory_space<hbm>>
    tpu.enqueue_indirect_dma source(%dma_start3A_317 : memref<2000000x64xf32, #tpu.memory_space<hbm>>) target(%dma_start3A_311 : memref<128x64xf32, #tpu.memory_space<vmem>>) offsets(%dma_start3A_314 : memref<128xi32, #tpu.memory_space<vmem>>) semaphore(%arg14 : memref<!tpu.dma_semaphore, #tpu.memory_space<semaphore_mem>>)
    %dma_start3A_318 = arith.constant 1 : i32
    %dma_start3A_319 = arith.constant 128 : i32
    %dma_start3A_320 = arith.constant 0 : i32
    %dma_start3A_321 = tpu.memref_slice %arg9[%dma_start3A_319, %dma_start3A_320] : memref<512x64xf32, #tpu.memory_space<vmem>> -> memref<128x64xf32, #tpu.memory_space<vmem>>
    %dma_start3A_322 = arith.constant 0 : i32
    %dma_start3A_323 = tpu.memref_slice %arg7[%dma_start3A_318, %dma_start3A_322] : memref<4x128xi32, #tpu.memory_space<vmem>> -> memref<1x128xi32, #tpu.memory_space<vmem>>
    %dma_start3A_324 = tpu.memref_squeeze %dma_start3A_323 : memref<1x128xi32, #tpu.memory_space<vmem>> -> memref<128xi32, #tpu.memory_space<vmem>>
    %dma_start3A_325 = arith.constant 0 : i32
    %dma_start3A_326 = arith.constant 0 : i32
    %dma_start3A_327 = tpu.memref_slice %arg3[%dma_start3A_325, %dma_start3A_326] : memref<2000000x64xf32, #tpu.memory_space<hbm>> -> memref<2000000x64xf32, #tpu.memory_space<hbm>>
    tpu.enqueue_indirect_dma source(%dma_start3A_327 : memref<2000000x64xf32, #tpu.memory_space<hbm>>) target(%dma_start3A_321 : memref<128x64xf32, #tpu.memory_space<vmem>>) offsets(%dma_start3A_324 : memref<128xi32, #tpu.memory_space<vmem>>) semaphore(%arg14 : memref<!tpu.dma_semaphore, #tpu.memory_space<semaphore_mem>>)
    %dma_start3A_328 = arith.constant 2 : i32
    %dma_start3A_329 = arith.constant 256 : i32
    %dma_start3A_330 = arith.constant 0 : i32
    %dma_start3A_331 = tpu.memref_slice %arg9[%dma_start3A_329, %dma_start3A_330] : memref<512x64xf32, #tpu.memory_space<vmem>> -> memref<128x64xf32, #tpu.memory_space<vmem>>
    %dma_start3A_332 = arith.constant 0 : i32
    %dma_start3A_333 = tpu.memref_slice %arg7[%dma_start3A_328, %dma_start3A_332] : memref<4x128xi32, #tpu.memory_space<vmem>> -> memref<1x128xi32, #tpu.memory_space<vmem>>
    %dma_start3A_334 = tpu.memref_squeeze %dma_start3A_333 : memref<1x128xi32, #tpu.memory_space<vmem>> -> memref<128xi32, #tpu.memory_space<vmem>>
    %dma_start3A_335 = arith.constant 0 : i32
    %dma_start3A_336 = arith.constant 0 : i32
    %dma_start3A_337 = tpu.memref_slice %arg3[%dma_start3A_335, %dma_start3A_336] : memref<2000000x64xf32, #tpu.memory_space<hbm>> -> memref<2000000x64xf32, #tpu.memory_space<hbm>>
    tpu.enqueue_indirect_dma source(%dma_start3A_337 : memref<2000000x64xf32, #tpu.memory_space<hbm>>) target(%dma_start3A_331 : memref<128x64xf32, #tpu.memory_space<vmem>>) offsets(%dma_start3A_334 : memref<128xi32, #tpu.memory_space<vmem>>) semaphore(%arg14 : memref<!tpu.dma_semaphore, #tpu.memory_space<semaphore_mem>>)
    %dma_start3A_338 = arith.constant 3 : i32
    %dma_start3A_339 = arith.constant 384 : i32
    %dma_start3A_340 = arith.constant 0 : i32
    %dma_start3A_341 = tpu.memref_slice %arg9[%dma_start3A_339, %dma_start3A_340] : memref<512x64xf32, #tpu.memory_space<vmem>> -> memref<128x64xf32, #tpu.memory_space<vmem>>
    %dma_start3A_342 = arith.constant 0 : i32
    %dma_start3A_343 = tpu.memref_slice %arg7[%dma_start3A_338, %dma_start3A_342] : memref<4x128xi32, #tpu.memory_space<vmem>> -> memref<1x128xi32, #tpu.memory_space<vmem>>
    %dma_start3A_344 = tpu.memref_squeeze %dma_start3A_343 : memref<1x128xi32, #tpu.memory_space<vmem>> -> memref<128xi32, #tpu.memory_space<vmem>>
    %dma_start3A_345 = arith.constant 0 : i32
    %dma_start3A_346 = arith.constant 0 : i32
    %dma_start3A_347 = tpu.memref_slice %arg3[%dma_start3A_345, %dma_start3A_346] : memref<2000000x64xf32, #tpu.memory_space<hbm>> -> memref<2000000x64xf32, #tpu.memory_space<hbm>>
    tpu.enqueue_indirect_dma source(%dma_start3A_347 : memref<2000000x64xf32, #tpu.memory_space<hbm>>) target(%dma_start3A_341 : memref<128x64xf32, #tpu.memory_space<vmem>>) offsets(%dma_start3A_344 : memref<128xi32, #tpu.memory_space<vmem>>) semaphore(%arg14 : memref<!tpu.dma_semaphore, #tpu.memory_space<semaphore_mem>>)
    %add3A_348 = arith.constant 4 : i32
    %add3A_349 = arith.addi %mul3A_4, %add3A_348 : i32
    "tpu.region"() ({
      %run_scoped3A = tpu.sem_alloc : memref<!tpu.dma_semaphore, #tpu.memory_space<semaphore_mem>>
      %dma_start3A_690 = arith.constant 0 : i32
      %dma_start3A_691 = tpu.memref_slice %arg2[%add3A_349, %dma_start3A_690] : memref<6400x128xi32, #tpu.memory_space<hbm>> -> memref<4x128xi32, #tpu.memory_space<hbm>>
      %dma_start3A_692 = arith.constant 0 : i32
      %dma_start3A_693 = tpu.memref_slice %arg2[%add3A_349, %dma_start3A_692] : memref<6400x128xi32, #tpu.memory_space<hbm>> -> memref<4x128xi32, #tpu.memory_space<hbm>>
      tpu.enqueue_dma source(%dma_start3A_693 : memref<4x128xi32, #tpu.memory_space<hbm>>) target(%arg8 : memref<4x128xi32, #tpu.memory_space<vmem>>) target_semaphore(%run_scoped3A : memref<!tpu.dma_semaphore, #tpu.memory_space<semaphore_mem>>)
      %dma_wait3A_694 = arith.constant 0 : i32
      %dma_wait3A_695 = tpu.memref_slice %arg2[%add3A_349, %dma_wait3A_694] : memref<6400x128xi32, #tpu.memory_space<hbm>> -> memref<4x128xi32, #tpu.memory_space<hbm>>
      %dma_wait3A_696 = arith.constant 0 : i32
      %dma_wait3A_697 = tpu.memref_slice %arg2[%add3A_349, %dma_wait3A_696] : memref<6400x128xi32, #tpu.memory_space<hbm>> -> memref<4x128xi32, #tpu.memory_space<hbm>>
      tpu.wait_dma2 semaphore(%run_scoped3A : memref<!tpu.dma_semaphore, #tpu.memory_space<semaphore_mem>>) src(%dma_wait3A_697 : memref<4x128xi32, #tpu.memory_space<hbm>>) dst(%arg8 : memref<4x128xi32, #tpu.memory_space<vmem>>)
      tpu.yield
    }) : () -> ()
    %get3A_350 = arith.constant 0 : i32
    %get3A_351 = arith.index_cast %get3A_350 : i32 to index
    %get3A_352 = arith.constant 0 : index
    %get3A_353 = tpu.vector_load %arg8[%get3A_351, %get3A_352] {strides = array<i32>} : memref<4x128xi32, #tpu.memory_space<vmem>>, vector<16xi32>,
    %add3A_354 = arith.addi %get3A_353, %get3A_353 : vector<16xi32>
    %swap3A_355 = arith.constant 0 : i32
    %swap3A_356 = arith.index_cast %swap3A_355 : i32 to index
    %swap3A_357 = arith.constant 0 : index
    %swap3A_358 = tpu.vector_load %arg8[%swap3A_356, %swap3A_357] {strides = array<i32>} : memref<4x128xi32, #tpu.memory_space<vmem>>, vector<16xi32>,
    tpu.vector_store %arg8[%swap3A_356, %swap3A_357], %add3A_354 {strides = array<i32>} : memref<4x128xi32, #tpu.memory_space<vmem>>, vector<16xi32>,
    %get3A_359 = arith.constant 0 : i32
    %get3A_360 = arith.index_cast %get3A_359 : i32 to index
    %get3A_361 = arith.constant 16 : index
    %get3A_362 = tpu.vector_load %arg8[%get3A_360, %get3A_361] {strides = array<i32>} : memref<4x128xi32, #tpu.memory_space<vmem>>, vector<16xi32>,
    %add3A_363 = arith.addi %get3A_362, %get3A_362 : vector<16xi32>
    %swap3A_364 = arith.constant 0 : i32
    %swap3A_365 = arith.index_cast %swap3A_364 : i32 to index
    %swap3A_366 = arith.constant 16 : index
    %swap3A_367 = tpu.vector_load %arg8[%swap3A_365, %swap3A_366] {strides = array<i32>} : memref<4x128xi32, #tpu.memory_space<vmem>>, vector<16xi32>,
    tpu.vector_store %arg8[%swap3A_365, %swap3A_366], %add3A_363 {strides = array<i32>} : memref<4x128xi32, #tpu.memory_space<vmem>>, vector<16xi32>,
    %get3A_368 = arith.constant 0 : i32
    %get3A_369 = arith.index_cast %get3A_368 : i32 to index
    %get3A_370 = arith.constant 32 : index
    %get3A_371 = tpu.vector_load %arg8[%get3A_369, %get3A_370] {strides = array<i32>} : memref<4x128xi32, #tpu.memory_space<vmem>>, vector<16xi32>,
    %add3A_372 = arith.addi %get3A_371, %get3A_371 : vector<16xi32>
    %swap3A_373 = arith.constant 0 : i32
    %swap3A_374 = arith.index_cast %swap3A_373 : i32 to index
    %swap3A_375 = arith.constant 32 : index
    %swap3A_376 = tpu.vector_load %arg8[%swap3A_374, %swap3A_375] {strides = array<i32>} : memref<4x128xi32, #tpu.memory_space<vmem>>, vector<16xi32>,
    tpu.vector_store %arg8[%swap3A_374, %swap3A_375], %add3A_372 {strides = array<i32>} : memref<4x128xi32, #tpu.memory_space<vmem>>, vector<16xi32>,
    %get3A_377 = arith.constant 0 : i32
    %get3A_378 = arith.index_cast %get3A_377 : i32 to index
    %get3A_379 = arith.constant 48 : index
    %get3A_380 = tpu.vector_load %arg8[%get3A_378, %get3A_379] {strides = array<i32>} : memref<4x128xi32, #tpu.memory_space<vmem>>, vector<16xi32>,
    %add3A_381 = arith.addi %get3A_380, %get3A_380 : vector<16xi32>
    %swap3A_382 = arith.constant 0 : i32
    %swap3A_383 = arith.index_cast %swap3A_382 : i32 to index
    %swap3A_384 = arith.constant 48 : index
    %swap3A_385 = tpu.vector_load %arg8[%swap3A_383, %swap3A_384] {strides = array<i32>} : memref<4x128xi32, #tpu.memory_space<vmem>>, vector<16xi32>,
    tpu.vector_store %arg8[%swap3A_383, %swap3A_384], %add3A_381 {strides = array<i32>} : memref<4x128xi32, #tpu.memory_space<vmem>>, vector<16xi32>,
    %get3A_386 = arith.constant 0 : i32
    %get3A_387 = arith.index_cast %get3A_386 : i32 to index
    %get3A_388 = arith.constant 64 : index
    %get3A_389 = tpu.vector_load %arg8[%get3A_387, %get3A_388] {strides = array<i32>} : memref<4x128xi32, #tpu.memory_space<vmem>>, vector<16xi32>,
    %add3A_390 = arith.addi %get3A_389, %get3A_389 : vector<16xi32>
    %swap3A_391 = arith.constant 0 : i32
    %swap3A_392 = arith.index_cast %swap3A_391 : i32 to index
    %swap3A_393 = arith.constant 64 : index
    %swap3A_394 = tpu.vector_load %arg8[%swap3A_392, %swap3A_393] {strides = array<i32>} : memref<4x128xi32, #tpu.memory_space<vmem>>, vector<16xi32>,
    tpu.vector_store %arg8[%swap3A_392, %swap3A_393], %add3A_390 {strides = array<i32>} : memref<4x128xi32, #tpu.memory_space<vmem>>, vector<16xi32>,
    %get3A_395 = arith.constant 0 : i32
    %get3A_396 = arith.index_cast %get3A_395 : i32 to index
    %get3A_397 = arith.constant 80 : index
    %get3A_398 = tpu.vector_load %arg8[%get3A_396, %get3A_397] {strides = array<i32>} : memref<4x128xi32, #tpu.memory_space<vmem>>, vector<16xi32>,
    %add3A_399 = arith.addi %get3A_398, %get3A_398 : vector<16xi32>
    %swap3A_400 = arith.constant 0 : i32
    %swap3A_401 = arith.index_cast %swap3A_400 : i32 to index
    %swap3A_402 = arith.constant 80 : index
    %swap3A_403 = tpu.vector_load %arg8[%swap3A_401, %swap3A_402] {strides = array<i32>} : memref<4x128xi32, #tpu.memory_space<vmem>>, vector<16xi32>,
    tpu.vector_store %arg8[%swap3A_401, %swap3A_402], %add3A_399 {strides = array<i32>} : memref<4x128xi32, #tpu.memory_space<vmem>>, vector<16xi32>,
    %get3A_404 = arith.constant 0 : i32
    %get3A_405 = arith.index_cast %get3A_404 : i32 to index
    %get3A_406 = arith.constant 96 : index
    %get3A_407 = tpu.vector_load %arg8[%get3A_405, %get3A_406] {strides = array<i32>} : memref<4x128xi32, #tpu.memory_space<vmem>>, vector<16xi32>,
    %add3A_408 = arith.addi %get3A_407, %get3A_407 : vector<16xi32>
    %swap3A_409 = arith.constant 0 : i32
    %swap3A_410 = arith.index_cast %swap3A_409 : i32 to index
    %swap3A_411 = arith.constant 96 : index
    %swap3A_412 = tpu.vector_load %arg8[%swap3A_410, %swap3A_411] {strides = array<i32>} : memref<4x128xi32, #tpu.memory_space<vmem>>, vector<16xi32>,
    tpu.vector_store %arg8[%swap3A_410, %swap3A_411], %add3A_408 {strides = array<i32>} : memref<4x128xi32, #tpu.memory_space<vmem>>, vector<16xi32>,
    %get3A_413 = arith.constant 0 : i32
    %get3A_414 = arith.index_cast %get3A_413 : i32 to index
    %get3A_415 = arith.constant 112 : index
    %get3A_416 = tpu.vector_load %arg8[%get3A_414, %get3A_415] {strides = array<i32>} : memref<4x128xi32, #tpu.memory_space<vmem>>, vector<16xi32>,
    %add3A_417 = arith.addi %get3A_416, %get3A_416 : vector<16xi32>
    %swap3A_418 = arith.constant 0 : i32
    %swap3A_419 = arith.index_cast %swap3A_418 : i32 to index
    %swap3A_420 = arith.constant 112 : index
    %swap3A_421 = tpu.vector_load %arg8[%swap3A_419, %swap3A_420] {strides = array<i32>} : memref<4x128xi32, #tpu.memory_space<vmem>>, vector<16xi32>,
    tpu.vector_store %arg8[%swap3A_419, %swap3A_420], %add3A_417 {strides = array<i32>} : memref<4x128xi32, #tpu.memory_space<vmem>>, vector<16xi32>,
    %get3A_422 = arith.constant 1 : i32
    %get3A_423 = arith.index_cast %get3A_422 : i32 to index
    %get3A_424 = arith.constant 0 : index
    %get3A_425 = tpu.vector_load %arg8[%get3A_423, %get3A_424] {strides = array<i32>} : memref<4x128xi32, #tpu.memory_space<vmem>>, vector<16xi32>,
    %add3A_426 = arith.addi %get3A_425, %get3A_425 : vector<16xi32>
    %swap3A_427 = arith.constant 1 : i32
    %swap3A_428 = arith.index_cast %swap3A_427 : i32 to index
    %swap3A_429 = arith.constant 0 : index
    %swap3A_430 = tpu.vector_load %arg8[%swap3A_428, %swap3A_429] {strides = array<i32>} : memref<4x128xi32, #tpu.memory_space<vmem>>, vector<16xi32>,
    tpu.vector_store %arg8[%swap3A_428, %swap3A_429], %add3A_426 {strides = array<i32>} : memref<4x128xi32, #tpu.memory_space<vmem>>, vector<16xi32>,
    %get3A_431 = arith.constant 1 : i32
    %get3A_432 = arith.index_cast %get3A_431 : i32 to index
    %get3A_433 = arith.constant 16 : index
    %get3A_434 = tpu.vector_load %arg8[%get3A_432, %get3A_433] {strides = array<i32>} : memref<4x128xi32, #tpu.memory_space<vmem>>, vector<16xi32>,
    %add3A_435 = arith.addi %get3A_434, %get3A_434 : vector<16xi32>
    %swap3A_436 = arith.constant 1 : i32
    %swap3A_437 = arith.index_cast %swap3A_436 : i32 to index
    %swap3A_438 = arith.constant 16 : index
    %swap3A_439 = tpu.vector_load %arg8[%swap3A_437, %swap3A_438] {strides = array<i32>} : memref<4x128xi32, #tpu.memory_space<vmem>>, vector<16xi32>,
    tpu.vector_store %arg8[%swap3A_437, %swap3A_438], %add3A_435 {strides = array<i32>} : memref<4x128xi32, #tpu.memory_space<vmem>>, vector<16xi32>,
    %get3A_440 = arith.constant 1 : i32
    %get3A_441 = arith.index_cast %get3A_440 : i32 to index
    %get3A_442 = arith.constant 32 : index
    %get3A_443 = tpu.vector_load %arg8[%get3A_441, %get3A_442] {strides = array<i32>} : memref<4x128xi32, #tpu.memory_space<vmem>>, vector<16xi32>,
    %add3A_444 = arith.addi %get3A_443, %get3A_443 : vector<16xi32>
    %swap3A_445 = arith.constant 1 : i32
    %swap3A_446 = arith.index_cast %swap3A_445 : i32 to index
    %swap3A_447 = arith.constant 32 : index
    %swap3A_448 = tpu.vector_load %arg8[%swap3A_446, %swap3A_447] {strides = array<i32>} : memref<4x128xi32, #tpu.memory_space<vmem>>, vector<16xi32>,
    tpu.vector_store %arg8[%swap3A_446, %swap3A_447], %add3A_444 {strides = array<i32>} : memref<4x128xi32, #tpu.memory_space<vmem>>, vector<16xi32>,
    %get3A_449 = arith.constant 1 : i32
    %get3A_450 = arith.index_cast %get3A_449 : i32 to index
    %get3A_451 = arith.constant 48 : index
    %get3A_452 = tpu.vector_load %arg8[%get3A_450, %get3A_451] {strides = array<i32>} : memref<4x128xi32, #tpu.memory_space<vmem>>, vector<16xi32>,
    %add3A_453 = arith.addi %get3A_452, %get3A_452 : vector<16xi32>
    %swap3A_454 = arith.constant 1 : i32
    %swap3A_455 = arith.index_cast %swap3A_454 : i32 to index
    %swap3A_456 = arith.constant 48 : index
    %swap3A_457 = tpu.vector_load %arg8[%swap3A_455, %swap3A_456] {strides = array<i32>} : memref<4x128xi32, #tpu.memory_space<vmem>>, vector<16xi32>,
    tpu.vector_store %arg8[%swap3A_455, %swap3A_456], %add3A_453 {strides = array<i32>} : memref<4x128xi32, #tpu.memory_space<vmem>>, vector<16xi32>,
    %get3A_458 = arith.constant 1 : i32
    %get3A_459 = arith.index_cast %get3A_458 : i32 to index
    %get3A_460 = arith.constant 64 : index
    %get3A_461 = tpu.vector_load %arg8[%get3A_459, %get3A_460] {strides = array<i32>} : memref<4x128xi32, #tpu.memory_space<vmem>>, vector<16xi32>,
    %add3A_462 = arith.addi %get3A_461, %get3A_461 : vector<16xi32>
    %swap3A_463 = arith.constant 1 : i32
    %swap3A_464 = arith.index_cast %swap3A_463 : i32 to index
    %swap3A_465 = arith.constant 64 : index
    %swap3A_466 = tpu.vector_load %arg8[%swap3A_464, %swap3A_465] {strides = array<i32>} : memref<4x128xi32, #tpu.memory_space<vmem>>, vector<16xi32>,
    tpu.vector_store %arg8[%swap3A_464, %swap3A_465], %add3A_462 {strides = array<i32>} : memref<4x128xi32, #tpu.memory_space<vmem>>, vector<16xi32>,
    %get3A_467 = arith.constant 1 : i32
    %get3A_468 = arith.index_cast %get3A_467 : i32 to index
    %get3A_469 = arith.constant 80 : index
    %get3A_470 = tpu.vector_load %arg8[%get3A_468, %get3A_469] {strides = array<i32>} : memref<4x128xi32, #tpu.memory_space<vmem>>, vector<16xi32>,
    %add3A_471 = arith.addi %get3A_470, %get3A_470 : vector<16xi32>
    %swap3A_472 = arith.constant 1 : i32
    %swap3A_473 = arith.index_cast %swap3A_472 : i32 to index
    %swap3A_474 = arith.constant 80 : index
    %swap3A_475 = tpu.vector_load %arg8[%swap3A_473, %swap3A_474] {strides = array<i32>} : memref<4x128xi32, #tpu.memory_space<vmem>>, vector<16xi32>,
    tpu.vector_store %arg8[%swap3A_473, %swap3A_474], %add3A_471 {strides = array<i32>} : memref<4x128xi32, #tpu.memory_space<vmem>>, vector<16xi32>,
    %get3A_476 = arith.constant 1 : i32
    %get3A_477 = arith.index_cast %get3A_476 : i32 to index
    %get3A_478 = arith.constant 96 : index
    %get3A_479 = tpu.vector_load %arg8[%get3A_477, %get3A_478] {strides = array<i32>} : memref<4x128xi32, #tpu.memory_space<vmem>>, vector<16xi32>,
    %add3A_480 = arith.addi %get3A_479, %get3A_479 : vector<16xi32>
    %swap3A_481 = arith.constant 1 : i32
    %swap3A_482 = arith.index_cast %swap3A_481 : i32 to index
    %swap3A_483 = arith.constant 96 : index
    %swap3A_484 = tpu.vector_load %arg8[%swap3A_482, %swap3A_483] {strides = array<i32>} : memref<4x128xi32, #tpu.memory_space<vmem>>, vector<16xi32>,
    tpu.vector_store %arg8[%swap3A_482, %swap3A_483], %add3A_480 {strides = array<i32>} : memref<4x128xi32, #tpu.memory_space<vmem>>, vector<16xi32>,
    %get3A_485 = arith.constant 1 : i32
    %get3A_486 = arith.index_cast %get3A_485 : i32 to index
    %get3A_487 = arith.constant 112 : index
    %get3A_488 = tpu.vector_load %arg8[%get3A_486, %get3A_487] {strides = array<i32>} : memref<4x128xi32, #tpu.memory_space<vmem>>, vector<16xi32>,
    %add3A_489 = arith.addi %get3A_488, %get3A_488 : vector<16xi32>
    %swap3A_490 = arith.constant 1 : i32
    %swap3A_491 = arith.index_cast %swap3A_490 : i32 to index
    %swap3A_492 = arith.constant 112 : index
    %swap3A_493 = tpu.vector_load %arg8[%swap3A_491, %swap3A_492] {strides = array<i32>} : memref<4x128xi32, #tpu.memory_space<vmem>>, vector<16xi32>,
    tpu.vector_store %arg8[%swap3A_491, %swap3A_492], %add3A_489 {strides = array<i32>} : memref<4x128xi32, #tpu.memory_space<vmem>>, vector<16xi32>,
    %get3A_494 = arith.constant 2 : i32
    %get3A_495 = arith.index_cast %get3A_494 : i32 to index
    %get3A_496 = arith.constant 0 : index
    %get3A_497 = tpu.vector_load %arg8[%get3A_495, %get3A_496] {strides = array<i32>} : memref<4x128xi32, #tpu.memory_space<vmem>>, vector<16xi32>,
    %add3A_498 = arith.addi %get3A_497, %get3A_497 : vector<16xi32>
    %swap3A_499 = arith.constant 2 : i32
    %swap3A_500 = arith.index_cast %swap3A_499 : i32 to index
    %swap3A_501 = arith.constant 0 : index
    %swap3A_502 = tpu.vector_load %arg8[%swap3A_500, %swap3A_501] {strides = array<i32>} : memref<4x128xi32, #tpu.memory_space<vmem>>, vector<16xi32>,
    tpu.vector_store %arg8[%swap3A_500, %swap3A_501], %add3A_498 {strides = array<i32>} : memref<4x128xi32, #tpu.memory_space<vmem>>, vector<16xi32>,
    %get3A_503 = arith.constant 2 : i32
    %get3A_504 = arith.index_cast %get3A_503 : i32 to index
    %get3A_505 = arith.constant 16 : index
    %get3A_506 = tpu.vector_load %arg8[%get3A_504, %get3A_505] {strides = array<i32>} : memref<4x128xi32, #tpu.memory_space<vmem>>, vector<16xi32>,
    %add3A_507 = arith.addi %get3A_506, %get3A_506 : vector<16xi32>
    %swap3A_508 = arith.constant 2 : i32
    %swap3A_509 = arith.index_cast %swap3A_508 : i32 to index
    %swap3A_510 = arith.constant 16 : index
    %swap3A_511 = tpu.vector_load %arg8[%swap3A_509, %swap3A_510] {strides = array<i32>} : memref<4x128xi32, #tpu.memory_space<vmem>>, vector<16xi32>,
    tpu.vector_store %arg8[%swap3A_509, %swap3A_510], %add3A_507 {strides = array<i32>} : memref<4x128xi32, #tpu.memory_space<vmem>>, vector<16xi32>,
    %get3A_512 = arith.constant 2 : i32
    %get3A_513 = arith.index_cast %get3A_512 : i32 to index
    %get3A_514 = arith.constant 32 : index
    %get3A_515 = tpu.vector_load %arg8[%get3A_513, %get3A_514] {strides = array<i32>} : memref<4x128xi32, #tpu.memory_space<vmem>>, vector<16xi32>,
    %add3A_516 = arith.addi %get3A_515, %get3A_515 : vector<16xi32>
    %swap3A_517 = arith.constant 2 : i32
    %swap3A_518 = arith.index_cast %swap3A_517 : i32 to index
    %swap3A_519 = arith.constant 32 : index
    %swap3A_520 = tpu.vector_load %arg8[%swap3A_518, %swap3A_519] {strides = array<i32>} : memref<4x128xi32, #tpu.memory_space<vmem>>, vector<16xi32>,
    tpu.vector_store %arg8[%swap3A_518, %swap3A_519], %add3A_516 {strides = array<i32>} : memref<4x128xi32, #tpu.memory_space<vmem>>, vector<16xi32>,
    %get3A_521 = arith.constant 2 : i32
    %get3A_522 = arith.index_cast %get3A_521 : i32 to index
    %get3A_523 = arith.constant 48 : index
    %get3A_524 = tpu.vector_load %arg8[%get3A_522, %get3A_523] {strides = array<i32>} : memref<4x128xi32, #tpu.memory_space<vmem>>, vector<16xi32>,
    %add3A_525 = arith.addi %get3A_524, %get3A_524 : vector<16xi32>
    %swap3A_526 = arith.constant 2 : i32
    %swap3A_527 = arith.index_cast %swap3A_526 : i32 to index
    %swap3A_528 = arith.constant 48 : index
    %swap3A_529 = tpu.vector_load %arg8[%swap3A_527, %swap3A_528] {strides = array<i32>} : memref<4x128xi32, #tpu.memory_space<vmem>>, vector<16xi32>,
    tpu.vector_store %arg8[%swap3A_527, %swap3A_528], %add3A_525 {strides = array<i32>} : memref<4x128xi32, #tpu.memory_space<vmem>>, vector<16xi32>,
    %get3A_530 = arith.constant 2 : i32
    %get3A_531 = arith.index_cast %get3A_530 : i32 to index
    %get3A_532 = arith.constant 64 : index
    %get3A_533 = tpu.vector_load %arg8[%get3A_531, %get3A_532] {strides = array<i32>} : memref<4x128xi32, #tpu.memory_space<vmem>>, vector<16xi32>,
    %add3A_534 = arith.addi %get3A_533, %get3A_533 : vector<16xi32>
    %swap3A_535 = arith.constant 2 : i32
    %swap3A_536 = arith.index_cast %swap3A_535 : i32 to index
    %swap3A_537 = arith.constant 64 : index
    %swap3A_538 = tpu.vector_load %arg8[%swap3A_536, %swap3A_537] {strides = array<i32>} : memref<4x128xi32, #tpu.memory_space<vmem>>, vector<16xi32>,
    tpu.vector_store %arg8[%swap3A_536, %swap3A_537], %add3A_534 {strides = array<i32>} : memref<4x128xi32, #tpu.memory_space<vmem>>, vector<16xi32>,
    %get3A_539 = arith.constant 2 : i32
    %get3A_540 = arith.index_cast %get3A_539 : i32 to index
    %get3A_541 = arith.constant 80 : index
    %get3A_542 = tpu.vector_load %arg8[%get3A_540, %get3A_541] {strides = array<i32>} : memref<4x128xi32, #tpu.memory_space<vmem>>, vector<16xi32>,
    %add3A_543 = arith.addi %get3A_542, %get3A_542 : vector<16xi32>
    %swap3A_544 = arith.constant 2 : i32
    %swap3A_545 = arith.index_cast %swap3A_544 : i32 to index
    %swap3A_546 = arith.constant 80 : index
    %swap3A_547 = tpu.vector_load %arg8[%swap3A_545, %swap3A_546] {strides = array<i32>} : memref<4x128xi32, #tpu.memory_space<vmem>>, vector<16xi32>,
    tpu.vector_store %arg8[%swap3A_545, %swap3A_546], %add3A_543 {strides = array<i32>} : memref<4x128xi32, #tpu.memory_space<vmem>>, vector<16xi32>,
    %get3A_548 = arith.constant 2 : i32
    %get3A_549 = arith.index_cast %get3A_548 : i32 to index
    %get3A_550 = arith.constant 96 : index
    %get3A_551 = tpu.vector_load %arg8[%get3A_549, %get3A_550] {strides = array<i32>} : memref<4x128xi32, #tpu.memory_space<vmem>>, vector<16xi32>,
    %add3A_552 = arith.addi %get3A_551, %get3A_551 : vector<16xi32>
    %swap3A_553 = arith.constant 2 : i32
    %swap3A_554 = arith.index_cast %swap3A_553 : i32 to index
    %swap3A_555 = arith.constant 96 : index
    %swap3A_556 = tpu.vector_load %arg8[%swap3A_554, %swap3A_555] {strides = array<i32>} : memref<4x128xi32, #tpu.memory_space<vmem>>, vector<16xi32>,
    tpu.vector_store %arg8[%swap3A_554, %swap3A_555], %add3A_552 {strides = array<i32>} : memref<4x128xi32, #tpu.memory_space<vmem>>, vector<16xi32>,
    %get3A_557 = arith.constant 2 : i32
    %get3A_558 = arith.index_cast %get3A_557 : i32 to index
    %get3A_559 = arith.constant 112 : index
    %get3A_560 = tpu.vector_load %arg8[%get3A_558, %get3A_559] {strides = array<i32>} : memref<4x128xi32, #tpu.memory_space<vmem>>, vector<16xi32>,
    %add3A_561 = arith.addi %get3A_560, %get3A_560 : vector<16xi32>
    %swap3A_562 = arith.constant 2 : i32
    %swap3A_563 = arith.index_cast %swap3A_562 : i32 to index
    %swap3A_564 = arith.constant 112 : index
    %swap3A_565 = tpu.vector_load %arg8[%swap3A_563, %swap3A_564] {strides = array<i32>} : memref<4x128xi32, #tpu.memory_space<vmem>>, vector<16xi32>,
    tpu.vector_store %arg8[%swap3A_563, %swap3A_564], %add3A_561 {strides = array<i32>} : memref<4x128xi32, #tpu.memory_space<vmem>>, vector<16xi32>,
    %get3A_566 = arith.constant 3 : i32
    %get3A_567 = arith.index_cast %get3A_566 : i32 to index
    %get3A_568 = arith.constant 0 : index
    %get3A_569 = tpu.vector_load %arg8[%get3A_567, %get3A_568] {strides = array<i32>} : memref<4x128xi32, #tpu.memory_space<vmem>>, vector<16xi32>,
    %add3A_570 = arith.addi %get3A_569, %get3A_569 : vector<16xi32>
    %swap3A_571 = arith.constant 3 : i32
    %swap3A_572 = arith.index_cast %swap3A_571 : i32 to index
    %swap3A_573 = arith.constant 0 : index
    %swap3A_574 = tpu.vector_load %arg8[%swap3A_572, %swap3A_573] {strides = array<i32>} : memref<4x128xi32, #tpu.memory_space<vmem>>, vector<16xi32>,
    tpu.vector_store %arg8[%swap3A_572, %swap3A_573], %add3A_570 {strides = array<i32>} : memref<4x128xi32, #tpu.memory_space<vmem>>, vector<16xi32>,
    %get3A_575 = arith.constant 3 : i32
    %get3A_576 = arith.index_cast %get3A_575 : i32 to index
    %get3A_577 = arith.constant 16 : index
    %get3A_578 = tpu.vector_load %arg8[%get3A_576, %get3A_577] {strides = array<i32>} : memref<4x128xi32, #tpu.memory_space<vmem>>, vector<16xi32>,
    %add3A_579 = arith.addi %get3A_578, %get3A_578 : vector<16xi32>
    %swap3A_580 = arith.constant 3 : i32
    %swap3A_581 = arith.index_cast %swap3A_580 : i32 to index
    %swap3A_582 = arith.constant 16 : index
    %swap3A_583 = tpu.vector_load %arg8[%swap3A_581, %swap3A_582] {strides = array<i32>} : memref<4x128xi32, #tpu.memory_space<vmem>>, vector<16xi32>,
    tpu.vector_store %arg8[%swap3A_581, %swap3A_582], %add3A_579 {strides = array<i32>} : memref<4x128xi32, #tpu.memory_space<vmem>>, vector<16xi32>,
    %get3A_584 = arith.constant 3 : i32
    %get3A_585 = arith.index_cast %get3A_584 : i32 to index
    %get3A_586 = arith.constant 32 : index
    %get3A_587 = tpu.vector_load %arg8[%get3A_585, %get3A_586] {strides = array<i32>} : memref<4x128xi32, #tpu.memory_space<vmem>>, vector<16xi32>,
    %add3A_588 = arith.addi %get3A_587, %get3A_587 : vector<16xi32>
    %swap3A_589 = arith.constant 3 : i32
    %swap3A_590 = arith.index_cast %swap3A_589 : i32 to index
    %swap3A_591 = arith.constant 32 : index
    %swap3A_592 = tpu.vector_load %arg8[%swap3A_590, %swap3A_591] {strides = array<i32>} : memref<4x128xi32, #tpu.memory_space<vmem>>, vector<16xi32>,
    tpu.vector_store %arg8[%swap3A_590, %swap3A_591], %add3A_588 {strides = array<i32>} : memref<4x128xi32, #tpu.memory_space<vmem>>, vector<16xi32>,
    %get3A_593 = arith.constant 3 : i32
    %get3A_594 = arith.index_cast %get3A_593 : i32 to index
    %get3A_595 = arith.constant 48 : index
    %get3A_596 = tpu.vector_load %arg8[%get3A_594, %get3A_595] {strides = array<i32>} : memref<4x128xi32, #tpu.memory_space<vmem>>, vector<16xi32>,
    %add3A_597 = arith.addi %get3A_596, %get3A_596 : vector<16xi32>
    %swap3A_598 = arith.constant 3 : i32
    %swap3A_599 = arith.index_cast %swap3A_598 : i32 to index
    %swap3A_600 = arith.constant 48 : index
    %swap3A_601 = tpu.vector_load %arg8[%swap3A_599, %swap3A_600] {strides = array<i32>} : memref<4x128xi32, #tpu.memory_space<vmem>>, vector<16xi32>,
    tpu.vector_store %arg8[%swap3A_599, %swap3A_600], %add3A_597 {strides = array<i32>} : memref<4x128xi32, #tpu.memory_space<vmem>>, vector<16xi32>,
    %get3A_602 = arith.constant 3 : i32
    %get3A_603 = arith.index_cast %get3A_602 : i32 to index
    %get3A_604 = arith.constant 64 : index
    %get3A_605 = tpu.vector_load %arg8[%get3A_603, %get3A_604] {strides = array<i32>} : memref<4x128xi32, #tpu.memory_space<vmem>>, vector<16xi32>,
    %add3A_606 = arith.addi %get3A_605, %get3A_605 : vector<16xi32>
    %swap3A_607 = arith.constant 3 : i32
    %swap3A_608 = arith.index_cast %swap3A_607 : i32 to index
    %swap3A_609 = arith.constant 64 : index
    %swap3A_610 = tpu.vector_load %arg8[%swap3A_608, %swap3A_609] {strides = array<i32>} : memref<4x128xi32, #tpu.memory_space<vmem>>, vector<16xi32>,
    tpu.vector_store %arg8[%swap3A_608, %swap3A_609], %add3A_606 {strides = array<i32>} : memref<4x128xi32, #tpu.memory_space<vmem>>, vector<16xi32>,
    %get3A_611 = arith.constant 3 : i32
    %get3A_612 = arith.index_cast %get3A_611 : i32 to index
    %get3A_613 = arith.constant 80 : index
    %get3A_614 = tpu.vector_load %arg8[%get3A_612, %get3A_613] {strides = array<i32>} : memref<4x128xi32, #tpu.memory_space<vmem>>, vector<16xi32>,
    %add3A_615 = arith.addi %get3A_614, %get3A_614 : vector<16xi32>
    %swap3A_616 = arith.constant 3 : i32
    %swap3A_617 = arith.index_cast %swap3A_616 : i32 to index
    %swap3A_618 = arith.constant 80 : index
    %swap3A_619 = tpu.vector_load %arg8[%swap3A_617, %swap3A_618] {strides = array<i32>} : memref<4x128xi32, #tpu.memory_space<vmem>>, vector<16xi32>,
    tpu.vector_store %arg8[%swap3A_617, %swap3A_618], %add3A_615 {strides = array<i32>} : memref<4x128xi32, #tpu.memory_space<vmem>>, vector<16xi32>,
    %get3A_620 = arith.constant 3 : i32
    %get3A_621 = arith.index_cast %get3A_620 : i32 to index
    %get3A_622 = arith.constant 96 : index
    %get3A_623 = tpu.vector_load %arg8[%get3A_621, %get3A_622] {strides = array<i32>} : memref<4x128xi32, #tpu.memory_space<vmem>>, vector<16xi32>,
    %add3A_624 = arith.addi %get3A_623, %get3A_623 : vector<16xi32>
    %swap3A_625 = arith.constant 3 : i32
    %swap3A_626 = arith.index_cast %swap3A_625 : i32 to index
    %swap3A_627 = arith.constant 96 : index
    %swap3A_628 = tpu.vector_load %arg8[%swap3A_626, %swap3A_627] {strides = array<i32>} : memref<4x128xi32, #tpu.memory_space<vmem>>, vector<16xi32>,
    tpu.vector_store %arg8[%swap3A_626, %swap3A_627], %add3A_624 {strides = array<i32>} : memref<4x128xi32, #tpu.memory_space<vmem>>, vector<16xi32>,
    %get3A_629 = arith.constant 3 : i32
    %get3A_630 = arith.index_cast %get3A_629 : i32 to index
    %get3A_631 = arith.constant 112 : index
    %get3A_632 = tpu.vector_load %arg8[%get3A_630, %get3A_631] {strides = array<i32>} : memref<4x128xi32, #tpu.memory_space<vmem>>, vector<16xi32>,
    %add3A_633 = arith.addi %get3A_632, %get3A_632 : vector<16xi32>
    %swap3A_634 = arith.constant 3 : i32
    %swap3A_635 = arith.index_cast %swap3A_634 : i32 to index
    %swap3A_636 = arith.constant 112 : index
    %swap3A_637 = tpu.vector_load %arg8[%swap3A_635, %swap3A_636] {strides = array<i32>} : memref<4x128xi32, #tpu.memory_space<vmem>>, vector<16xi32>,
    tpu.vector_store %arg8[%swap3A_635, %swap3A_636], %add3A_633 {strides = array<i32>} : memref<4x128xi32, #tpu.memory_space<vmem>>, vector<16xi32>,
    %dma_start3A_638 = arith.constant 0 : i32
    %dma_start3A_639 = arith.constant 0 : i32
    %dma_start3A_640 = arith.constant 0 : i32
    %dma_start3A_641 = tpu.memref_slice %arg10[%dma_start3A_639, %dma_start3A_640] : memref<512x64xf32, #tpu.memory_space<vmem>> -> memref<128x64xf32, #tpu.memory_space<vmem>>
    %dma_start3A_642 = arith.constant 0 : i32
    %dma_start3A_643 = tpu.memref_slice %arg8[%dma_start3A_638, %dma_start3A_642] : memref<4x128xi32, #tpu.memory_space<vmem>> -> memref<1x128xi32, #tpu.memory_space<vmem>>
    %dma_start3A_644 = tpu.memref_squeeze %dma_start3A_643 : memref<1x128xi32, #tpu.memory_space<vmem>> -> memref<128xi32, #tpu.memory_space<vmem>>
    %dma_start3A_645 = arith.constant 0 : i32
    %dma_start3A_646 = arith.constant 0 : i32
    %dma_start3A_647 = tpu.memref_slice %arg3[%dma_start3A_645, %dma_start3A_646] : memref<2000000x64xf32, #tpu.memory_space<hbm>> -> memref<2000000x64xf32, #tpu.memory_space<hbm>>
    tpu.enqueue_indirect_dma source(%dma_start3A_647 : memref<2000000x64xf32, #tpu.memory_space<hbm>>) target(%dma_start3A_641 : memref<128x64xf32, #tpu.memory_space<vmem>>) offsets(%dma_start3A_644 : memref<128xi32, #tpu.memory_space<vmem>>) semaphore(%arg15 : memref<!tpu.dma_semaphore, #tpu.memory_space<semaphore_mem>>)
    %dma_start3A_648 = arith.constant 1 : i32
    %dma_start3A_649 = arith.constant 128 : i32
    %dma_start3A_650 = arith.constant 0 : i32
    %dma_start3A_651 = tpu.memref_slice %arg10[%dma_start3A_649, %dma_start3A_650] : memref<512x64xf32, #tpu.memory_space<vmem>> -> memref<128x64xf32, #tpu.memory_space<vmem>>
    %dma_start3A_652 = arith.constant 0 : i32
    %dma_start3A_653 = tpu.memref_slice %arg8[%dma_start3A_648, %dma_start3A_652] : memref<4x128xi32, #tpu.memory_space<vmem>> -> memref<1x128xi32, #tpu.memory_space<vmem>>
    %dma_start3A_654 = tpu.memref_squeeze %dma_start3A_653 : memref<1x128xi32, #tpu.memory_space<vmem>> -> memref<128xi32, #tpu.memory_space<vmem>>
    %dma_start3A_655 = arith.constant 0 : i32
    %dma_start3A_656 = arith.constant 0 : i32
    %dma_start3A_657 = tpu.memref_slice %arg3[%dma_start3A_655, %dma_start3A_656] : memref<2000000x64xf32, #tpu.memory_space<hbm>> -> memref<2000000x64xf32, #tpu.memory_space<hbm>>
    tpu.enqueue_indirect_dma source(%dma_start3A_657 : memref<2000000x64xf32, #tpu.memory_space<hbm>>) target(%dma_start3A_651 : memref<128x64xf32, #tpu.memory_space<vmem>>) offsets(%dma_start3A_654 : memref<128xi32, #tpu.memory_space<vmem>>) semaphore(%arg15 : memref<!tpu.dma_semaphore, #tpu.memory_space<semaphore_mem>>)
    %dma_start3A_658 = arith.constant 2 : i32
    %dma_start3A_659 = arith.constant 256 : i32
    %dma_start3A_660 = arith.constant 0 : i32
    %dma_start3A_661 = tpu.memref_slice %arg10[%dma_start3A_659, %dma_start3A_660] : memref<512x64xf32, #tpu.memory_space<vmem>> -> memref<128x64xf32, #tpu.memory_space<vmem>>
    %dma_start3A_662 = arith.constant 0 : i32
    %dma_start3A_663 = tpu.memref_slice %arg8[%dma_start3A_658, %dma_start3A_662] : memref<4x128xi32, #tpu.memory_space<vmem>> -> memref<1x128xi32, #tpu.memory_space<vmem>>
    %dma_start3A_664 = tpu.memref_squeeze %dma_start3A_663 : memref<1x128xi32, #tpu.memory_space<vmem>> -> memref<128xi32, #tpu.memory_space<vmem>>
    %dma_start3A_665 = arith.constant 0 : i32
    %dma_start3A_666 = arith.constant 0 : i32
    %dma_start3A_667 = tpu.memref_slice %arg3[%dma_start3A_665, %dma_start3A_666] : memref<2000000x64xf32, #tpu.memory_space<hbm>> -> memref<2000000x64xf32, #tpu.memory_space<hbm>>
    tpu.enqueue_indirect_dma source(%dma_start3A_667 : memref<2000000x64xf32, #tpu.memory_space<hbm>>) target(%dma_start3A_661 : memref<128x64xf32, #tpu.memory_space<vmem>>) offsets(%dma_start3A_664 : memref<128xi32, #tpu.memory_space<vmem>>) semaphore(%arg15 : memref<!tpu.dma_semaphore, #tpu.memory_space<semaphore_mem>>)
    %dma_start3A_668 = arith.constant 3 : i32
    %dma_start3A_669 = arith.constant 384 : i32
    %dma_start3A_670 = arith.constant 0 : i32
    %dma_start3A_671 = tpu.memref_slice %arg10[%dma_start3A_669, %dma_start3A_670] : memref<512x64xf32, #tpu.memory_space<vmem>> -> memref<128x64xf32, #tpu.memory_space<vmem>>
    %dma_start3A_672 = arith.constant 0 : i32
    %dma_start3A_673 = tpu.memref_slice %arg8[%dma_start3A_668, %dma_start3A_672] : memref<4x128xi32, #tpu.memory_space<vmem>> -> memref<1x128xi32, #tpu.memory_space<vmem>>
    %dma_start3A_674 = tpu.memref_squeeze %dma_start3A_673 : memref<1x128xi32, #tpu.memory_space<vmem>> -> memref<128xi32, #tpu.memory_space<vmem>>
    %dma_start3A_675 = arith.constant 0 : i32
    %dma_start3A_676 = arith.constant 0 : i32
    %dma_start3A_677 = tpu.memref_slice %arg3[%dma_start3A_675, %dma_start3A_676] : memref<2000000x64xf32, #tpu.memory_space<hbm>> -> memref<2000000x64xf32, #tpu.memory_space<hbm>>
    tpu.enqueue_indirect_dma source(%dma_start3A_677 : memref<2000000x64xf32, #tpu.memory_space<hbm>>) target(%dma_start3A_671 : memref<128x64xf32, #tpu.memory_space<vmem>>) offsets(%dma_start3A_674 : memref<128xi32, #tpu.memory_space<vmem>>) semaphore(%arg15 : memref<!tpu.dma_semaphore, #tpu.memory_space<semaphore_mem>>)
    %scan3A = arith.constant 1.562500e-02 : f32
    %scan3A_678 = arith.constant 0 : i32
    %scan3A_679 = arith.constant 0 : i32
    %scan3A_680 = arith.constant 25 : i32
    %scan3A_681 = arith.addi %scan3A_679, %scan3A_680 : i32
    %scan3A_682 = arith.constant 1 : i32
    %scan3A_683 = scf.for %scan3A_690 = %scan3A_679 to %scan3A_681 step %scan3A_682 iter_args(%scan3A_691 = %scan3A_678) -> (i32)  : i32 {
      %mul3A_692 = arith.constant 2 : i32
      %mul3A_693 = arith.muli %mul3A_692, %scan3A_690 : i32
      %mul3A_694 = arith.constant 2 : i32
      %mul3A_695 = arith.muli %mul3A_694, %scan3A_690 : i32
      %add3A_696 = arith.constant 1 : i32
      %add3A_697 = arith.addi %mul3A_695, %add3A_696 : i32
      %dma_wait3A_698 = arith.constant 0 : i32
      %dma_wait3A_699 = arith.constant 0 : i32
      %dma_wait3A_700 = tpu.memref_slice %arg3[%dma_wait3A_698, %dma_wait3A_699] : memref<2000000x64xf32, #tpu.memory_space<hbm>> -> memref<512x64xf32, #tpu.memory_space<hbm>>
      %dma_wait3A_701 = arith.constant 0 : i32
      %dma_wait3A_702 = arith.constant 0 : i32
      %dma_wait3A_703 = tpu.memref_slice %arg3[%dma_wait3A_701, %dma_wait3A_702] : memref<2000000x64xf32, #tpu.memory_space<hbm>> -> memref<512x64xf32, #tpu.memory_space<hbm>>
      tpu.wait_dma2 semaphore(%arg14 : memref<!tpu.dma_semaphore, #tpu.memory_space<semaphore_mem>>) src(%dma_wait3A_703 : memref<512x64xf32, #tpu.memory_space<hbm>>) dst(%arg9 : memref<512x64xf32, #tpu.memory_space<vmem>>)
      %gt3A = arith.constant 0 : i32
      %gt3A_704 = arith.cmpi sgt, %scan3A_690, %gt3A : i32
      %convert_element_type3A = arith.extui %gt3A_704 : i1 to i32
      %cond3A = arith.constant 0 : i32
      %cond3A_705 = arith.cmpi ne, %convert_element_type3A, %cond3A : i32
      scf.if %cond3A_705 {
        %dma_wait3A_784 = arith.constant 0 : i32
        %dma_wait3A_785 = arith.constant 0 : i32
        %dma_wait3A_786 = tpu.memref_slice %arg6[%dma_wait3A_784, %dma_wait3A_785] : memref<409600x128xf32, #tpu.memory_space<hbm>> -> memref<256x128xf32, #tpu.memory_space<hbm>>
        %dma_wait3A_787 = arith.constant 0 : i32
        %dma_wait3A_788 = arith.constant 0 : i32
        %dma_wait3A_789 = tpu.memref_slice %arg6[%dma_wait3A_787, %dma_wait3A_788] : memref<409600x128xf32, #tpu.memory_space<hbm>> -> memref<256x128xf32, #tpu.memory_space<hbm>>
        tpu.wait_dma2 semaphore(%arg16 : memref<!tpu.dma_semaphore, #tpu.memory_space<semaphore_mem>>) src(%arg11 : memref<256x128xf32, #tpu.memory_space<vmem>>) dst(%dma_wait3A_789 : memref<256x128xf32, #tpu.memory_space<hbm>>)
      } else {
      }
      %get3A_706 = arith.constant 0 : index
      %get3A_707 = tpu.vector_load %arg12[%get3A_706] {strides = array<i32>} : memref<64xf32, #tpu.memory_space<vmem>>, vector<16xf32>,
      %get3A_708 = arith.constant 16 : index
      %get3A_709 = tpu.vector_load %arg12[%get3A_708] {strides = array<i32>} : memref<64xf32, #tpu.memory_space<vmem>>, vector<16xf32>,
      %get3A_710 = arith.constant 32 : index
      %get3A_711 = tpu.vector_load %arg12[%get3A_710] {strides = array<i32>} : memref<64xf32, #tpu.memory_space<vmem>>, vector<16xf32>,
      %get3A_712 = arith.constant 48 : index
      %get3A_713 = tpu.vector_load %arg12[%get3A_712] {strides = array<i32>} : memref<64xf32, #tpu.memory_space<vmem>>, vector<16xf32>,
      %get3A_714 = arith.constant 0 : index
      %get3A_715 = tpu.vector_load %arg13[%get3A_714] {strides = array<i32>} : memref<64xf32, #tpu.memory_space<vmem>>, vector<16xf32>,
      %get3A_716 = arith.constant 16 : index
      %get3A_717 = tpu.vector_load %arg13[%get3A_716] {strides = array<i32>} : memref<64xf32, #tpu.memory_space<vmem>>, vector<16xf32>,
      %get3A_718 = arith.constant 32 : index
      %get3A_719 = tpu.vector_load %arg13[%get3A_718] {strides = array<i32>} : memref<64xf32, #tpu.memory_space<vmem>>, vector<16xf32>,
      %get3A_720 = arith.constant 48 : index
      %get3A_721 = tpu.vector_load %arg13[%get3A_720] {strides = array<i32>} : memref<64xf32, #tpu.memory_space<vmem>>, vector<16xf32>,
      %scan3A_722 = arith.constant 0 : i32
      %scan3A_723 = arith.constant 128 : i32
      %scan3A_724 = arith.addi %scan3A_722, %scan3A_723 : i32
      %scan3A_725 = arith.constant 1 : i32
      scf.for %scan3A_784 = %scan3A_722 to %scan3A_724 step %scan3A_725  : i32 {
        %mul3A_785 = arith.constant 2 : i32
        %mul3A_786 = arith.muli %scan3A_784, %mul3A_785 : i32
        %add3A_787 = arith.constant 0 : i32
        %add3A_788 = arith.addi %mul3A_786, %add3A_787 : i32
        %mul3A_789 = arith.constant 2 : i32
        %mul3A_790 = arith.muli %add3A_788, %mul3A_789 : i32
        %get3A_791 = arith.index_cast %mul3A_790 : i32 to index
        %get3A_792 = arith.constant 0 : index
        %get3A_793 = tpu.vector_load %arg9[%get3A_791, %get3A_792] {strides = array<i32>} : memref<512x64xf32, #tpu.memory_space<vmem>>, vector<16xf32>,
        %get3A_794 = arith.index_cast %mul3A_790 : i32 to index
        %get3A_795 = arith.constant 16 : index
        %get3A_796 = tpu.vector_load %arg9[%get3A_794, %get3A_795] {strides = array<i32>} : memref<512x64xf32, #tpu.memory_space<vmem>>, vector<16xf32>,
        %get3A_797 = arith.index_cast %mul3A_790 : i32 to index
        %get3A_798 = arith.constant 32 : index
        %get3A_799 = tpu.vector_load %arg9[%get3A_797, %get3A_798] {strides = array<i32>} : memref<512x64xf32, #tpu.memory_space<vmem>>, vector<16xf32>,
        %get3A_800 = arith.index_cast %mul3A_790 : i32 to index
        %get3A_801 = arith.constant 48 : index
        %get3A_802 = tpu.vector_load %arg9[%get3A_800, %get3A_801] {strides = array<i32>} : memref<512x64xf32, #tpu.memory_space<vmem>>, vector<16xf32>,
        %add3A_803 = arith.addf %get3A_793, %get3A_796 : vector<16xf32>
        %add3A_804 = arith.addf %get3A_799, %get3A_802 : vector<16xf32>
        %add3A_805 = arith.addf %add3A_803, %add3A_804 : vector<16xf32>
        %mul3A_806 = arith.mulf %get3A_793, %get3A_793 : vector<16xf32>
        %mul3A_807 = arith.mulf %get3A_796, %get3A_796 : vector<16xf32>
        %add3A_808 = arith.addf %mul3A_806, %mul3A_807 : vector<16xf32>
        %mul3A_809 = arith.mulf %get3A_799, %get3A_799 : vector<16xf32>
        %mul3A_810 = arith.mulf %get3A_802, %get3A_802 : vector<16xf32>
        %add3A_811 = arith.addf %mul3A_809, %mul3A_810 : vector<16xf32>
        %add3A_812 = arith.addf %add3A_808, %add3A_811 : vector<16xf32>
        %reduce_sum3A = arith.constant true
        %reduce_sum3A_813 = vector.broadcast %reduce_sum3A : i1 to vector<16xi1>
        %reduce_sum3A_814 = tpu.scan <sum>, %add3A_805 masked %reduce_sum3A_813 : vector<16xf32>, vector<16xi1> -> vector<16xf32>
        %reduce_sum3A_815 = vector.extract %reduce_sum3A_814[15] : f32 from vector<16xf32>
        %mul3A_816 = arith.mulf %reduce_sum3A_815, %scan3A : f32
        %reduce_sum3A_817 = arith.constant true
        %reduce_sum3A_818 = vector.broadcast %reduce_sum3A_817 : i1 to vector<16xi1>
        %reduce_sum3A_819 = tpu.scan <sum>, %add3A_812 masked %reduce_sum3A_818 : vector<16xf32>, vector<16xi1> -> vector<16xf32>
        %reduce_sum3A_820 = vector.extract %reduce_sum3A_819[15] : f32 from vector<16xf32>
        %mul3A_821 = arith.mulf %reduce_sum3A_820, %scan3A : f32
        %mul3A_822 = arith.mulf %mul3A_816, %mul3A_816 : f32
        %sub3A_823 = arith.subf %mul3A_821, %mul3A_822 : f32
        %max3A = arith.constant 0.000000e+00 : f32
        %max3A_824 = arith.maximumf %sub3A_823, %max3A : f32
        %add3A_825 = arith.constant 9.99999996E-13 : f32
        %add3A_826 = arith.addf %max3A_824, %add3A_825 : f32
        %bitcast_convert_type3A = arith.bitcast %add3A_826 : f32 to i32
        %shift_right_logical3A = arith.constant 1 : i32
        %shift_right_logical3A_827 = arith.shrui %bitcast_convert_type3A, %shift_right_logical3A : i32
        %sub3A_828 = arith.constant 1597463007 : i32
        %sub3A_829 = arith.subi %sub3A_828, %shift_right_logical3A_827 : i32
        %bitcast_convert_type3A_830 = arith.bitcast %sub3A_829 : i32 to f32
        %mul3A_831 = arith.constant 5.000000e-01 : f32
        %mul3A_832 = arith.mulf %mul3A_831, %add3A_826 : f32
        %mul3A_833 = arith.mulf %mul3A_832, %bitcast_convert_type3A_830 : f32
        %mul3A_834 = arith.mulf %mul3A_833, %bitcast_convert_type3A_830 : f32
        %sub3A_835 = arith.constant 1.500000e+00 : f32
        %sub3A_836 = arith.subf %sub3A_835, %mul3A_834 : f32
        %mul3A_837 = arith.mulf %bitcast_convert_type3A_830, %sub3A_836 : f32
        %mul3A_838 = arith.constant 5.000000e-01 : f32
        %mul3A_839 = arith.mulf %mul3A_838, %add3A_826 : f32
        %mul3A_840 = arith.mulf %mul3A_839, %mul3A_837 : f32
        %mul3A_841 = arith.mulf %mul3A_840, %mul3A_837 : f32
        %sub3A_842 = arith.constant 1.500000e+00 : f32
        %sub3A_843 = arith.subf %sub3A_842, %mul3A_841 : f32
        %mul3A_844 = arith.mulf %mul3A_837, %sub3A_843 : f32
        %mul3A_845 = arith.constant 5.000000e-01 : f32
        %mul3A_846 = arith.mulf %mul3A_845, %add3A_826 : f32
        %mul3A_847 = arith.mulf %mul3A_846, %mul3A_844 : f32
        %mul3A_848 = arith.mulf %mul3A_847, %mul3A_844 : f32
        %sub3A_849 = arith.constant 1.500000e+00 : f32
        %sub3A_850 = arith.subf %sub3A_849, %mul3A_848 : f32
        %mul3A_851 = arith.mulf %mul3A_844, %sub3A_850 : f32
        %mul3A_852 = arith.mulf %mul3A_816, %mul3A_851 : f32
        %neg3A = arith.constant 0.000000e+00 : f32
        %neg3A_853 = arith.subf %neg3A, %mul3A_852 : f32
        %mul3A_854 = vector.broadcast %mul3A_851 : f32 to vector<16xf32>
        %mul3A_855 = arith.mulf %get3A_793, %mul3A_854 : vector<16xf32>
        %add3A_856 = vector.broadcast %neg3A_853 : f32 to vector<16xf32>
        %add3A_857 = arith.addf %mul3A_855, %add3A_856 : vector<16xf32>
        %mul3A_858 = arith.mulf %add3A_857, %get3A_707 : vector<16xf32>
        %add3A_859 = arith.addf %mul3A_858, %get3A_715 : vector<16xf32>
        %swap3A_860 = arith.index_cast %add3A_788 : i32 to index
        %swap3A_861 = arith.constant 0 : index
        %swap3A_862 = tpu.vector_load %arg11[%swap3A_860, %swap3A_861] {strides = array<i32>} : memref<256x128xf32, #tpu.memory_space<vmem>>, vector<16xf32>,
        tpu.vector_store %arg11[%swap3A_860, %swap3A_861], %add3A_859 {strides = array<i32>} : memref<256x128xf32, #tpu.memory_space<vmem>>, vector<16xf32>,
        %mul3A_863 = vector.broadcast %mul3A_851 : f32 to vector<16xf32>
        %mul3A_864 = arith.mulf %get3A_796, %mul3A_863 : vector<16xf32>
        %add3A_865 = vector.broadcast %neg3A_853 : f32 to vector<16xf32>
        %add3A_866 = arith.addf %mul3A_864, %add3A_865 : vector<16xf32>
        %mul3A_867 = arith.mulf %add3A_866, %get3A_709 : vector<16xf32>
        %add3A_868 = arith.addf %mul3A_867, %get3A_717 : vector<16xf32>
        %swap3A_869 = arith.index_cast %add3A_788 : i32 to index
        %swap3A_870 = arith.constant 16 : index
        %swap3A_871 = tpu.vector_load %arg11[%swap3A_869, %swap3A_870] {strides = array<i32>} : memref<256x128xf32, #tpu.memory_space<vmem>>, vector<16xf32>,
        tpu.vector_store %arg11[%swap3A_869, %swap3A_870], %add3A_868 {strides = array<i32>} : memref<256x128xf32, #tpu.memory_space<vmem>>, vector<16xf32>,
        %mul3A_872 = vector.broadcast %mul3A_851 : f32 to vector<16xf32>
        %mul3A_873 = arith.mulf %get3A_799, %mul3A_872 : vector<16xf32>
        %add3A_874 = vector.broadcast %neg3A_853 : f32 to vector<16xf32>
        %add3A_875 = arith.addf %mul3A_873, %add3A_874 : vector<16xf32>
        %mul3A_876 = arith.mulf %add3A_875, %get3A_711 : vector<16xf32>
        %add3A_877 = arith.addf %mul3A_876, %get3A_719 : vector<16xf32>
        %swap3A_878 = arith.index_cast %add3A_788 : i32 to index
        %swap3A_879 = arith.constant 32 : index
        %swap3A_880 = tpu.vector_load %arg11[%swap3A_878, %swap3A_879] {strides = array<i32>} : memref<256x128xf32, #tpu.memory_space<vmem>>, vector<16xf32>,
        tpu.vector_store %arg11[%swap3A_878, %swap3A_879], %add3A_877 {strides = array<i32>} : memref<256x128xf32, #tpu.memory_space<vmem>>, vector<16xf32>,
        %mul3A_881 = vector.broadcast %mul3A_851 : f32 to vector<16xf32>
        %mul3A_882 = arith.mulf %get3A_802, %mul3A_881 : vector<16xf32>
        %add3A_883 = vector.broadcast %neg3A_853 : f32 to vector<16xf32>
        %add3A_884 = arith.addf %mul3A_882, %add3A_883 : vector<16xf32>
        %mul3A_885 = arith.mulf %add3A_884, %get3A_713 : vector<16xf32>
        %add3A_886 = arith.addf %mul3A_885, %get3A_721 : vector<16xf32>
        %swap3A_887 = arith.index_cast %add3A_788 : i32 to index
        %swap3A_888 = arith.constant 48 : index
        %swap3A_889 = tpu.vector_load %arg11[%swap3A_887, %swap3A_888] {strides = array<i32>} : memref<256x128xf32, #tpu.memory_space<vmem>>, vector<16xf32>,
        tpu.vector_store %arg11[%swap3A_887, %swap3A_888], %add3A_886 {strides = array<i32>} : memref<256x128xf32, #tpu.memory_space<vmem>>, vector<16xf32>,
        %mul3A_890 = arith.constant 2 : i32
        %mul3A_891 = arith.muli %add3A_788, %mul3A_890 : i32
        %add3A_892 = arith.constant 1 : i32
        %add3A_893 = arith.addi %mul3A_891, %add3A_892 : i32
        %get3A_894 = arith.index_cast %add3A_893 : i32 to index
        %get3A_895 = arith.constant 0 : index
        %get3A_896 = tpu.vector_load %arg9[%get3A_894, %get3A_895] {strides = array<i32>} : memref<512x64xf32, #tpu.memory_space<vmem>>, vector<16xf32>,
        %get3A_897 = arith.index_cast %add3A_893 : i32 to index
        %get3A_898 = arith.constant 16 : index
        %get3A_899 = tpu.vector_load %arg9[%get3A_897, %get3A_898] {strides = array<i32>} : memref<512x64xf32, #tpu.memory_space<vmem>>, vector<16xf32>,
        %get3A_900 = arith.index_cast %add3A_893 : i32 to index
        %get3A_901 = arith.constant 32 : index
        %get3A_902 = tpu.vector_load %arg9[%get3A_900, %get3A_901] {strides = array<i32>} : memref<512x64xf32, #tpu.memory_space<vmem>>, vector<16xf32>,
        %get3A_903 = arith.index_cast %add3A_893 : i32 to index
        %get3A_904 = arith.constant 48 : index
        %get3A_905 = tpu.vector_load %arg9[%get3A_903, %get3A_904] {strides = array<i32>} : memref<512x64xf32, #tpu.memory_space<vmem>>, vector<16xf32>,
        %add3A_906 = arith.addf %get3A_896, %get3A_899 : vector<16xf32>
        %add3A_907 = arith.addf %get3A_902, %get3A_905 : vector<16xf32>
        %add3A_908 = arith.addf %add3A_906, %add3A_907 : vector<16xf32>
        %mul3A_909 = arith.mulf %get3A_896, %get3A_896 : vector<16xf32>
        %mul3A_910 = arith.mulf %get3A_899, %get3A_899 : vector<16xf32>
        %add3A_911 = arith.addf %mul3A_909, %mul3A_910 : vector<16xf32>
        %mul3A_912 = arith.mulf %get3A_902, %get3A_902 : vector<16xf32>
        %mul3A_913 = arith.mulf %get3A_905, %get3A_905 : vector<16xf32>
        %add3A_914 = arith.addf %mul3A_912, %mul3A_913 : vector<16xf32>
        %add3A_915 = arith.addf %add3A_911, %add3A_914 : vector<16xf32>
        %reduce_sum3A_916 = arith.constant true
        %reduce_sum3A_917 = vector.broadcast %reduce_sum3A_916 : i1 to vector<16xi1>
        %reduce_sum3A_918 = tpu.scan <sum>, %add3A_908 masked %reduce_sum3A_917 : vector<16xf32>, vector<16xi1> -> vector<16xf32>
        %reduce_sum3A_919 = vector.extract %reduce_sum3A_918[15] : f32 from vector<16xf32>
        %mul3A_920 = arith.mulf %reduce_sum3A_919, %scan3A : f32
        %reduce_sum3A_921 = arith.constant true
        %reduce_sum3A_922 = vector.broadcast %reduce_sum3A_921 : i1 to vector<16xi1>
        %reduce_sum3A_923 = tpu.scan <sum>, %add3A_915 masked %reduce_sum3A_922 : vector<16xf32>, vector<16xi1> -> vector<16xf32>
        %reduce_sum3A_924 = vector.extract %reduce_sum3A_923[15] : f32 from vector<16xf32>
        %mul3A_925 = arith.mulf %reduce_sum3A_924, %scan3A : f32
        %mul3A_926 = arith.mulf %mul3A_920, %mul3A_920 : f32
        %sub3A_927 = arith.subf %mul3A_925, %mul3A_926 : f32
        %max3A_928 = arith.constant 0.000000e+00 : f32
        %max3A_929 = arith.maximumf %sub3A_927, %max3A_928 : f32
        %add3A_930 = arith.constant 9.99999996E-13 : f32
        %add3A_931 = arith.addf %max3A_929, %add3A_930 : f32
        %bitcast_convert_type3A_932 = arith.bitcast %add3A_931 : f32 to i32
        %shift_right_logical3A_933 = arith.constant 1 : i32
        %shift_right_logical3A_934 = arith.shrui %bitcast_convert_type3A_932, %shift_right_logical3A_933 : i32
        %sub3A_935 = arith.constant 1597463007 : i32
        %sub3A_936 = arith.subi %sub3A_935, %shift_right_logical3A_934 : i32
        %bitcast_convert_type3A_937 = arith.bitcast %sub3A_936 : i32 to f32
        %mul3A_938 = arith.constant 5.000000e-01 : f32
        %mul3A_939 = arith.mulf %mul3A_938, %add3A_931 : f32
        %mul3A_940 = arith.mulf %mul3A_939, %bitcast_convert_type3A_937 : f32
        %mul3A_941 = arith.mulf %mul3A_940, %bitcast_convert_type3A_937 : f32
        %sub3A_942 = arith.constant 1.500000e+00 : f32
        %sub3A_943 = arith.subf %sub3A_942, %mul3A_941 : f32
        %mul3A_944 = arith.mulf %bitcast_convert_type3A_937, %sub3A_943 : f32
        %mul3A_945 = arith.constant 5.000000e-01 : f32
        %mul3A_946 = arith.mulf %mul3A_945, %add3A_931 : f32
        %mul3A_947 = arith.mulf %mul3A_946, %mul3A_944 : f32
        %mul3A_948 = arith.mulf %mul3A_947, %mul3A_944 : f32
        %sub3A_949 = arith.constant 1.500000e+00 : f32
        %sub3A_950 = arith.subf %sub3A_949, %mul3A_948 : f32
        %mul3A_951 = arith.mulf %mul3A_944, %sub3A_950 : f32
        %mul3A_952 = arith.constant 5.000000e-01 : f32
        %mul3A_953 = arith.mulf %mul3A_952, %add3A_931 : f32
        %mul3A_954 = arith.mulf %mul3A_953, %mul3A_951 : f32
        %mul3A_955 = arith.mulf %mul3A_954, %mul3A_951 : f32
        %sub3A_956 = arith.constant 1.500000e+00 : f32
        %sub3A_957 = arith.subf %sub3A_956, %mul3A_955 : f32
        %mul3A_958 = arith.mulf %mul3A_951, %sub3A_957 : f32
        %mul3A_959 = arith.mulf %mul3A_920, %mul3A_958 : f32
        %neg3A_960 = arith.constant 0.000000e+00 : f32
        %neg3A_961 = arith.subf %neg3A_960, %mul3A_959 : f32
        %mul3A_962 = vector.broadcast %mul3A_958 : f32 to vector<16xf32>
        %mul3A_963 = arith.mulf %get3A_896, %mul3A_962 : vector<16xf32>
        %add3A_964 = vector.broadcast %neg3A_961 : f32 to vector<16xf32>
        %add3A_965 = arith.addf %mul3A_963, %add3A_964 : vector<16xf32>
        %mul3A_966 = arith.mulf %add3A_965, %get3A_707 : vector<16xf32>
        %add3A_967 = arith.addf %mul3A_966, %get3A_715 : vector<16xf32>
        %swap3A_968 = arith.index_cast %add3A_788 : i32 to index
        %swap3A_969 = arith.constant 64 : index
        %swap3A_970 = tpu.vector_load %arg11[%swap3A_968, %swap3A_969] {strides = array<i32>} : memref<256x128xf32, #tpu.memory_space<vmem>>, vector<16xf32>,
        tpu.vector_store %arg11[%swap3A_968, %swap3A_969], %add3A_967 {strides = array<i32>} : memref<256x128xf32, #tpu.memory_space<vmem>>, vector<16xf32>,
        %mul3A_971 = vector.broadcast %mul3A_958 : f32 to vector<16xf32>
        %mul3A_972 = arith.mulf %get3A_899, %mul3A_971 : vector<16xf32>
        %add3A_973 = vector.broadcast %neg3A_961 : f32 to vector<16xf32>
        %add3A_974 = arith.addf %mul3A_972, %add3A_973 : vector<16xf32>
        %mul3A_975 = arith.mulf %add3A_974, %get3A_709 : vector<16xf32>
        %add3A_976 = arith.addf %mul3A_975, %get3A_717 : vector<16xf32>
        %swap3A_977 = arith.index_cast %add3A_788 : i32 to index
        %swap3A_978 = arith.constant 80 : index
        %swap3A_979 = tpu.vector_load %arg11[%swap3A_977, %swap3A_978] {strides = array<i32>} : memref<256x128xf32, #tpu.memory_space<vmem>>, vector<16xf32>,
        tpu.vector_store %arg11[%swap3A_977, %swap3A_978], %add3A_976 {strides = array<i32>} : memref<256x128xf32, #tpu.memory_space<vmem>>, vector<16xf32>,
        %mul3A_980 = vector.broadcast %mul3A_958 : f32 to vector<16xf32>
        %mul3A_981 = arith.mulf %get3A_902, %mul3A_980 : vector<16xf32>
        %add3A_982 = vector.broadcast %neg3A_961 : f32 to vector<16xf32>
        %add3A_983 = arith.addf %mul3A_981, %add3A_982 : vector<16xf32>
        %mul3A_984 = arith.mulf %add3A_983, %get3A_711 : vector<16xf32>
        %add3A_985 = arith.addf %mul3A_984, %get3A_719 : vector<16xf32>
        %swap3A_986 = arith.index_cast %add3A_788 : i32 to index
        %swap3A_987 = arith.constant 96 : index
        %swap3A_988 = tpu.vector_load %arg11[%swap3A_986, %swap3A_987] {strides = array<i32>} : memref<256x128xf32, #tpu.memory_space<vmem>>, vector<16xf32>,
        tpu.vector_store %arg11[%swap3A_986, %swap3A_987], %add3A_985 {strides = array<i32>} : memref<256x128xf32, #tpu.memory_space<vmem>>, vector<16xf32>,
        %mul3A_989 = vector.broadcast %mul3A_958 : f32 to vector<16xf32>
        %mul3A_990 = arith.mulf %get3A_905, %mul3A_989 : vector<16xf32>
        %add3A_991 = vector.broadcast %neg3A_961 : f32 to vector<16xf32>
        %add3A_992 = arith.addf %mul3A_990, %add3A_991 : vector<16xf32>
        %mul3A_993 = arith.mulf %add3A_992, %get3A_713 : vector<16xf32>
        %add3A_994 = arith.addf %mul3A_993, %get3A_721 : vector<16xf32>
        %swap3A_995 = arith.index_cast %add3A_788 : i32 to index
        %swap3A_996 = arith.constant 112 : index
        %swap3A_997 = tpu.vector_load %arg11[%swap3A_995, %swap3A_996] {strides = array<i32>} : memref<256x128xf32, #tpu.memory_space<vmem>>, vector<16xf32>,
        tpu.vector_store %arg11[%swap3A_995, %swap3A_996], %add3A_994 {strides = array<i32>} : memref<256x128xf32, #tpu.memory_space<vmem>>, vector<16xf32>,
        %mul3A_998 = arith.constant 2 : i32
        %mul3A_999 = arith.muli %scan3A_784, %mul3A_998 : i32
        %add3A_1000 = arith.constant 1 : i32
        %add3A_1001 = arith.addi %mul3A_999, %add3A_1000 : i32
        %mul3A_1002 = arith.constant 2 : i32
        %mul3A_1003 = arith.muli %add3A_1001, %mul3A_1002 : i32
        %get3A_1004 = arith.index_cast %mul3A_1003 : i32 to index
        %get3A_1005 = arith.constant 0 : index
        %get3A_1006 = tpu.vector_load %arg9[%get3A_1004, %get3A_1005] {strides = array<i32>} : memref<512x64xf32, #tpu.memory_space<vmem>>, vector<16xf32>,
        %get3A_1007 = arith.index_cast %mul3A_1003 : i32 to index
        %get3A_1008 = arith.constant 16 : index
        %get3A_1009 = tpu.vector_load %arg9[%get3A_1007, %get3A_1008] {strides = array<i32>} : memref<512x64xf32, #tpu.memory_space<vmem>>, vector<16xf32>,
        %get3A_1010 = arith.index_cast %mul3A_1003 : i32 to index
        %get3A_1011 = arith.constant 32 : index
        %get3A_1012 = tpu.vector_load %arg9[%get3A_1010, %get3A_1011] {strides = array<i32>} : memref<512x64xf32, #tpu.memory_space<vmem>>, vector<16xf32>,
        %get3A_1013 = arith.index_cast %mul3A_1003 : i32 to index
        %get3A_1014 = arith.constant 48 : index
        %get3A_1015 = tpu.vector_load %arg9[%get3A_1013, %get3A_1014] {strides = array<i32>} : memref<512x64xf32, #tpu.memory_space<vmem>>, vector<16xf32>,
        %add3A_1016 = arith.addf %get3A_1006, %get3A_1009 : vector<16xf32>
        %add3A_1017 = arith.addf %get3A_1012, %get3A_1015 : vector<16xf32>
        %add3A_1018 = arith.addf %add3A_1016, %add3A_1017 : vector<16xf32>
        %mul3A_1019 = arith.mulf %get3A_1006, %get3A_1006 : vector<16xf32>
        %mul3A_1020 = arith.mulf %get3A_1009, %get3A_1009 : vector<16xf32>
        %add3A_1021 = arith.addf %mul3A_1019, %mul3A_1020 : vector<16xf32>
        %mul3A_1022 = arith.mulf %get3A_1012, %get3A_1012 : vector<16xf32>
        %mul3A_1023 = arith.mulf %get3A_1015, %get3A_1015 : vector<16xf32>
        %add3A_1024 = arith.addf %mul3A_1022, %mul3A_1023 : vector<16xf32>
        %add3A_1025 = arith.addf %add3A_1021, %add3A_1024 : vector<16xf32>
        %reduce_sum3A_1026 = arith.constant true
        %reduce_sum3A_1027 = vector.broadcast %reduce_sum3A_1026 : i1 to vector<16xi1>
        %reduce_sum3A_1028 = tpu.scan <sum>, %add3A_1018 masked %reduce_sum3A_1027 : vector<16xf32>, vector<16xi1> -> vector<16xf32>
        %reduce_sum3A_1029 = vector.extract %reduce_sum3A_1028[15] : f32 from vector<16xf32>
        %mul3A_1030 = arith.mulf %reduce_sum3A_1029, %scan3A : f32
        %reduce_sum3A_1031 = arith.constant true
        %reduce_sum3A_1032 = vector.broadcast %reduce_sum3A_1031 : i1 to vector<16xi1>
        %reduce_sum3A_1033 = tpu.scan <sum>, %add3A_1025 masked %reduce_sum3A_1032 : vector<16xf32>, vector<16xi1> -> vector<16xf32>
        %reduce_sum3A_1034 = vector.extract %reduce_sum3A_1033[15] : f32 from vector<16xf32>
        %mul3A_1035 = arith.mulf %reduce_sum3A_1034, %scan3A : f32
        %mul3A_1036 = arith.mulf %mul3A_1030, %mul3A_1030 : f32
        %sub3A_1037 = arith.subf %mul3A_1035, %mul3A_1036 : f32
        %max3A_1038 = arith.constant 0.000000e+00 : f32
        %max3A_1039 = arith.maximumf %sub3A_1037, %max3A_1038 : f32
        %add3A_1040 = arith.constant 9.99999996E-13 : f32
        %add3A_1041 = arith.addf %max3A_1039, %add3A_1040 : f32
        %bitcast_convert_type3A_1042 = arith.bitcast %add3A_1041 : f32 to i32
        %shift_right_logical3A_1043 = arith.constant 1 : i32
        %shift_right_logical3A_1044 = arith.shrui %bitcast_convert_type3A_1042, %shift_right_logical3A_1043 : i32
        %sub3A_1045 = arith.constant 1597463007 : i32
        %sub3A_1046 = arith.subi %sub3A_1045, %shift_right_logical3A_1044 : i32
        %bitcast_convert_type3A_1047 = arith.bitcast %sub3A_1046 : i32 to f32
        %mul3A_1048 = arith.constant 5.000000e-01 : f32
        %mul3A_1049 = arith.mulf %mul3A_1048, %add3A_1041 : f32
        %mul3A_1050 = arith.mulf %mul3A_1049, %bitcast_convert_type3A_1047 : f32
        %mul3A_1051 = arith.mulf %mul3A_1050, %bitcast_convert_type3A_1047 : f32
        %sub3A_1052 = arith.constant 1.500000e+00 : f32
        %sub3A_1053 = arith.subf %sub3A_1052, %mul3A_1051 : f32
        %mul3A_1054 = arith.mulf %bitcast_convert_type3A_1047, %sub3A_1053 : f32
        %mul3A_1055 = arith.constant 5.000000e-01 : f32
        %mul3A_1056 = arith.mulf %mul3A_1055, %add3A_1041 : f32
        %mul3A_1057 = arith.mulf %mul3A_1056, %mul3A_1054 : f32
        %mul3A_1058 = arith.mulf %mul3A_1057, %mul3A_1054 : f32
        %sub3A_1059 = arith.constant 1.500000e+00 : f32
        %sub3A_1060 = arith.subf %sub3A_1059, %mul3A_1058 : f32
        %mul3A_1061 = arith.mulf %mul3A_1054, %sub3A_1060 : f32
        %mul3A_1062 = arith.constant 5.000000e-01 : f32
        %mul3A_1063 = arith.mulf %mul3A_1062, %add3A_1041 : f32
        %mul3A_1064 = arith.mulf %mul3A_1063, %mul3A_1061 : f32
        %mul3A_1065 = arith.mulf %mul3A_1064, %mul3A_1061 : f32
        %sub3A_1066 = arith.constant 1.500000e+00 : f32
        %sub3A_1067 = arith.subf %sub3A_1066, %mul3A_1065 : f32
        %mul3A_1068 = arith.mulf %mul3A_1061, %sub3A_1067 : f32
        %mul3A_1069 = arith.mulf %mul3A_1030, %mul3A_1068 : f32
        %neg3A_1070 = arith.constant 0.000000e+00 : f32
        %neg3A_1071 = arith.subf %neg3A_1070, %mul3A_1069 : f32
        %mul3A_1072 = vector.broadcast %mul3A_1068 : f32 to vector<16xf32>
        %mul3A_1073 = arith.mulf %get3A_1006, %mul3A_1072 : vector<16xf32>
        %add3A_1074 = vector.broadcast %neg3A_1071 : f32 to vector<16xf32>
        %add3A_1075 = arith.addf %mul3A_1073, %add3A_1074 : vector<16xf32>
        %mul3A_1076 = arith.mulf %add3A_1075, %get3A_707 : vector<16xf32>
        %add3A_1077 = arith.addf %mul3A_1076, %get3A_715 : vector<16xf32>
        %swap3A_1078 = arith.index_cast %add3A_1001 : i32 to index
        %swap3A_1079 = arith.constant 0 : index
        %swap3A_1080 = tpu.vector_load %arg11[%swap3A_1078, %swap3A_1079] {strides = array<i32>} : memref<256x128xf32, #tpu.memory_space<vmem>>, vector<16xf32>,
        tpu.vector_store %arg11[%swap3A_1078, %swap3A_1079], %add3A_1077 {strides = array<i32>} : memref<256x128xf32, #tpu.memory_space<vmem>>, vector<16xf32>,
        %mul3A_1081 = vector.broadcast %mul3A_1068 : f32 to vector<16xf32>
        %mul3A_1082 = arith.mulf %get3A_1009, %mul3A_1081 : vector<16xf32>
        %add3A_1083 = vector.broadcast %neg3A_1071 : f32 to vector<16xf32>
        %add3A_1084 = arith.addf %mul3A_1082, %add3A_1083 : vector<16xf32>
        %mul3A_1085 = arith.mulf %add3A_1084, %get3A_709 : vector<16xf32>
        %add3A_1086 = arith.addf %mul3A_1085, %get3A_717 : vector<16xf32>
        %swap3A_1087 = arith.index_cast %add3A_1001 : i32 to index
        %swap3A_1088 = arith.constant 16 : index
        %swap3A_1089 = tpu.vector_load %arg11[%swap3A_1087, %swap3A_1088] {strides = array<i32>} : memref<256x128xf32, #tpu.memory_space<vmem>>, vector<16xf32>,
        tpu.vector_store %arg11[%swap3A_1087, %swap3A_1088], %add3A_1086 {strides = array<i32>} : memref<256x128xf32, #tpu.memory_space<vmem>>, vector<16xf32>,
        %mul3A_1090 = vector.broadcast %mul3A_1068 : f32 to vector<16xf32>
        %mul3A_1091 = arith.mulf %get3A_1012, %mul3A_1090 : vector<16xf32>
        %add3A_1092 = vector.broadcast %neg3A_1071 : f32 to vector<16xf32>
        %add3A_1093 = arith.addf %mul3A_1091, %add3A_1092 : vector<16xf32>
        %mul3A_1094 = arith.mulf %add3A_1093, %get3A_711 : vector<16xf32>
        %add3A_1095 = arith.addf %mul3A_1094, %get3A_719 : vector<16xf32>
        %swap3A_1096 = arith.index_cast %add3A_1001 : i32 to index
        %swap3A_1097 = arith.constant 32 : index
        %swap3A_1098 = tpu.vector_load %arg11[%swap3A_1096, %swap3A_1097] {strides = array<i32>} : memref<256x128xf32, #tpu.memory_space<vmem>>, vector<16xf32>,
        tpu.vector_store %arg11[%swap3A_1096, %swap3A_1097], %add3A_1095 {strides = array<i32>} : memref<256x128xf32, #tpu.memory_space<vmem>>, vector<16xf32>,
        %mul3A_1099 = vector.broadcast %mul3A_1068 : f32 to vector<16xf32>
        %mul3A_1100 = arith.mulf %get3A_1015, %mul3A_1099 : vector<16xf32>
        %add3A_1101 = vector.broadcast %neg3A_1071 : f32 to vector<16xf32>
        %add3A_1102 = arith.addf %mul3A_1100, %add3A_1101 : vector<16xf32>
        %mul3A_1103 = arith.mulf %add3A_1102, %get3A_713 : vector<16xf32>
        %add3A_1104 = arith.addf %mul3A_1103, %get3A_721 : vector<16xf32>
        %swap3A_1105 = arith.index_cast %add3A_1001 : i32 to index
        %swap3A_1106 = arith.constant 48 : index
        %swap3A_1107 = tpu.vector_load %arg11[%swap3A_1105, %swap3A_1106] {strides = array<i32>} : memref<256x128xf32, #tpu.memory_space<vmem>>, vector<16xf32>,
        tpu.vector_store %arg11[%swap3A_1105, %swap3A_1106], %add3A_1104 {strides = array<i32>} : memref<256x128xf32, #tpu.memory_space<vmem>>, vector<16xf32>,
        %mul3A_1108 = arith.constant 2 : i32
        %mul3A_1109 = arith.muli %add3A_1001, %mul3A_1108 : i32
        %add3A_1110 = arith.constant 1 : i32
        %add3A_1111 = arith.addi %mul3A_1109, %add3A_1110 : i32
        %get3A_1112 = arith.index_cast %add3A_1111 : i32 to index
        %get3A_1113 = arith.constant 0 : index
        %get3A_1114 = tpu.vector_load %arg9[%get3A_1112, %get3A_1113] {strides = array<i32>} : memref<512x64xf32, #tpu.memory_space<vmem>>, vector<16xf32>,
        %get3A_1115 = arith.index_cast %add3A_1111 : i32 to index
        %get3A_1116 = arith.constant 16 : index
        %get3A_1117 = tpu.vector_load %arg9[%get3A_1115, %get3A_1116] {strides = array<i32>} : memref<512x64xf32, #tpu.memory_space<vmem>>, vector<16xf32>,
        %get3A_1118 = arith.index_cast %add3A_1111 : i32 to index
        %get3A_1119 = arith.constant 32 : index
        %get3A_1120 = tpu.vector_load %arg9[%get3A_1118, %get3A_1119] {strides = array<i32>} : memref<512x64xf32, #tpu.memory_space<vmem>>, vector<16xf32>,
        %get3A_1121 = arith.index_cast %add3A_1111 : i32 to index
        %get3A_1122 = arith.constant 48 : index
        %get3A_1123 = tpu.vector_load %arg9[%get3A_1121, %get3A_1122] {strides = array<i32>} : memref<512x64xf32, #tpu.memory_space<vmem>>, vector<16xf32>,
        %add3A_1124 = arith.addf %get3A_1114, %get3A_1117 : vector<16xf32>
        %add3A_1125 = arith.addf %get3A_1120, %get3A_1123 : vector<16xf32>
        %add3A_1126 = arith.addf %add3A_1124, %add3A_1125 : vector<16xf32>
        %mul3A_1127 = arith.mulf %get3A_1114, %get3A_1114 : vector<16xf32>
        %mul3A_1128 = arith.mulf %get3A_1117, %get3A_1117 : vector<16xf32>
        %add3A_1129 = arith.addf %mul3A_1127, %mul3A_1128 : vector<16xf32>
        %mul3A_1130 = arith.mulf %get3A_1120, %get3A_1120 : vector<16xf32>
        %mul3A_1131 = arith.mulf %get3A_1123, %get3A_1123 : vector<16xf32>
        %add3A_1132 = arith.addf %mul3A_1130, %mul3A_1131 : vector<16xf32>
        %add3A_1133 = arith.addf %add3A_1129, %add3A_1132 : vector<16xf32>
        %reduce_sum3A_1134 = arith.constant true
        %reduce_sum3A_1135 = vector.broadcast %reduce_sum3A_1134 : i1 to vector<16xi1>
        %reduce_sum3A_1136 = tpu.scan <sum>, %add3A_1126 masked %reduce_sum3A_1135 : vector<16xf32>, vector<16xi1> -> vector<16xf32>
        %reduce_sum3A_1137 = vector.extract %reduce_sum3A_1136[15] : f32 from vector<16xf32>
        %mul3A_1138 = arith.mulf %reduce_sum3A_1137, %scan3A : f32
        %reduce_sum3A_1139 = arith.constant true
        %reduce_sum3A_1140 = vector.broadcast %reduce_sum3A_1139 : i1 to vector<16xi1>
        %reduce_sum3A_1141 = tpu.scan <sum>, %add3A_1133 masked %reduce_sum3A_1140 : vector<16xf32>, vector<16xi1> -> vector<16xf32>
        %reduce_sum3A_1142 = vector.extract %reduce_sum3A_1141[15] : f32 from vector<16xf32>
        %mul3A_1143 = arith.mulf %reduce_sum3A_1142, %scan3A : f32
        %mul3A_1144 = arith.mulf %mul3A_1138, %mul3A_1138 : f32
        %sub3A_1145 = arith.subf %mul3A_1143, %mul3A_1144 : f32
        %max3A_1146 = arith.constant 0.000000e+00 : f32
        %max3A_1147 = arith.maximumf %sub3A_1145, %max3A_1146 : f32
        %add3A_1148 = arith.constant 9.99999996E-13 : f32
        %add3A_1149 = arith.addf %max3A_1147, %add3A_1148 : f32
        %bitcast_convert_type3A_1150 = arith.bitcast %add3A_1149 : f32 to i32
        %shift_right_logical3A_1151 = arith.constant 1 : i32
        %shift_right_logical3A_1152 = arith.shrui %bitcast_convert_type3A_1150, %shift_right_logical3A_1151 : i32
        %sub3A_1153 = arith.constant 1597463007 : i32
        %sub3A_1154 = arith.subi %sub3A_1153, %shift_right_logical3A_1152 : i32
        %bitcast_convert_type3A_1155 = arith.bitcast %sub3A_1154 : i32 to f32
        %mul3A_1156 = arith.constant 5.000000e-01 : f32
        %mul3A_1157 = arith.mulf %mul3A_1156, %add3A_1149 : f32
        %mul3A_1158 = arith.mulf %mul3A_1157, %bitcast_convert_type3A_1155 : f32
        %mul3A_1159 = arith.mulf %mul3A_1158, %bitcast_convert_type3A_1155 : f32
        %sub3A_1160 = arith.constant 1.500000e+00 : f32
        %sub3A_1161 = arith.subf %sub3A_1160, %mul3A_1159 : f32
        %mul3A_1162 = arith.mulf %bitcast_convert_type3A_1155, %sub3A_1161 : f32
        %mul3A_1163 = arith.constant 5.000000e-01 : f32
        %mul3A_1164 = arith.mulf %mul3A_1163, %add3A_1149 : f32
        %mul3A_1165 = arith.mulf %mul3A_1164, %mul3A_1162 : f32
        %mul3A_1166 = arith.mulf %mul3A_1165, %mul3A_1162 : f32
        %sub3A_1167 = arith.constant 1.500000e+00 : f32
        %sub3A_1168 = arith.subf %sub3A_1167, %mul3A_1166 : f32
        %mul3A_1169 = arith.mulf %mul3A_1162, %sub3A_1168 : f32
        %mul3A_1170 = arith.constant 5.000000e-01 : f32
        %mul3A_1171 = arith.mulf %mul3A_1170, %add3A_1149 : f32
        %mul3A_1172 = arith.mulf %mul3A_1171, %mul3A_1169 : f32
        %mul3A_1173 = arith.mulf %mul3A_1172, %mul3A_1169 : f32
        %sub3A_1174 = arith.constant 1.500000e+00 : f32
        %sub3A_1175 = arith.subf %sub3A_1174, %mul3A_1173 : f32
        %mul3A_1176 = arith.mulf %mul3A_1169, %sub3A_1175 : f32
        %mul3A_1177 = arith.mulf %mul3A_1138, %mul3A_1176 : f32
        %neg3A_1178 = arith.constant 0.000000e+00 : f32
        %neg3A_1179 = arith.subf %neg3A_1178, %mul3A_1177 : f32
        %mul3A_1180 = vector.broadcast %mul3A_1176 : f32 to vector<16xf32>
        %mul3A_1181 = arith.mulf %get3A_1114, %mul3A_1180 : vector<16xf32>
        %add3A_1182 = vector.broadcast %neg3A_1179 : f32 to vector<16xf32>
        %add3A_1183 = arith.addf %mul3A_1181, %add3A_1182 : vector<16xf32>
        %mul3A_1184 = arith.mulf %add3A_1183, %get3A_707 : vector<16xf32>
        %add3A_1185 = arith.addf %mul3A_1184, %get3A_715 : vector<16xf32>
        %swap3A_1186 = arith.index_cast %add3A_1001 : i32 to index
        %swap3A_1187 = arith.constant 64 : index
        %swap3A_1188 = tpu.vector_load %arg11[%swap3A_1186, %swap3A_1187] {strides = array<i32>} : memref<256x128xf32, #tpu.memory_space<vmem>>, vector<16xf32>,
        tpu.vector_store %arg11[%swap3A_1186, %swap3A_1187], %add3A_1185 {strides = array<i32>} : memref<256x128xf32, #tpu.memory_space<vmem>>, vector<16xf32>,
        %mul3A_1189 = vector.broadcast %mul3A_1176 : f32 to vector<16xf32>
        %mul3A_1190 = arith.mulf %get3A_1117, %mul3A_1189 : vector<16xf32>
        %add3A_1191 = vector.broadcast %neg3A_1179 : f32 to vector<16xf32>
        %add3A_1192 = arith.addf %mul3A_1190, %add3A_1191 : vector<16xf32>
        %mul3A_1193 = arith.mulf %add3A_1192, %get3A_709 : vector<16xf32>
        %add3A_1194 = arith.addf %mul3A_1193, %get3A_717 : vector<16xf32>
        %swap3A_1195 = arith.index_cast %add3A_1001 : i32 to index
        %swap3A_1196 = arith.constant 80 : index
        %swap3A_1197 = tpu.vector_load %arg11[%swap3A_1195, %swap3A_1196] {strides = array<i32>} : memref<256x128xf32, #tpu.memory_space<vmem>>, vector<16xf32>,
        tpu.vector_store %arg11[%swap3A_1195, %swap3A_1196], %add3A_1194 {strides = array<i32>} : memref<256x128xf32, #tpu.memory_space<vmem>>, vector<16xf32>,
        %mul3A_1198 = vector.broadcast %mul3A_1176 : f32 to vector<16xf32>
        %mul3A_1199 = arith.mulf %get3A_1120, %mul3A_1198 : vector<16xf32>
        %add3A_1200 = vector.broadcast %neg3A_1179 : f32 to vector<16xf32>
        %add3A_1201 = arith.addf %mul3A_1199, %add3A_1200 : vector<16xf32>
        %mul3A_1202 = arith.mulf %add3A_1201, %get3A_711 : vector<16xf32>
        %add3A_1203 = arith.addf %mul3A_1202, %get3A_719 : vector<16xf32>
        %swap3A_1204 = arith.index_cast %add3A_1001 : i32 to index
        %swap3A_1205 = arith.constant 96 : index
        %swap3A_1206 = tpu.vector_load %arg11[%swap3A_1204, %swap3A_1205] {strides = array<i32>} : memref<256x128xf32, #tpu.memory_space<vmem>>, vector<16xf32>,
        tpu.vector_store %arg11[%swap3A_1204, %swap3A_1205], %add3A_1203 {strides = array<i32>} : memref<256x128xf32, #tpu.memory_space<vmem>>, vector<16xf32>,
        %mul3A_1207 = vector.broadcast %mul3A_1176 : f32 to vector<16xf32>
        %mul3A_1208 = arith.mulf %get3A_1123, %mul3A_1207 : vector<16xf32>
        %add3A_1209 = vector.broadcast %neg3A_1179 : f32 to vector<16xf32>
        %add3A_1210 = arith.addf %mul3A_1208, %add3A_1209 : vector<16xf32>
        %mul3A_1211 = arith.mulf %add3A_1210, %get3A_713 : vector<16xf32>
        %add3A_1212 = arith.addf %mul3A_1211, %get3A_721 : vector<16xf32>
        %swap3A_1213 = arith.index_cast %add3A_1001 : i32 to index
        %swap3A_1214 = arith.constant 112 : index
        %swap3A_1215 = tpu.vector_load %arg11[%swap3A_1213, %swap3A_1214] {strides = array<i32>} : memref<256x128xf32, #tpu.memory_space<vmem>>, vector<16xf32>,
        tpu.vector_store %arg11[%swap3A_1213, %swap3A_1214], %add3A_1212 {strides = array<i32>} : memref<256x128xf32, #tpu.memory_space<vmem>>, vector<16xf32>,
      }
      %scan3A_726 = arith.constant 128 : i32
      %mul3A_727 = arith.constant 256 : i32
      %mul3A_728 = arith.muli %mul3A_693, %mul3A_727 : i32
      %add3A_729 = arith.addi %select_n3A, %mul3A_728 : i32
      %dma_start3A_730 = arith.constant 0 : i32
      %dma_start3A_731 = tpu.memref_slice %arg6[%add3A_729, %dma_start3A_730] : memref<409600x128xf32, #tpu.memory_space<hbm>> -> memref<256x128xf32, #tpu.memory_space<hbm>>
      %dma_start3A_732 = arith.constant 0 : i32
      %dma_start3A_733 = tpu.memref_slice %arg6[%add3A_729, %dma_start3A_732] : memref<409600x128xf32, #tpu.memory_space<hbm>> -> memref<256x128xf32, #tpu.memory_space<hbm>>
      tpu.enqueue_dma source(%arg11 : memref<256x128xf32, #tpu.memory_space<vmem>>) target(%dma_start3A_733 : memref<256x128xf32, #tpu.memory_space<hbm>>) target_semaphore(%arg16 : memref<!tpu.dma_semaphore, #tpu.memory_space<semaphore_mem>>)
      %lt3A = arith.constant 24 : i32
      %lt3A_734 = arith.cmpi slt, %scan3A_690, %lt3A : i32
      %convert_element_type3A_735 = arith.extui %lt3A_734 : i1 to i32
      %cond3A_736 = arith.constant 0 : i32
      %cond3A_737 = arith.cmpi ne, %convert_element_type3A_735, %cond3A_736 : i32
      scf.if %cond3A_737 {
        %add3A_784 = arith.constant 2 : i32
        %add3A_785 = arith.addi %mul3A_693, %add3A_784 : i32
        %mul3A_786 = arith.constant 4 : i32
        %mul3A_787 = arith.muli %add3A_785, %mul3A_786 : i32
        %add3A_788 = arith.addi %mul3A_4, %mul3A_787 : i32
        "tpu.region"() ({
          %run_scoped3A = tpu.sem_alloc : memref<!tpu.dma_semaphore, #tpu.memory_space<semaphore_mem>>
          %dma_start3A_1117 = arith.constant 0 : i32
          %dma_start3A_1118 = tpu.memref_slice %arg2[%add3A_788, %dma_start3A_1117] : memref<6400x128xi32, #tpu.memory_space<hbm>> -> memref<4x128xi32, #tpu.memory_space<hbm>>
          %dma_start3A_1119 = arith.constant 0 : i32
          %dma_start3A_1120 = tpu.memref_slice %arg2[%add3A_788, %dma_start3A_1119] : memref<6400x128xi32, #tpu.memory_space<hbm>> -> memref<4x128xi32, #tpu.memory_space<hbm>>
          tpu.enqueue_dma source(%dma_start3A_1120 : memref<4x128xi32, #tpu.memory_space<hbm>>) target(%arg7 : memref<4x128xi32, #tpu.memory_space<vmem>>) target_semaphore(%run_scoped3A : memref<!tpu.dma_semaphore, #tpu.memory_space<semaphore_mem>>)
          %dma_wait3A_1121 = arith.constant 0 : i32
          %dma_wait3A_1122 = tpu.memref_slice %arg2[%add3A_788, %dma_wait3A_1121] : memref<6400x128xi32, #tpu.memory_space<hbm>> -> memref<4x128xi32, #tpu.memory_space<hbm>>
          %dma_wait3A_1123 = arith.constant 0 : i32
          %dma_wait3A_1124 = tpu.memref_slice %arg2[%add3A_788, %dma_wait3A_1123] : memref<6400x128xi32, #tpu.memory_space<hbm>> -> memref<4x128xi32, #tpu.memory_space<hbm>>
          tpu.wait_dma2 semaphore(%run_scoped3A : memref<!tpu.dma_semaphore, #tpu.memory_space<semaphore_mem>>) src(%dma_wait3A_1124 : memref<4x128xi32, #tpu.memory_space<hbm>>) dst(%arg7 : memref<4x128xi32, #tpu.memory_space<vmem>>)
          tpu.yield
        }) : () -> ()
        %get3A_789 = arith.constant 0 : i32
        %get3A_790 = arith.index_cast %get3A_789 : i32 to index
        %get3A_791 = arith.constant 0 : index
        %get3A_792 = tpu.vector_load %arg7[%get3A_790, %get3A_791] {strides = array<i32>} : memref<4x128xi32, #tpu.memory_space<vmem>>, vector<16xi32>,
        %add3A_793 = arith.addi %get3A_792, %get3A_792 : vector<16xi32>
        %swap3A_794 = arith.constant 0 : i32
        %swap3A_795 = arith.index_cast %swap3A_794 : i32 to index
        %swap3A_796 = arith.constant 0 : index
        %swap3A_797 = tpu.vector_load %arg7[%swap3A_795, %swap3A_796] {strides = array<i32>} : memref<4x128xi32, #tpu.memory_space<vmem>>, vector<16xi32>,
        tpu.vector_store %arg7[%swap3A_795, %swap3A_796], %add3A_793 {strides = array<i32>} : memref<4x128xi32, #tpu.memory_space<vmem>>, vector<16xi32>,
        %get3A_798 = arith.constant 0 : i32
        %get3A_799 = arith.index_cast %get3A_798 : i32 to index
        %get3A_800 = arith.constant 16 : index
        %get3A_801 = tpu.vector_load %arg7[%get3A_799, %get3A_800] {strides = array<i32>} : memref<4x128xi32, #tpu.memory_space<vmem>>, vector<16xi32>,
        %add3A_802 = arith.addi %get3A_801, %get3A_801 : vector<16xi32>
        %swap3A_803 = arith.constant 0 : i32
        %swap3A_804 = arith.index_cast %swap3A_803 : i32 to index
        %swap3A_805 = arith.constant 16 : index
        %swap3A_806 = tpu.vector_load %arg7[%swap3A_804, %swap3A_805] {strides = array<i32>} : memref<4x128xi32, #tpu.memory_space<vmem>>, vector<16xi32>,
        tpu.vector_store %arg7[%swap3A_804, %swap3A_805], %add3A_802 {strides = array<i32>} : memref<4x128xi32, #tpu.memory_space<vmem>>, vector<16xi32>,
        %get3A_807 = arith.constant 0 : i32
        %get3A_808 = arith.index_cast %get3A_807 : i32 to index
        %get3A_809 = arith.constant 32 : index
        %get3A_810 = tpu.vector_load %arg7[%get3A_808, %get3A_809] {strides = array<i32>} : memref<4x128xi32, #tpu.memory_space<vmem>>, vector<16xi32>,
        %add3A_811 = arith.addi %get3A_810, %get3A_810 : vector<16xi32>
        %swap3A_812 = arith.constant 0 : i32
        %swap3A_813 = arith.index_cast %swap3A_812 : i32 to index
        %swap3A_814 = arith.constant 32 : index
        %swap3A_815 = tpu.vector_load %arg7[%swap3A_813, %swap3A_814] {strides = array<i32>} : memref<4x128xi32, #tpu.memory_space<vmem>>, vector<16xi32>,
        tpu.vector_store %arg7[%swap3A_813, %swap3A_814], %add3A_811 {strides = array<i32>} : memref<4x128xi32, #tpu.memory_space<vmem>>, vector<16xi32>,
        %get3A_816 = arith.constant 0 : i32
        %get3A_817 = arith.index_cast %get3A_816 : i32 to index
        %get3A_818 = arith.constant 48 : index
        %get3A_819 = tpu.vector_load %arg7[%get3A_817, %get3A_818] {strides = array<i32>} : memref<4x128xi32, #tpu.memory_space<vmem>>, vector<16xi32>,
        %add3A_820 = arith.addi %get3A_819, %get3A_819 : vector<16xi32>
        %swap3A_821 = arith.constant 0 : i32
        %swap3A_822 = arith.index_cast %swap3A_821 : i32 to index
        %swap3A_823 = arith.constant 48 : index
        %swap3A_824 = tpu.vector_load %arg7[%swap3A_822, %swap3A_823] {strides = array<i32>} : memref<4x128xi32, #tpu.memory_space<vmem>>, vector<16xi32>,
        tpu.vector_store %arg7[%swap3A_822, %swap3A_823], %add3A_820 {strides = array<i32>} : memref<4x128xi32, #tpu.memory_space<vmem>>, vector<16xi32>,
        %get3A_825 = arith.constant 0 : i32
        %get3A_826 = arith.index_cast %get3A_825 : i32 to index
        %get3A_827 = arith.constant 64 : index
        %get3A_828 = tpu.vector_load %arg7[%get3A_826, %get3A_827] {strides = array<i32>} : memref<4x128xi32, #tpu.memory_space<vmem>>, vector<16xi32>,
        %add3A_829 = arith.addi %get3A_828, %get3A_828 : vector<16xi32>
        %swap3A_830 = arith.constant 0 : i32
        %swap3A_831 = arith.index_cast %swap3A_830 : i32 to index
        %swap3A_832 = arith.constant 64 : index
        %swap3A_833 = tpu.vector_load %arg7[%swap3A_831, %swap3A_832] {strides = array<i32>} : memref<4x128xi32, #tpu.memory_space<vmem>>, vector<16xi32>,
        tpu.vector_store %arg7[%swap3A_831, %swap3A_832], %add3A_829 {strides = array<i32>} : memref<4x128xi32, #tpu.memory_space<vmem>>, vector<16xi32>,
        %get3A_834 = arith.constant 0 : i32
        %get3A_835 = arith.index_cast %get3A_834 : i32 to index
        %get3A_836 = arith.constant 80 : index
        %get3A_837 = tpu.vector_load %arg7[%get3A_835, %get3A_836] {strides = array<i32>} : memref<4x128xi32, #tpu.memory_space<vmem>>, vector<16xi32>,
        %add3A_838 = arith.addi %get3A_837, %get3A_837 : vector<16xi32>
        %swap3A_839 = arith.constant 0 : i32
        %swap3A_840 = arith.index_cast %swap3A_839 : i32 to index
        %swap3A_841 = arith.constant 80 : index
        %swap3A_842 = tpu.vector_load %arg7[%swap3A_840, %swap3A_841] {strides = array<i32>} : memref<4x128xi32, #tpu.memory_space<vmem>>, vector<16xi32>,
        tpu.vector_store %arg7[%swap3A_840, %swap3A_841], %add3A_838 {strides = array<i32>} : memref<4x128xi32, #tpu.memory_space<vmem>>, vector<16xi32>,
        %get3A_843 = arith.constant 0 : i32
        %get3A_844 = arith.index_cast %get3A_843 : i32 to index
        %get3A_845 = arith.constant 96 : index
        %get3A_846 = tpu.vector_load %arg7[%get3A_844, %get3A_845] {strides = array<i32>} : memref<4x128xi32, #tpu.memory_space<vmem>>, vector<16xi32>,
        %add3A_847 = arith.addi %get3A_846, %get3A_846 : vector<16xi32>
        %swap3A_848 = arith.constant 0 : i32
        %swap3A_849 = arith.index_cast %swap3A_848 : i32 to index
        %swap3A_850 = arith.constant 96 : index
        %swap3A_851 = tpu.vector_load %arg7[%swap3A_849, %swap3A_850] {strides = array<i32>} : memref<4x128xi32, #tpu.memory_space<vmem>>, vector<16xi32>,
        tpu.vector_store %arg7[%swap3A_849, %swap3A_850], %add3A_847 {strides = array<i32>} : memref<4x128xi32, #tpu.memory_space<vmem>>, vector<16xi32>,
        %get3A_852 = arith.constant 0 : i32
        %get3A_853 = arith.index_cast %get3A_852 : i32 to index
        %get3A_854 = arith.constant 112 : index
        %get3A_855 = tpu.vector_load %arg7[%get3A_853, %get3A_854] {strides = array<i32>} : memref<4x128xi32, #tpu.memory_space<vmem>>, vector<16xi32>,
        %add3A_856 = arith.addi %get3A_855, %get3A_855 : vector<16xi32>
        %swap3A_857 = arith.constant 0 : i32
        %swap3A_858 = arith.index_cast %swap3A_857 : i32 to index
        %swap3A_859 = arith.constant 112 : index
        %swap3A_860 = tpu.vector_load %arg7[%swap3A_858, %swap3A_859] {strides = array<i32>} : memref<4x128xi32, #tpu.memory_space<vmem>>, vector<16xi32>,
        tpu.vector_store %arg7[%swap3A_858, %swap3A_859], %add3A_856 {strides = array<i32>} : memref<4x128xi32, #tpu.memory_space<vmem>>, vector<16xi32>,
        %get3A_861 = arith.constant 1 : i32
        %get3A_862 = arith.index_cast %get3A_861 : i32 to index
        %get3A_863 = arith.constant 0 : index
        %get3A_864 = tpu.vector_load %arg7[%get3A_862, %get3A_863] {strides = array<i32>} : memref<4x128xi32, #tpu.memory_space<vmem>>, vector<16xi32>,
        %add3A_865 = arith.addi %get3A_864, %get3A_864 : vector<16xi32>
        %swap3A_866 = arith.constant 1 : i32
        %swap3A_867 = arith.index_cast %swap3A_866 : i32 to index
        %swap3A_868 = arith.constant 0 : index
        %swap3A_869 = tpu.vector_load %arg7[%swap3A_867, %swap3A_868] {strides = array<i32>} : memref<4x128xi32, #tpu.memory_space<vmem>>, vector<16xi32>,
        tpu.vector_store %arg7[%swap3A_867, %swap3A_868], %add3A_865 {strides = array<i32>} : memref<4x128xi32, #tpu.memory_space<vmem>>, vector<16xi32>,
        %get3A_870 = arith.constant 1 : i32
        %get3A_871 = arith.index_cast %get3A_870 : i32 to index
        %get3A_872 = arith.constant 16 : index
        %get3A_873 = tpu.vector_load %arg7[%get3A_871, %get3A_872] {strides = array<i32>} : memref<4x128xi32, #tpu.memory_space<vmem>>, vector<16xi32>,
        %add3A_874 = arith.addi %get3A_873, %get3A_873 : vector<16xi32>
        %swap3A_875 = arith.constant 1 : i32
        %swap3A_876 = arith.index_cast %swap3A_875 : i32 to index
        %swap3A_877 = arith.constant 16 : index
        %swap3A_878 = tpu.vector_load %arg7[%swap3A_876, %swap3A_877] {strides = array<i32>} : memref<4x128xi32, #tpu.memory_space<vmem>>, vector<16xi32>,
        tpu.vector_store %arg7[%swap3A_876, %swap3A_877], %add3A_874 {strides = array<i32>} : memref<4x128xi32, #tpu.memory_space<vmem>>, vector<16xi32>,
        %get3A_879 = arith.constant 1 : i32
        %get3A_880 = arith.index_cast %get3A_879 : i32 to index
        %get3A_881 = arith.constant 32 : index
        %get3A_882 = tpu.vector_load %arg7[%get3A_880, %get3A_881] {strides = array<i32>} : memref<4x128xi32, #tpu.memory_space<vmem>>, vector<16xi32>,
        %add3A_883 = arith.addi %get3A_882, %get3A_882 : vector<16xi32>
        %swap3A_884 = arith.constant 1 : i32
        %swap3A_885 = arith.index_cast %swap3A_884 : i32 to index
        %swap3A_886 = arith.constant 32 : index
        %swap3A_887 = tpu.vector_load %arg7[%swap3A_885, %swap3A_886] {strides = array<i32>} : memref<4x128xi32, #tpu.memory_space<vmem>>, vector<16xi32>,
        tpu.vector_store %arg7[%swap3A_885, %swap3A_886], %add3A_883 {strides = array<i32>} : memref<4x128xi32, #tpu.memory_space<vmem>>, vector<16xi32>,
        %get3A_888 = arith.constant 1 : i32
        %get3A_889 = arith.index_cast %get3A_888 : i32 to index
        %get3A_890 = arith.constant 48 : index
        %get3A_891 = tpu.vector_load %arg7[%get3A_889, %get3A_890] {strides = array<i32>} : memref<4x128xi32, #tpu.memory_space<vmem>>, vector<16xi32>,
        %add3A_892 = arith.addi %get3A_891, %get3A_891 : vector<16xi32>
        %swap3A_893 = arith.constant 1 : i32
        %swap3A_894 = arith.index_cast %swap3A_893 : i32 to index
        %swap3A_895 = arith.constant 48 : index
        %swap3A_896 = tpu.vector_load %arg7[%swap3A_894, %swap3A_895] {strides = array<i32>} : memref<4x128xi32, #tpu.memory_space<vmem>>, vector<16xi32>,
        tpu.vector_store %arg7[%swap3A_894, %swap3A_895], %add3A_892 {strides = array<i32>} : memref<4x128xi32, #tpu.memory_space<vmem>>, vector<16xi32>,
        %get3A_897 = arith.constant 1 : i32
        %get3A_898 = arith.index_cast %get3A_897 : i32 to index
        %get3A_899 = arith.constant 64 : index
        %get3A_900 = tpu.vector_load %arg7[%get3A_898, %get3A_899] {strides = array<i32>} : memref<4x128xi32, #tpu.memory_space<vmem>>, vector<16xi32>,
        %add3A_901 = arith.addi %get3A_900, %get3A_900 : vector<16xi32>
        %swap3A_902 = arith.constant 1 : i32
        %swap3A_903 = arith.index_cast %swap3A_902 : i32 to index
        %swap3A_904 = arith.constant 64 : index
        %swap3A_905 = tpu.vector_load %arg7[%swap3A_903, %swap3A_904] {strides = array<i32>} : memref<4x128xi32, #tpu.memory_space<vmem>>, vector<16xi32>,
        tpu.vector_store %arg7[%swap3A_903, %swap3A_904], %add3A_901 {strides = array<i32>} : memref<4x128xi32, #tpu.memory_space<vmem>>, vector<16xi32>,
        %get3A_906 = arith.constant 1 : i32
        %get3A_907 = arith.index_cast %get3A_906 : i32 to index
        %get3A_908 = arith.constant 80 : index
        %get3A_909 = tpu.vector_load %arg7[%get3A_907, %get3A_908] {strides = array<i32>} : memref<4x128xi32, #tpu.memory_space<vmem>>, vector<16xi32>,
        %add3A_910 = arith.addi %get3A_909, %get3A_909 : vector<16xi32>
        %swap3A_911 = arith.constant 1 : i32
        %swap3A_912 = arith.index_cast %swap3A_911 : i32 to index
        %swap3A_913 = arith.constant 80 : index
        %swap3A_914 = tpu.vector_load %arg7[%swap3A_912, %swap3A_913] {strides = array<i32>} : memref<4x128xi32, #tpu.memory_space<vmem>>, vector<16xi32>,
        tpu.vector_store %arg7[%swap3A_912, %swap3A_913], %add3A_910 {strides = array<i32>} : memref<4x128xi32, #tpu.memory_space<vmem>>, vector<16xi32>,
        %get3A_915 = arith.constant 1 : i32
        %get3A_916 = arith.index_cast %get3A_915 : i32 to index
        %get3A_917 = arith.constant 96 : index
        %get3A_918 = tpu.vector_load %arg7[%get3A_916, %get3A_917] {strides = array<i32>} : memref<4x128xi32, #tpu.memory_space<vmem>>, vector<16xi32>,
        %add3A_919 = arith.addi %get3A_918, %get3A_918 : vector<16xi32>
        %swap3A_920 = arith.constant 1 : i32
        %swap3A_921 = arith.index_cast %swap3A_920 : i32 to index
        %swap3A_922 = arith.constant 96 : index
        %swap3A_923 = tpu.vector_load %arg7[%swap3A_921, %swap3A_922] {strides = array<i32>} : memref<4x128xi32, #tpu.memory_space<vmem>>, vector<16xi32>,
        tpu.vector_store %arg7[%swap3A_921, %swap3A_922], %add3A_919 {strides = array<i32>} : memref<4x128xi32, #tpu.memory_space<vmem>>, vector<16xi32>,
        %get3A_924 = arith.constant 1 : i32
        %get3A_925 = arith.index_cast %get3A_924 : i32 to index
        %get3A_926 = arith.constant 112 : index
        %get3A_927 = tpu.vector_load %arg7[%get3A_925, %get3A_926] {strides = array<i32>} : memref<4x128xi32, #tpu.memory_space<vmem>>, vector<16xi32>,
        %add3A_928 = arith.addi %get3A_927, %get3A_927 : vector<16xi32>
        %swap3A_929 = arith.constant 1 : i32
        %swap3A_930 = arith.index_cast %swap3A_929 : i32 to index
        %swap3A_931 = arith.constant 112 : index
        %swap3A_932 = tpu.vector_load %arg7[%swap3A_930, %swap3A_931] {strides = array<i32>} : memref<4x128xi32, #tpu.memory_space<vmem>>, vector<16xi32>,
        tpu.vector_store %arg7[%swap3A_930, %swap3A_931], %add3A_928 {strides = array<i32>} : memref<4x128xi32, #tpu.memory_space<vmem>>, vector<16xi32>,
        %get3A_933 = arith.constant 2 : i32
        %get3A_934 = arith.index_cast %get3A_933 : i32 to index
        %get3A_935 = arith.constant 0 : index
        %get3A_936 = tpu.vector_load %arg7[%get3A_934, %get3A_935] {strides = array<i32>} : memref<4x128xi32, #tpu.memory_space<vmem>>, vector<16xi32>,
        %add3A_937 = arith.addi %get3A_936, %get3A_936 : vector<16xi32>
        %swap3A_938 = arith.constant 2 : i32
        %swap3A_939 = arith.index_cast %swap3A_938 : i32 to index
        %swap3A_940 = arith.constant 0 : index
        %swap3A_941 = tpu.vector_load %arg7[%swap3A_939, %swap3A_940] {strides = array<i32>} : memref<4x128xi32, #tpu.memory_space<vmem>>, vector<16xi32>,
        tpu.vector_store %arg7[%swap3A_939, %swap3A_940], %add3A_937 {strides = array<i32>} : memref<4x128xi32, #tpu.memory_space<vmem>>, vector<16xi32>,
        %get3A_942 = arith.constant 2 : i32
        %get3A_943 = arith.index_cast %get3A_942 : i32 to index
        %get3A_944 = arith.constant 16 : index
        %get3A_945 = tpu.vector_load %arg7[%get3A_943, %get3A_944] {strides = array<i32>} : memref<4x128xi32, #tpu.memory_space<vmem>>, vector<16xi32>,
        %add3A_946 = arith.addi %get3A_945, %get3A_945 : vector<16xi32>
        %swap3A_947 = arith.constant 2 : i32
        %swap3A_948 = arith.index_cast %swap3A_947 : i32 to index
        %swap3A_949 = arith.constant 16 : index
        %swap3A_950 = tpu.vector_load %arg7[%swap3A_948, %swap3A_949] {strides = array<i32>} : memref<4x128xi32, #tpu.memory_space<vmem>>, vector<16xi32>,
        tpu.vector_store %arg7[%swap3A_948, %swap3A_949], %add3A_946 {strides = array<i32>} : memref<4x128xi32, #tpu.memory_space<vmem>>, vector<16xi32>,
        %get3A_951 = arith.constant 2 : i32
        %get3A_952 = arith.index_cast %get3A_951 : i32 to index
        %get3A_953 = arith.constant 32 : index
        %get3A_954 = tpu.vector_load %arg7[%get3A_952, %get3A_953] {strides = array<i32>} : memref<4x128xi32, #tpu.memory_space<vmem>>, vector<16xi32>,
        %add3A_955 = arith.addi %get3A_954, %get3A_954 : vector<16xi32>
        %swap3A_956 = arith.constant 2 : i32
        %swap3A_957 = arith.index_cast %swap3A_956 : i32 to index
        %swap3A_958 = arith.constant 32 : index
        %swap3A_959 = tpu.vector_load %arg7[%swap3A_957, %swap3A_958] {strides = array<i32>} : memref<4x128xi32, #tpu.memory_space<vmem>>, vector<16xi32>,
        tpu.vector_store %arg7[%swap3A_957, %swap3A_958], %add3A_955 {strides = array<i32>} : memref<4x128xi32, #tpu.memory_space<vmem>>, vector<16xi32>,
        %get3A_960 = arith.constant 2 : i32
        %get3A_961 = arith.index_cast %get3A_960 : i32 to index
        %get3A_962 = arith.constant 48 : index
        %get3A_963 = tpu.vector_load %arg7[%get3A_961, %get3A_962] {strides = array<i32>} : memref<4x128xi32, #tpu.memory_space<vmem>>, vector<16xi32>,
        %add3A_964 = arith.addi %get3A_963, %get3A_963 : vector<16xi32>
        %swap3A_965 = arith.constant 2 : i32
        %swap3A_966 = arith.index_cast %swap3A_965 : i32 to index
        %swap3A_967 = arith.constant 48 : index
        %swap3A_968 = tpu.vector_load %arg7[%swap3A_966, %swap3A_967] {strides = array<i32>} : memref<4x128xi32, #tpu.memory_space<vmem>>, vector<16xi32>,
        tpu.vector_store %arg7[%swap3A_966, %swap3A_967], %add3A_964 {strides = array<i32>} : memref<4x128xi32, #tpu.memory_space<vmem>>, vector<16xi32>,
        %get3A_969 = arith.constant 2 : i32
        %get3A_970 = arith.index_cast %get3A_969 : i32 to index
        %get3A_971 = arith.constant 64 : index
        %get3A_972 = tpu.vector_load %arg7[%get3A_970, %get3A_971] {strides = array<i32>} : memref<4x128xi32, #tpu.memory_space<vmem>>, vector<16xi32>,
        %add3A_973 = arith.addi %get3A_972, %get3A_972 : vector<16xi32>
        %swap3A_974 = arith.constant 2 : i32
        %swap3A_975 = arith.index_cast %swap3A_974 : i32 to index
        %swap3A_976 = arith.constant 64 : index
        %swap3A_977 = tpu.vector_load %arg7[%swap3A_975, %swap3A_976] {strides = array<i32>} : memref<4x128xi32, #tpu.memory_space<vmem>>, vector<16xi32>,
        tpu.vector_store %arg7[%swap3A_975, %swap3A_976], %add3A_973 {strides = array<i32>} : memref<4x128xi32, #tpu.memory_space<vmem>>, vector<16xi32>,
        %get3A_978 = arith.constant 2 : i32
        %get3A_979 = arith.index_cast %get3A_978 : i32 to index
        %get3A_980 = arith.constant 80 : index
        %get3A_981 = tpu.vector_load %arg7[%get3A_979, %get3A_980] {strides = array<i32>} : memref<4x128xi32, #tpu.memory_space<vmem>>, vector<16xi32>,
        %add3A_982 = arith.addi %get3A_981, %get3A_981 : vector<16xi32>
        %swap3A_983 = arith.constant 2 : i32
        %swap3A_984 = arith.index_cast %swap3A_983 : i32 to index
        %swap3A_985 = arith.constant 80 : index
        %swap3A_986 = tpu.vector_load %arg7[%swap3A_984, %swap3A_985] {strides = array<i32>} : memref<4x128xi32, #tpu.memory_space<vmem>>, vector<16xi32>,
        tpu.vector_store %arg7[%swap3A_984, %swap3A_985], %add3A_982 {strides = array<i32>} : memref<4x128xi32, #tpu.memory_space<vmem>>, vector<16xi32>,
        %get3A_987 = arith.constant 2 : i32
        %get3A_988 = arith.index_cast %get3A_987 : i32 to index
        %get3A_989 = arith.constant 96 : index
        %get3A_990 = tpu.vector_load %arg7[%get3A_988, %get3A_989] {strides = array<i32>} : memref<4x128xi32, #tpu.memory_space<vmem>>, vector<16xi32>,
        %add3A_991 = arith.addi %get3A_990, %get3A_990 : vector<16xi32>
        %swap3A_992 = arith.constant 2 : i32
        %swap3A_993 = arith.index_cast %swap3A_992 : i32 to index
        %swap3A_994 = arith.constant 96 : index
        %swap3A_995 = tpu.vector_load %arg7[%swap3A_993, %swap3A_994] {strides = array<i32>} : memref<4x128xi32, #tpu.memory_space<vmem>>, vector<16xi32>,
        tpu.vector_store %arg7[%swap3A_993, %swap3A_994], %add3A_991 {strides = array<i32>} : memref<4x128xi32, #tpu.memory_space<vmem>>, vector<16xi32>,
        %get3A_996 = arith.constant 2 : i32
        %get3A_997 = arith.index_cast %get3A_996 : i32 to index
        %get3A_998 = arith.constant 112 : index
        %get3A_999 = tpu.vector_load %arg7[%get3A_997, %get3A_998] {strides = array<i32>} : memref<4x128xi32, #tpu.memory_space<vmem>>, vector<16xi32>,
        %add3A_1000 = arith.addi %get3A_999, %get3A_999 : vector<16xi32>
        %swap3A_1001 = arith.constant 2 : i32
        %swap3A_1002 = arith.index_cast %swap3A_1001 : i32 to index
        %swap3A_1003 = arith.constant 112 : index
        %swap3A_1004 = tpu.vector_load %arg7[%swap3A_1002, %swap3A_1003] {strides = array<i32>} : memref<4x128xi32, #tpu.memory_space<vmem>>, vector<16xi32>,
        tpu.vector_store %arg7[%swap3A_1002, %swap3A_1003], %add3A_1000 {strides = array<i32>} : memref<4x128xi32, #tpu.memory_space<vmem>>, vector<16xi32>,
        %get3A_1005 = arith.constant 3 : i32
        %get3A_1006 = arith.index_cast %get3A_1005 : i32 to index
        %get3A_1007 = arith.constant 0 : index
        %get3A_1008 = tpu.vector_load %arg7[%get3A_1006, %get3A_1007] {strides = array<i32>} : memref<4x128xi32, #tpu.memory_space<vmem>>, vector<16xi32>,
        %add3A_1009 = arith.addi %get3A_1008, %get3A_1008 : vector<16xi32>
        %swap3A_1010 = arith.constant 3 : i32
        %swap3A_1011 = arith.index_cast %swap3A_1010 : i32 to index
        %swap3A_1012 = arith.constant 0 : index
        %swap3A_1013 = tpu.vector_load %arg7[%swap3A_1011, %swap3A_1012] {strides = array<i32>} : memref<4x128xi32, #tpu.memory_space<vmem>>, vector<16xi32>,
        tpu.vector_store %arg7[%swap3A_1011, %swap3A_1012], %add3A_1009 {strides = array<i32>} : memref<4x128xi32, #tpu.memory_space<vmem>>, vector<16xi32>,
        %get3A_1014 = arith.constant 3 : i32
        %get3A_1015 = arith.index_cast %get3A_1014 : i32 to index
        %get3A_1016 = arith.constant 16 : index
        %get3A_1017 = tpu.vector_load %arg7[%get3A_1015, %get3A_1016] {strides = array<i32>} : memref<4x128xi32, #tpu.memory_space<vmem>>, vector<16xi32>,
        %add3A_1018 = arith.addi %get3A_1017, %get3A_1017 : vector<16xi32>
        %swap3A_1019 = arith.constant 3 : i32
        %swap3A_1020 = arith.index_cast %swap3A_1019 : i32 to index
        %swap3A_1021 = arith.constant 16 : index
        %swap3A_1022 = tpu.vector_load %arg7[%swap3A_1020, %swap3A_1021] {strides = array<i32>} : memref<4x128xi32, #tpu.memory_space<vmem>>, vector<16xi32>,
        tpu.vector_store %arg7[%swap3A_1020, %swap3A_1021], %add3A_1018 {strides = array<i32>} : memref<4x128xi32, #tpu.memory_space<vmem>>, vector<16xi32>,
        %get3A_1023 = arith.constant 3 : i32
        %get3A_1024 = arith.index_cast %get3A_1023 : i32 to index
        %get3A_1025 = arith.constant 32 : index
        %get3A_1026 = tpu.vector_load %arg7[%get3A_1024, %get3A_1025] {strides = array<i32>} : memref<4x128xi32, #tpu.memory_space<vmem>>, vector<16xi32>,
        %add3A_1027 = arith.addi %get3A_1026, %get3A_1026 : vector<16xi32>
        %swap3A_1028 = arith.constant 3 : i32
        %swap3A_1029 = arith.index_cast %swap3A_1028 : i32 to index
        %swap3A_1030 = arith.constant 32 : index
        %swap3A_1031 = tpu.vector_load %arg7[%swap3A_1029, %swap3A_1030] {strides = array<i32>} : memref<4x128xi32, #tpu.memory_space<vmem>>, vector<16xi32>,
        tpu.vector_store %arg7[%swap3A_1029, %swap3A_1030], %add3A_1027 {strides = array<i32>} : memref<4x128xi32, #tpu.memory_space<vmem>>, vector<16xi32>,
        %get3A_1032 = arith.constant 3 : i32
        %get3A_1033 = arith.index_cast %get3A_1032 : i32 to index
        %get3A_1034 = arith.constant 48 : index
        %get3A_1035 = tpu.vector_load %arg7[%get3A_1033, %get3A_1034] {strides = array<i32>} : memref<4x128xi32, #tpu.memory_space<vmem>>, vector<16xi32>,
        %add3A_1036 = arith.addi %get3A_1035, %get3A_1035 : vector<16xi32>
        %swap3A_1037 = arith.constant 3 : i32
        %swap3A_1038 = arith.index_cast %swap3A_1037 : i32 to index
        %swap3A_1039 = arith.constant 48 : index
        %swap3A_1040 = tpu.vector_load %arg7[%swap3A_1038, %swap3A_1039] {strides = array<i32>} : memref<4x128xi32, #tpu.memory_space<vmem>>, vector<16xi32>,
        tpu.vector_store %arg7[%swap3A_1038, %swap3A_1039], %add3A_1036 {strides = array<i32>} : memref<4x128xi32, #tpu.memory_space<vmem>>, vector<16xi32>,
        %get3A_1041 = arith.constant 3 : i32
        %get3A_1042 = arith.index_cast %get3A_1041 : i32 to index
        %get3A_1043 = arith.constant 64 : index
        %get3A_1044 = tpu.vector_load %arg7[%get3A_1042, %get3A_1043] {strides = array<i32>} : memref<4x128xi32, #tpu.memory_space<vmem>>, vector<16xi32>,
        %add3A_1045 = arith.addi %get3A_1044, %get3A_1044 : vector<16xi32>
        %swap3A_1046 = arith.constant 3 : i32
        %swap3A_1047 = arith.index_cast %swap3A_1046 : i32 to index
        %swap3A_1048 = arith.constant 64 : index
        %swap3A_1049 = tpu.vector_load %arg7[%swap3A_1047, %swap3A_1048] {strides = array<i32>} : memref<4x128xi32, #tpu.memory_space<vmem>>, vector<16xi32>,
        tpu.vector_store %arg7[%swap3A_1047, %swap3A_1048], %add3A_1045 {strides = array<i32>} : memref<4x128xi32, #tpu.memory_space<vmem>>, vector<16xi32>,
        %get3A_1050 = arith.constant 3 : i32
        %get3A_1051 = arith.index_cast %get3A_1050 : i32 to index
        %get3A_1052 = arith.constant 80 : index
        %get3A_1053 = tpu.vector_load %arg7[%get3A_1051, %get3A_1052] {strides = array<i32>} : memref<4x128xi32, #tpu.memory_space<vmem>>, vector<16xi32>,
        %add3A_1054 = arith.addi %get3A_1053, %get3A_1053 : vector<16xi32>
        %swap3A_1055 = arith.constant 3 : i32
        %swap3A_1056 = arith.index_cast %swap3A_1055 : i32 to index
        %swap3A_1057 = arith.constant 80 : index
        %swap3A_1058 = tpu.vector_load %arg7[%swap3A_1056, %swap3A_1057] {strides = array<i32>} : memref<4x128xi32, #tpu.memory_space<vmem>>, vector<16xi32>,
        tpu.vector_store %arg7[%swap3A_1056, %swap3A_1057], %add3A_1054 {strides = array<i32>} : memref<4x128xi32, #tpu.memory_space<vmem>>, vector<16xi32>,
        %get3A_1059 = arith.constant 3 : i32
        %get3A_1060 = arith.index_cast %get3A_1059 : i32 to index
        %get3A_1061 = arith.constant 96 : index
        %get3A_1062 = tpu.vector_load %arg7[%get3A_1060, %get3A_1061] {strides = array<i32>} : memref<4x128xi32, #tpu.memory_space<vmem>>, vector<16xi32>,
        %add3A_1063 = arith.addi %get3A_1062, %get3A_1062 : vector<16xi32>
        %swap3A_1064 = arith.constant 3 : i32
        %swap3A_1065 = arith.index_cast %swap3A_1064 : i32 to index
        %swap3A_1066 = arith.constant 96 : index
        %swap3A_1067 = tpu.vector_load %arg7[%swap3A_1065, %swap3A_1066] {strides = array<i32>} : memref<4x128xi32, #tpu.memory_space<vmem>>, vector<16xi32>,
        tpu.vector_store %arg7[%swap3A_1065, %swap3A_1066], %add3A_1063 {strides = array<i32>} : memref<4x128xi32, #tpu.memory_space<vmem>>, vector<16xi32>,
        %get3A_1068 = arith.constant 3 : i32
        %get3A_1069 = arith.index_cast %get3A_1068 : i32 to index
        %get3A_1070 = arith.constant 112 : index
        %get3A_1071 = tpu.vector_load %arg7[%get3A_1069, %get3A_1070] {strides = array<i32>} : memref<4x128xi32, #tpu.memory_space<vmem>>, vector<16xi32>,
        %add3A_1072 = arith.addi %get3A_1071, %get3A_1071 : vector<16xi32>
        %swap3A_1073 = arith.constant 3 : i32
        %swap3A_1074 = arith.index_cast %swap3A_1073 : i32 to index
        %swap3A_1075 = arith.constant 112 : index
        %swap3A_1076 = tpu.vector_load %arg7[%swap3A_1074, %swap3A_1075] {strides = array<i32>} : memref<4x128xi32, #tpu.memory_space<vmem>>, vector<16xi32>,
        tpu.vector_store %arg7[%swap3A_1074, %swap3A_1075], %add3A_1072 {strides = array<i32>} : memref<4x128xi32, #tpu.memory_space<vmem>>, vector<16xi32>,
        %dma_start3A_1077 = arith.constant 0 : i32
        %dma_start3A_1078 = arith.constant 0 : i32
        %dma_start3A_1079 = arith.constant 0 : i32
        %dma_start3A_1080 = tpu.memref_slice %arg9[%dma_start3A_1078, %dma_start3A_1079] : memref<512x64xf32, #tpu.memory_space<vmem>> -> memref<128x64xf32, #tpu.memory_space<vmem>>
        %dma_start3A_1081 = arith.constant 0 : i32
        %dma_start3A_1082 = tpu.memref_slice %arg7[%dma_start3A_1077, %dma_start3A_1081] : memref<4x128xi32, #tpu.memory_space<vmem>> -> memref<1x128xi32, #tpu.memory_space<vmem>>
        %dma_start3A_1083 = tpu.memref_squeeze %dma_start3A_1082 : memref<1x128xi32, #tpu.memory_space<vmem>> -> memref<128xi32, #tpu.memory_space<vmem>>
        %dma_start3A_1084 = arith.constant 0 : i32
        %dma_start3A_1085 = arith.constant 0 : i32
        %dma_start3A_1086 = tpu.memref_slice %arg3[%dma_start3A_1084, %dma_start3A_1085] : memref<2000000x64xf32, #tpu.memory_space<hbm>> -> memref<2000000x64xf32, #tpu.memory_space<hbm>>
        tpu.enqueue_indirect_dma source(%dma_start3A_1086 : memref<2000000x64xf32, #tpu.memory_space<hbm>>) target(%dma_start3A_1080 : memref<128x64xf32, #tpu.memory_space<vmem>>) offsets(%dma_start3A_1083 : memref<128xi32, #tpu.memory_space<vmem>>) semaphore(%arg14 : memref<!tpu.dma_semaphore, #tpu.memory_space<semaphore_mem>>)
        %dma_start3A_1087 = arith.constant 1 : i32
        %dma_start3A_1088 = arith.constant 128 : i32
        %dma_start3A_1089 = arith.constant 0 : i32
        %dma_start3A_1090 = tpu.memref_slice %arg9[%dma_start3A_1088, %dma_start3A_1089] : memref<512x64xf32, #tpu.memory_space<vmem>> -> memref<128x64xf32, #tpu.memory_space<vmem>>
        %dma_start3A_1091 = arith.constant 0 : i32
        %dma_start3A_1092 = tpu.memref_slice %arg7[%dma_start3A_1087, %dma_start3A_1091] : memref<4x128xi32, #tpu.memory_space<vmem>> -> memref<1x128xi32, #tpu.memory_space<vmem>>
        %dma_start3A_1093 = tpu.memref_squeeze %dma_start3A_1092 : memref<1x128xi32, #tpu.memory_space<vmem>> -> memref<128xi32, #tpu.memory_space<vmem>>
        %dma_start3A_1094 = arith.constant 0 : i32
        %dma_start3A_1095 = arith.constant 0 : i32
        %dma_start3A_1096 = tpu.memref_slice %arg3[%dma_start3A_1094, %dma_start3A_1095] : memref<2000000x64xf32, #tpu.memory_space<hbm>> -> memref<2000000x64xf32, #tpu.memory_space<hbm>>
        tpu.enqueue_indirect_dma source(%dma_start3A_1096 : memref<2000000x64xf32, #tpu.memory_space<hbm>>) target(%dma_start3A_1090 : memref<128x64xf32, #tpu.memory_space<vmem>>) offsets(%dma_start3A_1093 : memref<128xi32, #tpu.memory_space<vmem>>) semaphore(%arg14 : memref<!tpu.dma_semaphore, #tpu.memory_space<semaphore_mem>>)
        %dma_start3A_1097 = arith.constant 2 : i32
        %dma_start3A_1098 = arith.constant 256 : i32
        %dma_start3A_1099 = arith.constant 0 : i32
        %dma_start3A_1100 = tpu.memref_slice %arg9[%dma_start3A_1098, %dma_start3A_1099] : memref<512x64xf32, #tpu.memory_space<vmem>> -> memref<128x64xf32, #tpu.memory_space<vmem>>
        %dma_start3A_1101 = arith.constant 0 : i32
        %dma_start3A_1102 = tpu.memref_slice %arg7[%dma_start3A_1097, %dma_start3A_1101] : memref<4x128xi32, #tpu.memory_space<vmem>> -> memref<1x128xi32, #tpu.memory_space<vmem>>
        %dma_start3A_1103 = tpu.memref_squeeze %dma_start3A_1102 : memref<1x128xi32, #tpu.memory_space<vmem>> -> memref<128xi32, #tpu.memory_space<vmem>>
        %dma_start3A_1104 = arith.constant 0 : i32
        %dma_start3A_1105 = arith.constant 0 : i32
        %dma_start3A_1106 = tpu.memref_slice %arg3[%dma_start3A_1104, %dma_start3A_1105] : memref<2000000x64xf32, #tpu.memory_space<hbm>> -> memref<2000000x64xf32, #tpu.memory_space<hbm>>
        tpu.enqueue_indirect_dma source(%dma_start3A_1106 : memref<2000000x64xf32, #tpu.memory_space<hbm>>) target(%dma_start3A_1100 : memref<128x64xf32, #tpu.memory_space<vmem>>) offsets(%dma_start3A_1103 : memref<128xi32, #tpu.memory_space<vmem>>) semaphore(%arg14 : memref<!tpu.dma_semaphore, #tpu.memory_space<semaphore_mem>>)
        %dma_start3A_1107 = arith.constant 3 : i32
        %dma_start3A_1108 = arith.constant 384 : i32
        %dma_start3A_1109 = arith.constant 0 : i32
        %dma_start3A_1110 = tpu.memref_slice %arg9[%dma_start3A_1108, %dma_start3A_1109] : memref<512x64xf32, #tpu.memory_space<vmem>> -> memref<128x64xf32, #tpu.memory_space<vmem>>
        %dma_start3A_1111 = arith.constant 0 : i32
        %dma_start3A_1112 = tpu.memref_slice %arg7[%dma_start3A_1107, %dma_start3A_1111] : memref<4x128xi32, #tpu.memory_space<vmem>> -> memref<1x128xi32, #tpu.memory_space<vmem>>
        %dma_start3A_1113 = tpu.memref_squeeze %dma_start3A_1112 : memref<1x128xi32, #tpu.memory_space<vmem>> -> memref<128xi32, #tpu.memory_space<vmem>>
        %dma_start3A_1114 = arith.constant 0 : i32
        %dma_start3A_1115 = arith.constant 0 : i32
        %dma_start3A_1116 = tpu.memref_slice %arg3[%dma_start3A_1114, %dma_start3A_1115] : memref<2000000x64xf32, #tpu.memory_space<hbm>> -> memref<2000000x64xf32, #tpu.memory_space<hbm>>
        tpu.enqueue_indirect_dma source(%dma_start3A_1116 : memref<2000000x64xf32, #tpu.memory_space<hbm>>) target(%dma_start3A_1110 : memref<128x64xf32, #tpu.memory_space<vmem>>) offsets(%dma_start3A_1113 : memref<128xi32, #tpu.memory_space<vmem>>) semaphore(%arg14 : memref<!tpu.dma_semaphore, #tpu.memory_space<semaphore_mem>>)
      } else {
      }
      %dma_wait3A_738 = arith.constant 0 : i32
      %dma_wait3A_739 = arith.constant 0 : i32
      %dma_wait3A_740 = tpu.memref_slice %arg3[%dma_wait3A_738, %dma_wait3A_739] : memref<2000000x64xf32, #tpu.memory_space<hbm>> -> memref<512x64xf32, #tpu.memory_space<hbm>>
      %dma_wait3A_741 = arith.constant 0 : i32
      %dma_wait3A_742 = arith.constant 0 : i32
      %dma_wait3A_743 = tpu.memref_slice %arg3[%dma_wait3A_741, %dma_wait3A_742] : memref<2000000x64xf32, #tpu.memory_space<hbm>> -> memref<512x64xf32, #tpu.memory_space<hbm>>
      tpu.wait_dma2 semaphore(%arg15 : memref<!tpu.dma_semaphore, #tpu.memory_space<semaphore_mem>>) src(%dma_wait3A_743 : memref<512x64xf32, #tpu.memory_space<hbm>>) dst(%arg10 : memref<512x64xf32, #tpu.memory_space<vmem>>)
      %dma_wait3A_744 = arith.constant 0 : i32
      %dma_wait3A_745 = arith.constant 0 : i32
      %dma_wait3A_746 = tpu.memref_slice %arg6[%dma_wait3A_744, %dma_wait3A_745] : memref<409600x128xf32, #tpu.memory_space<hbm>> -> memref<256x128xf32, #tpu.memory_space<hbm>>
      %dma_wait3A_747 = arith.constant 0 : i32
      %dma_wait3A_748 = arith.constant 0 : i32
      %dma_wait3A_749 = tpu.memref_slice %arg6[%dma_wait3A_747, %dma_wait3A_748] : memref<409600x128xf32, #tpu.memory_space<hbm>> -> memref<256x128xf32, #tpu.memory_space<hbm>>
      tpu.wait_dma2 semaphore(%arg16 : memref<!tpu.dma_semaphore, #tpu.memory_space<semaphore_mem>>) src(%arg11 : memref<256x128xf32, #tpu.memory_space<vmem>>) dst(%dma_wait3A_749 : memref<256x128xf32, #tpu.memory_space<hbm>>)
      %get3A_750 = arith.constant 0 : index
      %get3A_751 = tpu.vector_load %arg12[%get3A_750] {strides = array<i32>} : memref<64xf32, #tpu.memory_space<vmem>>, vector<16xf32>,
      %get3A_752 = arith.constant 16 : index
      %get3A_753 = tpu.vector_load %arg12[%get3A_752] {strides = array<i32>} : memref<64xf32, #tpu.memory_space<vmem>>, vector<16xf32>,
      %get3A_754 = arith.constant 32 : index
      %get3A_755 = tpu.vector_load %arg12[%get3A_754] {strides = array<i32>} : memref<64xf32, #tpu.memory_space<vmem>>, vector<16xf32>,
      %get3A_756 = arith.constant 48 : index
      %get3A_757 = tpu.vector_load %arg12[%get3A_756] {strides = array<i32>} : memref<64xf32, #tpu.memory_space<vmem>>, vector<16xf32>,
      %get3A_758 = arith.constant 0 : index
      %get3A_759 = tpu.vector_load %arg13[%get3A_758] {strides = array<i32>} : memref<64xf32, #tpu.memory_space<vmem>>, vector<16xf32>,
      %get3A_760 = arith.constant 16 : index
      %get3A_761 = tpu.vector_load %arg13[%get3A_760] {strides = array<i32>} : memref<64xf32, #tpu.memory_space<vmem>>, vector<16xf32>,
      %get3A_762 = arith.constant 32 : index
      %get3A_763 = tpu.vector_load %arg13[%get3A_762] {strides = array<i32>} : memref<64xf32, #tpu.memory_space<vmem>>, vector<16xf32>,
      %get3A_764 = arith.constant 48 : index
      %get3A_765 = tpu.vector_load %arg13[%get3A_764] {strides = array<i32>} : memref<64xf32, #tpu.memory_space<vmem>>, vector<16xf32>,
      %scan3A_766 = arith.constant 0 : i32
      %scan3A_767 = arith.constant 128 : i32
      %scan3A_768 = arith.addi %scan3A_766, %scan3A_767 : i32
      %scan3A_769 = arith.constant 1 : i32
      scf.for %scan3A_784 = %scan3A_766 to %scan3A_768 step %scan3A_769  : i32 {
        %mul3A_785 = arith.constant 2 : i32
        %mul3A_786 = arith.muli %scan3A_784, %mul3A_785 : i32
        %add3A_787 = arith.constant 0 : i32
        %add3A_788 = arith.addi %mul3A_786, %add3A_787 : i32
        %mul3A_789 = arith.constant 2 : i32
        %mul3A_790 = arith.muli %add3A_788, %mul3A_789 : i32
        %get3A_791 = arith.index_cast %mul3A_790 : i32 to index
        %get3A_792 = arith.constant 0 : index
        %get3A_793 = tpu.vector_load %arg10[%get3A_791, %get3A_792] {strides = array<i32>} : memref<512x64xf32, #tpu.memory_space<vmem>>, vector<16xf32>,
        %get3A_794 = arith.index_cast %mul3A_790 : i32 to index
        %get3A_795 = arith.constant 16 : index
        %get3A_796 = tpu.vector_load %arg10[%get3A_794, %get3A_795] {strides = array<i32>} : memref<512x64xf32, #tpu.memory_space<vmem>>, vector<16xf32>,
        %get3A_797 = arith.index_cast %mul3A_790 : i32 to index
        %get3A_798 = arith.constant 32 : index
        %get3A_799 = tpu.vector_load %arg10[%get3A_797, %get3A_798] {strides = array<i32>} : memref<512x64xf32, #tpu.memory_space<vmem>>, vector<16xf32>,
        %get3A_800 = arith.index_cast %mul3A_790 : i32 to index
        %get3A_801 = arith.constant 48 : index
        %get3A_802 = tpu.vector_load %arg10[%get3A_800, %get3A_801] {strides = array<i32>} : memref<512x64xf32, #tpu.memory_space<vmem>>, vector<16xf32>,
        %add3A_803 = arith.addf %get3A_793, %get3A_796 : vector<16xf32>
        %add3A_804 = arith.addf %get3A_799, %get3A_802 : vector<16xf32>
        %add3A_805 = arith.addf %add3A_803, %add3A_804 : vector<16xf32>
        %mul3A_806 = arith.mulf %get3A_793, %get3A_793 : vector<16xf32>
        %mul3A_807 = arith.mulf %get3A_796, %get3A_796 : vector<16xf32>
        %add3A_808 = arith.addf %mul3A_806, %mul3A_807 : vector<16xf32>
        %mul3A_809 = arith.mulf %get3A_799, %get3A_799 : vector<16xf32>
        %mul3A_810 = arith.mulf %get3A_802, %get3A_802 : vector<16xf32>
        %add3A_811 = arith.addf %mul3A_809, %mul3A_810 : vector<16xf32>
        %add3A_812 = arith.addf %add3A_808, %add3A_811 : vector<16xf32>
        %reduce_sum3A = arith.constant true
        %reduce_sum3A_813 = vector.broadcast %reduce_sum3A : i1 to vector<16xi1>
        %reduce_sum3A_814 = tpu.scan <sum>, %add3A_805 masked %reduce_sum3A_813 : vector<16xf32>, vector<16xi1> -> vector<16xf32>
        %reduce_sum3A_815 = vector.extract %reduce_sum3A_814[15] : f32 from vector<16xf32>
        %mul3A_816 = arith.mulf %reduce_sum3A_815, %scan3A : f32
        %reduce_sum3A_817 = arith.constant true
        %reduce_sum3A_818 = vector.broadcast %reduce_sum3A_817 : i1 to vector<16xi1>
        %reduce_sum3A_819 = tpu.scan <sum>, %add3A_812 masked %reduce_sum3A_818 : vector<16xf32>, vector<16xi1> -> vector<16xf32>
        %reduce_sum3A_820 = vector.extract %reduce_sum3A_819[15] : f32 from vector<16xf32>
        %mul3A_821 = arith.mulf %reduce_sum3A_820, %scan3A : f32
        %mul3A_822 = arith.mulf %mul3A_816, %mul3A_816 : f32
        %sub3A_823 = arith.subf %mul3A_821, %mul3A_822 : f32
        %max3A = arith.constant 0.000000e+00 : f32
        %max3A_824 = arith.maximumf %sub3A_823, %max3A : f32
        %add3A_825 = arith.constant 9.99999996E-13 : f32
        %add3A_826 = arith.addf %max3A_824, %add3A_825 : f32
        %bitcast_convert_type3A = arith.bitcast %add3A_826 : f32 to i32
        %shift_right_logical3A = arith.constant 1 : i32
        %shift_right_logical3A_827 = arith.shrui %bitcast_convert_type3A, %shift_right_logical3A : i32
        %sub3A_828 = arith.constant 1597463007 : i32
        %sub3A_829 = arith.subi %sub3A_828, %shift_right_logical3A_827 : i32
        %bitcast_convert_type3A_830 = arith.bitcast %sub3A_829 : i32 to f32
        %mul3A_831 = arith.constant 5.000000e-01 : f32
        %mul3A_832 = arith.mulf %mul3A_831, %add3A_826 : f32
        %mul3A_833 = arith.mulf %mul3A_832, %bitcast_convert_type3A_830 : f32
        %mul3A_834 = arith.mulf %mul3A_833, %bitcast_convert_type3A_830 : f32
        %sub3A_835 = arith.constant 1.500000e+00 : f32
        %sub3A_836 = arith.subf %sub3A_835, %mul3A_834 : f32
        %mul3A_837 = arith.mulf %bitcast_convert_type3A_830, %sub3A_836 : f32
        %mul3A_838 = arith.constant 5.000000e-01 : f32
        %mul3A_839 = arith.mulf %mul3A_838, %add3A_826 : f32
        %mul3A_840 = arith.mulf %mul3A_839, %mul3A_837 : f32
        %mul3A_841 = arith.mulf %mul3A_840, %mul3A_837 : f32
        %sub3A_842 = arith.constant 1.500000e+00 : f32
        %sub3A_843 = arith.subf %sub3A_842, %mul3A_841 : f32
        %mul3A_844 = arith.mulf %mul3A_837, %sub3A_843 : f32
        %mul3A_845 = arith.constant 5.000000e-01 : f32
        %mul3A_846 = arith.mulf %mul3A_845, %add3A_826 : f32
        %mul3A_847 = arith.mulf %mul3A_846, %mul3A_844 : f32
        %mul3A_848 = arith.mulf %mul3A_847, %mul3A_844 : f32
        %sub3A_849 = arith.constant 1.500000e+00 : f32
        %sub3A_850 = arith.subf %sub3A_849, %mul3A_848 : f32
        %mul3A_851 = arith.mulf %mul3A_844, %sub3A_850 : f32
        %mul3A_852 = arith.mulf %mul3A_816, %mul3A_851 : f32
        %neg3A = arith.constant 0.000000e+00 : f32
        %neg3A_853 = arith.subf %neg3A, %mul3A_852 : f32
        %mul3A_854 = vector.broadcast %mul3A_851 : f32 to vector<16xf32>
        %mul3A_855 = arith.mulf %get3A_793, %mul3A_854 : vector<16xf32>
        %add3A_856 = vector.broadcast %neg3A_853 : f32 to vector<16xf32>
        %add3A_857 = arith.addf %mul3A_855, %add3A_856 : vector<16xf32>
        %mul3A_858 = arith.mulf %add3A_857, %get3A_751 : vector<16xf32>
        %add3A_859 = arith.addf %mul3A_858, %get3A_759 : vector<16xf32>
        %swap3A_860 = arith.index_cast %add3A_788 : i32 to index
        %swap3A_861 = arith.constant 0 : index
        %swap3A_862 = tpu.vector_load %arg11[%swap3A_860, %swap3A_861] {strides = array<i32>} : memref<256x128xf32, #tpu.memory_space<vmem>>, vector<16xf32>,
        tpu.vector_store %arg11[%swap3A_860, %swap3A_861], %add3A_859 {strides = array<i32>} : memref<256x128xf32, #tpu.memory_space<vmem>>, vector<16xf32>,
        %mul3A_863 = vector.broadcast %mul3A_851 : f32 to vector<16xf32>
        %mul3A_864 = arith.mulf %get3A_796, %mul3A_863 : vector<16xf32>
        %add3A_865 = vector.broadcast %neg3A_853 : f32 to vector<16xf32>
        %add3A_866 = arith.addf %mul3A_864, %add3A_865 : vector<16xf32>
        %mul3A_867 = arith.mulf %add3A_866, %get3A_753 : vector<16xf32>
        %add3A_868 = arith.addf %mul3A_867, %get3A_761 : vector<16xf32>
        %swap3A_869 = arith.index_cast %add3A_788 : i32 to index
        %swap3A_870 = arith.constant 16 : index
        %swap3A_871 = tpu.vector_load %arg11[%swap3A_869, %swap3A_870] {strides = array<i32>} : memref<256x128xf32, #tpu.memory_space<vmem>>, vector<16xf32>,
        tpu.vector_store %arg11[%swap3A_869, %swap3A_870], %add3A_868 {strides = array<i32>} : memref<256x128xf32, #tpu.memory_space<vmem>>, vector<16xf32>,
        %mul3A_872 = vector.broadcast %mul3A_851 : f32 to vector<16xf32>
        %mul3A_873 = arith.mulf %get3A_799, %mul3A_872 : vector<16xf32>
        %add3A_874 = vector.broadcast %neg3A_853 : f32 to vector<16xf32>
        %add3A_875 = arith.addf %mul3A_873, %add3A_874 : vector<16xf32>
        %mul3A_876 = arith.mulf %add3A_875, %get3A_755 : vector<16xf32>
        %add3A_877 = arith.addf %mul3A_876, %get3A_763 : vector<16xf32>
        %swap3A_878 = arith.index_cast %add3A_788 : i32 to index
        %swap3A_879 = arith.constant 32 : index
        %swap3A_880 = tpu.vector_load %arg11[%swap3A_878, %swap3A_879] {strides = array<i32>} : memref<256x128xf32, #tpu.memory_space<vmem>>, vector<16xf32>,
        tpu.vector_store %arg11[%swap3A_878, %swap3A_879], %add3A_877 {strides = array<i32>} : memref<256x128xf32, #tpu.memory_space<vmem>>, vector<16xf32>,
        %mul3A_881 = vector.broadcast %mul3A_851 : f32 to vector<16xf32>
        %mul3A_882 = arith.mulf %get3A_802, %mul3A_881 : vector<16xf32>
        %add3A_883 = vector.broadcast %neg3A_853 : f32 to vector<16xf32>
        %add3A_884 = arith.addf %mul3A_882, %add3A_883 : vector<16xf32>
        %mul3A_885 = arith.mulf %add3A_884, %get3A_757 : vector<16xf32>
        %add3A_886 = arith.addf %mul3A_885, %get3A_765 : vector<16xf32>
        %swap3A_887 = arith.index_cast %add3A_788 : i32 to index
        %swap3A_888 = arith.constant 48 : index
        %swap3A_889 = tpu.vector_load %arg11[%swap3A_887, %swap3A_888] {strides = array<i32>} : memref<256x128xf32, #tpu.memory_space<vmem>>, vector<16xf32>,
        tpu.vector_store %arg11[%swap3A_887, %swap3A_888], %add3A_886 {strides = array<i32>} : memref<256x128xf32, #tpu.memory_space<vmem>>, vector<16xf32>,
        %mul3A_890 = arith.constant 2 : i32
        %mul3A_891 = arith.muli %add3A_788, %mul3A_890 : i32
        %add3A_892 = arith.constant 1 : i32
        %add3A_893 = arith.addi %mul3A_891, %add3A_892 : i32
        %get3A_894 = arith.index_cast %add3A_893 : i32 to index
        %get3A_895 = arith.constant 0 : index
        %get3A_896 = tpu.vector_load %arg10[%get3A_894, %get3A_895] {strides = array<i32>} : memref<512x64xf32, #tpu.memory_space<vmem>>, vector<16xf32>,
        %get3A_897 = arith.index_cast %add3A_893 : i32 to index
        %get3A_898 = arith.constant 16 : index
        %get3A_899 = tpu.vector_load %arg10[%get3A_897, %get3A_898] {strides = array<i32>} : memref<512x64xf32, #tpu.memory_space<vmem>>, vector<16xf32>,
        %get3A_900 = arith.index_cast %add3A_893 : i32 to index
        %get3A_901 = arith.constant 32 : index
        %get3A_902 = tpu.vector_load %arg10[%get3A_900, %get3A_901] {strides = array<i32>} : memref<512x64xf32, #tpu.memory_space<vmem>>, vector<16xf32>,
        %get3A_903 = arith.index_cast %add3A_893 : i32 to index
        %get3A_904 = arith.constant 48 : index
        %get3A_905 = tpu.vector_load %arg10[%get3A_903, %get3A_904] {strides = array<i32>} : memref<512x64xf32, #tpu.memory_space<vmem>>, vector<16xf32>,
        %add3A_906 = arith.addf %get3A_896, %get3A_899 : vector<16xf32>
        %add3A_907 = arith.addf %get3A_902, %get3A_905 : vector<16xf32>
        %add3A_908 = arith.addf %add3A_906, %add3A_907 : vector<16xf32>
        %mul3A_909 = arith.mulf %get3A_896, %get3A_896 : vector<16xf32>
        %mul3A_910 = arith.mulf %get3A_899, %get3A_899 : vector<16xf32>
        %add3A_911 = arith.addf %mul3A_909, %mul3A_910 : vector<16xf32>
        %mul3A_912 = arith.mulf %get3A_902, %get3A_902 : vector<16xf32>
        %mul3A_913 = arith.mulf %get3A_905, %get3A_905 : vector<16xf32>
        %add3A_914 = arith.addf %mul3A_912, %mul3A_913 : vector<16xf32>
        %add3A_915 = arith.addf %add3A_911, %add3A_914 : vector<16xf32>
        %reduce_sum3A_916 = arith.constant true
        %reduce_sum3A_917 = vector.broadcast %reduce_sum3A_916 : i1 to vector<16xi1>
        %reduce_sum3A_918 = tpu.scan <sum>, %add3A_908 masked %reduce_sum3A_917 : vector<16xf32>, vector<16xi1> -> vector<16xf32>
        %reduce_sum3A_919 = vector.extract %reduce_sum3A_918[15] : f32 from vector<16xf32>
        %mul3A_920 = arith.mulf %reduce_sum3A_919, %scan3A : f32
        %reduce_sum3A_921 = arith.constant true
        %reduce_sum3A_922 = vector.broadcast %reduce_sum3A_921 : i1 to vector<16xi1>
        %reduce_sum3A_923 = tpu.scan <sum>, %add3A_915 masked %reduce_sum3A_922 : vector<16xf32>, vector<16xi1> -> vector<16xf32>
        %reduce_sum3A_924 = vector.extract %reduce_sum3A_923[15] : f32 from vector<16xf32>
        %mul3A_925 = arith.mulf %reduce_sum3A_924, %scan3A : f32
        %mul3A_926 = arith.mulf %mul3A_920, %mul3A_920 : f32
        %sub3A_927 = arith.subf %mul3A_925, %mul3A_926 : f32
        %max3A_928 = arith.constant 0.000000e+00 : f32
        %max3A_929 = arith.maximumf %sub3A_927, %max3A_928 : f32
        %add3A_930 = arith.constant 9.99999996E-13 : f32
        %add3A_931 = arith.addf %max3A_929, %add3A_930 : f32
        %bitcast_convert_type3A_932 = arith.bitcast %add3A_931 : f32 to i32
        %shift_right_logical3A_933 = arith.constant 1 : i32
        %shift_right_logical3A_934 = arith.shrui %bitcast_convert_type3A_932, %shift_right_logical3A_933 : i32
        %sub3A_935 = arith.constant 1597463007 : i32
        %sub3A_936 = arith.subi %sub3A_935, %shift_right_logical3A_934 : i32
        %bitcast_convert_type3A_937 = arith.bitcast %sub3A_936 : i32 to f32
        %mul3A_938 = arith.constant 5.000000e-01 : f32
        %mul3A_939 = arith.mulf %mul3A_938, %add3A_931 : f32
        %mul3A_940 = arith.mulf %mul3A_939, %bitcast_convert_type3A_937 : f32
        %mul3A_941 = arith.mulf %mul3A_940, %bitcast_convert_type3A_937 : f32
        %sub3A_942 = arith.constant 1.500000e+00 : f32
        %sub3A_943 = arith.subf %sub3A_942, %mul3A_941 : f32
        %mul3A_944 = arith.mulf %bitcast_convert_type3A_937, %sub3A_943 : f32
        %mul3A_945 = arith.constant 5.000000e-01 : f32
        %mul3A_946 = arith.mulf %mul3A_945, %add3A_931 : f32
        %mul3A_947 = arith.mulf %mul3A_946, %mul3A_944 : f32
        %mul3A_948 = arith.mulf %mul3A_947, %mul3A_944 : f32
        %sub3A_949 = arith.constant 1.500000e+00 : f32
        %sub3A_950 = arith.subf %sub3A_949, %mul3A_948 : f32
        %mul3A_951 = arith.mulf %mul3A_944, %sub3A_950 : f32
        %mul3A_952 = arith.constant 5.000000e-01 : f32
        %mul3A_953 = arith.mulf %mul3A_952, %add3A_931 : f32
        %mul3A_954 = arith.mulf %mul3A_953, %mul3A_951 : f32
        %mul3A_955 = arith.mulf %mul3A_954, %mul3A_951 : f32
        %sub3A_956 = arith.constant 1.500000e+00 : f32
        %sub3A_957 = arith.subf %sub3A_956, %mul3A_955 : f32
        %mul3A_958 = arith.mulf %mul3A_951, %sub3A_957 : f32
        %mul3A_959 = arith.mulf %mul3A_920, %mul3A_958 : f32
        %neg3A_960 = arith.constant 0.000000e+00 : f32
        %neg3A_961 = arith.subf %neg3A_960, %mul3A_959 : f32
        %mul3A_962 = vector.broadcast %mul3A_958 : f32 to vector<16xf32>
        %mul3A_963 = arith.mulf %get3A_896, %mul3A_962 : vector<16xf32>
        %add3A_964 = vector.broadcast %neg3A_961 : f32 to vector<16xf32>
        %add3A_965 = arith.addf %mul3A_963, %add3A_964 : vector<16xf32>
        %mul3A_966 = arith.mulf %add3A_965, %get3A_751 : vector<16xf32>
        %add3A_967 = arith.addf %mul3A_966, %get3A_759 : vector<16xf32>
        %swap3A_968 = arith.index_cast %add3A_788 : i32 to index
        %swap3A_969 = arith.constant 64 : index
        %swap3A_970 = tpu.vector_load %arg11[%swap3A_968, %swap3A_969] {strides = array<i32>} : memref<256x128xf32, #tpu.memory_space<vmem>>, vector<16xf32>,
        tpu.vector_store %arg11[%swap3A_968, %swap3A_969], %add3A_967 {strides = array<i32>} : memref<256x128xf32, #tpu.memory_space<vmem>>, vector<16xf32>,
        %mul3A_971 = vector.broadcast %mul3A_958 : f32 to vector<16xf32>
        %mul3A_972 = arith.mulf %get3A_899, %mul3A_971 : vector<16xf32>
        %add3A_973 = vector.broadcast %neg3A_961 : f32 to vector<16xf32>
        %add3A_974 = arith.addf %mul3A_972, %add3A_973 : vector<16xf32>
        %mul3A_975 = arith.mulf %add3A_974, %get3A_753 : vector<16xf32>
        %add3A_976 = arith.addf %mul3A_975, %get3A_761 : vector<16xf32>
        %swap3A_977 = arith.index_cast %add3A_788 : i32 to index
        %swap3A_978 = arith.constant 80 : index
        %swap3A_979 = tpu.vector_load %arg11[%swap3A_977, %swap3A_978] {strides = array<i32>} : memref<256x128xf32, #tpu.memory_space<vmem>>, vector<16xf32>,
        tpu.vector_store %arg11[%swap3A_977, %swap3A_978], %add3A_976 {strides = array<i32>} : memref<256x128xf32, #tpu.memory_space<vmem>>, vector<16xf32>,
        %mul3A_980 = vector.broadcast %mul3A_958 : f32 to vector<16xf32>
        %mul3A_981 = arith.mulf %get3A_902, %mul3A_980 : vector<16xf32>
        %add3A_982 = vector.broadcast %neg3A_961 : f32 to vector<16xf32>
        %add3A_983 = arith.addf %mul3A_981, %add3A_982 : vector<16xf32>
        %mul3A_984 = arith.mulf %add3A_983, %get3A_755 : vector<16xf32>
        %add3A_985 = arith.addf %mul3A_984, %get3A_763 : vector<16xf32>
        %swap3A_986 = arith.index_cast %add3A_788 : i32 to index
        %swap3A_987 = arith.constant 96 : index
        %swap3A_988 = tpu.vector_load %arg11[%swap3A_986, %swap3A_987] {strides = array<i32>} : memref<256x128xf32, #tpu.memory_space<vmem>>, vector<16xf32>,
        tpu.vector_store %arg11[%swap3A_986, %swap3A_987], %add3A_985 {strides = array<i32>} : memref<256x128xf32, #tpu.memory_space<vmem>>, vector<16xf32>,
        %mul3A_989 = vector.broadcast %mul3A_958 : f32 to vector<16xf32>
        %mul3A_990 = arith.mulf %get3A_905, %mul3A_989 : vector<16xf32>
        %add3A_991 = vector.broadcast %neg3A_961 : f32 to vector<16xf32>
        %add3A_992 = arith.addf %mul3A_990, %add3A_991 : vector<16xf32>
        %mul3A_993 = arith.mulf %add3A_992, %get3A_757 : vector<16xf32>
        %add3A_994 = arith.addf %mul3A_993, %get3A_765 : vector<16xf32>
        %swap3A_995 = arith.index_cast %add3A_788 : i32 to index
        %swap3A_996 = arith.constant 112 : index
        %swap3A_997 = tpu.vector_load %arg11[%swap3A_995, %swap3A_996] {strides = array<i32>} : memref<256x128xf32, #tpu.memory_space<vmem>>, vector<16xf32>,
        tpu.vector_store %arg11[%swap3A_995, %swap3A_996], %add3A_994 {strides = array<i32>} : memref<256x128xf32, #tpu.memory_space<vmem>>, vector<16xf32>,
        %mul3A_998 = arith.constant 2 : i32
        %mul3A_999 = arith.muli %scan3A_784, %mul3A_998 : i32
        %add3A_1000 = arith.constant 1 : i32
        %add3A_1001 = arith.addi %mul3A_999, %add3A_1000 : i32
        %mul3A_1002 = arith.constant 2 : i32
        %mul3A_1003 = arith.muli %add3A_1001, %mul3A_1002 : i32
        %get3A_1004 = arith.index_cast %mul3A_1003 : i32 to index
        %get3A_1005 = arith.constant 0 : index
        %get3A_1006 = tpu.vector_load %arg10[%get3A_1004, %get3A_1005] {strides = array<i32>} : memref<512x64xf32, #tpu.memory_space<vmem>>, vector<16xf32>,
        %get3A_1007 = arith.index_cast %mul3A_1003 : i32 to index
        %get3A_1008 = arith.constant 16 : index
        %get3A_1009 = tpu.vector_load %arg10[%get3A_1007, %get3A_1008] {strides = array<i32>} : memref<512x64xf32, #tpu.memory_space<vmem>>, vector<16xf32>,
        %get3A_1010 = arith.index_cast %mul3A_1003 : i32 to index
        %get3A_1011 = arith.constant 32 : index
        %get3A_1012 = tpu.vector_load %arg10[%get3A_1010, %get3A_1011] {strides = array<i32>} : memref<512x64xf32, #tpu.memory_space<vmem>>, vector<16xf32>,
        %get3A_1013 = arith.index_cast %mul3A_1003 : i32 to index
        %get3A_1014 = arith.constant 48 : index
        %get3A_1015 = tpu.vector_load %arg10[%get3A_1013, %get3A_1014] {strides = array<i32>} : memref<512x64xf32, #tpu.memory_space<vmem>>, vector<16xf32>,
        %add3A_1016 = arith.addf %get3A_1006, %get3A_1009 : vector<16xf32>
        %add3A_1017 = arith.addf %get3A_1012, %get3A_1015 : vector<16xf32>
        %add3A_1018 = arith.addf %add3A_1016, %add3A_1017 : vector<16xf32>
        %mul3A_1019 = arith.mulf %get3A_1006, %get3A_1006 : vector<16xf32>
        %mul3A_1020 = arith.mulf %get3A_1009, %get3A_1009 : vector<16xf32>
        %add3A_1021 = arith.addf %mul3A_1019, %mul3A_1020 : vector<16xf32>
        %mul3A_1022 = arith.mulf %get3A_1012, %get3A_1012 : vector<16xf32>
        %mul3A_1023 = arith.mulf %get3A_1015, %get3A_1015 : vector<16xf32>
        %add3A_1024 = arith.addf %mul3A_1022, %mul3A_1023 : vector<16xf32>
        %add3A_1025 = arith.addf %add3A_1021, %add3A_1024 : vector<16xf32>
        %reduce_sum3A_1026 = arith.constant true
        %reduce_sum3A_1027 = vector.broadcast %reduce_sum3A_1026 : i1 to vector<16xi1>
        %reduce_sum3A_1028 = tpu.scan <sum>, %add3A_1018 masked %reduce_sum3A_1027 : vector<16xf32>, vector<16xi1> -> vector<16xf32>
        %reduce_sum3A_1029 = vector.extract %reduce_sum3A_1028[15] : f32 from vector<16xf32>
        %mul3A_1030 = arith.mulf %reduce_sum3A_1029, %scan3A : f32
        %reduce_sum3A_1031 = arith.constant true
        %reduce_sum3A_1032 = vector.broadcast %reduce_sum3A_1031 : i1 to vector<16xi1>
        %reduce_sum3A_1033 = tpu.scan <sum>, %add3A_1025 masked %reduce_sum3A_1032 : vector<16xf32>, vector<16xi1> -> vector<16xf32>
        %reduce_sum3A_1034 = vector.extract %reduce_sum3A_1033[15] : f32 from vector<16xf32>
        %mul3A_1035 = arith.mulf %reduce_sum3A_1034, %scan3A : f32
        %mul3A_1036 = arith.mulf %mul3A_1030, %mul3A_1030 : f32
        %sub3A_1037 = arith.subf %mul3A_1035, %mul3A_1036 : f32
        %max3A_1038 = arith.constant 0.000000e+00 : f32
        %max3A_1039 = arith.maximumf %sub3A_1037, %max3A_1038 : f32
        %add3A_1040 = arith.constant 9.99999996E-13 : f32
        %add3A_1041 = arith.addf %max3A_1039, %add3A_1040 : f32
        %bitcast_convert_type3A_1042 = arith.bitcast %add3A_1041 : f32 to i32
        %shift_right_logical3A_1043 = arith.constant 1 : i32
        %shift_right_logical3A_1044 = arith.shrui %bitcast_convert_type3A_1042, %shift_right_logical3A_1043 : i32
        %sub3A_1045 = arith.constant 1597463007 : i32
        %sub3A_1046 = arith.subi %sub3A_1045, %shift_right_logical3A_1044 : i32
        %bitcast_convert_type3A_1047 = arith.bitcast %sub3A_1046 : i32 to f32
        %mul3A_1048 = arith.constant 5.000000e-01 : f32
        %mul3A_1049 = arith.mulf %mul3A_1048, %add3A_1041 : f32
        %mul3A_1050 = arith.mulf %mul3A_1049, %bitcast_convert_type3A_1047 : f32
        %mul3A_1051 = arith.mulf %mul3A_1050, %bitcast_convert_type3A_1047 : f32
        %sub3A_1052 = arith.constant 1.500000e+00 : f32
        %sub3A_1053 = arith.subf %sub3A_1052, %mul3A_1051 : f32
        %mul3A_1054 = arith.mulf %bitcast_convert_type3A_1047, %sub3A_1053 : f32
        %mul3A_1055 = arith.constant 5.000000e-01 : f32
        %mul3A_1056 = arith.mulf %mul3A_1055, %add3A_1041 : f32
        %mul3A_1057 = arith.mulf %mul3A_1056, %mul3A_1054 : f32
        %mul3A_1058 = arith.mulf %mul3A_1057, %mul3A_1054 : f32
        %sub3A_1059 = arith.constant 1.500000e+00 : f32
        %sub3A_1060 = arith.subf %sub3A_1059, %mul3A_1058 : f32
        %mul3A_1061 = arith.mulf %mul3A_1054, %sub3A_1060 : f32
        %mul3A_1062 = arith.constant 5.000000e-01 : f32
        %mul3A_1063 = arith.mulf %mul3A_1062, %add3A_1041 : f32
        %mul3A_1064 = arith.mulf %mul3A_1063, %mul3A_1061 : f32
        %mul3A_1065 = arith.mulf %mul3A_1064, %mul3A_1061 : f32
        %sub3A_1066 = arith.constant 1.500000e+00 : f32
        %sub3A_1067 = arith.subf %sub3A_1066, %mul3A_1065 : f32
        %mul3A_1068 = arith.mulf %mul3A_1061, %sub3A_1067 : f32
        %mul3A_1069 = arith.mulf %mul3A_1030, %mul3A_1068 : f32
        %neg3A_1070 = arith.constant 0.000000e+00 : f32
        %neg3A_1071 = arith.subf %neg3A_1070, %mul3A_1069 : f32
        %mul3A_1072 = vector.broadcast %mul3A_1068 : f32 to vector<16xf32>
        %mul3A_1073 = arith.mulf %get3A_1006, %mul3A_1072 : vector<16xf32>
        %add3A_1074 = vector.broadcast %neg3A_1071 : f32 to vector<16xf32>
        %add3A_1075 = arith.addf %mul3A_1073, %add3A_1074 : vector<16xf32>
        %mul3A_1076 = arith.mulf %add3A_1075, %get3A_751 : vector<16xf32>
        %add3A_1077 = arith.addf %mul3A_1076, %get3A_759 : vector<16xf32>
        %swap3A_1078 = arith.index_cast %add3A_1001 : i32 to index
        %swap3A_1079 = arith.constant 0 : index
        %swap3A_1080 = tpu.vector_load %arg11[%swap3A_1078, %swap3A_1079] {strides = array<i32>} : memref<256x128xf32, #tpu.memory_space<vmem>>, vector<16xf32>,
        tpu.vector_store %arg11[%swap3A_1078, %swap3A_1079], %add3A_1077 {strides = array<i32>} : memref<256x128xf32, #tpu.memory_space<vmem>>, vector<16xf32>,
        %mul3A_1081 = vector.broadcast %mul3A_1068 : f32 to vector<16xf32>
        %mul3A_1082 = arith.mulf %get3A_1009, %mul3A_1081 : vector<16xf32>
        %add3A_1083 = vector.broadcast %neg3A_1071 : f32 to vector<16xf32>
        %add3A_1084 = arith.addf %mul3A_1082, %add3A_1083 : vector<16xf32>
        %mul3A_1085 = arith.mulf %add3A_1084, %get3A_753 : vector<16xf32>
        %add3A_1086 = arith.addf %mul3A_1085, %get3A_761 : vector<16xf32>
        %swap3A_1087 = arith.index_cast %add3A_1001 : i32 to index
        %swap3A_1088 = arith.constant 16 : index
        %swap3A_1089 = tpu.vector_load %arg11[%swap3A_1087, %swap3A_1088] {strides = array<i32>} : memref<256x128xf32, #tpu.memory_space<vmem>>, vector<16xf32>,
        tpu.vector_store %arg11[%swap3A_1087, %swap3A_1088], %add3A_1086 {strides = array<i32>} : memref<256x128xf32, #tpu.memory_space<vmem>>, vector<16xf32>,
        %mul3A_1090 = vector.broadcast %mul3A_1068 : f32 to vector<16xf32>
        %mul3A_1091 = arith.mulf %get3A_1012, %mul3A_1090 : vector<16xf32>
        %add3A_1092 = vector.broadcast %neg3A_1071 : f32 to vector<16xf32>
        %add3A_1093 = arith.addf %mul3A_1091, %add3A_1092 : vector<16xf32>
        %mul3A_1094 = arith.mulf %add3A_1093, %get3A_755 : vector<16xf32>
        %add3A_1095 = arith.addf %mul3A_1094, %get3A_763 : vector<16xf32>
        %swap3A_1096 = arith.index_cast %add3A_1001 : i32 to index
        %swap3A_1097 = arith.constant 32 : index
        %swap3A_1098 = tpu.vector_load %arg11[%swap3A_1096, %swap3A_1097] {strides = array<i32>} : memref<256x128xf32, #tpu.memory_space<vmem>>, vector<16xf32>,
        tpu.vector_store %arg11[%swap3A_1096, %swap3A_1097], %add3A_1095 {strides = array<i32>} : memref<256x128xf32, #tpu.memory_space<vmem>>, vector<16xf32>,
        %mul3A_1099 = vector.broadcast %mul3A_1068 : f32 to vector<16xf32>
        %mul3A_1100 = arith.mulf %get3A_1015, %mul3A_1099 : vector<16xf32>
        %add3A_1101 = vector.broadcast %neg3A_1071 : f32 to vector<16xf32>
        %add3A_1102 = arith.addf %mul3A_1100, %add3A_1101 : vector<16xf32>
        %mul3A_1103 = arith.mulf %add3A_1102, %get3A_757 : vector<16xf32>
        %add3A_1104 = arith.addf %mul3A_1103, %get3A_765 : vector<16xf32>
        %swap3A_1105 = arith.index_cast %add3A_1001 : i32 to index
        %swap3A_1106 = arith.constant 48 : index
        %swap3A_1107 = tpu.vector_load %arg11[%swap3A_1105, %swap3A_1106] {strides = array<i32>} : memref<256x128xf32, #tpu.memory_space<vmem>>, vector<16xf32>,
        tpu.vector_store %arg11[%swap3A_1105, %swap3A_1106], %add3A_1104 {strides = array<i32>} : memref<256x128xf32, #tpu.memory_space<vmem>>, vector<16xf32>,
        %mul3A_1108 = arith.constant 2 : i32
        %mul3A_1109 = arith.muli %add3A_1001, %mul3A_1108 : i32
        %add3A_1110 = arith.constant 1 : i32
        %add3A_1111 = arith.addi %mul3A_1109, %add3A_1110 : i32
        %get3A_1112 = arith.index_cast %add3A_1111 : i32 to index
        %get3A_1113 = arith.constant 0 : index
        %get3A_1114 = tpu.vector_load %arg10[%get3A_1112, %get3A_1113] {strides = array<i32>} : memref<512x64xf32, #tpu.memory_space<vmem>>, vector<16xf32>,
        %get3A_1115 = arith.index_cast %add3A_1111 : i32 to index
        %get3A_1116 = arith.constant 16 : index
        %get3A_1117 = tpu.vector_load %arg10[%get3A_1115, %get3A_1116] {strides = array<i32>} : memref<512x64xf32, #tpu.memory_space<vmem>>, vector<16xf32>,
        %get3A_1118 = arith.index_cast %add3A_1111 : i32 to index
        %get3A_1119 = arith.constant 32 : index
        %get3A_1120 = tpu.vector_load %arg10[%get3A_1118, %get3A_1119] {strides = array<i32>} : memref<512x64xf32, #tpu.memory_space<vmem>>, vector<16xf32>,
        %get3A_1121 = arith.index_cast %add3A_1111 : i32 to index
        %get3A_1122 = arith.constant 48 : index
        %get3A_1123 = tpu.vector_load %arg10[%get3A_1121, %get3A_1122] {strides = array<i32>} : memref<512x64xf32, #tpu.memory_space<vmem>>, vector<16xf32>,
        %add3A_1124 = arith.addf %get3A_1114, %get3A_1117 : vector<16xf32>
        %add3A_1125 = arith.addf %get3A_1120, %get3A_1123 : vector<16xf32>
        %add3A_1126 = arith.addf %add3A_1124, %add3A_1125 : vector<16xf32>
        %mul3A_1127 = arith.mulf %get3A_1114, %get3A_1114 : vector<16xf32>
        %mul3A_1128 = arith.mulf %get3A_1117, %get3A_1117 : vector<16xf32>
        %add3A_1129 = arith.addf %mul3A_1127, %mul3A_1128 : vector<16xf32>
        %mul3A_1130 = arith.mulf %get3A_1120, %get3A_1120 : vector<16xf32>
        %mul3A_1131 = arith.mulf %get3A_1123, %get3A_1123 : vector<16xf32>
        %add3A_1132 = arith.addf %mul3A_1130, %mul3A_1131 : vector<16xf32>
        %add3A_1133 = arith.addf %add3A_1129, %add3A_1132 : vector<16xf32>
        %reduce_sum3A_1134 = arith.constant true
        %reduce_sum3A_1135 = vector.broadcast %reduce_sum3A_1134 : i1 to vector<16xi1>
        %reduce_sum3A_1136 = tpu.scan <sum>, %add3A_1126 masked %reduce_sum3A_1135 : vector<16xf32>, vector<16xi1> -> vector<16xf32>
        %reduce_sum3A_1137 = vector.extract %reduce_sum3A_1136[15] : f32 from vector<16xf32>
        %mul3A_1138 = arith.mulf %reduce_sum3A_1137, %scan3A : f32
        %reduce_sum3A_1139 = arith.constant true
        %reduce_sum3A_1140 = vector.broadcast %reduce_sum3A_1139 : i1 to vector<16xi1>
        %reduce_sum3A_1141 = tpu.scan <sum>, %add3A_1133 masked %reduce_sum3A_1140 : vector<16xf32>, vector<16xi1> -> vector<16xf32>
        %reduce_sum3A_1142 = vector.extract %reduce_sum3A_1141[15] : f32 from vector<16xf32>
        %mul3A_1143 = arith.mulf %reduce_sum3A_1142, %scan3A : f32
        %mul3A_1144 = arith.mulf %mul3A_1138, %mul3A_1138 : f32
        %sub3A_1145 = arith.subf %mul3A_1143, %mul3A_1144 : f32
        %max3A_1146 = arith.constant 0.000000e+00 : f32
        %max3A_1147 = arith.maximumf %sub3A_1145, %max3A_1146 : f32
        %add3A_1148 = arith.constant 9.99999996E-13 : f32
        %add3A_1149 = arith.addf %max3A_1147, %add3A_1148 : f32
        %bitcast_convert_type3A_1150 = arith.bitcast %add3A_1149 : f32 to i32
        %shift_right_logical3A_1151 = arith.constant 1 : i32
        %shift_right_logical3A_1152 = arith.shrui %bitcast_convert_type3A_1150, %shift_right_logical3A_1151 : i32
        %sub3A_1153 = arith.constant 1597463007 : i32
        %sub3A_1154 = arith.subi %sub3A_1153, %shift_right_logical3A_1152 : i32
        %bitcast_convert_type3A_1155 = arith.bitcast %sub3A_1154 : i32 to f32
        %mul3A_1156 = arith.constant 5.000000e-01 : f32
        %mul3A_1157 = arith.mulf %mul3A_1156, %add3A_1149 : f32
        %mul3A_1158 = arith.mulf %mul3A_1157, %bitcast_convert_type3A_1155 : f32
        %mul3A_1159 = arith.mulf %mul3A_1158, %bitcast_convert_type3A_1155 : f32
        %sub3A_1160 = arith.constant 1.500000e+00 : f32
        %sub3A_1161 = arith.subf %sub3A_1160, %mul3A_1159 : f32
        %mul3A_1162 = arith.mulf %bitcast_convert_type3A_1155, %sub3A_1161 : f32
        %mul3A_1163 = arith.constant 5.000000e-01 : f32
        %mul3A_1164 = arith.mulf %mul3A_1163, %add3A_1149 : f32
        %mul3A_1165 = arith.mulf %mul3A_1164, %mul3A_1162 : f32
        %mul3A_1166 = arith.mulf %mul3A_1165, %mul3A_1162 : f32
        %sub3A_1167 = arith.constant 1.500000e+00 : f32
        %sub3A_1168 = arith.subf %sub3A_1167, %mul3A_1166 : f32
        %mul3A_1169 = arith.mulf %mul3A_1162, %sub3A_1168 : f32
        %mul3A_1170 = arith.constant 5.000000e-01 : f32
        %mul3A_1171 = arith.mulf %mul3A_1170, %add3A_1149 : f32
        %mul3A_1172 = arith.mulf %mul3A_1171, %mul3A_1169 : f32
        %mul3A_1173 = arith.mulf %mul3A_1172, %mul3A_1169 : f32
        %sub3A_1174 = arith.constant 1.500000e+00 : f32
        %sub3A_1175 = arith.subf %sub3A_1174, %mul3A_1173 : f32
        %mul3A_1176 = arith.mulf %mul3A_1169, %sub3A_1175 : f32
        %mul3A_1177 = arith.mulf %mul3A_1138, %mul3A_1176 : f32
        %neg3A_1178 = arith.constant 0.000000e+00 : f32
        %neg3A_1179 = arith.subf %neg3A_1178, %mul3A_1177 : f32
        %mul3A_1180 = vector.broadcast %mul3A_1176 : f32 to vector<16xf32>
        %mul3A_1181 = arith.mulf %get3A_1114, %mul3A_1180 : vector<16xf32>
        %add3A_1182 = vector.broadcast %neg3A_1179 : f32 to vector<16xf32>
        %add3A_1183 = arith.addf %mul3A_1181, %add3A_1182 : vector<16xf32>
        %mul3A_1184 = arith.mulf %add3A_1183, %get3A_751 : vector<16xf32>
        %add3A_1185 = arith.addf %mul3A_1184, %get3A_759 : vector<16xf32>
        %swap3A_1186 = arith.index_cast %add3A_1001 : i32 to index
        %swap3A_1187 = arith.constant 64 : index
        %swap3A_1188 = tpu.vector_load %arg11[%swap3A_1186, %swap3A_1187] {strides = array<i32>} : memref<256x128xf32, #tpu.memory_space<vmem>>, vector<16xf32>,
        tpu.vector_store %arg11[%swap3A_1186, %swap3A_1187], %add3A_1185 {strides = array<i32>} : memref<256x128xf32, #tpu.memory_space<vmem>>, vector<16xf32>,
        %mul3A_1189 = vector.broadcast %mul3A_1176 : f32 to vector<16xf32>
        %mul3A_1190 = arith.mulf %get3A_1117, %mul3A_1189 : vector<16xf32>
        %add3A_1191 = vector.broadcast %neg3A_1179 : f32 to vector<16xf32>
        %add3A_1192 = arith.addf %mul3A_1190, %add3A_1191 : vector<16xf32>
        %mul3A_1193 = arith.mulf %add3A_1192, %get3A_753 : vector<16xf32>
        %add3A_1194 = arith.addf %mul3A_1193, %get3A_761 : vector<16xf32>
        %swap3A_1195 = arith.index_cast %add3A_1001 : i32 to index
        %swap3A_1196 = arith.constant 80 : index
        %swap3A_1197 = tpu.vector_load %arg11[%swap3A_1195, %swap3A_1196] {strides = array<i32>} : memref<256x128xf32, #tpu.memory_space<vmem>>, vector<16xf32>,
        tpu.vector_store %arg11[%swap3A_1195, %swap3A_1196], %add3A_1194 {strides = array<i32>} : memref<256x128xf32, #tpu.memory_space<vmem>>, vector<16xf32>,
        %mul3A_1198 = vector.broadcast %mul3A_1176 : f32 to vector<16xf32>
        %mul3A_1199 = arith.mulf %get3A_1120, %mul3A_1198 : vector<16xf32>
        %add3A_1200 = vector.broadcast %neg3A_1179 : f32 to vector<16xf32>
        %add3A_1201 = arith.addf %mul3A_1199, %add3A_1200 : vector<16xf32>
        %mul3A_1202 = arith.mulf %add3A_1201, %get3A_755 : vector<16xf32>
        %add3A_1203 = arith.addf %mul3A_1202, %get3A_763 : vector<16xf32>
        %swap3A_1204 = arith.index_cast %add3A_1001 : i32 to index
        %swap3A_1205 = arith.constant 96 : index
        %swap3A_1206 = tpu.vector_load %arg11[%swap3A_1204, %swap3A_1205] {strides = array<i32>} : memref<256x128xf32, #tpu.memory_space<vmem>>, vector<16xf32>,
        tpu.vector_store %arg11[%swap3A_1204, %swap3A_1205], %add3A_1203 {strides = array<i32>} : memref<256x128xf32, #tpu.memory_space<vmem>>, vector<16xf32>,
        %mul3A_1207 = vector.broadcast %mul3A_1176 : f32 to vector<16xf32>
        %mul3A_1208 = arith.mulf %get3A_1123, %mul3A_1207 : vector<16xf32>
        %add3A_1209 = vector.broadcast %neg3A_1179 : f32 to vector<16xf32>
        %add3A_1210 = arith.addf %mul3A_1208, %add3A_1209 : vector<16xf32>
        %mul3A_1211 = arith.mulf %add3A_1210, %get3A_757 : vector<16xf32>
        %add3A_1212 = arith.addf %mul3A_1211, %get3A_765 : vector<16xf32>
        %swap3A_1213 = arith.index_cast %add3A_1001 : i32 to index
        %swap3A_1214 = arith.constant 112 : index
        %swap3A_1215 = tpu.vector_load %arg11[%swap3A_1213, %swap3A_1214] {strides = array<i32>} : memref<256x128xf32, #tpu.memory_space<vmem>>, vector<16xf32>,
        tpu.vector_store %arg11[%swap3A_1213, %swap3A_1214], %add3A_1212 {strides = array<i32>} : memref<256x128xf32, #tpu.memory_space<vmem>>, vector<16xf32>,
      }
      %scan3A_770 = arith.constant 128 : i32
      %mul3A_771 = arith.constant 256 : i32
      %mul3A_772 = arith.muli %add3A_697, %mul3A_771 : i32
      %add3A_773 = arith.addi %select_n3A, %mul3A_772 : i32
      %dma_start3A_774 = arith.constant 0 : i32
      %dma_start3A_775 = tpu.memref_slice %arg6[%add3A_773, %dma_start3A_774] : memref<409600x128xf32, #tpu.memory_space<hbm>> -> memref<256x128xf32, #tpu.memory_space<hbm>>
      %dma_start3A_776 = arith.constant 0 : i32
      %dma_start3A_777 = tpu.memref_slice %arg6[%add3A_773, %dma_start3A_776] : memref<409600x128xf32, #tpu.memory_space<hbm>> -> memref<256x128xf32, #tpu.memory_space<hbm>>
      tpu.enqueue_dma source(%arg11 : memref<256x128xf32, #tpu.memory_space<vmem>>) target(%dma_start3A_777 : memref<256x128xf32, #tpu.memory_space<hbm>>) target_semaphore(%arg16 : memref<!tpu.dma_semaphore, #tpu.memory_space<semaphore_mem>>)
      %lt3A_778 = arith.constant 24 : i32
      %lt3A_779 = arith.cmpi slt, %scan3A_690, %lt3A_778 : i32
      %convert_element_type3A_780 = arith.extui %lt3A_779 : i1 to i32
      %cond3A_781 = arith.constant 0 : i32
      %cond3A_782 = arith.cmpi ne, %convert_element_type3A_780, %cond3A_781 : i32
      scf.if %cond3A_782 {
        %add3A_784 = arith.constant 2 : i32
        %add3A_785 = arith.addi %add3A_697, %add3A_784 : i32
        %mul3A_786 = arith.constant 4 : i32
        %mul3A_787 = arith.muli %add3A_785, %mul3A_786 : i32
        %add3A_788 = arith.addi %mul3A_4, %mul3A_787 : i32
        "tpu.region"() ({
          %run_scoped3A = tpu.sem_alloc : memref<!tpu.dma_semaphore, #tpu.memory_space<semaphore_mem>>
          %dma_start3A_1117 = arith.constant 0 : i32
          %dma_start3A_1118 = tpu.memref_slice %arg2[%add3A_788, %dma_start3A_1117] : memref<6400x128xi32, #tpu.memory_space<hbm>> -> memref<4x128xi32, #tpu.memory_space<hbm>>
          %dma_start3A_1119 = arith.constant 0 : i32
          %dma_start3A_1120 = tpu.memref_slice %arg2[%add3A_788, %dma_start3A_1119] : memref<6400x128xi32, #tpu.memory_space<hbm>> -> memref<4x128xi32, #tpu.memory_space<hbm>>
          tpu.enqueue_dma source(%dma_start3A_1120 : memref<4x128xi32, #tpu.memory_space<hbm>>) target(%arg8 : memref<4x128xi32, #tpu.memory_space<vmem>>) target_semaphore(%run_scoped3A : memref<!tpu.dma_semaphore, #tpu.memory_space<semaphore_mem>>)
          %dma_wait3A_1121 = arith.constant 0 : i32
          %dma_wait3A_1122 = tpu.memref_slice %arg2[%add3A_788, %dma_wait3A_1121] : memref<6400x128xi32, #tpu.memory_space<hbm>> -> memref<4x128xi32, #tpu.memory_space<hbm>>
          %dma_wait3A_1123 = arith.constant 0 : i32
          %dma_wait3A_1124 = tpu.memref_slice %arg2[%add3A_788, %dma_wait3A_1123] : memref<6400x128xi32, #tpu.memory_space<hbm>> -> memref<4x128xi32, #tpu.memory_space<hbm>>
          tpu.wait_dma2 semaphore(%run_scoped3A : memref<!tpu.dma_semaphore, #tpu.memory_space<semaphore_mem>>) src(%dma_wait3A_1124 : memref<4x128xi32, #tpu.memory_space<hbm>>) dst(%arg8 : memref<4x128xi32, #tpu.memory_space<vmem>>)
          tpu.yield
        }) : () -> ()
        %get3A_789 = arith.constant 0 : i32
        %get3A_790 = arith.index_cast %get3A_789 : i32 to index
        %get3A_791 = arith.constant 0 : index
        %get3A_792 = tpu.vector_load %arg8[%get3A_790, %get3A_791] {strides = array<i32>} : memref<4x128xi32, #tpu.memory_space<vmem>>, vector<16xi32>,
        %add3A_793 = arith.addi %get3A_792, %get3A_792 : vector<16xi32>
        %swap3A_794 = arith.constant 0 : i32
        %swap3A_795 = arith.index_cast %swap3A_794 : i32 to index
        %swap3A_796 = arith.constant 0 : index
        %swap3A_797 = tpu.vector_load %arg8[%swap3A_795, %swap3A_796] {strides = array<i32>} : memref<4x128xi32, #tpu.memory_space<vmem>>, vector<16xi32>,
        tpu.vector_store %arg8[%swap3A_795, %swap3A_796], %add3A_793 {strides = array<i32>} : memref<4x128xi32, #tpu.memory_space<vmem>>, vector<16xi32>,
        %get3A_798 = arith.constant 0 : i32
        %get3A_799 = arith.index_cast %get3A_798 : i32 to index
        %get3A_800 = arith.constant 16 : index
        %get3A_801 = tpu.vector_load %arg8[%get3A_799, %get3A_800] {strides = array<i32>} : memref<4x128xi32, #tpu.memory_space<vmem>>, vector<16xi32>,
        %add3A_802 = arith.addi %get3A_801, %get3A_801 : vector<16xi32>
        %swap3A_803 = arith.constant 0 : i32
        %swap3A_804 = arith.index_cast %swap3A_803 : i32 to index
        %swap3A_805 = arith.constant 16 : index
        %swap3A_806 = tpu.vector_load %arg8[%swap3A_804, %swap3A_805] {strides = array<i32>} : memref<4x128xi32, #tpu.memory_space<vmem>>, vector<16xi32>,
        tpu.vector_store %arg8[%swap3A_804, %swap3A_805], %add3A_802 {strides = array<i32>} : memref<4x128xi32, #tpu.memory_space<vmem>>, vector<16xi32>,
        %get3A_807 = arith.constant 0 : i32
        %get3A_808 = arith.index_cast %get3A_807 : i32 to index
        %get3A_809 = arith.constant 32 : index
        %get3A_810 = tpu.vector_load %arg8[%get3A_808, %get3A_809] {strides = array<i32>} : memref<4x128xi32, #tpu.memory_space<vmem>>, vector<16xi32>,
        %add3A_811 = arith.addi %get3A_810, %get3A_810 : vector<16xi32>
        %swap3A_812 = arith.constant 0 : i32
        %swap3A_813 = arith.index_cast %swap3A_812 : i32 to index
        %swap3A_814 = arith.constant 32 : index
        %swap3A_815 = tpu.vector_load %arg8[%swap3A_813, %swap3A_814] {strides = array<i32>} : memref<4x128xi32, #tpu.memory_space<vmem>>, vector<16xi32>,
        tpu.vector_store %arg8[%swap3A_813, %swap3A_814], %add3A_811 {strides = array<i32>} : memref<4x128xi32, #tpu.memory_space<vmem>>, vector<16xi32>,
        %get3A_816 = arith.constant 0 : i32
        %get3A_817 = arith.index_cast %get3A_816 : i32 to index
        %get3A_818 = arith.constant 48 : index
        %get3A_819 = tpu.vector_load %arg8[%get3A_817, %get3A_818] {strides = array<i32>} : memref<4x128xi32, #tpu.memory_space<vmem>>, vector<16xi32>,
        %add3A_820 = arith.addi %get3A_819, %get3A_819 : vector<16xi32>
        %swap3A_821 = arith.constant 0 : i32
        %swap3A_822 = arith.index_cast %swap3A_821 : i32 to index
        %swap3A_823 = arith.constant 48 : index
        %swap3A_824 = tpu.vector_load %arg8[%swap3A_822, %swap3A_823] {strides = array<i32>} : memref<4x128xi32, #tpu.memory_space<vmem>>, vector<16xi32>,
        tpu.vector_store %arg8[%swap3A_822, %swap3A_823], %add3A_820 {strides = array<i32>} : memref<4x128xi32, #tpu.memory_space<vmem>>, vector<16xi32>,
        %get3A_825 = arith.constant 0 : i32
        %get3A_826 = arith.index_cast %get3A_825 : i32 to index
        %get3A_827 = arith.constant 64 : index
        %get3A_828 = tpu.vector_load %arg8[%get3A_826, %get3A_827] {strides = array<i32>} : memref<4x128xi32, #tpu.memory_space<vmem>>, vector<16xi32>,
        %add3A_829 = arith.addi %get3A_828, %get3A_828 : vector<16xi32>
        %swap3A_830 = arith.constant 0 : i32
        %swap3A_831 = arith.index_cast %swap3A_830 : i32 to index
        %swap3A_832 = arith.constant 64 : index
        %swap3A_833 = tpu.vector_load %arg8[%swap3A_831, %swap3A_832] {strides = array<i32>} : memref<4x128xi32, #tpu.memory_space<vmem>>, vector<16xi32>,
        tpu.vector_store %arg8[%swap3A_831, %swap3A_832], %add3A_829 {strides = array<i32>} : memref<4x128xi32, #tpu.memory_space<vmem>>, vector<16xi32>,
        %get3A_834 = arith.constant 0 : i32
        %get3A_835 = arith.index_cast %get3A_834 : i32 to index
        %get3A_836 = arith.constant 80 : index
        %get3A_837 = tpu.vector_load %arg8[%get3A_835, %get3A_836] {strides = array<i32>} : memref<4x128xi32, #tpu.memory_space<vmem>>, vector<16xi32>,
        %add3A_838 = arith.addi %get3A_837, %get3A_837 : vector<16xi32>
        %swap3A_839 = arith.constant 0 : i32
        %swap3A_840 = arith.index_cast %swap3A_839 : i32 to index
        %swap3A_841 = arith.constant 80 : index
        %swap3A_842 = tpu.vector_load %arg8[%swap3A_840, %swap3A_841] {strides = array<i32>} : memref<4x128xi32, #tpu.memory_space<vmem>>, vector<16xi32>,
        tpu.vector_store %arg8[%swap3A_840, %swap3A_841], %add3A_838 {strides = array<i32>} : memref<4x128xi32, #tpu.memory_space<vmem>>, vector<16xi32>,
        %get3A_843 = arith.constant 0 : i32
        %get3A_844 = arith.index_cast %get3A_843 : i32 to index
        %get3A_845 = arith.constant 96 : index
        %get3A_846 = tpu.vector_load %arg8[%get3A_844, %get3A_845] {strides = array<i32>} : memref<4x128xi32, #tpu.memory_space<vmem>>, vector<16xi32>,
        %add3A_847 = arith.addi %get3A_846, %get3A_846 : vector<16xi32>
        %swap3A_848 = arith.constant 0 : i32
        %swap3A_849 = arith.index_cast %swap3A_848 : i32 to index
        %swap3A_850 = arith.constant 96 : index
        %swap3A_851 = tpu.vector_load %arg8[%swap3A_849, %swap3A_850] {strides = array<i32>} : memref<4x128xi32, #tpu.memory_space<vmem>>, vector<16xi32>,
        tpu.vector_store %arg8[%swap3A_849, %swap3A_850], %add3A_847 {strides = array<i32>} : memref<4x128xi32, #tpu.memory_space<vmem>>, vector<16xi32>,
        %get3A_852 = arith.constant 0 : i32
        %get3A_853 = arith.index_cast %get3A_852 : i32 to index
        %get3A_854 = arith.constant 112 : index
        %get3A_855 = tpu.vector_load %arg8[%get3A_853, %get3A_854] {strides = array<i32>} : memref<4x128xi32, #tpu.memory_space<vmem>>, vector<16xi32>,
        %add3A_856 = arith.addi %get3A_855, %get3A_855 : vector<16xi32>
        %swap3A_857 = arith.constant 0 : i32
        %swap3A_858 = arith.index_cast %swap3A_857 : i32 to index
        %swap3A_859 = arith.constant 112 : index
        %swap3A_860 = tpu.vector_load %arg8[%swap3A_858, %swap3A_859] {strides = array<i32>} : memref<4x128xi32, #tpu.memory_space<vmem>>, vector<16xi32>,
        tpu.vector_store %arg8[%swap3A_858, %swap3A_859], %add3A_856 {strides = array<i32>} : memref<4x128xi32, #tpu.memory_space<vmem>>, vector<16xi32>,
        %get3A_861 = arith.constant 1 : i32
        %get3A_862 = arith.index_cast %get3A_861 : i32 to index
        %get3A_863 = arith.constant 0 : index
        %get3A_864 = tpu.vector_load %arg8[%get3A_862, %get3A_863] {strides = array<i32>} : memref<4x128xi32, #tpu.memory_space<vmem>>, vector<16xi32>,
        %add3A_865 = arith.addi %get3A_864, %get3A_864 : vector<16xi32>
        %swap3A_866 = arith.constant 1 : i32
        %swap3A_867 = arith.index_cast %swap3A_866 : i32 to index
        %swap3A_868 = arith.constant 0 : index
        %swap3A_869 = tpu.vector_load %arg8[%swap3A_867, %swap3A_868] {strides = array<i32>} : memref<4x128xi32, #tpu.memory_space<vmem>>, vector<16xi32>,
        tpu.vector_store %arg8[%swap3A_867, %swap3A_868], %add3A_865 {strides = array<i32>} : memref<4x128xi32, #tpu.memory_space<vmem>>, vector<16xi32>,
        %get3A_870 = arith.constant 1 : i32
        %get3A_871 = arith.index_cast %get3A_870 : i32 to index
        %get3A_872 = arith.constant 16 : index
        %get3A_873 = tpu.vector_load %arg8[%get3A_871, %get3A_872] {strides = array<i32>} : memref<4x128xi32, #tpu.memory_space<vmem>>, vector<16xi32>,
        %add3A_874 = arith.addi %get3A_873, %get3A_873 : vector<16xi32>
        %swap3A_875 = arith.constant 1 : i32
        %swap3A_876 = arith.index_cast %swap3A_875 : i32 to index
        %swap3A_877 = arith.constant 16 : index
        %swap3A_878 = tpu.vector_load %arg8[%swap3A_876, %swap3A_877] {strides = array<i32>} : memref<4x128xi32, #tpu.memory_space<vmem>>, vector<16xi32>,
        tpu.vector_store %arg8[%swap3A_876, %swap3A_877], %add3A_874 {strides = array<i32>} : memref<4x128xi32, #tpu.memory_space<vmem>>, vector<16xi32>,
        %get3A_879 = arith.constant 1 : i32
        %get3A_880 = arith.index_cast %get3A_879 : i32 to index
        %get3A_881 = arith.constant 32 : index
        %get3A_882 = tpu.vector_load %arg8[%get3A_880, %get3A_881] {strides = array<i32>} : memref<4x128xi32, #tpu.memory_space<vmem>>, vector<16xi32>,
        %add3A_883 = arith.addi %get3A_882, %get3A_882 : vector<16xi32>
        %swap3A_884 = arith.constant 1 : i32
        %swap3A_885 = arith.index_cast %swap3A_884 : i32 to index
        %swap3A_886 = arith.constant 32 : index
        %swap3A_887 = tpu.vector_load %arg8[%swap3A_885, %swap3A_886] {strides = array<i32>} : memref<4x128xi32, #tpu.memory_space<vmem>>, vector<16xi32>,
        tpu.vector_store %arg8[%swap3A_885, %swap3A_886], %add3A_883 {strides = array<i32>} : memref<4x128xi32, #tpu.memory_space<vmem>>, vector<16xi32>,
        %get3A_888 = arith.constant 1 : i32
        %get3A_889 = arith.index_cast %get3A_888 : i32 to index
        %get3A_890 = arith.constant 48 : index
        %get3A_891 = tpu.vector_load %arg8[%get3A_889, %get3A_890] {strides = array<i32>} : memref<4x128xi32, #tpu.memory_space<vmem>>, vector<16xi32>,
        %add3A_892 = arith.addi %get3A_891, %get3A_891 : vector<16xi32>
        %swap3A_893 = arith.constant 1 : i32
        %swap3A_894 = arith.index_cast %swap3A_893 : i32 to index
        %swap3A_895 = arith.constant 48 : index
        %swap3A_896 = tpu.vector_load %arg8[%swap3A_894, %swap3A_895] {strides = array<i32>} : memref<4x128xi32, #tpu.memory_space<vmem>>, vector<16xi32>,
        tpu.vector_store %arg8[%swap3A_894, %swap3A_895], %add3A_892 {strides = array<i32>} : memref<4x128xi32, #tpu.memory_space<vmem>>, vector<16xi32>,
        %get3A_897 = arith.constant 1 : i32
        %get3A_898 = arith.index_cast %get3A_897 : i32 to index
        %get3A_899 = arith.constant 64 : index
        %get3A_900 = tpu.vector_load %arg8[%get3A_898, %get3A_899] {strides = array<i32>} : memref<4x128xi32, #tpu.memory_space<vmem>>, vector<16xi32>,
        %add3A_901 = arith.addi %get3A_900, %get3A_900 : vector<16xi32>
        %swap3A_902 = arith.constant 1 : i32
        %swap3A_903 = arith.index_cast %swap3A_902 : i32 to index
        %swap3A_904 = arith.constant 64 : index
        %swap3A_905 = tpu.vector_load %arg8[%swap3A_903, %swap3A_904] {strides = array<i32>} : memref<4x128xi32, #tpu.memory_space<vmem>>, vector<16xi32>,
        tpu.vector_store %arg8[%swap3A_903, %swap3A_904], %add3A_901 {strides = array<i32>} : memref<4x128xi32, #tpu.memory_space<vmem>>, vector<16xi32>,
        %get3A_906 = arith.constant 1 : i32
        %get3A_907 = arith.index_cast %get3A_906 : i32 to index
        %get3A_908 = arith.constant 80 : index
        %get3A_909 = tpu.vector_load %arg8[%get3A_907, %get3A_908] {strides = array<i32>} : memref<4x128xi32, #tpu.memory_space<vmem>>, vector<16xi32>,
        %add3A_910 = arith.addi %get3A_909, %get3A_909 : vector<16xi32>
        %swap3A_911 = arith.constant 1 : i32
        %swap3A_912 = arith.index_cast %swap3A_911 : i32 to index
        %swap3A_913 = arith.constant 80 : index
        %swap3A_914 = tpu.vector_load %arg8[%swap3A_912, %swap3A_913] {strides = array<i32>} : memref<4x128xi32, #tpu.memory_space<vmem>>, vector<16xi32>,
        tpu.vector_store %arg8[%swap3A_912, %swap3A_913], %add3A_910 {strides = array<i32>} : memref<4x128xi32, #tpu.memory_space<vmem>>, vector<16xi32>,
        %get3A_915 = arith.constant 1 : i32
        %get3A_916 = arith.index_cast %get3A_915 : i32 to index
        %get3A_917 = arith.constant 96 : index
        %get3A_918 = tpu.vector_load %arg8[%get3A_916, %get3A_917] {strides = array<i32>} : memref<4x128xi32, #tpu.memory_space<vmem>>, vector<16xi32>,
        %add3A_919 = arith.addi %get3A_918, %get3A_918 : vector<16xi32>
        %swap3A_920 = arith.constant 1 : i32
        %swap3A_921 = arith.index_cast %swap3A_920 : i32 to index
        %swap3A_922 = arith.constant 96 : index
        %swap3A_923 = tpu.vector_load %arg8[%swap3A_921, %swap3A_922] {strides = array<i32>} : memref<4x128xi32, #tpu.memory_space<vmem>>, vector<16xi32>,
        tpu.vector_store %arg8[%swap3A_921, %swap3A_922], %add3A_919 {strides = array<i32>} : memref<4x128xi32, #tpu.memory_space<vmem>>, vector<16xi32>,
        %get3A_924 = arith.constant 1 : i32
        %get3A_925 = arith.index_cast %get3A_924 : i32 to index
        %get3A_926 = arith.constant 112 : index
        %get3A_927 = tpu.vector_load %arg8[%get3A_925, %get3A_926] {strides = array<i32>} : memref<4x128xi32, #tpu.memory_space<vmem>>, vector<16xi32>,
        %add3A_928 = arith.addi %get3A_927, %get3A_927 : vector<16xi32>
        %swap3A_929 = arith.constant 1 : i32
        %swap3A_930 = arith.index_cast %swap3A_929 : i32 to index
        %swap3A_931 = arith.constant 112 : index
        %swap3A_932 = tpu.vector_load %arg8[%swap3A_930, %swap3A_931] {strides = array<i32>} : memref<4x128xi32, #tpu.memory_space<vmem>>, vector<16xi32>,
        tpu.vector_store %arg8[%swap3A_930, %swap3A_931], %add3A_928 {strides = array<i32>} : memref<4x128xi32, #tpu.memory_space<vmem>>, vector<16xi32>,
        %get3A_933 = arith.constant 2 : i32
        %get3A_934 = arith.index_cast %get3A_933 : i32 to index
        %get3A_935 = arith.constant 0 : index
        %get3A_936 = tpu.vector_load %arg8[%get3A_934, %get3A_935] {strides = array<i32>} : memref<4x128xi32, #tpu.memory_space<vmem>>, vector<16xi32>,
        %add3A_937 = arith.addi %get3A_936, %get3A_936 : vector<16xi32>
        %swap3A_938 = arith.constant 2 : i32
        %swap3A_939 = arith.index_cast %swap3A_938 : i32 to index
        %swap3A_940 = arith.constant 0 : index
        %swap3A_941 = tpu.vector_load %arg8[%swap3A_939, %swap3A_940] {strides = array<i32>} : memref<4x128xi32, #tpu.memory_space<vmem>>, vector<16xi32>,
        tpu.vector_store %arg8[%swap3A_939, %swap3A_940], %add3A_937 {strides = array<i32>} : memref<4x128xi32, #tpu.memory_space<vmem>>, vector<16xi32>,
        %get3A_942 = arith.constant 2 : i32
        %get3A_943 = arith.index_cast %get3A_942 : i32 to index
        %get3A_944 = arith.constant 16 : index
        %get3A_945 = tpu.vector_load %arg8[%get3A_943, %get3A_944] {strides = array<i32>} : memref<4x128xi32, #tpu.memory_space<vmem>>, vector<16xi32>,
        %add3A_946 = arith.addi %get3A_945, %get3A_945 : vector<16xi32>
        %swap3A_947 = arith.constant 2 : i32
        %swap3A_948 = arith.index_cast %swap3A_947 : i32 to index
        %swap3A_949 = arith.constant 16 : index
        %swap3A_950 = tpu.vector_load %arg8[%swap3A_948, %swap3A_949] {strides = array<i32>} : memref<4x128xi32, #tpu.memory_space<vmem>>, vector<16xi32>,
        tpu.vector_store %arg8[%swap3A_948, %swap3A_949], %add3A_946 {strides = array<i32>} : memref<4x128xi32, #tpu.memory_space<vmem>>, vector<16xi32>,
        %get3A_951 = arith.constant 2 : i32
        %get3A_952 = arith.index_cast %get3A_951 : i32 to index
        %get3A_953 = arith.constant 32 : index
        %get3A_954 = tpu.vector_load %arg8[%get3A_952, %get3A_953] {strides = array<i32>} : memref<4x128xi32, #tpu.memory_space<vmem>>, vector<16xi32>,
        %add3A_955 = arith.addi %get3A_954, %get3A_954 : vector<16xi32>
        %swap3A_956 = arith.constant 2 : i32
        %swap3A_957 = arith.index_cast %swap3A_956 : i32 to index
        %swap3A_958 = arith.constant 32 : index
        %swap3A_959 = tpu.vector_load %arg8[%swap3A_957, %swap3A_958] {strides = array<i32>} : memref<4x128xi32, #tpu.memory_space<vmem>>, vector<16xi32>,
        tpu.vector_store %arg8[%swap3A_957, %swap3A_958], %add3A_955 {strides = array<i32>} : memref<4x128xi32, #tpu.memory_space<vmem>>, vector<16xi32>,
        %get3A_960 = arith.constant 2 : i32
        %get3A_961 = arith.index_cast %get3A_960 : i32 to index
        %get3A_962 = arith.constant 48 : index
        %get3A_963 = tpu.vector_load %arg8[%get3A_961, %get3A_962] {strides = array<i32>} : memref<4x128xi32, #tpu.memory_space<vmem>>, vector<16xi32>,
        %add3A_964 = arith.addi %get3A_963, %get3A_963 : vector<16xi32>
        %swap3A_965 = arith.constant 2 : i32
        %swap3A_966 = arith.index_cast %swap3A_965 : i32 to index
        %swap3A_967 = arith.constant 48 : index
        %swap3A_968 = tpu.vector_load %arg8[%swap3A_966, %swap3A_967] {strides = array<i32>} : memref<4x128xi32, #tpu.memory_space<vmem>>, vector<16xi32>,
        tpu.vector_store %arg8[%swap3A_966, %swap3A_967], %add3A_964 {strides = array<i32>} : memref<4x128xi32, #tpu.memory_space<vmem>>, vector<16xi32>,
        %get3A_969 = arith.constant 2 : i32
        %get3A_970 = arith.index_cast %get3A_969 : i32 to index
        %get3A_971 = arith.constant 64 : index
        %get3A_972 = tpu.vector_load %arg8[%get3A_970, %get3A_971] {strides = array<i32>} : memref<4x128xi32, #tpu.memory_space<vmem>>, vector<16xi32>,
        %add3A_973 = arith.addi %get3A_972, %get3A_972 : vector<16xi32>
        %swap3A_974 = arith.constant 2 : i32
        %swap3A_975 = arith.index_cast %swap3A_974 : i32 to index
        %swap3A_976 = arith.constant 64 : index
        %swap3A_977 = tpu.vector_load %arg8[%swap3A_975, %swap3A_976] {strides = array<i32>} : memref<4x128xi32, #tpu.memory_space<vmem>>, vector<16xi32>,
        tpu.vector_store %arg8[%swap3A_975, %swap3A_976], %add3A_973 {strides = array<i32>} : memref<4x128xi32, #tpu.memory_space<vmem>>, vector<16xi32>,
        %get3A_978 = arith.constant 2 : i32
        %get3A_979 = arith.index_cast %get3A_978 : i32 to index
        %get3A_980 = arith.constant 80 : index
        %get3A_981 = tpu.vector_load %arg8[%get3A_979, %get3A_980] {strides = array<i32>} : memref<4x128xi32, #tpu.memory_space<vmem>>, vector<16xi32>,
        %add3A_982 = arith.addi %get3A_981, %get3A_981 : vector<16xi32>
        %swap3A_983 = arith.constant 2 : i32
        %swap3A_984 = arith.index_cast %swap3A_983 : i32 to index
        %swap3A_985 = arith.constant 80 : index
        %swap3A_986 = tpu.vector_load %arg8[%swap3A_984, %swap3A_985] {strides = array<i32>} : memref<4x128xi32, #tpu.memory_space<vmem>>, vector<16xi32>,
        tpu.vector_store %arg8[%swap3A_984, %swap3A_985], %add3A_982 {strides = array<i32>} : memref<4x128xi32, #tpu.memory_space<vmem>>, vector<16xi32>,
        %get3A_987 = arith.constant 2 : i32
        %get3A_988 = arith.index_cast %get3A_987 : i32 to index
        %get3A_989 = arith.constant 96 : index
        %get3A_990 = tpu.vector_load %arg8[%get3A_988, %get3A_989] {strides = array<i32>} : memref<4x128xi32, #tpu.memory_space<vmem>>, vector<16xi32>,
        %add3A_991 = arith.addi %get3A_990, %get3A_990 : vector<16xi32>
        %swap3A_992 = arith.constant 2 : i32
        %swap3A_993 = arith.index_cast %swap3A_992 : i32 to index
        %swap3A_994 = arith.constant 96 : index
        %swap3A_995 = tpu.vector_load %arg8[%swap3A_993, %swap3A_994] {strides = array<i32>} : memref<4x128xi32, #tpu.memory_space<vmem>>, vector<16xi32>,
        tpu.vector_store %arg8[%swap3A_993, %swap3A_994], %add3A_991 {strides = array<i32>} : memref<4x128xi32, #tpu.memory_space<vmem>>, vector<16xi32>,
        %get3A_996 = arith.constant 2 : i32
        %get3A_997 = arith.index_cast %get3A_996 : i32 to index
        %get3A_998 = arith.constant 112 : index
        %get3A_999 = tpu.vector_load %arg8[%get3A_997, %get3A_998] {strides = array<i32>} : memref<4x128xi32, #tpu.memory_space<vmem>>, vector<16xi32>,
        %add3A_1000 = arith.addi %get3A_999, %get3A_999 : vector<16xi32>
        %swap3A_1001 = arith.constant 2 : i32
        %swap3A_1002 = arith.index_cast %swap3A_1001 : i32 to index
        %swap3A_1003 = arith.constant 112 : index
        %swap3A_1004 = tpu.vector_load %arg8[%swap3A_1002, %swap3A_1003] {strides = array<i32>} : memref<4x128xi32, #tpu.memory_space<vmem>>, vector<16xi32>,
        tpu.vector_store %arg8[%swap3A_1002, %swap3A_1003], %add3A_1000 {strides = array<i32>} : memref<4x128xi32, #tpu.memory_space<vmem>>, vector<16xi32>,
        %get3A_1005 = arith.constant 3 : i32
        %get3A_1006 = arith.index_cast %get3A_1005 : i32 to index
        %get3A_1007 = arith.constant 0 : index
        %get3A_1008 = tpu.vector_load %arg8[%get3A_1006, %get3A_1007] {strides = array<i32>} : memref<4x128xi32, #tpu.memory_space<vmem>>, vector<16xi32>,
        %add3A_1009 = arith.addi %get3A_1008, %get3A_1008 : vector<16xi32>
        %swap3A_1010 = arith.constant 3 : i32
        %swap3A_1011 = arith.index_cast %swap3A_1010 : i32 to index
        %swap3A_1012 = arith.constant 0 : index
        %swap3A_1013 = tpu.vector_load %arg8[%swap3A_1011, %swap3A_1012] {strides = array<i32>} : memref<4x128xi32, #tpu.memory_space<vmem>>, vector<16xi32>,
        tpu.vector_store %arg8[%swap3A_1011, %swap3A_1012], %add3A_1009 {strides = array<i32>} : memref<4x128xi32, #tpu.memory_space<vmem>>, vector<16xi32>,
        %get3A_1014 = arith.constant 3 : i32
        %get3A_1015 = arith.index_cast %get3A_1014 : i32 to index
        %get3A_1016 = arith.constant 16 : index
        %get3A_1017 = tpu.vector_load %arg8[%get3A_1015, %get3A_1016] {strides = array<i32>} : memref<4x128xi32, #tpu.memory_space<vmem>>, vector<16xi32>,
        %add3A_1018 = arith.addi %get3A_1017, %get3A_1017 : vector<16xi32>
        %swap3A_1019 = arith.constant 3 : i32
        %swap3A_1020 = arith.index_cast %swap3A_1019 : i32 to index
        %swap3A_1021 = arith.constant 16 : index
        %swap3A_1022 = tpu.vector_load %arg8[%swap3A_1020, %swap3A_1021] {strides = array<i32>} : memref<4x128xi32, #tpu.memory_space<vmem>>, vector<16xi32>,
        tpu.vector_store %arg8[%swap3A_1020, %swap3A_1021], %add3A_1018 {strides = array<i32>} : memref<4x128xi32, #tpu.memory_space<vmem>>, vector<16xi32>,
        %get3A_1023 = arith.constant 3 : i32
        %get3A_1024 = arith.index_cast %get3A_1023 : i32 to index
        %get3A_1025 = arith.constant 32 : index
        %get3A_1026 = tpu.vector_load %arg8[%get3A_1024, %get3A_1025] {strides = array<i32>} : memref<4x128xi32, #tpu.memory_space<vmem>>, vector<16xi32>,
        %add3A_1027 = arith.addi %get3A_1026, %get3A_1026 : vector<16xi32>
        %swap3A_1028 = arith.constant 3 : i32
        %swap3A_1029 = arith.index_cast %swap3A_1028 : i32 to index
        %swap3A_1030 = arith.constant 32 : index
        %swap3A_1031 = tpu.vector_load %arg8[%swap3A_1029, %swap3A_1030] {strides = array<i32>} : memref<4x128xi32, #tpu.memory_space<vmem>>, vector<16xi32>,
        tpu.vector_store %arg8[%swap3A_1029, %swap3A_1030], %add3A_1027 {strides = array<i32>} : memref<4x128xi32, #tpu.memory_space<vmem>>, vector<16xi32>,
        %get3A_1032 = arith.constant 3 : i32
        %get3A_1033 = arith.index_cast %get3A_1032 : i32 to index
        %get3A_1034 = arith.constant 48 : index
        %get3A_1035 = tpu.vector_load %arg8[%get3A_1033, %get3A_1034] {strides = array<i32>} : memref<4x128xi32, #tpu.memory_space<vmem>>, vector<16xi32>,
        %add3A_1036 = arith.addi %get3A_1035, %get3A_1035 : vector<16xi32>
        %swap3A_1037 = arith.constant 3 : i32
        %swap3A_1038 = arith.index_cast %swap3A_1037 : i32 to index
        %swap3A_1039 = arith.constant 48 : index
        %swap3A_1040 = tpu.vector_load %arg8[%swap3A_1038, %swap3A_1039] {strides = array<i32>} : memref<4x128xi32, #tpu.memory_space<vmem>>, vector<16xi32>,
        tpu.vector_store %arg8[%swap3A_1038, %swap3A_1039], %add3A_1036 {strides = array<i32>} : memref<4x128xi32, #tpu.memory_space<vmem>>, vector<16xi32>,
        %get3A_1041 = arith.constant 3 : i32
        %get3A_1042 = arith.index_cast %get3A_1041 : i32 to index
        %get3A_1043 = arith.constant 64 : index
        %get3A_1044 = tpu.vector_load %arg8[%get3A_1042, %get3A_1043] {strides = array<i32>} : memref<4x128xi32, #tpu.memory_space<vmem>>, vector<16xi32>,
        %add3A_1045 = arith.addi %get3A_1044, %get3A_1044 : vector<16xi32>
        %swap3A_1046 = arith.constant 3 : i32
        %swap3A_1047 = arith.index_cast %swap3A_1046 : i32 to index
        %swap3A_1048 = arith.constant 64 : index
        %swap3A_1049 = tpu.vector_load %arg8[%swap3A_1047, %swap3A_1048] {strides = array<i32>} : memref<4x128xi32, #tpu.memory_space<vmem>>, vector<16xi32>,
        tpu.vector_store %arg8[%swap3A_1047, %swap3A_1048], %add3A_1045 {strides = array<i32>} : memref<4x128xi32, #tpu.memory_space<vmem>>, vector<16xi32>,
        %get3A_1050 = arith.constant 3 : i32
        %get3A_1051 = arith.index_cast %get3A_1050 : i32 to index
        %get3A_1052 = arith.constant 80 : index
        %get3A_1053 = tpu.vector_load %arg8[%get3A_1051, %get3A_1052] {strides = array<i32>} : memref<4x128xi32, #tpu.memory_space<vmem>>, vector<16xi32>,
        %add3A_1054 = arith.addi %get3A_1053, %get3A_1053 : vector<16xi32>
        %swap3A_1055 = arith.constant 3 : i32
        %swap3A_1056 = arith.index_cast %swap3A_1055 : i32 to index
        %swap3A_1057 = arith.constant 80 : index
        %swap3A_1058 = tpu.vector_load %arg8[%swap3A_1056, %swap3A_1057] {strides = array<i32>} : memref<4x128xi32, #tpu.memory_space<vmem>>, vector<16xi32>,
        tpu.vector_store %arg8[%swap3A_1056, %swap3A_1057], %add3A_1054 {strides = array<i32>} : memref<4x128xi32, #tpu.memory_space<vmem>>, vector<16xi32>,
        %get3A_1059 = arith.constant 3 : i32
        %get3A_1060 = arith.index_cast %get3A_1059 : i32 to index
        %get3A_1061 = arith.constant 96 : index
        %get3A_1062 = tpu.vector_load %arg8[%get3A_1060, %get3A_1061] {strides = array<i32>} : memref<4x128xi32, #tpu.memory_space<vmem>>, vector<16xi32>,
        %add3A_1063 = arith.addi %get3A_1062, %get3A_1062 : vector<16xi32>
        %swap3A_1064 = arith.constant 3 : i32
        %swap3A_1065 = arith.index_cast %swap3A_1064 : i32 to index
        %swap3A_1066 = arith.constant 96 : index
        %swap3A_1067 = tpu.vector_load %arg8[%swap3A_1065, %swap3A_1066] {strides = array<i32>} : memref<4x128xi32, #tpu.memory_space<vmem>>, vector<16xi32>,
        tpu.vector_store %arg8[%swap3A_1065, %swap3A_1066], %add3A_1063 {strides = array<i32>} : memref<4x128xi32, #tpu.memory_space<vmem>>, vector<16xi32>,
        %get3A_1068 = arith.constant 3 : i32
        %get3A_1069 = arith.index_cast %get3A_1068 : i32 to index
        %get3A_1070 = arith.constant 112 : index
        %get3A_1071 = tpu.vector_load %arg8[%get3A_1069, %get3A_1070] {strides = array<i32>} : memref<4x128xi32, #tpu.memory_space<vmem>>, vector<16xi32>,
        %add3A_1072 = arith.addi %get3A_1071, %get3A_1071 : vector<16xi32>
        %swap3A_1073 = arith.constant 3 : i32
        %swap3A_1074 = arith.index_cast %swap3A_1073 : i32 to index
        %swap3A_1075 = arith.constant 112 : index
        %swap3A_1076 = tpu.vector_load %arg8[%swap3A_1074, %swap3A_1075] {strides = array<i32>} : memref<4x128xi32, #tpu.memory_space<vmem>>, vector<16xi32>,
        tpu.vector_store %arg8[%swap3A_1074, %swap3A_1075], %add3A_1072 {strides = array<i32>} : memref<4x128xi32, #tpu.memory_space<vmem>>, vector<16xi32>,
        %dma_start3A_1077 = arith.constant 0 : i32
        %dma_start3A_1078 = arith.constant 0 : i32
        %dma_start3A_1079 = arith.constant 0 : i32
        %dma_start3A_1080 = tpu.memref_slice %arg10[%dma_start3A_1078, %dma_start3A_1079] : memref<512x64xf32, #tpu.memory_space<vmem>> -> memref<128x64xf32, #tpu.memory_space<vmem>>
        %dma_start3A_1081 = arith.constant 0 : i32
        %dma_start3A_1082 = tpu.memref_slice %arg8[%dma_start3A_1077, %dma_start3A_1081] : memref<4x128xi32, #tpu.memory_space<vmem>> -> memref<1x128xi32, #tpu.memory_space<vmem>>
        %dma_start3A_1083 = tpu.memref_squeeze %dma_start3A_1082 : memref<1x128xi32, #tpu.memory_space<vmem>> -> memref<128xi32, #tpu.memory_space<vmem>>
        %dma_start3A_1084 = arith.constant 0 : i32
        %dma_start3A_1085 = arith.constant 0 : i32
        %dma_start3A_1086 = tpu.memref_slice %arg3[%dma_start3A_1084, %dma_start3A_1085] : memref<2000000x64xf32, #tpu.memory_space<hbm>> -> memref<2000000x64xf32, #tpu.memory_space<hbm>>
        tpu.enqueue_indirect_dma source(%dma_start3A_1086 : memref<2000000x64xf32, #tpu.memory_space<hbm>>) target(%dma_start3A_1080 : memref<128x64xf32, #tpu.memory_space<vmem>>) offsets(%dma_start3A_1083 : memref<128xi32, #tpu.memory_space<vmem>>) semaphore(%arg15 : memref<!tpu.dma_semaphore, #tpu.memory_space<semaphore_mem>>)
        %dma_start3A_1087 = arith.constant 1 : i32
        %dma_start3A_1088 = arith.constant 128 : i32
        %dma_start3A_1089 = arith.constant 0 : i32
        %dma_start3A_1090 = tpu.memref_slice %arg10[%dma_start3A_1088, %dma_start3A_1089] : memref<512x64xf32, #tpu.memory_space<vmem>> -> memref<128x64xf32, #tpu.memory_space<vmem>>
        %dma_start3A_1091 = arith.constant 0 : i32
        %dma_start3A_1092 = tpu.memref_slice %arg8[%dma_start3A_1087, %dma_start3A_1091] : memref<4x128xi32, #tpu.memory_space<vmem>> -> memref<1x128xi32, #tpu.memory_space<vmem>>
        %dma_start3A_1093 = tpu.memref_squeeze %dma_start3A_1092 : memref<1x128xi32, #tpu.memory_space<vmem>> -> memref<128xi32, #tpu.memory_space<vmem>>
        %dma_start3A_1094 = arith.constant 0 : i32
        %dma_start3A_1095 = arith.constant 0 : i32
        %dma_start3A_1096 = tpu.memref_slice %arg3[%dma_start3A_1094, %dma_start3A_1095] : memref<2000000x64xf32, #tpu.memory_space<hbm>> -> memref<2000000x64xf32, #tpu.memory_space<hbm>>
        tpu.enqueue_indirect_dma source(%dma_start3A_1096 : memref<2000000x64xf32, #tpu.memory_space<hbm>>) target(%dma_start3A_1090 : memref<128x64xf32, #tpu.memory_space<vmem>>) offsets(%dma_start3A_1093 : memref<128xi32, #tpu.memory_space<vmem>>) semaphore(%arg15 : memref<!tpu.dma_semaphore, #tpu.memory_space<semaphore_mem>>)
        %dma_start3A_1097 = arith.constant 2 : i32
        %dma_start3A_1098 = arith.constant 256 : i32
        %dma_start3A_1099 = arith.constant 0 : i32
        %dma_start3A_1100 = tpu.memref_slice %arg10[%dma_start3A_1098, %dma_start3A_1099] : memref<512x64xf32, #tpu.memory_space<vmem>> -> memref<128x64xf32, #tpu.memory_space<vmem>>
        %dma_start3A_1101 = arith.constant 0 : i32
        %dma_start3A_1102 = tpu.memref_slice %arg8[%dma_start3A_1097, %dma_start3A_1101] : memref<4x128xi32, #tpu.memory_space<vmem>> -> memref<1x128xi32, #tpu.memory_space<vmem>>
        %dma_start3A_1103 = tpu.memref_squeeze %dma_start3A_1102 : memref<1x128xi32, #tpu.memory_space<vmem>> -> memref<128xi32, #tpu.memory_space<vmem>>
        %dma_start3A_1104 = arith.constant 0 : i32
        %dma_start3A_1105 = arith.constant 0 : i32
        %dma_start3A_1106 = tpu.memref_slice %arg3[%dma_start3A_1104, %dma_start3A_1105] : memref<2000000x64xf32, #tpu.memory_space<hbm>> -> memref<2000000x64xf32, #tpu.memory_space<hbm>>
        tpu.enqueue_indirect_dma source(%dma_start3A_1106 : memref<2000000x64xf32, #tpu.memory_space<hbm>>) target(%dma_start3A_1100 : memref<128x64xf32, #tpu.memory_space<vmem>>) offsets(%dma_start3A_1103 : memref<128xi32, #tpu.memory_space<vmem>>) semaphore(%arg15 : memref<!tpu.dma_semaphore, #tpu.memory_space<semaphore_mem>>)
        %dma_start3A_1107 = arith.constant 3 : i32
        %dma_start3A_1108 = arith.constant 384 : i32
        %dma_start3A_1109 = arith.constant 0 : i32
        %dma_start3A_1110 = tpu.memref_slice %arg10[%dma_start3A_1108, %dma_start3A_1109] : memref<512x64xf32, #tpu.memory_space<vmem>> -> memref<128x64xf32, #tpu.memory_space<vmem>>
        %dma_start3A_1111 = arith.constant 0 : i32
        %dma_start3A_1112 = tpu.memref_slice %arg8[%dma_start3A_1107, %dma_start3A_1111] : memref<4x128xi32, #tpu.memory_space<vmem>> -> memref<1x128xi32, #tpu.memory_space<vmem>>
        %dma_start3A_1113 = tpu.memref_squeeze %dma_start3A_1112 : memref<1x128xi32, #tpu.memory_space<vmem>> -> memref<128xi32, #tpu.memory_space<vmem>>
        %dma_start3A_1114 = arith.constant 0 : i32
        %dma_start3A_1115 = arith.constant 0 : i32
        %dma_start3A_1116 = tpu.memref_slice %arg3[%dma_start3A_1114, %dma_start3A_1115] : memref<2000000x64xf32, #tpu.memory_space<hbm>> -> memref<2000000x64xf32, #tpu.memory_space<hbm>>
        tpu.enqueue_indirect_dma source(%dma_start3A_1116 : memref<2000000x64xf32, #tpu.memory_space<hbm>>) target(%dma_start3A_1110 : memref<128x64xf32, #tpu.memory_space<vmem>>) offsets(%dma_start3A_1113 : memref<128xi32, #tpu.memory_space<vmem>>) semaphore(%arg15 : memref<!tpu.dma_semaphore, #tpu.memory_space<semaphore_mem>>)
      } else {
      }
      %scan3A_783 = arith.constant 0 : i32
      scf.yield %scan3A_783 : i32
    }
    %scan3A_684 = arith.constant 25 : i32
    %dma_wait3A = arith.constant 0 : i32
    %dma_wait3A_685 = arith.constant 0 : i32
    %dma_wait3A_686 = tpu.memref_slice %arg6[%dma_wait3A, %dma_wait3A_685] : memref<409600x128xf32, #tpu.memory_space<hbm>> -> memref<256x128xf32, #tpu.memory_space<hbm>>
    %dma_wait3A_687 = arith.constant 0 : i32
    %dma_wait3A_688 = arith.constant 0 : i32
    %dma_wait3A_689 = tpu.memref_slice %arg6[%dma_wait3A_687, %dma_wait3A_688] : memref<409600x128xf32, #tpu.memory_space<hbm>> -> memref<256x128xf32, #tpu.memory_space<hbm>>
    tpu.wait_dma2 semaphore(%arg16 : memref<!tpu.dma_semaphore, #tpu.memory_space<semaphore_mem>>) src(%arg11 : memref<256x128xf32, #tpu.memory_space<vmem>>) dst(%dma_wait3A_689 : memref<256x128xf32, #tpu.memory_space<hbm>>)
    return
  }
}

</mosaic_0001>

<sc_bundles>
// kernel: _sc_embed_ln.3.cloned.1.call-start
scs
__scs_entry_jumppad:
0x0: {  	(pc) =	sbr.rel $0x88, $3  }
0x1: {  	(tag) =	ssettag $0x0;
	lr =	simm.s32 $0x1  }
0x2: {  	[smem:$0x3F9D] =	sst lr;
	_ =	strace $0xD0000000  }
0x3: {  	_ = 	snop  }
0x4: {  	_ = 	snop  }
0x5: {  	_ = 	snop  }
0x6: {  	_ = 	snop  }
0x7: {  	_ = 	snop  }
__scs_overlays_trampoline_lowered:
0x8: {  	[smem:$0x3FAC] =	sst s0  }
0x9: {  	[smem:$0x3FAD] =	sst s1  }
0xa: {  	[smem:$0x3FAE] =	sst s2  }
0xb: {  	[smem:$0x3FAF] =	sst s3  }
0xc: {  	[smem:$0x3FB0] =	sst s4  }
0xd: {  	[smem:$0x3FB1] =	sst s5  }
0xe: {  	[smem:$0x3FB2] =	sst s6  }
0xf: {  	[smem:$0x3FB3] =	sst s7  }
0x10: {  	[smem:$0x3FB4] =	sst s8  }
0x11: {  	[smem:$0x3FB5] =	sst s9;
	s0 =	simm.s32 @!p0 $0x0  }
0x12: {  	s1 =	sld [smem:$0x3F9B];
	s0 =	simm.s32 @p0 $0x1  }
0x13: {  	[smem:$0x3FB6] =	sst s0;
	s0 =	simm.s32 @!p1 $0x0  }
0x14: {  	s2 =	sld [smem:$0x3F9A];
	s0 =	simm.s32 @p1 $0x1  }
0x15: {  	[smem:$0x3FB7] =	sst s0;
	s0 =	simm.s32 @!p2 $0x0  }
0x16: {  	s3 =	sld [smem:$0x3FDB];
	s0 =	simm.s32 @p2 $0x1  }
0x17: {  	s4 =	simm.s32 $0x1BF5;
	[smem:$0x3FB9] =	sst s0  }
0x18: {  	s0 =	sld [smem:$0x3F9C];
	_ =	swait.ge [sflag:s4], $0x0  }
0x19: {  	s7 =	sld [smem:$0x3F9D]  }
0x1a: {  	s8 =	sadd.s32 $0xFFFFE003, lr  }
0x1b: {  	s9 =	sadd.s32 $0xFFFFFEF7, lr;
	s5 =	simm.s32 $0xFFFFFFFF;
	p2 =	slt.u32 s8, $0xFFFFF086  }
0x1c: {  	p1 =	slt.u32 s9, $0xF7A;
	s5 =	simm.s32 @!p2 $0x0  }
0x1d: {  	s5 =	simm.s32 @p1 $0x1;
	p0 =	seq.s32 s7, s2  }
0x1e: {  	s7 =	smul.u32 @!p0 $0xF7A, s2;
	p2 =	seq.s32 @!p0 s5, $0x0  }
0x1f: {  	s9 =	smul.u32 $0xF7A, s1;
	s8 =	simm.s32 @!p0 $0x1BF5;
	p2 =	por !p2, p0  }
0x20: {  	[sflag:s8] =	ssyncset.s32 @!p0 $0xFFFFF086;
	s6 =	sadd.s32 @!p0 s3, s7;
	s7 =	simm.s32 @!p0 $0x108  }
0x21: {  	s3 =	sadd.s32 s3, s9;
	s6 =	sadd.s32 @!p0 $0x88, s6;
	s7 =	simm.s32 @p2 $0x1082  }
0x22: {  	[simem:s7], [sflag:s8] =	dma.local @!p0 [hbm:s6], $0xF7A  }
0x23: {  	s9 =	sor.u32 $0xD0000000, s2;
	s6 =	simm.s32 $0x108;
	_ =	swait.ge @!p0 [sflag:s8], $0x0  }
0x24: {  	s3 =	sadd.s32 $0x88, s3;
	s6 =	simm.s32 @!p1 $0x1082;
	[sflag:s4] =	ssyncset.s32 $0xFFFFF086  }
0x25: {  	[simem:s6], [sflag:s4] =	dma.local [hbm:s3], $0xF7A  }
0x26: {  	[smem:$0x3F9D] =	sst s1;
	(tag) =	ssettag s2;
	_ =	strace s9  }
0x27: {  	s1 =	sld [smem:$0x3FAD]  }
0x28: {  	s2 =	sld [smem:$0x3FAE]  }
0x29: {  	s4 =	sld [smem:$0x3FB0]  }
0x2a: {  	p0 =	seq.s32 s5, $0x0;
	s5 =	sld [smem:$0x3FB1]  }
0x2b: {  	s6 =	sld [smem:$0x3FB2]  }
0x2c: {  	s7 =	sld [smem:$0x3FB3]  }
0x2d: {  	s3 =	simm.s32 $0x108;
	s8 =	sld [smem:$0x3FB4]  }
0x2e: {  	s3 =	simm.s32 @!p0 $0x1082;
	s9 =	sld [smem:$0x3FB5]  }
0x2f: {  	lr =	sadd.s32 s0, s3;
	s0 =	sld [smem:$0x3FAC]  }
0x30: {  	s3 =	sld [smem:$0x3FAF]  }
0x31: {  	[smem:$0x3FB8] =	sst s10  }
0x32: {  	s10 =	sld [smem:$0x3FB6];
	_ =	sdelay $0x3  }
0x33: {  	p0 =	seq.s32 s10, $0x1;
	s10 =	sld [smem:$0x3FB8];
	_ =	sdelay $0x3  }
0x34: {  	[smem:$0x3FB8] =	sst s10  }
0x35: {  	s10 =	sld [smem:$0x3FB7];
	_ =	sdelay $0x3  }
0x36: {  	p1 =	seq.s32 s10, $0x1;
	s10 =	sld [smem:$0x3FB8];
	_ =	sdelay $0x3  }
0x37: {  	[smem:$0x3FB8] =	sst s10  }
0x38: {  	s10 =	sld [smem:$0x3FB9]  }
0x39: {  	_ = 	snop;
	(pc) =	sbr.ind lr, $3  }
0x3a: {  	_ = 	snop  }
0x3b: {  	_ = 	snop  }
0x3c: {  	p2 =	seq.s32 s10, $0x1;
	s10 =	sld [smem:$0x3FB8]  }
0x3d: {  	_ =	shalt  }
0x3e: {  	_ =	shalt  }
0x3f: {  	_ =	shalt  }
0x40: {  	_ =	shalt  }
0x41: {  	_ =	shalt  }
0x42: {  	_ =	shalt  }
0x43: {  	_ =	shalt  }
0x44: {  	_ =	shalt  }
0x45: {  	_ =	shalt  }
0x46: {  	_ =	shalt  }
0x47: {  	_ =	shalt  }
0x48: {  	_ =	shalt  }
0x49: {  	_ =	shalt  }
0x4a: {  	_ =	shalt  }
0x4b: {  	_ =	shalt  }
0x4c: {  	_ =	shalt  }
0x4d: {  	_ =	shalt  }
0x4e: {  	_ =	shalt  }
0x4f: {  	_ =	shalt  }
0x50: {  	_ =	shalt  }
0x51: {  	_ =	shalt  }
0x52: {  	_ =	shalt  }
0x53: {  	_ =	shalt  }
0x54: {  	_ =	shalt  }
0x55: {  	_ =	shalt  }
0x56: {  	_ =	shalt  }
0x57: {  	_ =	shalt  }
0x58: {  	_ =	shalt  }
0x59: {  	_ =	shalt  }
0x5a: {  	_ =	shalt  }
0x5b: {  	_ =	shalt  }
0x5c: {  	_ =	shalt  }
0x5d: {  	_ =	shalt  }
0x5e: {  	_ =	shalt  }
0x5f: {  	_ =	shalt  }
0x60: {  	_ =	shalt  }
0x61: {  	_ =	shalt  }
0x62: {  	_ =	shalt  }
0x63: {  	_ =	shalt  }
0x64: {  	_ =	shalt  }
0x65: {  	_ =	shalt  }
0x66: {  	_ =	shalt  }
0x67: {  	_ =	shalt  }
0x68: {  	_ =	shalt  }
0x69: {  	_ =	shalt  }
0x6a: {  	_ =	shalt  }
0x6b: {  	_ =	shalt  }
0x6c: {  	_ =	shalt  }
0x6d: {  	_ =	shalt  }
0x6e: {  	_ =	shalt  }
0x6f: {  	_ =	shalt  }
0x70: {  	_ =	shalt  }
0x71: {  	_ =	shalt  }
0x72: {  	_ =	shalt  }
0x73: {  	_ =	shalt  }
0x74: {  	_ =	shalt  }
0x75: {  	_ =	shalt  }
0x76: {  	_ =	shalt  }
0x77: {  	_ =	shalt  }
0x78: {  	_ =	shalt  }
0x79: {  	_ =	shalt  }
0x7a: {  	_ =	shalt  }
0x7b: {  	_ =	shalt  }
0x7c: {  	_ =	shalt  }
0x7d: {  	_ =	shalt  }
0x7e: {  	_ =	shalt  }
0x7f: {  	_ =	shalt  }
0x80: {  	_ =	shalt  }
0x81: {  	_ =	shalt  }
0x82: {  	_ =	shalt  }
0x83: {  	_ =	shalt  }
0x84: {  	_ =	shalt  }
0x85: {  	_ =	shalt  }
0x86: {  	_ =	shalt  }
0x87: {  	_ =	shalt  }
.Lfunc_end0:
.L_simem_size_0:
called_computation_lowered:
.L_overlay_start_0:
0x88: {  	s2 =	sld [smem:$0x3FD9]  }
0x89: {  	s3 =	sld [smem:$0x3FFE];
	_ =	sdelay $0x1  }
0x8a: {  	s1 =	srdreg.scid  }
0x8b: {  	s0 =	sand.u32 $0x1, s1  }
0x8c: {  	s17 =	sshll.u32 s0, $0xA;
	s2 =	sadd.s32 s3, s2  }
0x8d: {  	s2 =	sadd.s32 s2, s17  }
0x8e: {  	[smem:$0x3FC4] =	sst s2  }
0x8f: {  	_ = 	snop  }
0x90: {  	s2 =	sld [smem:$0x3FC9]  }
0x91: {  	s18 =	sld [smem:$0x3FC7]  }
0x92: {  	s4 =	sld [smem:$0x3FC6]  }
0x93: {  	s5 =	sld [smem:$0x3FD0];
	(tm) =	ssettm $0x1  }
0x94: {  	s6 =	sld [smem:$0x3FFB];
	_ =	sdelay $0x3  }
0x95: {  	_ =	strace s6  }
0x96: {  	s6 =	sld [smem:$0x3FFC];
	_ =	sdelay $0x3  }
0x97: {  	_ =	strace s6  }
0x98: {  	s6 =	sld [smem:$0x3FFD];
	_ =	sdelay $0x3  }
0x99: {  	_ =	strace s6  }
0x9a: {  	_ =	strace $0x8FFFFFFF  }
0x9b: {  	s19 =	sld [smem:$0x3FDB];
	_ =	sdelay $0x1  }
0x9c: {  	s7 =	simm.s32 $_scs_section_size  }
0x9d: {  	s8 =	simm.s32 $_size__tile_overlayer_lowered;
	s9 =	simm.s32 $_tile_overlayer_lowered  }
0x9e: {  	s22 =	simm.s32 $0x1BFF;
	s21 =	sshll.u32 s9, $0x1;
	s6 =	sadd.s32 s7, s19  }
0x9f: {  	s10 =	simm.s32 $0x0;
	s20 =	sshll.u32 s8, $0x1;
	s8 =	sadd.s32 s21, s6  }
0xa0: {  	[timem:s10], [sflag:s22] =	dma.local [hbm:s8], s20  }
0xa1: {  	_ =	swait.ge [sflag:s22], s20  }
0xa2: {  	s7 =	ssub.s32 $0x0, s20;
	[sflag:s22] =	ssyncset.done $0x0  }
0xa3: {  	[sflag:s22] =	ssyncadd.s32 s7;
	_ =	sdelay $0x1  }
0xa4: {  	s23 =	simm.s32 $0x1B8B  }
0xa5: {  	_ =	swait.ge [sflag:s23], $0x1  }
0xa6: {  	[sflag:s23] =	ssyncset.done $0x0  }
0xa7: {  	s25 =	simm.s32 $0x1B8E;
	s24 =	sld [smem:$0x3FFE];
	[sflag:s23] =	ssyncadd.s32 $0xFFFFFFFF  }
0xa8: {  	s26 =	simm.s32 $execute0_lowered;
	[smem:$0x3FD2] =	sst s25  }
0xa9: {  	s8 =	sshll.u32 s26, $0x1;
	_ =	strace $0x80000046;
	[dreg:$0x1] =	wrdreg $0xFFFFFFFF  }
0xaa: {  	s28 =	simm.s32 $_size_execute0_lowered;
	s6 =	sadd.s32 s6, s8;
	[dreg:$0x0] =	wrdreg $0x0  }
0xab: {  	s8 =	sshll.u32 s28, $0x1;
	[dreg:$0x2] =	wrdreg s6  }
0xac: {  	[dreg:$0x3] =	wrdreg s8  }
0xad: {  	[dreg:$0x4] =	wrdreg $0xC0  }
0xae: {  	_ =	task [dreg:s10], $0x5FFFF  }
0xaf: {  	[dreg:$0x1] =	wrdreg $0xFFFFFFFF  }
0xb0: {  	[dreg:$0x0] =	wrdreg $0x60  }
0xb1: {  	[dreg:$0x2] =	wrdreg s2  }
0xb2: {  	[dreg:$0x3] =	wrdreg s24  }
0xb3: {  	[dreg:$0x4] =	wrdreg s18  }
0xb4: {  	[dreg:$0x5] =	wrdreg s4  }
0xb5: {  	[dreg:$0x6] =	wrdreg s5  }
0xb6: {  	[dreg:$0x7] =	wrdreg $0x9  }
0xb7: {  	_ =	task.clear_ibuf [dreg:s10], $0x8FFFF;
	_ =	strace $0x90000046  }
0xb8: {  	s29 =	simm.s32 $0x9;
	_ =	strace $0x80000048  }
0xb9: {  	_ =	swait.ge [sflag:s29], $0x1  }
0xba: {  	[sflag:s29] =	ssyncadd.s32 $0xFFFFFFFF  }
0xbb: {  	_ =	strace $0x90000048  }
0xbc: {  	_ =	sfence  }
0xbd: {  	s30 =	sld [smem:$0x0];
	_ =	sdelay $0x2  }
0xbe: {  	s31 =	sshll.u32 s1, $0xD;
	s1 =	sshrl.u32 s1, $0x2  }
0xbf: {  	s3 =	sand.u32 $0x4000, s31;
	s1 =	sadd.s32 s1, s30  }
0xc0: {  	s0 =	sor.u32 s3, s0;
	s1 =	sshll.u32 s1, $0x11  }
0xc1: {  	s0 =	sor.u32 s1, s0  }
0xc2: {  	s0 =	sadd.s32 $0x8F2B, s0  }
0xc3: {  	[sflag:s0] =	ssyncadd.remote.s32 $0x1  }
0xc4: {  	_ =	sfence.sel $0xFFFF  }
0xc5: {  	[dreg:$0x0] =	wrdreg $0xFFFFFFFF;
	(pc) =	sbr.abs _section_cstart, $3  }
0xc6: {  	[dreg:$0x1] =	wrdreg $0xFFFFFFFF  }
0xc7: {  	_ =	task.clear_ibuf [dreg:s10], $0x2FFFF;
	_ =	strace $0x9FFFFFFF  }
0xc8: {  	(tm) =	ssettm $0x7FFFFFFF  }
0xc9: {  	_ =	shalt  }
tec
execute0_lowered:
.L_overlay_start_1:
0x0: {  	(tag) =	ssettag $0x1  }
0x1: {  	s1 =	srdreg.scid;
	s2 =	stileid.u32  }
0x2: {  	s1 =	sand.u32 $0x1, s1;
	s2 =	sshll.u32 s2, $0x1  }
0x3: {  	s2 =	sor.u32 s1, s2  }
0x4: {  	s5 =	rddreg [dreg:$0x0];
	s3 =	smul.u32 $0xC80, s2  }
0x5: {  	s0 =	rddreg [dreg:$0x1];
	s4 =	smul.u32 $0xC8, s2  }
0x6: {  	s6 =	rddreg [dreg:$0x4];
	s18 =	simm.s32 $0x0;
	s28 =	smul.u32 $0x32000, s2  }
0x7: {  	[smem:$0x7FF] =	sst s18;
	s2 =	smul.u32 $0x190000, s2  }
0x8: {  	s7 =	sadd.s32 $0x1E84C00, s0;
	_ =	strace $0x80000047;
	s1 =	ssub.s32 $0x2, s1  }
0x9: {  	s26 =	sshrl.u32 s1, $0x1;
	s3 =	sadd.s32 s5, s3;
	[dreg:$0x8] =	wrdreg s2  }
0xa: {  	s0 =	ssub.s32 s1, s26;
	s29 =	sadd.s32 $0x8, s4;
	[dreg:$0x6] =	wrdreg s3  }
.Ltmp0:
0xb: {  	s30 =	sadd.s32 $0xC, s4;
	[dreg:$0x9] =	wrdreg s29;
	(pc) =	sbr.rel .LBB2_1-.Ltmp0, $4  }
0xc: {  	s0 =	smax.u32 s0, $0x1;
	[dreg:$0xa] =	wrdreg s30  }
0xd: {  	s31 =	sadd.s32 s28, s6;
	s3 =	sadd.s32 $0x40, s3;
	[dreg:$0xb] =	wrdreg s0  }
0xe: {  	s0 =	sadd.s32 $0x1000, s31;
	[dreg:$0x7] =	wrdreg s3  }
0xf: {  	s2 =	simm.s32 $0x0;
	[dreg:$0xc] =	wrdreg s0  }
.LBB2_10:
0x10: {  	s1 =	simm.s32 $0x3  }
0x11: {  	_ =	swait.ge [sflag:s1], $0x8000  }
0x12: {  	s2 =	rddreg [dreg:$0xd]  }
0x13: {  	s0 =	rddreg [dreg:$0xb];
	s2 =	sadd.s32 $0x1, s2  }
0x14: {  	p0 =	sne.s32 s2, s0  }
.Ltmp1:
0x15: {  	_ = 	snop;
	(pc) =	sbr.rel @!p0 .LBB2_11-.Ltmp1, $3  }
0x16: {  	_ =	sdelay $0x1  }
0x17: {  	[sflag:s1] =	ssyncset.done $0x0  }
0x18: {  	[sflag:s1] =	ssyncadd.s32 $0xFFFF8000  }
.LBB2_1:
0x19: {  	[dreg:$0xd] =	wrdreg s2  }
0x1a: {  	s0 =	rddreg [dreg:$0x2];
	s1 =	simm.s32 $0x18400;
	s11 =	simm.s32 $0x4  }
0x1b: {  	[tilespmem:s1], [sflag:$0x4] =	stream.linear.gather [hbm4b:s0+s18], $0x40, $0x38;
	[tilespmem:$0x18480] =	vst v63  }
0x1c: {  	_ =	swait.ge [sflag:s11], $0x40  }
0x1d: {  	[sflag:s11] =	ssyncset.done $0x0  }
0x1e: {  	[sflag:s11] =	ssyncadd.s32 $0xFFFFFFC0  }
0x1f: {  	s13 =	simm.s32 $0x18440;
	s12 =	rddreg [dreg:$0x3]  }
0x20: {  	[tilespmem:s13], [sflag:$0x4] =	stream.linear.gather [hbm4b:s12+s18], $0x40, $0x38;
	[tilespmem:$0x18480] =	vst v63  }
0x21: {  	_ =	swait.ge [sflag:s11], $0x40  }
0x22: {  	[sflag:s11] =	ssyncset.done $0x0  }
0x23: {  	s14 =	rddreg [dreg:$0x6];
	[sflag:s11] =	ssyncadd.s32 $0xFFFFFFC0  }
0x24: {  	[tilespmem:s18], [sflag:$0x4] =	stream.linear.gather [hbm4b:s14+s18], $0x200, $0x38;
	[tilespmem:$0x18480] =	vst v63  }
0x25: {  	_ =	swait.ge [sflag:s11], $0x200  }
0x26: {  	[sflag:s11] =	ssyncset.done $0x0  }
0x27: {  	[sflag:s11] =	ssyncadd.s32 $0xFFFFFE00  }
0x28: {  	v0 =	vld [tilespmem:$0x0]  }
0x29: {  	v1 =	vld [tilespmem:$0x10]  }
0x2a: {  	v2 =	vld [tilespmem:$0x20]  }
0x2b: {  	v3 =	vld [tilespmem:$0x30]  }
0x2c: {  	v4 =	vld [tilespmem:$0x40]  }
0x2d: {  	v5 =	vld [tilespmem:$0x50];
	v0 =	vshll.u32 v0, $0x1  }
0x2e: {  	v58 =	vld [tilespmem:$0x60];
	v57 =	vshll.u32 v1, $0x1;
	[tilespmem:$0x0] =	vst v0  }
0x2f: {  	v60 =	vld [tilespmem:$0x70];
	v59 =	vshll.u32 v2, $0x1;
	[tilespmem:$0x10] =	vst v57  }
0x30: {  	v62 =	vld [tilespmem:$0x80];
	v61 =	vshll.u32 v3, $0x1;
	[tilespmem:$0x20] =	vst v59  }
0x31: {  	v8 =	vld [tilespmem:$0x90];
	v63 =	vshll.u32 v4, $0x1;
	[tilespmem:$0x30] =	vst v61  }
0x32: {  	v10 =	vld [tilespmem:$0xA0];
	v9 =	vshll.u32 v5, $0x1;
	[tilespmem:$0x40] =	vst v63  }
0x33: {  	v12 =	vld [tilespmem:$0xB0];
	v11 =	vshll.u32 v58, $0x1;
	[tilespmem:$0x50] =	vst v9  }
0x34: {  	v14 =	vld [tilespmem:$0xC0];
	v13 =	vshll.u32 v60, $0x1;
	[tilespmem:$0x60] =	vst v11  }
0x35: {  	v16 =	vld [tilespmem:$0xD0];
	v15 =	vshll.u32 v62, $0x1;
	[tilespmem:$0x70] =	vst v13  }
0x36: {  	v18 =	vld [tilespmem:$0xE0];
	v17 =	vshll.u32 v8, $0x1;
	[tilespmem:$0x80] =	vst v15  }
0x37: {  	v20 =	vld [tilespmem:$0xF0];
	v19 =	vshll.u32 v10, $0x1;
	[tilespmem:$0x90] =	vst v17  }
0x38: {  	v22 =	vld [tilespmem:$0x100];
	v21 =	vshll.u32 v12, $0x1;
	[tilespmem:$0xA0] =	vst v19  }
0x39: {  	v24 =	vld [tilespmem:$0x110];
	v23 =	vshll.u32 v14, $0x1;
	[tilespmem:$0xB0] =	vst v21  }
0x3a: {  	v26 =	vld [tilespmem:$0x120];
	v25 =	vshll.u32 v16, $0x1;
	[tilespmem:$0xC0] =	vst v23  }
0x3b: {  	v28 =	vld [tilespmem:$0x130];
	v27 =	vshll.u32 v18, $0x1;
	[tilespmem:$0xD0] =	vst v25  }
0x3c: {  	v30 =	vld [tilespmem:$0x140];
	v29 =	vshll.u32 v20, $0x1;
	[tilespmem:$0xE0] =	vst v27  }
0x3d: {  	v32 =	vld [tilespmem:$0x150];
	v31 =	vshll.u32 v22, $0x1;
	[tilespmem:$0xF0] =	vst v29  }
0x3e: {  	v34 =	vld [tilespmem:$0x160];
	v33 =	vshll.u32 v24, $0x1;
	[tilespmem:$0x100] =	vst v31  }
0x3f: {  	v36 =	vld [tilespmem:$0x170];
	v35 =	vshll.u32 v26, $0x1;
	[tilespmem:$0x110] =	vst v33  }
0x40: {  	v38 =	vld [tilespmem:$0x180];
	v37 =	vshll.u32 v28, $0x1;
	[tilespmem:$0x120] =	vst v35  }
0x41: {  	v40 =	vld [tilespmem:$0x190];
	v39 =	vshll.u32 v30, $0x1;
	[tilespmem:$0x130] =	vst v37  }
0x42: {  	v42 =	vld [tilespmem:$0x1A0];
	v41 =	vshll.u32 v32, $0x1;
	[tilespmem:$0x140] =	vst v39  }
0x43: {  	v44 =	vld [tilespmem:$0x1B0];
	v43 =	vshll.u32 v34, $0x1;
	[tilespmem:$0x150] =	vst v41  }
0x44: {  	v46 =	vld [tilespmem:$0x1C0];
	v45 =	vshll.u32 v36, $0x1;
	[tilespmem:$0x160] =	vst v43  }
0x45: {  	v48 =	vld [tilespmem:$0x1D0];
	v47 =	vshll.u32 v38, $0x1;
	[tilespmem:$0x170] =	vst v45  }
0x46: {  	v50 =	vld [tilespmem:$0x1E0];
	v49 =	vshll.u32 v40, $0x1;
	[tilespmem:$0x180] =	vst v47  }
0x47: {  	v52 =	vld [tilespmem:$0x1F0];
	v51 =	vshll.u32 v42, $0x1;
	[tilespmem:$0x190] =	vst v49  }
0x48: {  	v53 =	vshll.u32 v44, $0x1;
	[tilespmem:$0x1A0] =	vst v51  }
0x49: {  	v54 =	vshll.u32 v46, $0x1;
	[tilespmem:$0x1B0] =	vst v53  }
0x4a: {  	v55 =	vshll.u32 v48, $0x1;
	[tilespmem:$0x1C0] =	vst v54  }
0x4b: {  	v56 =	vshll.u32 v50, $0x1;
	[tilespmem:$0x1D0] =	vst v55  }
0x4c: {  	[tilespmem:$0x1E0] =	vst v56;
	v57 =	vshll.u32 v52, $0x1  }
0x4d: {  	s15 =	simm.s32 $0x80;
	s16 =	simm.s32 $0x400;
	[tilespmem:$0x1F0] =	vst v57  }
0x4e: {  	[tilespmem:s16], [sflag:$0x1] =	stream.indirect.gather [hbm4b:s7+s15], $0x40, s18, s15, $0xb8;
	[tilespmem:$0x18480] =	vst v63  }
0x4f: {  	s17 =	simm.s32 $0x2400  }
0x50: {  	[tilespmem:s17], [sflag:$0x1] =	stream.indirect.gather [hbm4b:s7+s15], $0x40, s15, s15, $0xb8;
	[tilespmem:$0x18480] =	vst v63  }
0x51: {  	s19 =	simm.s32 $0x100;
	s3 =	simm.s32 $0x4400  }
0x52: {  	[tilespmem:s3], [sflag:$0x1] =	stream.indirect.gather [hbm4b:s7+s15], $0x40, s19, s15, $0xb8;
	[tilespmem:$0x18480] =	vst v63  }
0x53: {  	s20 =	simm.s32 $0x180;
	s21 =	simm.s32 $0x6400  }
0x54: {  	[tilespmem:s21], [sflag:$0x1] =	stream.indirect.gather [hbm4b:s7+s15], $0x40, s20, s15, $0xb8;
	[tilespmem:$0x18480] =	vst v63  }
0x55: {  	s23 =	simm.s32 $0x200;
	s22 =	rddreg [dreg:$0x7]  }
0x56: {  	[tilespmem:s23], [sflag:$0x4] =	stream.linear.gather [hbm4b:s22+s18], $0x200, $0x38;
	[tilespmem:$0x18480] =	vst v63  }
0x57: {  	_ =	swait.ge [sflag:s11], $0x200  }
0x58: {  	[sflag:s11] =	ssyncset.done $0x0  }
0x59: {  	[sflag:s11] =	ssyncadd.s32 $0xFFFFFE00  }
0x5a: {  	v58 =	vld [tilespmem:$0x200]  }
0x5b: {  	v59 =	vld [tilespmem:$0x210]  }
0x5c: {  	v60 =	vld [tilespmem:$0x220]  }
0x5d: {  	v61 =	vld [tilespmem:$0x230]  }
0x5e: {  	v62 =	vld [tilespmem:$0x240]  }
0x5f: {  	v63 =	vld [tilespmem:$0x250];
	v0 =	vshll.u32 v58, $0x1  }
0x60: {  	v8 =	vld [tilespmem:$0x260];
	v7 =	vshll.u32 v59, $0x1;
	[tilespmem:$0x200] =	vst v0  }
0x61: {  	v10 =	vld [tilespmem:$0x270];
	v9 =	vshll.u32 v60, $0x1;
	[tilespmem:$0x210] =	vst v7  }
0x62: {  	v12 =	vld [tilespmem:$0x280];
	v11 =	vshll.u32 v61, $0x1;
	[tilespmem:$0x220] =	vst v9  }
0x63: {  	v14 =	vld [tilespmem:$0x290];
	v13 =	vshll.u32 v62, $0x1;
	[tilespmem:$0x230] =	vst v11  }
0x64: {  	v16 =	vld [tilespmem:$0x2A0];
	v15 =	vshll.u32 v63, $0x1;
	[tilespmem:$0x240] =	vst v13  }
0x65: {  	v18 =	vld [tilespmem:$0x2B0];
	v17 =	vshll.u32 v8, $0x1;
	[tilespmem:$0x250] =	vst v15  }
0x66: {  	v20 =	vld [tilespmem:$0x2C0];
	v19 =	vshll.u32 v10, $0x1;
	[tilespmem:$0x260] =	vst v17  }
0x67: {  	v22 =	vld [tilespmem:$0x2D0];
	v21 =	vshll.u32 v12, $0x1;
	[tilespmem:$0x270] =	vst v19  }
0x68: {  	v24 =	vld [tilespmem:$0x2E0];
	v23 =	vshll.u32 v14, $0x1;
	[tilespmem:$0x280] =	vst v21  }
0x69: {  	v26 =	vld [tilespmem:$0x2F0];
	v25 =	vshll.u32 v16, $0x1;
	[tilespmem:$0x290] =	vst v23  }
0x6a: {  	v28 =	vld [tilespmem:$0x300];
	v27 =	vshll.u32 v18, $0x1;
	[tilespmem:$0x2A0] =	vst v25  }
0x6b: {  	v30 =	vld [tilespmem:$0x310];
	v29 =	vshll.u32 v20, $0x1;
	[tilespmem:$0x2B0] =	vst v27  }
0x6c: {  	v32 =	vld [tilespmem:$0x320];
	v31 =	vshll.u32 v22, $0x1;
	[tilespmem:$0x2C0] =	vst v29  }
0x6d: {  	v34 =	vld [tilespmem:$0x330];
	v33 =	vshll.u32 v24, $0x1;
	[tilespmem:$0x2D0] =	vst v31  }
0x6e: {  	v36 =	vld [tilespmem:$0x340];
	v35 =	vshll.u32 v26, $0x1;
	[tilespmem:$0x2E0] =	vst v33  }
0x6f: {  	v38 =	vld [tilespmem:$0x350];
	v37 =	vshll.u32 v28, $0x1;
	[tilespmem:$0x2F0] =	vst v35  }
0x70: {  	v40 =	vld [tilespmem:$0x360];
	v39 =	vshll.u32 v30, $0x1;
	[tilespmem:$0x300] =	vst v37  }
0x71: {  	v42 =	vld [tilespmem:$0x370];
	v41 =	vshll.u32 v32, $0x1;
	[tilespmem:$0x310] =	vst v39  }
0x72: {  	v44 =	vld [tilespmem:$0x380];
	v43 =	vshll.u32 v34, $0x1;
	[tilespmem:$0x320] =	vst v41  }
0x73: {  	v46 =	vld [tilespmem:$0x390];
	v45 =	vshll.u32 v36, $0x1;
	[tilespmem:$0x330] =	vst v43  }
0x74: {  	v48 =	vld [tilespmem:$0x3A0];
	v47 =	vshll.u32 v38, $0x1;
	[tilespmem:$0x340] =	vst v45  }
0x75: {  	v50 =	vld [tilespmem:$0x3B0];
	v49 =	vshll.u32 v40, $0x1;
	[tilespmem:$0x350] =	vst v47  }
0x76: {  	v52 =	vld [tilespmem:$0x3C0];
	v51 =	vshll.u32 v42, $0x1;
	[tilespmem:$0x360] =	vst v49  }
0x77: {  	v54 =	vld [tilespmem:$0x3D0];
	v53 =	vshll.u32 v44, $0x1;
	[tilespmem:$0x370] =	vst v51  }
0x78: {  	v56 =	vld [tilespmem:$0x3E0];
	v55 =	vshll.u32 v46, $0x1;
	[tilespmem:$0x380] =	vst v53  }
0x79: {  	v57 =	vshll.u32 v48, $0x1;
	v58 =	vld [tilespmem:$0x3F0];
	[tilespmem:$0x390] =	vst v55  }
0x7a: {  	v59 =	vshll.u32 v50, $0x1;
	[tilespmem:$0x3A0] =	vst v57  }
0x7b: {  	v60 =	vshll.u32 v52, $0x1;
	[tilespmem:$0x3B0] =	vst v59  }
0x7c: {  	v61 =	vshll.u32 v54, $0x1;
	[tilespmem:$0x3C0] =	vst v60  }
0x7d: {  	v62 =	vshll.u32 v56, $0x1;
	[tilespmem:$0x3D0] =	vst v61  }
0x7e: {  	[tilespmem:$0x3E0] =	vst v62;
	v63 =	vshll.u32 v58, $0x1  }
0x7f: {  	s24 =	simm.s32 $0x8400;
	[tilespmem:$0x3F0] =	vst v63  }
0x80: {  	[tilespmem:s24], [sflag:$0x2] =	stream.indirect.gather [hbm4b:s7+s15], $0x40, s23, s15, $0xb8;
	[tilespmem:$0x18480] =	vst v63  }
0x81: {  	s25 =	simm.s32 $0x280;
	s26 =	simm.s32 $0xA400  }
0x82: {  	[tilespmem:s26], [sflag:$0x2] =	stream.indirect.gather [hbm4b:s7+s15], $0x40, s25, s15, $0xb8;
	[tilespmem:$0x18480] =	vst v63  }
0x83: {  	s28 =	simm.s32 $0x300;
	s29 =	simm.s32 $0xC400  }
0x84: {  	[tilespmem:s29], [sflag:$0x2] =	stream.indirect.gather [hbm4b:s7+s15], $0x40, s28, s15, $0xb8;
	[tilespmem:$0x18480] =	vst v63  }
0x85: {  	s30 =	simm.s32 $0x380;
	s31 =	simm.s32 $0xE400;
	s13 =	simm.s32 $0x0  }
0x86: {  	[tilespmem:s31], [sflag:$0x2] =	stream.indirect.gather [hbm4b:s7+s15], $0x40, s30, s15, $0xb8;
	[tilespmem:$0x18480] =	vst v63  }
.LBB2_2:
0x87: {  	s0 =	simm.s32 $0x1  }
0x88: {  	_ =	swait.ge [sflag:s0], $0x8000  }
0x89: {  	p0 =	seq.s32 s13, $0x0;
	[sflag:s0] =	ssyncset.done $0x0  }
0x8a: {  	[sflag:s0] =	ssyncadd.s32 $0xFFFF8000;
	s0 =	simm.s32 @!p0 $0x3  }
0x8b: {  	_ =	swait.ge @!p0 [sflag:s0], $0x8000  }
0x8c: {  	[sflag:s0] =	ssyncset.done @!p0 $0x0  }
0x8d: {  	s9 =	simm.s32 $0x0;
	[sflag:s0] =	ssyncadd.s32 @!p0 $0xFFFF8000  }
0x8e: {  	v5 =	vld [tilespmem:s9+$0x4C0]  }
0x8f: {  	v6 =	vld [tilespmem:s9+$0x4D0]  }
0x90: {  	v7 =	vld [tilespmem:s9+$0x4E0]  }
0x91: {  	v1 =	vld [tilespmem:s9+$0x4F0]  }
0x92: {  	v30 =	vld [tilespmem:s9+$0x400]  }
0x93: {  	v33 =	vld [tilespmem:s9+$0x410]  }
0x94: {  	v28 =	vld [tilespmem:s9+$0x420]  }
0x95: {  	v29 =	vld [tilespmem:s9+$0x430];
	v0 =	vmul.f32 v5, v5;
	v2 =	vmul.f32 v6, v6  }
0x96: {  	v31 =	vld [tilespmem:s9+$0x440];
	v3 =	vmul.f32 v7, v7;
	v4 =	vmul.f32 v1, v1  }
0x97: {  	v36 =	vld [tilespmem:s9+$0x450];
	v8 =	vadd.f32 v6, v5;
	v9 =	vadd.f32 v1, v7  }
0x98: {  	v32 =	vld [tilespmem:s9+$0x460];
	v0 =	vadd.f32 v2, v0;
	v2 =	vadd.f32 v4, v3  }
0x99: {  	v41 =	vld [tilespmem:s9+$0x470];
	v3 =	vadd.f32 v9, v8  }
0x9a: {  	v0 =	vadd.f32 v2, v0  }
0x9b: {  	v10 =	vld [tilespmem:s9+$0x490];
	(xrf2) =	vadd.scan.msk.f32 $0xffff, v3;
	v2 =	vadd.f32 v33, v30;
	v3 =	vadd.f32 v29, v28  }
0x9c: {  	v11 =	vld [tilespmem:s9+$0x4B0]  }
0x9d: {  	v9 =	vld [tilespmem:s9+$0x4A0];
	(xrf2) =	vadd.scan.msk.f32 $0xffff, v0;
	v0 =	vadd.f32 v3, v2  }
0x9e: {  	v8 =	vld [tilespmem:s9+$0x480];
	v2 =	vadd.f32 v36, v31;
	v3 =	vadd.f32 v41, v32;
	_ =	sdelay $0x1  }
0x9f: {  	(xrf2) =	vadd.scan.msk.f32 $0xffff, v0;
	v0 =	vadd.f32 v3, v2  }
0xa0: {  	v13 =	vmul.f32 v29, v29;
	v2 =	vmul.f32 v30, v30  }
0xa1: {  	v12 =	vadd.f32 v11, v9;
	v3 =	vmul.f32 v33, v33;
	(xrf2) =	vadd.scan.msk.f32 $0xffff, v0;
	v0 =	vmul.f32 v28, v28  }
0xa2: {  	v14 =	vmul.f32 v36, v36;
	v4 =	vadd.f32 v10, v8  }
0xa3: {  	v2 =	vadd.f32 v3, v2;
	v3 =	vmul.f32 v31, v31;
	v0 =	vadd.f32 v13, v0  }
0xa4: {  	v15 =	vmul.f32 v41, v41;
	v4 =	vadd.f32 v12, v4;
	v13 =	vmul.f32 v32, v32  }
0xa5: {  	v3 =	vadd.f32 v14, v3;
	v12, _, _ =	vpop (xrf2);
	v0 =	vadd.f32 v0, v2  }
0xa6: {  	v2 =	vadd.f32 v15, v13;
	(v2sf) =	vpush v12, $0xF;
	v12, _, _ =	vpop (xrf2)  }
0xa7: {  	(xrf2) =	vadd.scan.msk.f32 $0xffff, v4;
	(v2sf) =	vpush v12, $0xF  }
0xa8: {  	v14 =	vmul.f32 v11, v11;
	v13 =	vmul.f32 v9, v9;
	v2 =	vadd.f32 v2, v3  }
0xa9: {  	v4 =	vmul.f32 v8, v8;
	v12 =	vmul.f32 v10, v10  }
0xaa: {  	(xrf2) =	vadd.scan.msk.f32 $0xffff, v0;
	v3 =	vadd.f32 v14, v13;
	v0, _, _ =	vpop (xrf2)  }
0xab: {  	(v2sf) =	vpush v0, $0xF;
	v0 =	vadd.f32 v12, v4  }
0xac: {  	(xrf2) =	vadd.scan.msk.f32 $0xffff, v2;
	v2, _, _ =	vpop (xrf2)  }
0xad: {  	(v2sf) =	vpush v2, $0xF;
	v0 =	vadd.f32 v3, v0;
	_ =	sdelay $0x1  }
0xae: {  	(xrf2) =	vadd.scan.msk.f32 $0xffff, v0;
	_ =	sdelay $0x1  }
0xaf: {  	v0, _, _ =	vpop (xrf2)  }
0xb0: {  	(v2sf) =	vpush v0, $0xF;
	_ =	sdelay $0x2  }
0xb1: {  	v0, _, _ =	vpop (xrf2);
	s22 =	spop (v2sf)  }
0xb2: {  	(v2sf) =	vpush v0, $0xF;
	s0 =	smul.f32 $1.562500000e-02, s22;
	s1 =	spop (v2sf)  }
0xb3: {  	v0, _, _ =	vpop (xrf2);
	s1 =	smul.f32 $1.562500000e-02, s1  }
0xb4: {  	s19 =	simm.s32 $0x100;
	(v2sf) =	vpush v0, $0xF;
	s3 =	smul.f32 s0, s0  }
0xb5: {  	v24 =	vld [tilespmem:s19+$0x4C0];
	v0, _, _ =	vpop (xrf2)  }
0xb6: {  	v25 =	vld [tilespmem:s19+$0x4D0];
	s23 =	spop (v2sf);
	(v2sf) =	vpush v0, $0xF;
	s1 =	ssub.f32 s1, s3  }
0xb7: {  	v26 =	vld [tilespmem:s19+$0x4E0];
	s30 =	smul.f32 $1.562500000e-02, s23  }
0xb8: {  	v27 =	vld [tilespmem:s19+$0x4F0];
	s24 =	spop (v2sf);
	s1 =	smax.f32 s1, $0.0e+00  }
0xb9: {  	s22 =	smul.f32 $1.562500000e-02, s24;
	s1 =	sadd.f32 $9.999999960e-13, s1  }
0xba: {  	s26 =	smul.f32 s30, s30  }
0xbb: {  	s25 =	sshrl.u32 s1, $0x1;
	s4 =	smul.f32 $5.000000000e-01, s1  }
0xbc: {  	v20 =	vadd.f32 v25, v24;
	v2 =	vmul.f32 v25, v25;
	v0 =	vmul.f32 v24, v24;
	s6 =	smul.f32 s22, s22;
	s3 =	ssub.s32 $0x5F3759DF, s25  }
0xbd: {  	v21 =	vadd.f32 v27, v26;
	v4 =	vmul.f32 v27, v27;
	v3 =	vmul.f32 v26, v26;
	s5 =	spop (v2sf);
	s8 =	smul.f32 s3, s4  }
0xbe: {  	v0 =	vadd.f32 v2, v0;
	s21 =	smul.f32 $1.562500000e-02, s5  }
0xbf: {  	v2 =	vadd.f32 v4, v3;
	v3 =	vadd.f32 v21, v20;
	s2 =	smul.f32 s3, s8  }
0xc0: {  	s16 =	smul.f32 s21, s21  }
0xc1: {  	v16 =	vld [tilespmem:s19+$0x400];
	(xrf2) =	vadd.scan.msk.f32 $0xffff, v3;
	s10 =	spop (v2sf);
	s5 =	ssub.f32 $1.500000000e+00, s2  }
0xc2: {  	v17 =	vld [tilespmem:s19+$0x410];
	s10 =	smul.f32 $1.562500000e-02, s10  }
0xc3: {  	v18 =	vld [tilespmem:s19+$0x420];
	s11 =	spop (v2sf);
	s3 =	smul.f32 s3, s5  }
0xc4: {  	v19 =	vld [tilespmem:s19+$0x430];
	s14 =	smul.f32 $1.562500000e-02, s11  }
0xc5: {  	v22 =	vld [tilespmem:s19+$0x4A0];
	s1 =	ssub.f32 s10, s26;
	s12 =	spop (v2sf)  }
0xc6: {  	v23 =	vld [tilespmem:s19+$0x4B0];
	s15 =	smul.f32 s3, s4;
	s5 =	ssub.f32 s14, s6  }
0xc7: {  	v15 =	vld [tilespmem:s19+$0x470];
	s1 =	smax.f32 s1, $0.0e+00;
	s17 =	smul.f32 $1.562500000e-02, s12  }
0xc8: {  	v13 =	vld [tilespmem:s19+$0x450];
	s20 =	sadd.f32 $9.999999960e-13, s1;
	s11 =	smul.f32 s15, s3  }
0xc9: {  	v14 =	vld [tilespmem:s19+$0x460];
	s5 =	smax.f32 s5, $0.0e+00;
	s8 =	ssub.f32 s17, s16  }
0xca: {  	v12 =	vld [tilespmem:s19+$0x440];
	s23 =	sadd.f32 $9.999999960e-13, s5;
	s1 =	smul.f32 $5.000000000e-01, s20  }
0xcb: {  	v20 =	vld [tilespmem:s19+$0x480];
	v0 =	vadd.f32 v2, v0;
	v55, _, _ =	vpop (xrf2);
	s11 =	ssub.f32 $1.500000000e+00, s11;
	s24 =	smax.f32 s8, $0.0e+00  }
0xcc: {  	v21 =	vld [tilespmem:s19+$0x490];
	(v2sf) =	vpush v55, $0xF;
	s8 =	sadd.f32 $9.999999960e-13, s24;
	s5 =	smul.f32 $5.000000000e-01, s23  }
0xcd: {  	v4 =	vadd.f32 v19, v18;
	v2 =	vadd.f32 v17, v16;
	(xrf2) =	vadd.scan.msk.f32 $0xffff, v0;
	s25 =	sshrl.u32 s20, $0x1;
	s3 =	smul.f32 s11, s3  }
0xce: {  	s26 =	sshrl.u32 s23, $0x1;
	s11 =	ssub.s32 $0x5F3759DF, s25;
	s2 =	smul.f32 $5.000000000e-01, s8  }
0xcf: {  	v0 =	vadd.f32 v4, v2;
	s12 =	ssub.s32 $0x5F3759DF, s26;
	s14 =	smul.f32 s11, s1  }
0xd0: {  	v3 =	vadd.f32 v15, v14;
	v2 =	vadd.f32 v13, v12;
	s8 =	sshrl.u32 s8, $0x1;
	s6 =	smul.f32 s12, s5  }
0xd1: {  	v34 =	vadd.f32 v23, v22;
	v35 =	vmul.f32 v18, v18;
	v4 =	vadd.f32 v21, v20;
	(xrf2) =	vadd.scan.msk.f32 $0xffff, v0;
	s4 =	smul.f32 s3, s4;
	s20 =	ssub.s32 $0x5F3759DF, s8  }
0xd2: {  	v37 =	vmul.f32 v19, v19;
	v54 =	vmul.f32 v15, v15;
	v2 =	vadd.f32 v3, v2;
	s23 =	smul.f32 s20, s2  }
0xd3: {  	v0 =	vmul.f32 v16, v16;
	v3 =	vmul.f32 v17, v17;
	v4 =	vadd.f32 v34, v4;
	s14 =	smul.f32 s11, s14  }
0xd4: {  	v38 =	vmul.f32 v13, v13;
	v53 =	vmul.f32 v14, v14;
	(xrf2) =	vadd.scan.msk.f32 $0xffff, v2;
	s4 =	smul.f32 s4, s3  }
0xd5: {  	v2 =	vmul.f32 v12, v12;
	v0 =	vadd.f32 v3, v0;
	v3 =	vadd.f32 v37, v35;
	s24 =	smul.f32 s12, s6;
	s14 =	ssub.f32 $1.500000000e+00, s14  }
0xd6: {  	v57 =	vmul.f32 v23, v23;
	v34 =	vadd.f32 v54, v53;
	(xrf2) =	vadd.scan.msk.f32 $0xffff, v4;
	s23 =	smul.f32 s20, s23;
	s4 =	ssub.f32 $1.500000000e+00, s4  }
0xd7: {  	v56 =	vmul.f32 v21, v21;
	v2 =	vadd.f32 v38, v2;
	v0 =	vadd.f32 v3, v0;
	v4, _, _ =	vpop (xrf2);
	s15 =	ssub.f32 $1.500000000e+00, s24;
	s16 =	smul.f32 s11, s14  }
0xd8: {  	v3 =	vmul.f32 v20, v20;
	(v2sf) =	vpush v4, $0xF;
	v4 =	vmul.f32 v22, v22;
	s17 =	ssub.f32 $1.500000000e+00, s23;
	s8 =	smul.f32 s4, s3  }
0xd9: {  	v2 =	vadd.f32 v34, v2;
	s3 =	smul.f32 s12, s15  }
0xda: {  	v3 =	vadd.f32 v56, v3;
	v4 =	vadd.f32 v57, v4;
	s11 =	smul.f32 s20, s17  }
0xdb: {  	(xrf2) =	vadd.scan.msk.f32 $0xffff, v0;
	v0, _, _ =	vpop (xrf2);
	s26 =	spop (v2sf);
	s23 =	smul.f32 s16, s1  }
0xdc: {  	(v2sf) =	vpush v0, $0xF;
	v0 =	vadd.f32 v4, v3;
	s29 =	smul.f32 $1.562500000e-02, s26  }
0xdd: {  	s24 =	smul.f32 s3, s5  }
0xde: {  	(xrf2) =	vadd.scan.msk.f32 $0xffff, v2;
	v2, _, _ =	vpop (xrf2);
	s0 =	smul.f32 s8, s0  }
0xdf: {  	(v2sf) =	vpush v2, $0xF;
	s20 =	smul.f32 s11, s2  }
0xe0: {  	(xrf2) =	vadd.scan.msk.f32 $0xffff, v0;
	v0, _, _ =	vpop (xrf2);
	s12 =	smul.f32 s23, s16  }
0xe1: {  	(v2sf) =	vpush v0, $0xF;
	s14 =	smul.f32 s24, s3  }
0xe2: {  	s12 =	ssub.f32 $1.500000000e+00, s12;
	s20 =	smul.f32 s20, s11  }
0xe3: {  	s15 =	smul.f32 s29, s29;
	s14 =	ssub.f32 $1.500000000e+00, s14  }
0xe4: {  	s4 =	smul.f32 s12, s16;
	s25 =	ssub.f32 $1.500000000e+00, s20  }
0xe5: {  	s14 =	smul.f32 s14, s3  }
0xe6: {  	s3 =	smul.f32 s25, s11  }
0xe7: {  	s1 =	smul.f32 s4, s1  }
0xe8: {  	v0, _, _ =	vpop (xrf2);
	s5 =	smul.f32 s14, s5  }
0xe9: {  	(v2sf) =	vpush v0, $0xF;
	s10 =	smul.f32 s3, s2  }
0xea: {  	v0, _, _ =	vpop (xrf2);
	s20 =	ssub.f32 $0.0e+00, s0;
	s1 =	smul.f32 s1, s4  }
0xeb: {  	(v2sf) =	vpush v0, $0xF;
	s2 =	spop (v2sf);
	s5 =	smul.f32 s5, s14  }
0xec: {  	s11 =	smul.f32 $1.562500000e-02, s2;
	s16 =	spop (v2sf)  }
0xed: {  	s10 =	smul.f32 s10, s3;
	s1 =	ssub.f32 $1.500000000e+00, s1  }
0xee: {  	v0, _, _ =	vpop (xrf2);
	s2 =	spop (v2sf);
	s6 =	ssub.f32 $1.500000000e+00, s5  }
0xef: {  	v2 =	vld [tilespmem:$0x18400];
	(v2sf) =	vpush v0, $0xF;
	s5 =	smul.f32 $1.562500000e-02, s16;
	s17 =	ssub.f32 s11, s15  }
0xf0: {  	v3 =	vld [tilespmem:$0x18410];
	s24 =	smul.f32 $1.562500000e-02, s2;
	s15 =	spop (v2sf)  }
0xf1: {  	v4 =	vld [tilespmem:$0x18420];
	s1 =	smul.f32 s1, s4;
	s25 =	smax.f32 s17, $0.0e+00  }
0xf2: {  	v59 =	vmul.f32 s8, v5;
	v5 =	vld [tilespmem:$0x18440];
	s23 =	smul.f32 $1.562500000e-02, s15;
	s0 =	sadd.f32 $9.999999960e-13, s25  }
0xf3: {  	v60 =	vmul.f32 s8, v6;
	v6 =	vld [tilespmem:$0x18450];
	s26 =	smul.f32 s6, s14  }
0xf4: {  	v61 =	vmul.f32 s8, v7;
	v35 =	vadd.f32 s20, v59;
	v0 =	vld [tilespmem:$0x18430];
	s6 =	sshrl.u32 s0, $0x1;
	s0 =	smul.f32 $5.000000000e-01, s0  }
0xf5: {  	v58 =	vmul.f32 s8, v1;
	v7 =	vld [tilespmem:$0x18460];
	v37 =	vadd.f32 s20, v60;
	s4 =	smul.f32 s5, s5;
	s16 =	ssub.s32 $0x5F3759DF, s6  }
0xf6: {  	v1 =	vld [tilespmem:$0x18470];
	v38 =	vadd.f32 s20, v61;
	v35 =	vmul.f32 v35, v2;
	s12 =	smul.f32 s16, s0  }
0xf7: {  	v34 =	vadd.f32 s20, v58;
	v37 =	vmul.f32 v37, v3;
	s17 =	smul.f32 s24, s24  }
0xf8: {  	v38 =	vmul.f32 v38, v4;
	v35 =	vadd.f32 v35, v5;
	s2 =	spop (v2sf);
	s12 =	smul.f32 s16, s12  }
0xf9: {  	v62 =	vadd.f32 v37, v6;
	v34 =	vmul.f32 v34, v0;
	s14 =	smul.f32 $1.562500000e-02, s2  }
0xfa: {  	v63 =	vadd.f32 v38, v7;
	[tilespmem:s9+$0x104C0] =	vst v35;
	s6 =	spop (v2sf);
	s12 =	ssub.f32 $1.500000000e+00, s12  }
0xfb: {  	s28 =	ssub.f32 $1.500000000e+00, s10;
	[tilespmem:s9+$0x104D0] =	vst v62;
	v34 =	vadd.f32 v34, v1;
	s25 =	smul.f32 $1.562500000e-02, s6  }
0xfc: {  	[tilespmem:s9+$0x104E0] =	vst v63;
	s4 =	ssub.f32 s14, s4;
	s10 =	smul.f32 s16, s12  }
0xfd: {  	s20 =	simm.s32 $0x200;
	s31 =	smul.f32 s23, s23;
	[tilespmem:s9+$0x104F0] =	vst v34;
	s11 =	ssub.f32 s25, s17  }
0xfe: {  	v37 =	vld [tilespmem:s20+$0x4C0];
	s15 =	spop (v2sf);
	s16 =	smul.f32 s10, s0  }
0xff: {  	v40 =	vmul.f32 s1, v30;
	v35 =	vmul.f32 s1, v33;
	s14 =	smax.f32 s4, $0.0e+00;
	v30 =	vld [tilespmem:s20+$0x4D0];
	s17 =	smul.f32 $1.562500000e-02, s15  }
0x100: {  	v38 =	vmul.f32 s1, v28;
	v33 =	vmul.f32 s1, v29;
	v29 =	vld [tilespmem:s20+$0x4E0];
	s12 =	smax.f32 s11, $0.0e+00;
	s2 =	smul.f32 s16, s10  }
0x101: {  	s8 =	sshll.u32 s13, $0x3;
	v34 =	vmul.f32 s26, v31;
	v31 =	vmul.f32 s26, v36;
	v39 =	vld [tilespmem:s20+$0x4F0];
	s11 =	smul.f32 s28, s3;
	s25 =	ssub.f32 s17, s31  }
0x102: {  	v36 =	vmul.f32 s26, v32;
	v32 =	vmul.f32 s26, v41;
	v28 =	vld [tilespmem:s20+$0x400];
	s28 =	simm.s32 $0xC00;
	s31 =	smul.f32 s1, s30;
	s4 =	ssub.f32 $1.500000000e+00, s2  }
.LBB2_3:
0x103: {  	p0 =	sne.s32 s28, $0x1FC00;
	v42 =	vld [tilespmem:s20+$0x410];
	s1 =	sadd.f32 $9.999999960e-13, s14;
	s2 =	smax.f32 s25, $0.0e+00;
	v49 =	vmul.f32 s11, v8;
	v50 =	vmul.f32 s11, v10;
	v8 =	vmovc v20;
	v10 =	vmov v21  }
0x104: {  	s12 =	sadd.f32 $9.999999960e-13, s12;
	v51 =	vmul.f32 s11, v9;
	v48 =	vmul.f32 s11, v11;
	v9 =	vmovc v22;
	v11 =	vmov v23;
	s30 =	smov.u32 s5;
	v41 =	vld [tilespmem:s20+$0x420];
	s4 =	smul.f32 s4, s10  }
0x105: {  	v20 =	vadd.f32 v30, v37;
	s2 =	sadd.f32 $9.999999960e-13, s2;
	v44 =	vld [tilespmem:s20+$0x430];
	s3 =	sshrl.u32 s1, $0x1;
	s5 =	smul.f32 $5.000000000e-01, s1  }
0x106: {  	v22 =	vmul.f32 v37, v37;
	v23 =	vmul.f32 v30, v30;
	s1 =	sshrl.u32 s12, $0x1;
	v43 =	vld [tilespmem:s20+$0x440];
	v21 =	vadd.f32 v39, v29;
	s10 =	ssub.s32 $0x5F3759DF, s3;
	s14 =	smul.f32 s4, s0  }
0x107: {  	v52 =	vmul.f32 v29, v29;
	v53 =	vmul.f32 v39, v39;
	s3 =	ssub.s32 $0x5F3759DF, s1;
	s0 =	smul.f32 $5.000000000e-01, s12;
	s1 =	sshrl.u32 s2, $0x1;
	v45 =	vld [tilespmem:s20+$0x450]  }
0x108: {  	v55 =	vmul.f32 v28, v28;
	s12 =	ssub.s32 $0x5F3759DF, s1;
	s1 =	ssub.f32 $0.0e+00, s31;
	v54 =	vadd.f32 v42, v28;
	v46 =	vld [tilespmem:s20+$0x460];
	v21 =	vadd.f32 v21, v20;
	s14 =	smul.f32 s14, s4  }
0x109: {  	v22 =	vadd.f32 v23, v22;
	s31 =	smul.f32 $5.000000000e-01, s2;
	v56 =	vmul.f32 v42, v42;
	v23 =	vadd.f32 v53, v52;
	v47 =	vld [tilespmem:s20+$0x470]  }
0x10a: {  	s2 =	smul.f32 s10, s5;
	v53 =	vmul.f32 v41, v41;
	v52 =	vadd.f32 v44, v41;
	v57 =	vmul.f32 v44, v44;
	v20 =	vld [tilespmem:s20+$0x480];
	(xrf2) =	vadd.scan.msk.f32 $0xffff, v21;
	s14 =	ssub.f32 $1.500000000e+00, s14  }
0x10b: {  	s25 =	smul.f32 s3, s0;
	v55 =	vadd.f32 v56, v55;
	v58 =	vadd.f32 v23, v22;
	v56 =	vmul.f32 v43, v43;
	v21 =	vld [tilespmem:s20+$0x490]  }
0x10c: {  	v52 =	vadd.f32 v52, v54;
	v54 =	vadd.f32 v45, v43;
	v59 =	vmul.f32 v45, v45;
	v22 =	vld [tilespmem:s20+$0x4A0];
	s4 =	smul.f32 s14, s4  }
0x10d: {  	s15 =	smul.f32 s12, s31;
	v40 =	vadd.f32 s1, v40;
	v53 =	vadd.f32 v57, v53;
	v57 =	vmul.f32 v46, v46;
	v23 =	vld [tilespmem:s20+$0x4B0];
	(xrf2) =	vadd.scan.msk.f32 $0xffff, v58  }
0x10e: {  	v58 =	vadd.f32 v47, v46;
	v56 =	vadd.f32 v59, v56;
	v59 =	vmul.f32 v47, v47;
	s14 =	smul.f32 s4, s29  }
0x10f: {  	s2 =	smul.f32 s10, s2;
	v53 =	vadd.f32 v53, v55;
	v60 =	vmul.f32 s4, v24;
	v24 =	vmovc v37;
	v55 =	vmul.f32 v20, v20  }
0x110: {  	s25 =	smul.f32 s3, s25;
	v37 =	vadd.f32 v21, v20;
	v61 =	vmul.f32 v21, v21;
	(xrf2) =	vadd.scan.msk.f32 $0xffff, v52;
	s14 =	ssub.f32 $0.0e+00, s14;
	v52 =	vmul.f32 s4, v27;
	v27 =	vmovc v39  }
0x111: {  	s2 =	ssub.f32 $1.500000000e+00, s2;
	s15 =	smul.f32 s12, s15;
	v39 =	vadd.f32 v58, v54;
	v54 =	vadd.f32 v59, v57;
	v57 =	vmul.f32 v22, v22  }
0x112: {  	s26 =	smul.f32 s26, s22;
	s22 =	smov.u32 s24;
	s25 =	ssub.f32 $1.500000000e+00, s25;
	v58 =	vadd.f32 v23, v22;
	v59 =	vmul.f32 v23, v23;
	v52 =	vadd.f32 s14, v52  }
0x113: {  	s10 =	smul.f32 s10, s2;
	s2 =	ssub.f32 $1.500000000e+00, s15;
	v54 =	vadd.f32 v54, v56;
	v55 =	vadd.f32 v61, v55;
	(xrf2) =	vadd.scan.msk.f32 $0xffff, v39;
	v39 =	vmul.f32 s4, v25;
	v25 =	vmovc v30  }
0x114: {  	s15 =	smul.f32 s3, s25;
	s3 =	ssub.f32 $0.0e+00, s26;
	v30 =	vadd.f32 v58, v37;
	v37 =	vadd.f32 v59, v57;
	v56, _, _ =	vpop (xrf2);
	v52 =	vmul.f32 v52, v0  }
0x115: {  	v35 =	vadd.f32 s1, v35;
	v38 =	vadd.f32 s1, v38;
	s12 =	smul.f32 s12, s2;
	v57 =	vmul.f32 s4, v26;
	v26 =	vmovc v29  }
0x116: {  	s2 =	smul.f32 s10, s5;
	v29 =	vadd.f32 v37, v55;
	(xrf2) =	vadd.scan.msk.f32 $0xffff, v30;
	v30 =	vadd.f32 v52, v1;
	v37 =	vmul.f32 v40, v2  }
0x117: {  	v33 =	vadd.f32 s1, v33;
	v35 =	vmul.f32 v35, v3;
	s4 =	smul.f32 s15, s0;
	(v2sf) =	vpush v56, $0xF;
	v40, _, _ =	vpop (xrf2)  }
0x118: {  	v34 =	vadd.f32 s3, v34;
	s1 =	smul.f32 s12, s31;
	(v2sf) =	vpush v40, $0xF;
	[tilespmem:s19+$0x104F0] =	vst v30;
	v30 =	vmul.f32 v38, v4  }
0x119: {  	v33 =	vmul.f32 v33, v0;
	v31 =	vadd.f32 s3, v31;
	v36 =	vadd.f32 s3, v36;
	s2 =	smul.f32 s2, s10;
	(xrf2) =	vadd.scan.msk.f32 $0xffff, v53  }
0x11a: {  	v32 =	vadd.f32 s3, v32;
	v34 =	vmul.f32 v34, v2;
	s4 =	smul.f32 s4, s15;
	v40 =	vadd.f32 s14, v60;
	v38, _, _ =	vpop (xrf2)  }
0x11b: {  	v31 =	vmul.f32 v31, v3;
	s2 =	ssub.f32 $1.500000000e+00, s2;
	s1 =	smul.f32 s1, s12;
	(v2sf) =	vpush v38, $0xF;
	v38 =	vadd.f32 s14, v39  }
0x11c: {  	s11 =	smul.f32 s11, s21;
	s21 =	smov.u32 s23;
	v36 =	vmul.f32 v36, v4;
	v32 =	vmul.f32 v32, v0;
	s4 =	ssub.f32 $1.500000000e+00, s4;
	v39 =	vadd.f32 s14, v57;
	(xrf2) =	vadd.scan.msk.f32 $0xffff, v54  }
0x11d: {  	s3 =	smul.f32 s2, s10;
	s1 =	ssub.f32 $1.500000000e+00, s1;
	v37 =	vadd.f32 v37, v5;
	v40 =	vmul.f32 v40, v2;
	v52, _, _ =	vpop (xrf2);
	v38 =	vmul.f32 v38, v3  }
0x11e: {  	v35 =	vadd.f32 v35, v6;
	s2 =	ssub.f32 $0.0e+00, s11;
	s10 =	smul.f32 s4, s15;
	v39 =	vmul.f32 v39, v4;
	(v2sf) =	vpush v52, $0xF  }
0x11f: {  	s11 =	smul.f32 s1, s12;
	(xrf2) =	vadd.scan.msk.f32 $0xffff, v29;
	[tilespmem:s9+$0x10400] =	vst v37;
	v29 =	vadd.f32 v30, v7;
	v30 =	vadd.f32 v33, v1  }
0x120: {  	s1 =	smul.f32 s3, s5;
	v33, _, _ =	vpop (xrf2);
	[tilespmem:s9+$0x10410] =	vst v35;
	v35 =	vadd.f32 s2, v49;
	v49 =	vadd.f32 s2, v50  }
0x121: {  	s0 =	smul.f32 s10, s0;
	(v2sf) =	vpush v33, $0xF;
	[tilespmem:s9+$0x10420] =	vst v29;
	v29 =	vadd.f32 s2, v51  }
0x122: {  	s4 =	smul.f32 s11, s31;
	[tilespmem:s9+$0x10430] =	vst v30;
	v30 =	vmul.f32 v35, v2;
	v33 =	vmul.f32 v49, v3;
	v35 =	vadd.f32 s2, v48  }
0x123: {  	v31 =	vadd.f32 v31, v6;
	s1 =	smul.f32 s1, s3;
	v48 =	vadd.f32 v34, v5;
	v37, _, _ =	vpop (xrf2);
	v29 =	vmul.f32 v29, v4  }
0x124: {  	v36 =	vadd.f32 v36, v7;
	s0 =	smul.f32 s0, s10;
	(v2sf) =	vpush v37, $0xF;
	v35 =	vmul.f32 v35, v0  }
0x125: {  	v32 =	vadd.f32 v32, v1;
	s2 =	ssub.f32 $1.500000000e+00, s1;
	s1 =	smul.f32 s4, s11;
	v30 =	vadd.f32 v30, v5;
	[tilespmem:s9+$0x10440] =	vst v48  }
0x126: {  	s0 =	ssub.f32 $1.500000000e+00, s0;
	v29 =	vadd.f32 v29, v7;
	v34, _, _ =	vpop (xrf2);
	s4 =	spop (v2sf);
	[tilespmem:s9+$0x10450] =	vst v31;
	v31 =	vadd.f32 v33, v6  }
0x127: {  	v33 =	vadd.f32 v35, v1;
	s29 =	smul.f32 $1.562500000e-02, s4;
	(v2sf) =	vpush v34, $0xF;
	s4 =	spop (v2sf);
	[tilespmem:s9+$0x10460] =	vst v36  }
0x128: {  	s1 =	ssub.f32 $1.500000000e+00, s1;
	v34 =	vadd.f32 v40, v5;
	v36 =	vadd.f32 v38, v6;
	s4 =	smul.f32 $1.562500000e-02, s4;
	[tilespmem:s9+$0x10470] =	vst v32  }
0x129: {  	v37 =	vadd.f32 v39, v7;
	s12 =	smul.f32 s29, s29;
	v32, _, _ =	vpop (xrf2);
	[tilespmem:s9+$0x10480] =	vst v30  }
0x12a: {  	s3 =	smul.f32 s2, s3;
	s5 =	spop (v2sf);
	(v2sf) =	vpush v32, $0xF;
	[tilespmem:s9+$0x10490] =	vst v31  }
0x12b: {  	s5 =	smul.f32 $1.562500000e-02, s5;
	s2 =	ssub.f32 s4, s12;
	[tilespmem:s9+$0x104A0] =	vst v29  }
0x12c: {  	s26 =	smul.f32 s0, s10;
	v35 =	vmul.f32 s3, v17;
	v17 =	vmovc v42;
	v40 =	vmul.f32 s3, v16;
	v16 =	vmov v28;
	[tilespmem:s9+$0x104B0] =	vst v33;
	s9 =	smov.u32 s19;
	s19 =	smov.u32 s20  }
0x12d: {  	v38 =	vmul.f32 s3, v18;
	v18 =	vmovc v41;
	v33 =	vmul.f32 s3, v19;
	v19 =	vmov v44;
	s0 =	smax.f32 s2, $0.0e+00;
	s2 =	spop (v2sf);
	[tilespmem:s9+$0x104C0] =	vst v34  }
0x12e: {  	v31 =	vmul.f32 s26, v13;
	v13 =	vmovc v45;
	v34 =	vmul.f32 s26, v12;
	v12 =	vmov v43;
	s24 =	smul.f32 $1.562500000e-02, s2;
	s0 =	sadd.f32 $9.999999960e-13, s0;
	[tilespmem:s9+$0x104D0] =	vst v36  }
0x12f: {  	v32 =	vmul.f32 s26, v15;
	v15 =	vmovc v47;
	s2 =	smul.f32 s5, s5;
	v36 =	vmul.f32 s26, v14;
	v14 =	vmov v46;
	[tilespmem:s9+$0x104E0] =	vst v37  }
0x130: {  	s4 =	sshrl.u32 s0, $0x1;
	s0 =	smul.f32 $5.000000000e-01, s0;
	s10 =	spop (v2sf)  }
0x131: {  	s23 =	smul.f32 $1.562500000e-02, s10;
	s4 =	ssub.s32 $0x5F3759DF, s4  }
0x132: {  	s10 =	smul.f32 s4, s0  }
0x133: {  	s12 =	smul.f32 s24, s24;
	s14 =	spop (v2sf)  }
0x134: {  	s10 =	smul.f32 s4, s10  }
0x135: {  	s14 =	smul.f32 $1.562500000e-02, s14  }
0x136: {  	s10 =	ssub.f32 $1.500000000e+00, s10;
	s15 =	spop (v2sf)  }
0x137: {  	s2 =	ssub.f32 s14, s2;
	s14 =	smul.f32 $1.562500000e-02, s15  }
0x138: {  	s10 =	smul.f32 s4, s10  }
0x139: {  	s4 =	smul.f32 s23, s23  }
0x13a: {  	s20 =	sshra.s32 s28, $0x2;
	s15 =	spop (v2sf);
	s25 =	smul.f32 s10, s0  }
.Ltmp2:
0x13b: {  	s12 =	ssub.f32 s14, s12;
	v37 =	vld [tilespmem:s20+$0x4C0];
	(pc) =	sbr.rel @p0 .LBB2_3-.Ltmp2, $4  }
0x13c: {  	s14 =	smax.f32 s2, $0.0e+00;
	s2 =	smul.f32 $1.562500000e-02, s15;
	v30 =	vld [tilespmem:s20+$0x4D0]  }
0x13d: {  	s12 =	smax.f32 s12, $0.0e+00;
	v29 =	vld [tilespmem:s20+$0x4E0];
	s15 =	smul.f32 s25, s10  }
0x13e: {  	s11 =	smul.f32 s1, s11;
	s25 =	ssub.f32 s2, s4;
	v39 =	vld [tilespmem:s20+$0x4F0]  }
0x13f: {  	s31 =	smul.f32 s3, s30;
	s28 =	sadd.s32 $0x400, s28;
	v28 =	vld [tilespmem:s20+$0x400];
	s4 =	ssub.f32 $1.500000000e+00, s15  }
0x140: {  	_ =	sdelay $0x1  }
0x141: {  	v41 =	vmul.f32 v37, v37;
	v42 =	vmul.f32 v30, v30  }
0x142: {  	v43 =	vmul.f32 v29, v29;
	v44 =	vmul.f32 v39, v39  }
0x143: {  	v45 =	vadd.f32 v30, v37;
	v46 =	vadd.f32 v39, v29  }
0x144: {  	v41 =	vadd.f32 v42, v41;
	v56 =	vadd.f32 v44, v43  }
0x145: {  	v57 =	vadd.f32 v46, v45  }
0x146: {  	v41 =	vadd.f32 v56, v41  }
0x147: {  	s1 =	sadd.f32 $9.999999960e-13, s14;
	v49 =	vld [tilespmem:s20+$0x410];
	s21 =	smul.f32 s11, s21;
	(xrf2) =	vadd.scan.msk.f32 $0xffff, v57  }
0x148: {  	v50 =	vld [tilespmem:s20+$0x420];
	s14 =	sadd.f32 $9.999999960e-13, s12;
	s2 =	smul.f32 s4, s10;
	(xrf2) =	vadd.scan.msk.f32 $0xffff, v41  }
0x149: {  	s15 =	smax.f32 s25, $0.0e+00;
	v51 =	vld [tilespmem:s20+$0x430];
	s3 =	smul.f32 $5.000000000e-01, s1  }
0x14a: {  	v47 =	vld [tilespmem:s20+$0x490];
	s10 =	sadd.f32 $9.999999960e-13, s15;
	s12 =	smul.f32 $5.000000000e-01, s14  }
0x14b: {  	v48 =	vld [tilespmem:s20+$0x4A0];
	s1 =	sshrl.u32 s1, $0x1;
	s0 =	smul.f32 s2, s0  }
0x14c: {  	s17 =	sshrl.u32 s14, $0x1;
	s16 =	ssub.s32 $0x5F3759DF, s1;
	s30 =	smul.f32 $5.000000000e-01, s10;
	v42 =	vld [tilespmem:s20+$0x480]  }
0x14d: {  	s4 =	ssub.s32 $0x5F3759DF, s17;
	s25 =	smul.f32 s16, s3;
	v43 =	vld [tilespmem:s20+$0x450]  }
0x14e: {  	s10 =	sshrl.u32 s10, $0x1;
	s15 =	smul.f32 s4, s12;
	v44 =	vld [tilespmem:s20+$0x460]  }
0x14f: {  	s10 =	ssub.s32 $0x5F3759DF, s10;
	s0 =	smul.f32 s0, s2;
	v45 =	vld [tilespmem:s20+$0x470]  }
0x150: {  	s28 =	smul.f32 s10, s30;
	v41 =	vld [tilespmem:s20+$0x440]  }
0x151: {  	v52 =	vadd.f32 v49, v28;
	v46 =	vld [tilespmem:s20+$0x4B0];
	s1 =	smul.f32 s16, s25;
	s0 =	ssub.f32 $1.500000000e+00, s0;
	v58, _, _ =	vpop (xrf2)  }
0x152: {  	v53 =	vadd.f32 v51, v50;
	s15 =	smul.f32 s4, s15;
	(v2sf) =	vpush v58, $0xF;
	v59, _, _ =	vpop (xrf2)  }
0x153: {  	s6 =	ssub.f32 $1.500000000e+00, s1;
	s0 =	smul.f32 s0, s2;
	(v2sf) =	vpush v59, $0xF  }
0x154: {  	v54 =	vmul.f32 v28, v28;
	v55 =	vmul.f32 v49, v49;
	v52 =	vadd.f32 v53, v52;
	s15 =	ssub.f32 $1.500000000e+00, s15;
	s2 =	smul.f32 s10, s28  }
0x155: {  	v60 =	vmul.f32 v50, v50;
	v57 =	vadd.f32 v45, v44;
	s25 =	smul.f32 s16, s6;
	v56 =	vadd.f32 v43, v41  }
0x156: {  	v61 =	vmul.f32 v51, v51;
	v62 =	vadd.f32 v47, v42;
	s4 =	smul.f32 s4, s15;
	s2 =	ssub.f32 $1.500000000e+00, s2;
	v58 =	vadd.f32 v46, v48  }
0x157: {  	v54 =	vadd.f32 v55, v54;
	s14 =	smul.f32 s25, s3;
	v63 =	vadd.f32 v57, v56;
	(xrf2) =	vadd.scan.msk.f32 $0xffff, v52  }
0x158: {  	v53 =	vadd.f32 v61, v60;
	s2 =	smul.f32 s10, s2;
	v52 =	vadd.f32 v58, v62  }
0x159: {  	s10 =	smul.f32 s14, s25;
	(xrf2) =	vadd.scan.msk.f32 $0xffff, v63  }
0x15a: {  	v53 =	vadd.f32 v53, v54;
	v61 =	vmul.f32 v43, v43;
	s15 =	smul.f32 s4, s12;
	v60 =	vmul.f32 v41, v41;
	(xrf2) =	vadd.scan.msk.f32 $0xffff, v52  }
0x15b: {  	s1 =	smul.f32 s0, s29;
	s10 =	ssub.f32 $1.500000000e+00, s10;
	v63 =	vmul.f32 v45, v45;
	v62 =	vmul.f32 v44, v44  }
0x15c: {  	s14 =	smul.f32 s15, s4;
	(xrf2) =	vadd.scan.msk.f32 $0xffff, v53  }
0x15d: {  	s10 =	smul.f32 s10, s25;
	v58 =	vadd.f32 v61, v60;
	v59 =	vadd.f32 v63, v62  }
0x15e: {  	s16 =	smul.f32 s2, s30  }
0x15f: {  	s3 =	smul.f32 s10, s3;
	v52 =	vadd.f32 v59, v58  }
0x160: {  	s15 =	smul.f32 s16, s2  }
0x161: {  	s3 =	smul.f32 s3, s10;
	v60, _, _ =	vpop (xrf2);
	(xrf2) =	vadd.scan.msk.f32 $0xffff, v52;
	s28 =	spop (v2sf)  }
0x162: {  	(v2sf) =	vpush v60, $0xF;
	s28 =	smul.f32 $1.562500000e-02, s28;
	s17 =	spop (v2sf)  }
0x163: {  	s15 =	ssub.f32 $1.500000000e+00, s15;
	v61, _, _ =	vpop (xrf2);
	s29 =	smul.f32 $1.562500000e-02, s17  }
0x164: {  	s3 =	ssub.f32 $1.500000000e+00, s3;
	v62, _, _ =	vpop (xrf2);
	(v2sf) =	vpush v61, $0xF;
	s6 =	smul.f32 s28, s28  }
0x165: {  	s2 =	smul.f32 s15, s2;
	s17 =	ssub.f32 $1.500000000e+00, s14;
	(v2sf) =	vpush v62, $0xF  }
0x166: {  	s10 =	smul.f32 s3, s10;
	v63, _, _ =	vpop (xrf2);
	s6 =	ssub.f32 s29, s6  }
0x167: {  	s14 =	smul.f32 s26, s22;
	(v2sf) =	vpush v63, $0xF  }
0x168: {  	s4 =	smul.f32 s17, s4;
	s6 =	smax.f32 s6, $0.0e+00  }
0x169: {  	v57 =	vmul.f32 v42, v42;
	v58 =	vmul.f32 v47, v47;
	s29 =	smul.f32 s2, s30;
	s6 =	sadd.f32 $9.999999960e-13, s6  }
0x16a: {  	v59 =	vmul.f32 v48, v48;
	v60 =	vmul.f32 v46, v46;
	s12 =	smul.f32 s4, s12  }
0x16b: {  	v53 =	vadd.f32 v58, v57;
	v61, _, _ =	vpop (xrf2);
	s26 =	sshrl.u32 s6, $0x1;
	s6 =	smul.f32 $5.000000000e-01, s6  }
0x16c: {  	v52 =	vadd.f32 v60, v59;
	(v2sf) =	vpush v61, $0xF;
	s12 =	smul.f32 s12, s4;
	s15 =	ssub.s32 $0x5F3759DF, s26  }
0x16d: {  	s30 =	smul.f32 s15, s6  }
0x16e: {  	v52 =	vadd.f32 v52, v53;
	s17 =	smul.f32 s29, s2;
	s12 =	ssub.f32 $1.500000000e+00, s12  }
0x16f: {  	s22 =	smul.f32 s15, s30  }
0x170: {  	(xrf2) =	vadd.scan.msk.f32 $0xffff, v52;
	s12 =	smul.f32 s12, s4  }
0x171: {  	s16 =	spop (v2sf);
	s22 =	ssub.f32 $1.500000000e+00, s22  }
0x172: {  	s26 =	smul.f32 $1.562500000e-02, s16  }
0x173: {  	s4 =	spop (v2sf);
	s15 =	smul.f32 s15, s22  }
0x174: {  	v8 =	vmul.f32 s11, v8;
	v10 =	vmul.f32 s11, v10;
	s16 =	spop (v2sf);
	s22 =	smul.f32 $1.562500000e-02, s4  }
0x175: {  	v9 =	vmul.f32 s11, v9;
	v11 =	vmul.f32 s11, v11;
	s11 =	smul.f32 $1.562500000e-02, s16  }
0x176: {  	s29 =	spop (v2sf);
	s25 =	smul.f32 s15, s6  }
0x177: {  	s30 =	smul.f32 $1.562500000e-02, s29  }
0x178: {  	s3 =	smul.f32 s25, s15  }
0x179: {  	s25 =	smul.f32 s26, s26  }
0x17a: {  	v52, _, _ =	vpop (xrf2);
	s16 =	smul.f32 s11, s11;
	s3 =	ssub.f32 $1.500000000e+00, s3  }
0x17b: {  	(v2sf) =	vpush v52, $0xF;
	s29 =	ssub.f32 s30, s25;
	s30 =	spop (v2sf)  }
0x17c: {  	s1 =	ssub.f32 $0.0e+00, s1;
	s25 =	smul.f32 $1.562500000e-02, s30  }
0x17d: {  	s3 =	smul.f32 s3, s15;
	s15 =	ssub.f32 $1.500000000e+00, s17  }
0x17e: {  	s17 =	smul.f32 s22, s22;
	s4 =	smax.f32 s29, $0.0e+00  }
0x17f: {  	v27 =	vmul.f32 s0, v27;
	v24 =	vmul.f32 s0, v24;
	s4 =	sadd.f32 $9.999999960e-13, s4;
	s6 =	smul.f32 s3, s6  }
0x180: {  	v25 =	vmul.f32 s0, v25;
	v26 =	vmul.f32 s0, v26;
	s14 =	ssub.f32 $0.0e+00, s14;
	s29 =	smul.f32 s15, s2  }
0x181: {  	v27 =	vadd.f32 s1, v27;
	v24 =	vadd.f32 s1, v24;
	s17 =	ssub.f32 s25, s17;
	s15 =	sshrl.u32 s4, $0x1;
	s6 =	smul.f32 s6, s3  }
0x182: {  	v25 =	vadd.f32 s1, v25;
	v26 =	vadd.f32 s1, v26;
	s30 =	smul.f32 $5.000000000e-01, s4;
	s4 =	ssub.s32 $0x5F3759DF, s15;
	s15 =	ssub.f32 $0.0e+00, s31  }
0x183: {  	v34 =	vadd.f32 s14, v34;
	v31 =	vadd.f32 s14, v31;
	s31 =	smax.f32 s17, $0.0e+00;
	s2 =	ssub.f32 $1.500000000e+00, s6  }
0x184: {  	s0 =	sadd.f32 $9.999999960e-13, s31;
	s6 =	smul.f32 s4, s30;
	v40 =	vadd.f32 s15, v40;
	v35 =	vadd.f32 s15, v35  }
0x185: {  	v27 =	vmul.f32 v27, v0;
	v38 =	vadd.f32 s15, v38;
	v33 =	vadd.f32 s15, v33;
	s15 =	ssub.f32 $0.0e+00, s21;
	s3 =	smul.f32 s2, s3  }
0x186: {  	v24 =	vmul.f32 v24, v2;
	v36 =	vadd.f32 s14, v36;
	v32 =	vadd.f32 s14, v32;
	s2 =	smul.f32 s4, s6  }
0x187: {  	v25 =	vmul.f32 v25, v3;
	s21 =	sshrl.u32 s0, $0x1;
	s0 =	smul.f32 $5.000000000e-01, s0;
	v8 =	vadd.f32 s15, v8;
	v10 =	vadd.f32 s15, v10  }
0x188: {  	v26 =	vmul.f32 v26, v4;
	s14 =	ssub.s32 $0x5F3759DF, s21;
	v9 =	vadd.f32 s15, v9;
	v11 =	vadd.f32 s15, v11;
	s15 =	smul.f32 s12, s24;
	s2 =	ssub.f32 $1.500000000e+00, s2  }
0x189: {  	v27 =	vadd.f32 v27, v1;
	v16 =	vmul.f32 s10, v16;
	v17 =	vmul.f32 s10, v17;
	s25 =	smul.f32 s14, s0  }
0x18a: {  	v24 =	vadd.f32 v24, v5;
	v18 =	vmul.f32 s10, v18;
	v19 =	vmul.f32 s10, v19;
	s17 =	spop (v2sf);
	s2 =	smul.f32 s4, s2  }
0x18b: {  	v25 =	vadd.f32 v25, v6;
	v34 =	vmul.f32 v34, v2;
	v31 =	vmul.f32 v31, v3;
	s4 =	smul.f32 $1.562500000e-02, s17  }
0x18c: {  	v56 =	vadd.f32 v26, v7;
	v36 =	vmul.f32 v36, v4;
	v32 =	vmul.f32 v32, v0;
	s24 =	ssub.f32 $0.0e+00, s15;
	s1 =	smul.f32 s14, s25  }
0x18d: {  	v34 =	vadd.f32 v34, v5;
	v12 =	vmul.f32 s12, v12;
	v13 =	vmul.f32 s12, v13;
	s31 =	smul.f32 s10, s5;
	s4 =	ssub.f32 s4, s16  }
0x18e: {  	v31 =	vadd.f32 v31, v6;
	v14 =	vmul.f32 s12, v14;
	v15 =	vmul.f32 s12, v15;
	s15 =	smul.f32 s29, s23;
	s1 =	ssub.f32 $1.500000000e+00, s1  }
0x18f: {  	v62 =	vadd.f32 v36, v7;
	v20 =	vmul.f32 s29, v20;
	v40 =	vmul.f32 v40, v2;
	s6 =	smul.f32 s2, s30;
	s4 =	smax.f32 s4, $0.0e+00  }
0x190: {  	[tilespmem:s19+$0x104F0] =	vst v27;
	v32 =	vadd.f32 v32, v1;
	v35 =	vmul.f32 v35, v3;
	v38 =	vmul.f32 v38, v4;
	s5 =	smul.f32 s14, s1;
	s4 =	sadd.f32 $9.999999960e-13, s4  }
0x191: {  	[tilespmem:s9+$0x10440] =	vst v34;
	v23 =	vmul.f32 s29, v23;
	v33 =	vmul.f32 v33, v0;
	v40 =	vadd.f32 v40, v5;
	s10 =	smul.f32 s6, s2  }
0x192: {  	[tilespmem:s9+$0x10450] =	vst v31;
	v35 =	vadd.f32 v35, v6;
	v38 =	vadd.f32 v38, v7;
	v8 =	vmul.f32 v8, v2;
	s16 =	sshrl.u32 s4, $0x1;
	s1 =	smul.f32 $5.000000000e-01, s4  }
0x193: {  	[tilespmem:s9+$0x10460] =	vst v62;
	v33 =	vadd.f32 v33, v1;
	v10 =	vmul.f32 v10, v3;
	v9 =	vmul.f32 v9, v4;
	s25 =	smul.f32 s3, s28;
	s6 =	ssub.f32 $1.500000000e+00, s10;
	s17 =	ssub.s32 $0x5F3759DF, s16  }
0x194: {  	[tilespmem:s9+$0x10470] =	vst v32;
	v11 =	vmul.f32 v11, v0;
	v8 =	vadd.f32 v8, v5;
	v12 =	vadd.f32 s24, v12;
	s21 =	smul.f32 s17, s1  }
0x195: {  	v63 =	vmul.f32 s3, v37;
	[tilespmem:s9+$0x10400] =	vst v40;
	v13 =	vadd.f32 s24, v13;
	v14 =	vadd.f32 s24, v14;
	s2 =	smul.f32 s6, s2  }
0x196: {  	v34 =	vmul.f32 s3, v39;
	[tilespmem:s9+$0x10410] =	vst v35;
	v15 =	vadd.f32 s24, v15;
	v10 =	vadd.f32 v10, v6;
	s14 =	ssub.f32 $0.0e+00, s31;
	s6 =	smul.f32 s17, s21  }
0x197: {  	v36 =	vmul.f32 s3, v29;
	[tilespmem:s9+$0x10420] =	vst v38;
	v9 =	vadd.f32 v9, v7;
	v11 =	vadd.f32 v11, v1;
	s12 =	ssub.f32 $0.0e+00, s25;
	s31 =	smul.f32 s2, s30  }
0x198: {  	v37 =	vmul.f32 s29, v21;
	[tilespmem:s9+$0x10430] =	vst v33;
	v16 =	vadd.f32 s14, v16;
	v17 =	vadd.f32 s14, v17;
	s28 =	smul.f32 s5, s0;
	s6 =	ssub.f32 $1.500000000e+00, s6  }
0x199: {  	v35 =	vmul.f32 s3, v30;
	[tilespmem:s9+$0x10480] =	vst v8;
	v18 =	vadd.f32 s14, v18;
	v19 =	vadd.f32 s14, v19;
	s14 =	smul.f32 s31, s2  }
0x19a: {  	[tilespmem:s9+$0x10490] =	vst v10;
	v12 =	vmul.f32 v12, v2;
	v57 =	vmul.f32 v13, v3;
	v39 =	vadd.f32 s12, v34;
	s3 =	smul.f32 s17, s6  }
0x19b: {  	[tilespmem:s9+$0x104A0] =	vst v9;
	v26 =	vmul.f32 v14, v4;
	v15 =	vmul.f32 v15, v0;
	v40 =	vadd.f32 s12, v63;
	s21 =	ssub.f32 $1.500000000e+00, s14;
	s17 =	smul.f32 s28, s5  }
0x19c: {  	[tilespmem:s9+$0x104B0] =	vst v11;
	v52 =	vadd.f32 s12, v35;
	v53 =	vadd.f32 s12, v36;
	v54 =	vmul.f32 v39, v0;
	s23 =	smul.f32 s3, s1  }
0x19d: {  	[tilespmem:s19+$0x104C0] =	vst v24;
	v12 =	vadd.f32 v12, v5;
	v13 =	vadd.f32 v26, v7;
	v16 =	vmul.f32 v16, v2;
	s2 =	smul.f32 s21, s2;
	s6 =	ssub.f32 $1.500000000e+00, s17  }
0x19e: {  	[tilespmem:s19+$0x104D0] =	vst v25;
	v11 =	vadd.f32 v54, v1;
	v17 =	vmul.f32 v17, v3;
	v18 =	vmul.f32 v18, v4;
	s24 =	smul.f32 s23, s3  }
0x19f: {  	v38 =	vmul.f32 s29, v22;
	[tilespmem:s19+$0x104E0] =	vst v56;
	v33 =	vadd.f32 v15, v1;
	s16 =	ssub.f32 $0.0e+00, s15;
	v16 =	vadd.f32 v16, v5;
	s5 =	smul.f32 s6, s5  }
0x1a0: {  	v19 =	vmul.f32 v19, v0;
	[tilespmem:s20+$0x104F0] =	vst v11;
	v58 =	vadd.f32 v17, v6;
	v60 =	vadd.f32 v18, v7;
	s25 =	smul.f32 s2, s26;
	s4 =	ssub.f32 $1.500000000e+00, s24  }
0x1a1: {  	v10 =	vmul.f32 v40, v2;
	v20 =	vadd.f32 s16, v20;
	v8 =	vadd.f32 s16, v37;
	[tilespmem:s19+$0x10440] =	vst v12;
	s0 =	smul.f32 s5, s0  }
0x1a2: {  	v9 =	vmul.f32 v53, v4;
	v19 =	vadd.f32 v19, v1;
	v11 =	vadd.f32 v57, v6;
	[tilespmem:s19+$0x10460] =	vst v13;
	s3 =	smul.f32 s4, s3  }
0x1a3: {  	v21 =	vadd.f32 s16, v38;
	[tilespmem:s19+$0x10470] =	vst v33;
	v32 =	vmul.f32 v20, v2;
	v8 =	vmul.f32 v8, v3;
	s0 =	smul.f32 s0, s5  }
0x1a4: {  	v55 =	vadd.f32 s16, v23;
	[tilespmem:s19+$0x10400] =	vst v16;
	v59 =	vmul.f32 s2, v28;
	v61 =	vmul.f32 s2, v49;
	s26 =	ssub.f32 $0.0e+00, s25;
	s1 =	smul.f32 s3, s1  }
0x1a5: {  	[tilespmem:s19+$0x10430] =	vst v19;
	v34 =	vmul.f32 v21, v4;
	v19 =	vadd.f32 v32, v5;
	v8 =	vadd.f32 v8, v6;
	s0 =	ssub.f32 $1.500000000e+00, s0  }
0x1a6: {  	[tilespmem:s19+$0x10410] =	vst v58;
	v35 =	vmul.f32 v55, v0;
	v28 =	vadd.f32 s26, v59;
	v29 =	vadd.f32 s26, v61;
	s1 =	smul.f32 s1, s3  }
0x1a7: {  	[tilespmem:s19+$0x10450] =	vst v11;
	v11 =	vadd.f32 v34, v7;
	v62 =	vmul.f32 s2, v50;
	v63 =	vmul.f32 s2, v51;
	s0 =	smul.f32 s0, s5  }
0x1a8: {  	[tilespmem:s19+$0x10420] =	vst v60;
	v15 =	vadd.f32 v35, v1;
	v14 =	vmul.f32 v28, v2;
	v16 =	vmul.f32 v29, v3  }
0x1a9: {  	[tilespmem:s19+$0x10480] =	vst v19;
	v30 =	vadd.f32 s26, v62;
	s1 =	ssub.f32 $1.500000000e+00, s1;
	v36 =	vmul.f32 s0, v41;
	v37 =	vmul.f32 s0, v43  }
0x1aa: {  	[tilespmem:s19+$0x10490] =	vst v8;
	v31 =	vadd.f32 s26, v63;
	v38 =	vmul.f32 s0, v44;
	v39 =	vmul.f32 s0, v45;
	s0 =	smul.f32 s0, s22  }
0x1ab: {  	v40 =	vmul.f32 v52, v3;
	v9 =	vadd.f32 v9, v7;
	[tilespmem:s19+$0x104A0] =	vst v11;
	v49 =	vmul.f32 v30, v4;
	s1 =	smul.f32 s1, s3  }
0x1ac: {  	[tilespmem:s19+$0x104B0] =	vst v15;
	v50 =	vmul.f32 v31, v0;
	v14 =	vadd.f32 v14, v5;
	v16 =	vadd.f32 v16, v6;
	s0 =	ssub.f32 $0.0e+00, s0  }
0x1ad: {  	[tilespmem:s20+$0x104E0] =	vst v9;
	v52 =	vadd.f32 v49, v7;
	v43 =	vmul.f32 s1, v42;
	v44 =	vmul.f32 s1, v47  }
0x1ae: {  	[tilespmem:s20+$0x10400] =	vst v14;
	v47 =	vmul.f32 s1, v48;
	v48 =	vmul.f32 s1, v46;
	s1 =	smul.f32 s1, s11;
	v12 =	vadd.f32 s0, v36  }
0x1af: {  	v9 =	vadd.f32 v50, v1;
	[tilespmem:s20+$0x10410] =	vst v16;
	v13 =	vadd.f32 s0, v37  }
0x1b0: {  	[tilespmem:s20+$0x10420] =	vst v52;
	v41 =	vadd.f32 v10, v5;
	v51 =	vadd.f32 s0, v38;
	v12 =	vmul.f32 v12, v2;
	s1 =	ssub.f32 $0.0e+00, s1  }
0x1b1: {  	[tilespmem:s20+$0x10430] =	vst v9;
	v45 =	vadd.f32 v40, v6;
	v53 =	vadd.f32 s0, v39;
	v13 =	vmul.f32 v13, v3  }
0x1b2: {  	[tilespmem:s20+$0x104C0] =	vst v41;
	v54 =	vmul.f32 v51, v4;
	v10 =	vadd.f32 s1, v43;
	v12 =	vadd.f32 v12, v5  }
0x1b3: {  	[tilespmem:s20+$0x104D0] =	vst v45;
	v55 =	vmul.f32 v53, v0;
	v11 =	vadd.f32 s1, v44;
	v56 =	vadd.f32 v13, v6  }
0x1b4: {  	v57 =	vadd.f32 s1, v47;
	v59 =	vadd.f32 v54, v7;
	v58 =	vmul.f32 v10, v2;
	[tilespmem:s20+$0x10440] =	vst v12  }
0x1b5: {  	v8 =	vadd.f32 s1, v48;
	v61 =	vadd.f32 v55, v1;
	v60 =	vmul.f32 v11, v3;
	[tilespmem:s20+$0x10450] =	vst v56  }
0x1b6: {  	v62 =	vmul.f32 v57, v4;
	[tilespmem:s20+$0x10460] =	vst v59;
	v2 =	vadd.f32 v58, v5  }
0x1b7: {  	p0 =	seq.s32 s13, $0x18;
	v63 =	vmul.f32 v8, v0;
	[tilespmem:s20+$0x10470] =	vst v61;
	v3 =	vadd.f32 v60, v6  }
.Ltmp3:
0x1b8: {  	s29 =	rddreg [dreg:$0x8];
	s28 =	sshll.u32 s13, $0x10;
	v4 =	vadd.f32 v62, v7;
	[tilespmem:s20+$0x10480] =	vst v2;
	(pc) =	sbr.rel @p0 .LBB2_6-.Ltmp3, $4  }
0x1b9: {  	s0 =	sadd.s32 s29, s28;
	v0 =	vadd.f32 v63, v1;
	[tilespmem:s20+$0x10490] =	vst v3  }
0x1ba: {  	s30 =	rddreg [dreg:$0x4];
	s0 =	sshrl.u32 s0, $0x3;
	[tilespmem:s20+$0x104A0] =	vst v4  }
0x1bb: {  	s31 =	simm.s32 $0x10400;
	s0 =	sadd.s32 s30, s0;
	[tilespmem:s20+$0x104B0] =	vst v0  }
0x1bc: {  	[hbm4b:s0+s18] =	stream.linear.scatter [tilespmem:s31], [sflag:$0x3], $0x8000, $0x38;
	[tilespmem:$0x18480] =	vst v63  }
0x1bd: {  	s0 =	rddreg [dreg:$0x9]  }
0x1be: {  	s0 =	sadd.s32 s8, s0  }
0x1bf: {  	s0 =	sshll.u32 s0, $0x4  }
0x1c0: {  	s1 =	rddreg [dreg:$0x0];
	s0 =	sand.u32 $0x1FFFFF80, s0  }
0x1c1: {  	s24 =	simm.s32 $0x4;
	s0 =	sadd.s32 s1, s0  }
0x1c2: {  	[tilespmem:s18], [sflag:$0x4] =	stream.linear.gather [hbm4b:s0+s18], $0x200, $0x38;
	[tilespmem:$0x18480] =	vst v63  }
0x1c3: {  	_ =	swait.ge [sflag:s24], $0x200  }
0x1c4: {  	[sflag:s24] =	ssyncset.done $0x0  }
0x1c5: {  	[sflag:s24] =	ssyncadd.s32 $0xFFFFFE00  }
0x1c6: {  	v0 =	vld [tilespmem:$0x0]  }
0x1c7: {  	v1 =	vld [tilespmem:$0x10]  }
0x1c8: {  	v2 =	vld [tilespmem:$0x20]  }
0x1c9: {  	v3 =	vld [tilespmem:$0x30]  }
0x1ca: {  	v4 =	vld [tilespmem:$0x40]  }
0x1cb: {  	v5 =	vld [tilespmem:$0x50];
	v0 =	vshll.u32 v0, $0x1  }
0x1cc: {  	v8 =	vld [tilespmem:$0x60];
	v7 =	vshll.u32 v1, $0x1;
	[tilespmem:$0x0] =	vst v0  }
0x1cd: {  	v10 =	vld [tilespmem:$0x70];
	v9 =	vshll.u32 v2, $0x1;
	[tilespmem:$0x10] =	vst v7  }
0x1ce: {  	v12 =	vld [tilespmem:$0x80];
	v11 =	vshll.u32 v3, $0x1;
	[tilespmem:$0x20] =	vst v9  }
0x1cf: {  	v14 =	vld [tilespmem:$0x90];
	v13 =	vshll.u32 v4, $0x1;
	[tilespmem:$0x30] =	vst v11  }
0x1d0: {  	v16 =	vld [tilespmem:$0xA0];
	v15 =	vshll.u32 v5, $0x1;
	[tilespmem:$0x40] =	vst v13  }
0x1d1: {  	v18 =	vld [tilespmem:$0xB0];
	v17 =	vshll.u32 v8, $0x1;
	[tilespmem:$0x50] =	vst v15  }
0x1d2: {  	v20 =	vld [tilespmem:$0xC0];
	v19 =	vshll.u32 v10, $0x1;
	[tilespmem:$0x60] =	vst v17  }
0x1d3: {  	v22 =	vld [tilespmem:$0xD0];
	v21 =	vshll.u32 v12, $0x1;
	[tilespmem:$0x70] =	vst v19  }
0x1d4: {  	v24 =	vld [tilespmem:$0xE0];
	v23 =	vshll.u32 v14, $0x1;
	[tilespmem:$0x80] =	vst v21  }
0x1d5: {  	v26 =	vld [tilespmem:$0xF0];
	v25 =	vshll.u32 v16, $0x1;
	[tilespmem:$0x90] =	vst v23  }
0x1d6: {  	v28 =	vld [tilespmem:$0x100];
	v27 =	vshll.u32 v18, $0x1;
	[tilespmem:$0xA0] =	vst v25  }
0x1d7: {  	v30 =	vld [tilespmem:$0x110];
	v29 =	vshll.u32 v20, $0x1;
	[tilespmem:$0xB0] =	vst v27  }
0x1d8: {  	v32 =	vld [tilespmem:$0x120];
	v31 =	vshll.u32 v22, $0x1;
	[tilespmem:$0xC0] =	vst v29  }
0x1d9: {  	v34 =	vld [tilespmem:$0x130];
	v33 =	vshll.u32 v24, $0x1;
	[tilespmem:$0xD0] =	vst v31  }
0x1da: {  	v36 =	vld [tilespmem:$0x140];
	v35 =	vshll.u32 v26, $0x1;
	[tilespmem:$0xE0] =	vst v33  }
0x1db: {  	v38 =	vld [tilespmem:$0x150];
	v37 =	vshll.u32 v28, $0x1;
	[tilespmem:$0xF0] =	vst v35  }
0x1dc: {  	v40 =	vld [tilespmem:$0x160];
	v39 =	vshll.u32 v30, $0x1;
	[tilespmem:$0x100] =	vst v37  }
0x1dd: {  	v42 =	vld [tilespmem:$0x170];
	v41 =	vshll.u32 v32, $0x1;
	[tilespmem:$0x110] =	vst v39  }
0x1de: {  	v44 =	vld [tilespmem:$0x180];
	v43 =	vshll.u32 v34, $0x1;
	[tilespmem:$0x120] =	vst v41  }
0x1df: {  	v46 =	vld [tilespmem:$0x190];
	v45 =	vshll.u32 v36, $0x1;
	[tilespmem:$0x130] =	vst v43  }
0x1e0: {  	v48 =	vld [tilespmem:$0x1A0];
	v47 =	vshll.u32 v38, $0x1;
	[tilespmem:$0x140] =	vst v45  }
0x1e1: {  	v50 =	vld [tilespmem:$0x1B0];
	v49 =	vshll.u32 v40, $0x1;
	[tilespmem:$0x150] =	vst v47  }
0x1e2: {  	v52 =	vld [tilespmem:$0x1C0];
	v51 =	vshll.u32 v42, $0x1;
	[tilespmem:$0x160] =	vst v49  }
0x1e3: {  	v54 =	vld [tilespmem:$0x1D0];
	v53 =	vshll.u32 v44, $0x1;
	[tilespmem:$0x170] =	vst v51  }
0x1e4: {  	v56 =	vld [tilespmem:$0x1E0];
	v55 =	vshll.u32 v46, $0x1;
	[tilespmem:$0x180] =	vst v53  }
0x1e5: {  	v58 =	vld [tilespmem:$0x1F0];
	v57 =	vshll.u32 v48, $0x1;
	[tilespmem:$0x190] =	vst v55  }
0x1e6: {  	v59 =	vshll.u32 v50, $0x1;
	[tilespmem:$0x1A0] =	vst v57  }
0x1e7: {  	v60 =	vshll.u32 v52, $0x1;
	[tilespmem:$0x1B0] =	vst v59  }
0x1e8: {  	v61 =	vshll.u32 v54, $0x1;
	[tilespmem:$0x1C0] =	vst v60  }
0x1e9: {  	v62 =	vshll.u32 v56, $0x1;
	[tilespmem:$0x1D0] =	vst v61  }
0x1ea: {  	v63 =	vshll.u32 v58, $0x1;
	[tilespmem:$0x1E0] =	vst v62  }
0x1eb: {  	s25 =	simm.s32 $0x80;
	s26 =	simm.s32 $0x400;
	[tilespmem:$0x1F0] =	vst v63  }
0x1ec: {  	[tilespmem:s26], [sflag:$0x1] =	stream.indirect.gather [hbm4b:s7+s25], $0x40, s18, s25, $0xb8;
	[tilespmem:$0x18480] =	vst v63  }
0x1ed: {  	s28 =	simm.s32 $0x2400  }
0x1ee: {  	[tilespmem:s28], [sflag:$0x1] =	stream.indirect.gather [hbm4b:s7+s25], $0x40, s25, s25, $0xb8;
	[tilespmem:$0x18480] =	vst v63  }
0x1ef: {  	s29 =	simm.s32 $0x100;
	s2 =	simm.s32 $0x4400  }
0x1f0: {  	[tilespmem:s2], [sflag:$0x1] =	stream.indirect.gather [hbm4b:s7+s25], $0x40, s29, s25, $0xb8;
	[tilespmem:$0x18480] =	vst v63  }
0x1f1: {  	s30 =	simm.s32 $0x180;
	s31 =	simm.s32 $0x6400  }
0x1f2: {  	[tilespmem:s31], [sflag:$0x1] =	stream.indirect.gather [hbm4b:s7+s25], $0x40, s30, s25, $0xb8;
	[tilespmem:$0x18480] =	vst v63  }
.LBB2_6:
0x1f3: {  	s0 =	simm.s32 $0x2  }
0x1f4: {  	_ =	swait.ge [sflag:s0], $0x8000  }
0x1f5: {  	[sflag:s0] =	ssyncset.done $0x0  }
0x1f6: {  	s17 =	simm.s32 $0x3;
	[sflag:s0] =	ssyncadd.s32 $0xFFFF8000  }
0x1f7: {  	_ =	swait.ge [sflag:s17], $0x8000  }
0x1f8: {  	[sflag:s17] =	ssyncset.done $0x0  }
0x1f9: {  	s9 =	simm.s32 $0x0;
	[sflag:s17] =	ssyncadd.s32 $0xFFFF8000  }
0x1fa: {  	v5 =	vld [tilespmem:s9+$0x84C0]  }
0x1fb: {  	v6 =	vld [tilespmem:s9+$0x84D0]  }
0x1fc: {  	v7 =	vld [tilespmem:s9+$0x84E0]  }
0x1fd: {  	v1 =	vld [tilespmem:s9+$0x84F0]  }
0x1fe: {  	v30 =	vld [tilespmem:s9+$0x8400]  }
0x1ff: {  	v33 =	vld [tilespmem:s9+$0x8410]  }
0x200: {  	v28 =	vld [tilespmem:s9+$0x8420]  }
0x201: {  	v29 =	vld [tilespmem:s9+$0x8430];
	v0 =	vmul.f32 v5, v5;
	v2 =	vmul.f32 v6, v6  }
0x202: {  	v32 =	vld [tilespmem:s9+$0x8440];
	v3 =	vmul.f32 v7, v7;
	v4 =	vmul.f32 v1, v1  }
0x203: {  	v39 =	vld [tilespmem:s9+$0x8450];
	v8 =	vadd.f32 v6, v5;
	v9 =	vadd.f32 v1, v7  }
0x204: {  	v36 =	vld [tilespmem:s9+$0x8460];
	v0 =	vadd.f32 v2, v0;
	v2 =	vadd.f32 v4, v3  }
0x205: {  	v40 =	vld [tilespmem:s9+$0x8470];
	v3 =	vadd.f32 v9, v8  }
0x206: {  	v0 =	vadd.f32 v2, v0  }
0x207: {  	v10 =	vld [tilespmem:s9+$0x8490];
	(xrf2) =	vadd.scan.msk.f32 $0xffff, v3;
	v2 =	vadd.f32 v33, v30;
	v3 =	vadd.f32 v29, v28  }
0x208: {  	v11 =	vld [tilespmem:s9+$0x84B0]  }
0x209: {  	v9 =	vld [tilespmem:s9+$0x84A0];
	(xrf2) =	vadd.scan.msk.f32 $0xffff, v0;
	v0 =	vadd.f32 v3, v2  }
0x20a: {  	v8 =	vld [tilespmem:s9+$0x8480];
	v2 =	vadd.f32 v39, v32;
	v3 =	vadd.f32 v40, v36;
	_ =	sdelay $0x1  }
0x20b: {  	(xrf2) =	vadd.scan.msk.f32 $0xffff, v0;
	v0 =	vadd.f32 v3, v2  }
0x20c: {  	v13 =	vmul.f32 v29, v29;
	v2 =	vmul.f32 v30, v30  }
0x20d: {  	v12 =	vadd.f32 v11, v9;
	v3 =	vmul.f32 v33, v33;
	(xrf2) =	vadd.scan.msk.f32 $0xffff, v0;
	v0 =	vmul.f32 v28, v28  }
0x20e: {  	v14 =	vmul.f32 v39, v39;
	v4 =	vadd.f32 v10, v8  }
0x20f: {  	v2 =	vadd.f32 v3, v2;
	v3 =	vmul.f32 v32, v32;
	v0 =	vadd.f32 v13, v0  }
0x210: {  	v15 =	vmul.f32 v40, v40;
	v4 =	vadd.f32 v12, v4;
	v13 =	vmul.f32 v36, v36  }
0x211: {  	v3 =	vadd.f32 v14, v3;
	v12, _, _ =	vpop (xrf2);
	v0 =	vadd.f32 v0, v2  }
0x212: {  	v2 =	vadd.f32 v15, v13;
	(v2sf) =	vpush v12, $0xF;
	v12, _, _ =	vpop (xrf2)  }
0x213: {  	(xrf2) =	vadd.scan.msk.f32 $0xffff, v4;
	(v2sf) =	vpush v12, $0xF  }
0x214: {  	v14 =	vmul.f32 v11, v11;
	v13 =	vmul.f32 v9, v9;
	v2 =	vadd.f32 v2, v3  }
0x215: {  	v4 =	vmul.f32 v8, v8;
	v12 =	vmul.f32 v10, v10  }
0x216: {  	(xrf2) =	vadd.scan.msk.f32 $0xffff, v0;
	v3 =	vadd.f32 v14, v13;
	v0, _, _ =	vpop (xrf2)  }
0x217: {  	(v2sf) =	vpush v0, $0xF;
	v0 =	vadd.f32 v12, v4  }
0x218: {  	(xrf2) =	vadd.scan.msk.f32 $0xffff, v2;
	v2, _, _ =	vpop (xrf2)  }
0x219: {  	(v2sf) =	vpush v2, $0xF;
	v0 =	vadd.f32 v3, v0;
	_ =	sdelay $0x1  }
0x21a: {  	(xrf2) =	vadd.scan.msk.f32 $0xffff, v0;
	_ =	sdelay $0x1  }
0x21b: {  	v0, _, _ =	vpop (xrf2)  }
0x21c: {  	(v2sf) =	vpush v0, $0xF;
	_ =	sdelay $0x2  }
0x21d: {  	v0, _, _ =	vpop (xrf2);
	s18 =	spop (v2sf)  }
0x21e: {  	(v2sf) =	vpush v0, $0xF;
	s0 =	smul.f32 $1.562500000e-02, s18;
	s1 =	spop (v2sf)  }
0x21f: {  	v0, _, _ =	vpop (xrf2);
	s1 =	smul.f32 $1.562500000e-02, s1  }
0x220: {  	(v2sf) =	vpush v0, $0xF;
	s2 =	smul.f32 s0, s0  }
0x221: {  	v0, _, _ =	vpop (xrf2)  }
0x222: {  	s19 =	spop (v2sf);
	(v2sf) =	vpush v0, $0xF;
	s1 =	ssub.f32 s1, s2  }
0x223: {  	s30 =	smul.f32 $1.562500000e-02, s19  }
0x224: {  	s20 =	spop (v2sf);
	s1 =	smax.f32 s1, $0.0e+00  }
0x225: {  	s22 =	smul.f32 $1.562500000e-02, s20;
	s1 =	sadd.f32 $9.999999960e-13, s1  }
0x226: {  	s23 =	smul.f32 s30, s30  }
0x227: {  	s21 =	sshrl.u32 s1, $0x1;
	s3 =	smul.f32 $5.000000000e-01, s1  }
0x228: {  	s25 =	smul.f32 s22, s22;
	s2 =	ssub.s32 $0x5F3759DF, s21  }
0x229: {  	s19 =	simm.s32 $0x100;
	s4 =	spop (v2sf);
	s5 =	smul.f32 s2, s3  }
0x22a: {  	v23 =	vld [tilespmem:s19+$0x84C0];
	s21 =	smul.f32 $1.562500000e-02, s4  }
0x22b: {  	v22 =	vld [tilespmem:s19+$0x84D0];
	s24 =	smul.f32 s2, s5  }
0x22c: {  	v24 =	vld [tilespmem:s19+$0x84E0];
	s14 =	smul.f32 s21, s21  }
0x22d: {  	v27 =	vld [tilespmem:s19+$0x84F0];
	s6 =	spop (v2sf);
	s4 =	ssub.f32 $1.500000000e+00, s24  }
0x22e: {  	v17 =	vld [tilespmem:s19+$0x8400];
	s6 =	smul.f32 $1.562500000e-02, s6  }
0x22f: {  	v18 =	vld [tilespmem:s19+$0x8410];
	s10 =	spop (v2sf);
	s2 =	smul.f32 s2, s4  }
0x230: {  	v16 =	vld [tilespmem:s19+$0x8420];
	v0 =	vmul.f32 v23, v23;
	s26 =	smul.f32 $1.562500000e-02, s10  }
0x231: {  	v19 =	vld [tilespmem:s19+$0x8430];
	v2 =	vmul.f32 v22, v22;
	v3 =	vmul.f32 v24, v24;
	s1 =	ssub.f32 s6, s23;
	s11 =	spop (v2sf)  }
0x232: {  	v13 =	vld [tilespmem:s19+$0x8440];
	v4 =	vmul.f32 v27, v27;
	v20 =	vadd.f32 v22, v23;
	v21 =	vadd.f32 v27, v24;
	s12 =	smul.f32 s2, s3;
	s4 =	ssub.f32 s26, s25  }
0x233: {  	v12 =	vld [tilespmem:s19+$0x8450];
	v0 =	vadd.f32 v2, v0;
	s1 =	smax.f32 s1, $0.0e+00;
	s15 =	smul.f32 $1.562500000e-02, s11  }
0x234: {  	v14 =	vld [tilespmem:s19+$0x8460];
	v2 =	vadd.f32 v4, v3;
	v3 =	vadd.f32 v21, v20;
	s16 =	sadd.f32 $9.999999960e-13, s1;
	s10 =	smul.f32 s12, s2  }
0x235: {  	v15 =	vld [tilespmem:s19+$0x8470];
	s4 =	smax.f32 s4, $0.0e+00;
	s5 =	ssub.f32 s15, s14  }
0x236: {  	v25 =	vld [tilespmem:s19+$0x84A0];
	(xrf2) =	vadd.scan.msk.f32 $0xffff, v3;
	s4 =	sadd.f32 $9.999999960e-13, s4;
	s1 =	smul.f32 $5.000000000e-01, s16;
	s18 =	sshrl.u32 s16, $0x1  }
0x237: {  	v26 =	vld [tilespmem:s19+$0x84B0];
	s10 =	ssub.f32 $1.500000000e+00, s10;
	s5 =	smax.f32 s5, $0.0e+00;
	s12 =	ssub.s32 $0x5F3759DF, s18  }
0x238: {  	v20 =	vld [tilespmem:s19+$0x8480];
	v0 =	vadd.f32 v2, v0;
	s17 =	sadd.f32 $9.999999960e-13, s5;
	s5 =	smul.f32 $5.000000000e-01, s4  }
0x239: {  	v21 =	vld [tilespmem:s19+$0x8490];
	s20 =	smul.f32 s12, s1  }
0x23a: {  	v4 =	vadd.f32 v19, v16;
	v2 =	vadd.f32 v18, v17;
	(xrf2) =	vadd.scan.msk.f32 $0xffff, v0;
	s4 =	sshrl.u32 s4, $0x1;
	s2 =	smul.f32 s10, s2  }
0x23b: {  	s4 =	ssub.s32 $0x5F3759DF, s4;
	s10 =	smul.f32 $5.000000000e-01, s17  }
0x23c: {  	v0 =	vadd.f32 v4, v2;
	s14 =	smul.f32 s4, s5  }
0x23d: {  	v3 =	vadd.f32 v15, v14;
	v2 =	vadd.f32 v12, v13;
	s6 =	sshrl.u32 s17, $0x1;
	s11 =	smul.f32 s12, s20  }
0x23e: {  	v31 =	vadd.f32 v26, v25;
	v4 =	vadd.f32 v21, v20;
	(xrf2) =	vadd.scan.msk.f32 $0xffff, v0;
	s3 =	smul.f32 s2, s3;
	s6 =	ssub.s32 $0x5F3759DF, s6  }
0x23f: {  	v34 =	vmul.f32 v16, v16;
	v35 =	vmul.f32 v19, v19;
	v2 =	vadd.f32 v3, v2;
	s15 =	smul.f32 s6, s10  }
0x240: {  	v0 =	vmul.f32 v17, v17;
	v3 =	vmul.f32 v18, v18;
	v4 =	vadd.f32 v31, v4;
	v57, _, _ =	vpop (xrf2);
	s14 =	smul.f32 s4, s14;
	s16 =	ssub.f32 $1.500000000e+00, s11  }
0x241: {  	v56 =	vmul.f32 v15, v15;
	(xrf2) =	vadd.scan.msk.f32 $0xffff, v2;
	(v2sf) =	vpush v57, $0xF;
	s3 =	smul.f32 s3, s2  }
0x242: {  	v31 =	vmul.f32 v14, v14;
	v0 =	vadd.f32 v3, v0;
	v3 =	vadd.f32 v35, v34;
	s24 =	smul.f32 s12, s16  }
0x243: {  	v37 =	vmul.f32 v12, v12;
	v2 =	vmul.f32 v13, v13;
	s15 =	smul.f32 s6, s15;
	s3 =	ssub.f32 $1.500000000e+00, s3  }
0x244: {  	v31 =	vadd.f32 v56, v31;
	v0 =	vadd.f32 v3, v0;
	(xrf2) =	vadd.scan.msk.f32 $0xffff, v4;
	v4, _, _ =	vpop (xrf2);
	s23 =	ssub.f32 $1.500000000e+00, s14;
	s14 =	smul.f32 s24, s1  }
0x245: {  	v2 =	vadd.f32 v37, v2;
	(v2sf) =	vpush v4, $0xF;
	s25 =	ssub.f32 $1.500000000e+00, s15;
	s11 =	smul.f32 s3, s2  }
0x246: {  	s2 =	smul.f32 s4, s23  }
0x247: {  	v2 =	vadd.f32 v31, v2;
	s26 =	smul.f32 s6, s25  }
0x248: {  	(xrf2) =	vadd.scan.msk.f32 $0xffff, v0;
	v0, _, _ =	vpop (xrf2);
	s6 =	smul.f32 s14, s24  }
0x249: {  	v58 =	vmul.f32 v21, v21;
	v3 =	vmul.f32 v20, v20;
	(v2sf) =	vpush v0, $0xF;
	s15 =	smul.f32 s2, s5  }
0x24a: {  	v59 =	vmul.f32 v26, v26;
	v4 =	vmul.f32 v25, v25;
	s16 =	smul.f32 s26, s10  }
0x24b: {  	v3 =	vadd.f32 v58, v3;
	(xrf2) =	vadd.scan.msk.f32 $0xffff, v2;
	v2, _, _ =	vpop (xrf2);
	s6 =	ssub.f32 $1.500000000e+00, s6;
	s12 =	smul.f32 s15, s2  }
0x24c: {  	v4 =	vadd.f32 v59, v4;
	(v2sf) =	vpush v2, $0xF;
	s14 =	smul.f32 s16, s26  }
0x24d: {  	s6 =	smul.f32 s6, s24  }
0x24e: {  	v0 =	vadd.f32 v4, v3;
	s0 =	smul.f32 s11, s0;
	s12 =	ssub.f32 $1.500000000e+00, s12  }
0x24f: {  	s17 =	ssub.f32 $1.500000000e+00, s14;
	s1 =	smul.f32 s6, s1  }
0x250: {  	(xrf2) =	vadd.scan.msk.f32 $0xffff, v0;
	s23 =	spop (v2sf);
	s2 =	smul.f32 s12, s2  }
0x251: {  	s28 =	smul.f32 $1.562500000e-02, s23  }
0x252: {  	v0, _, _ =	vpop (xrf2);
	s3 =	smul.f32 s17, s26  }
0x253: {  	(v2sf) =	vpush v0, $0xF;
	s1 =	smul.f32 s1, s6  }
0x254: {  	v0, _, _ =	vpop (xrf2);
	s24 =	spop (v2sf);
	s18 =	smul.f32 s2, s5  }
0x255: {  	(v2sf) =	vpush v0, $0xF;
	s5 =	smul.f32 $1.562500000e-02, s24  }
0x256: {  	v0, _, _ =	vpop (xrf2);
	s25 =	smul.f32 s28, s28  }
0x257: {  	(v2sf) =	vpush v0, $0xF;
	s14 =	ssub.f32 $0.0e+00, s0;
	s20 =	smul.f32 s3, s10  }
0x258: {  	s26 =	spop (v2sf);
	s4 =	smul.f32 s18, s2  }
0x259: {  	s1 =	ssub.f32 $1.500000000e+00, s1;
	s26 =	smul.f32 $1.562500000e-02, s26  }
0x25a: {  	v0, _, _ =	vpop (xrf2);
	s12 =	ssub.f32 s5, s25;
	s10 =	smul.f32 s20, s3  }
0x25b: {  	v2 =	vld [tilespmem:$0x18400];
	(v2sf) =	vpush v0, $0xF;
	s1 =	smul.f32 s1, s6;
	s16 =	spop (v2sf)  }
0x25c: {  	v3 =	vld [tilespmem:$0x18410];
	s4 =	ssub.f32 $1.500000000e+00, s4;
	s24 =	smul.f32 $1.562500000e-02, s16  }
0x25d: {  	v4 =	vld [tilespmem:$0x18420];
	s15 =	smax.f32 s12, $0.0e+00;
	s31 =	smul.f32 s1, s30  }
0x25e: {  	v60 =	vmul.f32 s11, v5;
	v0 =	vld [tilespmem:$0x18430];
	s0 =	sadd.f32 $9.999999960e-13, s15;
	s5 =	smul.f32 s4, s2  }
0x25f: {  	v31 =	vmul.f32 s11, v1;
	v5 =	vld [tilespmem:$0x18440];
	s2 =	smul.f32 s26, s26  }
0x260: {  	v1 =	vld [tilespmem:$0x18470];
	v62 =	vmul.f32 s11, v7;
	v34 =	vadd.f32 s14, v60;
	s17 =	sshrl.u32 s0, $0x1;
	s0 =	smul.f32 $5.000000000e-01, s0  }
0x261: {  	v61 =	vmul.f32 s11, v6;
	v7 =	vld [tilespmem:$0x18460];
	v31 =	vadd.f32 s14, v31;
	s25 =	smul.f32 s24, s24;
	s4 =	ssub.s32 $0x5F3759DF, s17  }
0x262: {  	v6 =	vld [tilespmem:$0x18450];
	v37 =	vadd.f32 s14, v62;
	v34 =	vmul.f32 v34, v2;
	s18 =	spop (v2sf);
	s20 =	smul.f32 s4, s0  }
0x263: {  	v35 =	vadd.f32 s14, v61;
	v31 =	vmul.f32 v31, v0;
	s23 =	smul.f32 $1.562500000e-02, s18  }
0x264: {  	v37 =	vmul.f32 v37, v4;
	v34 =	vadd.f32 v34, v5;
	s16 =	spop (v2sf);
	s6 =	smul.f32 s4, s20  }
0x265: {  	v35 =	vmul.f32 v35, v3;
	v31 =	vadd.f32 v31, v1;
	s12 =	smul.f32 $1.562500000e-02, s16  }
0x266: {  	v63 =	vadd.f32 v37, v7;
	[tilespmem:s9+$0x104C0] =	vst v34;
	s17 =	spop (v2sf);
	s6 =	ssub.f32 $1.500000000e+00, s6  }
0x267: {  	[tilespmem:s9+$0x104F0] =	vst v31;
	v31 =	vadd.f32 v35, v6;
	s14 =	smul.f32 $1.562500000e-02, s17  }
0x268: {  	s15 =	ssub.f32 $1.500000000e+00, s10;
	[tilespmem:s9+$0x104E0] =	vst v63;
	s10 =	smul.f32 s4, s6  }
0x269: {  	s20 =	simm.s32 $0x200;
	[tilespmem:s9+$0x104D0] =	vst v31;
	s4 =	smul.f32 s23, s23;
	s11 =	ssub.f32 s14, s25  }
0x26a: {  	v31 =	vld [tilespmem:s20+$0x84C0];
	s18 =	spop (v2sf);
	s25 =	smul.f32 s10, s0  }
0x26b: {  	v51 =	vmul.f32 s1, v30;
	v37 =	vmul.f32 s1, v33;
	s2 =	ssub.f32 s12, s2;
	v30 =	vld [tilespmem:s20+$0x84D0];
	s17 =	smul.f32 $1.562500000e-02, s18  }
0x26c: {  	v38 =	vmul.f32 s1, v28;
	v34 =	vmul.f32 s1, v29;
	v29 =	vld [tilespmem:s20+$0x84E0];
	s12 =	smax.f32 s11, $0.0e+00;
	s18 =	smul.f32 s25, s10  }
0x26d: {  	v33 =	vmul.f32 s5, v39;
	v36 =	vmul.f32 s5, v36;
	v39 =	vld [tilespmem:s20+$0x84F0];
	s11 =	smul.f32 s15, s3;
	s25 =	ssub.f32 s17, s4  }
0x26e: {  	s29 =	simm.s32 $0xC00;
	v35 =	vmul.f32 s5, v32;
	v32 =	vmul.f32 s5, v40;
	v28 =	vld [tilespmem:s20+$0x8400];
	s14 =	smax.f32 s2, $0.0e+00;
	s4 =	ssub.f32 $1.500000000e+00, s18  }
.LBB2_7:
0x26f: {  	p1 =	sne.s32 s29, $0x1FC00;
	v41 =	vld [tilespmem:s20+$0x8410];
	s1 =	sadd.f32 $9.999999960e-13, s14;
	s2 =	smax.f32 s25, $0.0e+00;
	v48 =	vmul.f32 s11, v8;
	v49 =	vmul.f32 s11, v10;
	v8 =	vmovc v20;
	v10 =	vmov v21  }
0x270: {  	s6 =	sadd.f32 $9.999999960e-13, s12;
	v50 =	vmul.f32 s11, v9;
	v47 =	vmul.f32 s11, v11;
	v9 =	vmovc v25;
	v11 =	vmov v26;
	s30 =	smov.u32 s26;
	v40 =	vld [tilespmem:s20+$0x8420];
	s4 =	smul.f32 s4, s10  }
0x271: {  	v20 =	vadd.f32 v30, v31;
	s2 =	sadd.f32 $9.999999960e-13, s2;
	v43 =	vld [tilespmem:s20+$0x8430];
	s3 =	sshrl.u32 s1, $0x1;
	s26 =	smul.f32 $5.000000000e-01, s1  }
0x272: {  	v25 =	vmul.f32 v31, v31;
	v26 =	vmul.f32 v30, v30;
	s1 =	sshrl.u32 s6, $0x1;
	v42 =	vld [tilespmem:s20+$0x8440];
	v21 =	vadd.f32 v39, v29;
	s10 =	ssub.s32 $0x5F3759DF, s3;
	s14 =	smul.f32 s4, s0  }
0x273: {  	v52 =	vmul.f32 v29, v29;
	v53 =	vmul.f32 v39, v39;
	s3 =	ssub.s32 $0x5F3759DF, s1;
	s0 =	smul.f32 $5.000000000e-01, s6;
	s1 =	sshrl.u32 s2, $0x1;
	v44 =	vld [tilespmem:s20+$0x8450]  }
0x274: {  	v55 =	vmul.f32 v28, v28;
	s12 =	ssub.s32 $0x5F3759DF, s1;
	s1 =	ssub.f32 $0.0e+00, s31;
	v54 =	vadd.f32 v41, v28;
	v45 =	vld [tilespmem:s20+$0x8460];
	v21 =	vadd.f32 v21, v20;
	s6 =	smul.f32 s14, s4  }
0x275: {  	v25 =	vadd.f32 v26, v25;
	s31 =	smul.f32 $5.000000000e-01, s2;
	v56 =	vmul.f32 v41, v41;
	v26 =	vadd.f32 v53, v52;
	v46 =	vld [tilespmem:s20+$0x8470]  }
0x276: {  	s2 =	smul.f32 s10, s26;
	v53 =	vmul.f32 v40, v40;
	v52 =	vadd.f32 v43, v40;
	v57 =	vmul.f32 v43, v43;
	v20 =	vld [tilespmem:s20+$0x8480];
	(xrf2) =	vadd.scan.msk.f32 $0xffff, v21;
	s6 =	ssub.f32 $1.500000000e+00, s6  }
0x277: {  	s14 =	smul.f32 s3, s0;
	v55 =	vadd.f32 v56, v55;
	v58 =	vadd.f32 v26, v25;
	v56 =	vmul.f32 v42, v42;
	v21 =	vld [tilespmem:s20+$0x8490]  }
0x278: {  	v52 =	vadd.f32 v52, v54;
	v54 =	vadd.f32 v44, v42;
	v59 =	vmul.f32 v44, v44;
	v25 =	vld [tilespmem:s20+$0x84A0];
	s4 =	smul.f32 s6, s4  }
0x279: {  	v51 =	vadd.f32 s1, v51;
	v53 =	vadd.f32 v57, v53;
	s6 =	smul.f32 s12, s31;
	v57 =	vmul.f32 v45, v45;
	v26 =	vld [tilespmem:s20+$0x84B0];
	(xrf2) =	vadd.scan.msk.f32 $0xffff, v58  }
0x27a: {  	v58 =	vadd.f32 v46, v45;
	v56 =	vadd.f32 v59, v56;
	v59 =	vmul.f32 v46, v46;
	s15 =	smul.f32 s4, s28  }
0x27b: {  	s2 =	smul.f32 s10, s2;
	v53 =	vadd.f32 v53, v55;
	v60 =	vmul.f32 s4, v23;
	v23 =	vmovc v31;
	v55 =	vmul.f32 v20, v20  }
0x27c: {  	s16 =	smul.f32 s3, s14;
	v31 =	vadd.f32 v21, v20;
	v61 =	vmul.f32 v21, v21;
	(xrf2) =	vadd.scan.msk.f32 $0xffff, v52;
	s14 =	ssub.f32 $0.0e+00, s15;
	v52 =	vmul.f32 s4, v27;
	v27 =	vmovc v39  }
0x27d: {  	s2 =	ssub.f32 $1.500000000e+00, s2;
	s6 =	smul.f32 s12, s6;
	v39 =	vadd.f32 v58, v54;
	v54 =	vadd.f32 v59, v57;
	v57 =	vmul.f32 v25, v25  }
0x27e: {  	s15 =	ssub.f32 $1.500000000e+00, s16;
	s16 =	smul.f32 s5, s22;
	s22 =	smov.u32 s24;
	v58 =	vadd.f32 v26, v25;
	v59 =	vmul.f32 v26, v26;
	v52 =	vadd.f32 s14, v52  }
0x27f: {  	s5 =	smul.f32 s10, s2;
	s2 =	ssub.f32 $1.500000000e+00, s6;
	v54 =	vadd.f32 v54, v56;
	v55 =	vadd.f32 v61, v55;
	(xrf2) =	vadd.scan.msk.f32 $0xffff, v39;
	v39 =	vmul.f32 s4, v22;
	v22 =	vmovc v30  }
0x280: {  	s6 =	smul.f32 s3, s15;
	s3 =	ssub.f32 $0.0e+00, s16;
	v30 =	vadd.f32 v58, v31;
	v31 =	vadd.f32 v59, v57;
	v56, _, _ =	vpop (xrf2);
	v52 =	vmul.f32 v52, v0  }
0x281: {  	v37 =	vadd.f32 s1, v37;
	v38 =	vadd.f32 s1, v38;
	s10 =	smul.f32 s12, s2;
	v57 =	vmul.f32 s4, v24;
	v24 =	vmovc v29  }
0x282: {  	s2 =	smul.f32 s5, s26;
	v29 =	vadd.f32 v31, v55;
	(xrf2) =	vadd.scan.msk.f32 $0xffff, v30;
	v30 =	vadd.f32 v52, v1;
	v31 =	vmul.f32 v51, v2  }
0x283: {  	v34 =	vadd.f32 s1, v34;
	v37 =	vmul.f32 v37, v3;
	s4 =	smul.f32 s6, s0;
	(v2sf) =	vpush v56, $0xF;
	v51, _, _ =	vpop (xrf2)  }
0x284: {  	s1 =	smul.f32 s10, s31;
	v35 =	vadd.f32 s3, v35;
	(v2sf) =	vpush v51, $0xF;
	[tilespmem:s19+$0x104F0] =	vst v30;
	v30 =	vmul.f32 v38, v4  }
0x285: {  	v34 =	vmul.f32 v34, v0;
	s2 =	smul.f32 s2, s5;
	v33 =	vadd.f32 s3, v33;
	v36 =	vadd.f32 s3, v36;
	(xrf2) =	vadd.scan.msk.f32 $0xffff, v53  }
0x286: {  	v32 =	vadd.f32 s3, v32;
	s4 =	smul.f32 s4, s6;
	v35 =	vmul.f32 v35, v2;
	v51 =	vadd.f32 s14, v60;
	v38, _, _ =	vpop (xrf2)  }
0x287: {  	s2 =	ssub.f32 $1.500000000e+00, s2;
	s1 =	smul.f32 s1, s10;
	v33 =	vmul.f32 v33, v3;
	(v2sf) =	vpush v38, $0xF;
	v38 =	vadd.f32 s14, v39  }
0x288: {  	s11 =	smul.f32 s11, s21;
	s21 =	smov.u32 s23;
	v36 =	vmul.f32 v36, v4;
	v32 =	vmul.f32 v32, v0;
	s4 =	ssub.f32 $1.500000000e+00, s4;
	v39 =	vadd.f32 s14, v57;
	(xrf2) =	vadd.scan.msk.f32 $0xffff, v54  }
0x289: {  	s3 =	smul.f32 s2, s5;
	s1 =	ssub.f32 $1.500000000e+00, s1;
	v53 =	vadd.f32 v31, v5;
	v51 =	vmul.f32 v51, v2;
	v52, _, _ =	vpop (xrf2);
	v38 =	vmul.f32 v38, v3  }
0x28a: {  	v37 =	vadd.f32 v37, v6;
	s2 =	ssub.f32 $0.0e+00, s11;
	s5 =	smul.f32 s4, s6;
	v39 =	vmul.f32 v39, v4;
	(v2sf) =	vpush v52, $0xF  }
0x28b: {  	s11 =	smul.f32 s1, s10;
	(xrf2) =	vadd.scan.msk.f32 $0xffff, v29;
	[tilespmem:s9+$0x10400] =	vst v53;
	v29 =	vadd.f32 v30, v7;
	v30 =	vadd.f32 v34, v1  }
0x28c: {  	s1 =	smul.f32 s3, s26;
	v34 =	vadd.f32 s2, v48;
	v48 =	vadd.f32 s2, v49;
	v31, _, _ =	vpop (xrf2);
	[tilespmem:s9+$0x10410] =	vst v37  }
0x28d: {  	s0 =	smul.f32 s5, s0;
	(v2sf) =	vpush v31, $0xF;
	[tilespmem:s9+$0x10420] =	vst v29;
	v29 =	vadd.f32 s2, v50  }
0x28e: {  	s4 =	smul.f32 s11, s31;
	v31 =	vmul.f32 v48, v3;
	[tilespmem:s9+$0x10430] =	vst v30;
	v30 =	vmul.f32 v34, v2;
	v34 =	vadd.f32 s2, v47  }
0x28f: {  	v33 =	vadd.f32 v33, v6;
	s1 =	smul.f32 s1, s3;
	v47 =	vadd.f32 v35, v5;
	v37, _, _ =	vpop (xrf2);
	v29 =	vmul.f32 v29, v4  }
0x290: {  	v36 =	vadd.f32 v36, v7;
	s0 =	smul.f32 s0, s5;
	(v2sf) =	vpush v37, $0xF;
	v34 =	vmul.f32 v34, v0  }
0x291: {  	v32 =	vadd.f32 v32, v1;
	s2 =	ssub.f32 $1.500000000e+00, s1;
	s1 =	smul.f32 s4, s11;
	v30 =	vadd.f32 v30, v5;
	[tilespmem:s9+$0x10440] =	vst v47  }
0x292: {  	s0 =	ssub.f32 $1.500000000e+00, s0;
	v31 =	vadd.f32 v31, v6;
	v29 =	vadd.f32 v29, v7;
	v35, _, _ =	vpop (xrf2);
	s4 =	spop (v2sf);
	[tilespmem:s9+$0x10450] =	vst v33  }
0x293: {  	v33 =	vadd.f32 v34, v1;
	s28 =	smul.f32 $1.562500000e-02, s4;
	(v2sf) =	vpush v35, $0xF;
	s4 =	spop (v2sf);
	[tilespmem:s9+$0x10460] =	vst v36  }
0x294: {  	s1 =	ssub.f32 $1.500000000e+00, s1;
	v35 =	vadd.f32 v51, v5;
	v36 =	vadd.f32 v38, v6;
	s4 =	smul.f32 $1.562500000e-02, s4;
	[tilespmem:s9+$0x10470] =	vst v32  }
0x295: {  	v39 =	vadd.f32 v39, v7;
	s6 =	smul.f32 s28, s28;
	v32, _, _ =	vpop (xrf2);
	[tilespmem:s9+$0x10480] =	vst v30  }
0x296: {  	s3 =	smul.f32 s2, s3;
	s10 =	spop (v2sf);
	(v2sf) =	vpush v32, $0xF;
	[tilespmem:s9+$0x10490] =	vst v31  }
0x297: {  	s26 =	smul.f32 $1.562500000e-02, s10;
	s2 =	ssub.f32 s4, s6;
	[tilespmem:s9+$0x104A0] =	vst v29  }
0x298: {  	s5 =	smul.f32 s0, s5;
	v37 =	vmul.f32 s3, v18;
	v18 =	vmovc v41;
	v51 =	vmul.f32 s3, v17;
	v17 =	vmov v28;
	[tilespmem:s9+$0x104B0] =	vst v33;
	s9 =	smov.u32 s19;
	s19 =	smov.u32 s20  }
0x299: {  	v34 =	vmul.f32 s3, v19;
	v19 =	vmovc v43;
	v38 =	vmul.f32 s3, v16;
	v16 =	vmov v40;
	s0 =	smax.f32 s2, $0.0e+00;
	s2 =	spop (v2sf);
	[tilespmem:s9+$0x104C0] =	vst v35  }
0x29a: {  	v33 =	vmul.f32 s5, v12;
	v12 =	vmovc v44;
	v35 =	vmul.f32 s5, v13;
	v13 =	vmov v42;
	s24 =	smul.f32 $1.562500000e-02, s2;
	s0 =	sadd.f32 $9.999999960e-13, s0;
	[tilespmem:s9+$0x104D0] =	vst v36  }
0x29b: {  	v32 =	vmul.f32 s5, v15;
	v15 =	vmovc v46;
	s2 =	smul.f32 s26, s26;
	v36 =	vmul.f32 s5, v14;
	v14 =	vmov v45;
	[tilespmem:s9+$0x104E0] =	vst v39  }
0x29c: {  	s4 =	sshrl.u32 s0, $0x1;
	s0 =	smul.f32 $5.000000000e-01, s0;
	s6 =	spop (v2sf)  }
0x29d: {  	s23 =	smul.f32 $1.562500000e-02, s6;
	s4 =	ssub.s32 $0x5F3759DF, s4  }
0x29e: {  	s6 =	smul.f32 s4, s0  }
0x29f: {  	s12 =	smul.f32 s24, s24;
	s10 =	spop (v2sf)  }
0x2a0: {  	s6 =	smul.f32 s4, s6  }
0x2a1: {  	s10 =	smul.f32 $1.562500000e-02, s10  }
0x2a2: {  	s6 =	ssub.f32 $1.500000000e+00, s6;
	s14 =	spop (v2sf)  }
0x2a3: {  	s14 =	smul.f32 $1.562500000e-02, s14  }
0x2a4: {  	s2 =	ssub.f32 s10, s2;
	s10 =	smul.f32 s4, s6  }
0x2a5: {  	s4 =	smul.f32 s23, s23  }
0x2a6: {  	s20 =	sshra.s32 s29, $0x2;
	s6 =	spop (v2sf);
	s15 =	smul.f32 s10, s0  }
.Ltmp4:
0x2a7: {  	s12 =	ssub.f32 s14, s12;
	v31 =	vld [tilespmem:s20+$0x84C0];
	(pc) =	sbr.rel @p1 .LBB2_7-.Ltmp4, $4  }
0x2a8: {  	s14 =	smax.f32 s2, $0.0e+00;
	s2 =	smul.f32 $1.562500000e-02, s6;
	v30 =	vld [tilespmem:s20+$0x84D0]  }
0x2a9: {  	s12 =	smax.f32 s12, $0.0e+00;
	v29 =	vld [tilespmem:s20+$0x84E0];
	s6 =	smul.f32 s15, s10  }
0x2aa: {  	s11 =	smul.f32 s1, s11;
	s25 =	ssub.f32 s2, s4;
	v39 =	vld [tilespmem:s20+$0x84F0]  }
0x2ab: {  	s31 =	smul.f32 s3, s30;
	s29 =	sadd.s32 $0x400, s29;
	v28 =	vld [tilespmem:s20+$0x8400];
	s4 =	ssub.f32 $1.500000000e+00, s6  }
0x2ac: {  	v43 =	vld [tilespmem:s20+$0x8410]  }
0x2ad: {  	v40 =	vld [tilespmem:s20+$0x8420]  }
0x2ae: {  	v41 =	vld [tilespmem:s20+$0x8430]  }
0x2af: {  	v45 =	vmul.f32 v31, v31;
	v42 =	vld [tilespmem:s20+$0x8440];
	s2 =	sadd.f32 $9.999999960e-13, s14;
	v46 =	vmul.f32 v30, v30  }
0x2b0: {  	v44 =	vld [tilespmem:s20+$0x8450];
	s6 =	sadd.f32 $9.999999960e-13, s12;
	v49 =	vadd.f32 v30, v31;
	s4 =	smul.f32 s4, s10;
	v47 =	vmul.f32 v29, v29;
	v48 =	vmul.f32 v39, v39  }
0x2b1: {  	s1 =	smax.f32 s25, $0.0e+00;
	s3 =	smul.f32 $5.000000000e-01, s2;
	v50 =	vadd.f32 v39, v29;
	v46 =	vadd.f32 v46, v45;
	v45 =	vld [tilespmem:s20+$0x8460]  }
0x2b2: {  	s25 =	sadd.f32 $9.999999960e-13, s1;
	s1 =	smul.f32 $5.000000000e-01, s6;
	s2 =	sshrl.u32 s2, $0x1;
	v48 =	vadd.f32 v48, v47;
	v47 =	vld [tilespmem:s20+$0x8470]  }
0x2b3: {  	s6 =	sshrl.u32 s6, $0x1;
	s0 =	smul.f32 s4, s0;
	s2 =	ssub.s32 $0x5F3759DF, s2;
	v49 =	vadd.f32 v50, v49;
	v50 =	vld [tilespmem:s20+$0x84B0]  }
0x2b4: {  	s6 =	ssub.s32 $0x5F3759DF, s6;
	s30 =	smul.f32 s2, s3;
	v61 =	vadd.f32 v48, v46;
	v46 =	vld [tilespmem:s20+$0x8480]  }
0x2b5: {  	s15 =	smul.f32 s6, s1;
	(xrf2) =	vadd.scan.msk.f32 $0xffff, v49;
	v48 =	vld [tilespmem:s20+$0x8490]  }
0x2b6: {  	s29 =	smul.f32 s0, s4;
	v49 =	vld [tilespmem:s20+$0x84A0];
	(xrf2) =	vadd.scan.msk.f32 $0xffff, v61  }
0x2b7: {  	v52 =	vadd.f32 v43, v28;
	v55 =	vadd.f32 v41, v40;
	s0 =	smul.f32 $5.000000000e-01, s25  }
0x2b8: {  	v56 =	vmul.f32 v40, v40;
	v57 =	vmul.f32 v41, v41;
	v62 =	vadd.f32 v44, v42;
	s14 =	smul.f32 s2, s30;
	s12 =	ssub.f32 $1.500000000e+00, s29  }
0x2b9: {  	s10 =	sshrl.u32 s25, $0x1;
	s17 =	smul.f32 s6, s15;
	v52 =	vadd.f32 v55, v52;
	v58 =	vadd.f32 v47, v45  }
0x2ba: {  	v53 =	vmul.f32 v28, v28;
	s16 =	ssub.s32 $0x5F3759DF, s10;
	v56 =	vadd.f32 v57, v56;
	s14 =	ssub.f32 $1.500000000e+00, s14;
	s29 =	smul.f32 s12, s4;
	v57 =	vadd.f32 v48, v46  }
0x2bb: {  	v54 =	vmul.f32 v43, v43;
	s12 =	smul.f32 s16, s0;
	(xrf2) =	vadd.scan.msk.f32 $0xffff, v52;
	v63 =	vadd.f32 v58, v62;
	v60 =	vadd.f32 v50, v49  }
0x2bc: {  	v59 =	vmul.f32 v44, v44;
	s2 =	smul.f32 s2, s14  }
0x2bd: {  	v53 =	vadd.f32 v54, v53;
	v54 =	vmul.f32 v42, v42;
	s4 =	smul.f32 s16, s12;
	(xrf2) =	vadd.scan.msk.f32 $0xffff, v63;
	v52 =	vadd.f32 v60, v57  }
0x2be: {  	v61 =	vmul.f32 v45, v45;
	s10 =	smul.f32 s29, s28;
	s12 =	ssub.f32 $1.500000000e+00, s17;
	v62 =	vmul.f32 v47, v47  }
0x2bf: {  	v54 =	vadd.f32 v59, v54;
	v53 =	vadd.f32 v56, v53;
	v56 =	vmul.f32 v46, v46;
	s18 =	smul.f32 s2, s3;
	v63, _, _ =	vpop (xrf2);
	(xrf2) =	vadd.scan.msk.f32 $0xffff, v52  }
0x2c0: {  	v59 =	vmul.f32 v49, v49;
	s4 =	ssub.f32 $1.500000000e+00, s4;
	s6 =	smul.f32 s6, s12;
	v58 =	vadd.f32 v62, v61;
	(v2sf) =	vpush v63, $0xF;
	v55, _, _ =	vpop (xrf2)  }
0x2c1: {  	v57 =	vmul.f32 v48, v48;
	v60 =	vmul.f32 v50, v50;
	s30 =	smul.f32 s18, s2;
	(xrf2) =	vadd.scan.msk.f32 $0xffff, v53;
	(v2sf) =	vpush v55, $0xF  }
0x2c2: {  	s4 =	smul.f32 s16, s4;
	v58 =	vadd.f32 v58, v54  }
0x2c3: {  	s25 =	smul.f32 s6, s1;
	v61 =	vadd.f32 v57, v56;
	v62 =	vadd.f32 v60, v59  }
0x2c4: {  	s16 =	ssub.f32 $1.500000000e+00, s30;
	s28 =	smul.f32 s4, s0  }
0x2c5: {  	s14 =	smul.f32 s25, s6;
	v63 =	vadd.f32 v62, v61;
	(xrf2) =	vadd.scan.msk.f32 $0xffff, v58;
	v56, _, _ =	vpop (xrf2)  }
0x2c6: {  	s2 =	smul.f32 s16, s2;
	(v2sf) =	vpush v56, $0xF  }
0x2c7: {  	s15 =	smul.f32 s28, s4;
	(xrf2) =	vadd.scan.msk.f32 $0xffff, v63;
	v57, _, _ =	vpop (xrf2)  }
0x2c8: {  	s12 =	smul.f32 s5, s22;
	s14 =	ssub.f32 $1.500000000e+00, s14;
	(v2sf) =	vpush v57, $0xF  }
0x2c9: {  	s3 =	smul.f32 s2, s3;
	s22 =	ssub.f32 $1.500000000e+00, s15;
	v58, _, _ =	vpop (xrf2)  }
0x2ca: {  	s6 =	smul.f32 s14, s6;
	(v2sf) =	vpush v58, $0xF  }
0x2cb: {  	s4 =	smul.f32 s22, s4;
	v59, _, _ =	vpop (xrf2)  }
0x2cc: {  	s3 =	smul.f32 s3, s2;
	(v2sf) =	vpush v59, $0xF  }
0x2cd: {  	s0 =	smul.f32 s4, s0  }
0x2ce: {  	s1 =	smul.f32 s6, s1  }
0x2cf: {  	s0 =	smul.f32 s0, s4;
	v60, _, _ =	vpop (xrf2);
	s17 =	spop (v2sf)  }
0x2d0: {  	(v2sf) =	vpush v60, $0xF;
	s30 =	smul.f32 $1.562500000e-02, s17;
	s18 =	spop (v2sf)  }
0x2d1: {  	v61, _, _ =	vpop (xrf2);
	s5 =	smul.f32 $1.562500000e-02, s18  }
0x2d2: {  	s3 =	ssub.f32 $1.500000000e+00, s3;
	(v2sf) =	vpush v61, $0xF;
	s25 =	smul.f32 s30, s30  }
0x2d3: {  	s1 =	smul.f32 s1, s6;
	s0 =	ssub.f32 $1.500000000e+00, s0  }
0x2d4: {  	s3 =	smul.f32 s3, s2;
	s5 =	ssub.f32 s5, s25  }
0x2d5: {  	s0 =	smul.f32 s0, s4;
	s28 =	spop (v2sf)  }
0x2d6: {  	s28 =	smul.f32 $1.562500000e-02, s28;
	s5 =	smax.f32 s5, $0.0e+00  }
0x2d7: {  	s14 =	spop (v2sf);
	s5 =	sadd.f32 $9.999999960e-13, s5  }
0x2d8: {  	s22 =	smul.f32 $1.562500000e-02, s14  }
0x2d9: {  	s15 =	sshrl.u32 s5, $0x1;
	s2 =	smul.f32 $5.000000000e-01, s5;
	s16 =	spop (v2sf)  }
0x2da: {  	s14 =	ssub.s32 $0x5F3759DF, s15;
	s5 =	smul.f32 $1.562500000e-02, s16  }
0x2db: {  	s17 =	smul.f32 s14, s2;
	s18 =	spop (v2sf)  }
0x2dc: {  	s16 =	smul.f32 $1.562500000e-02, s18  }
0x2dd: {  	s15 =	smul.f32 s14, s17  }
0x2de: {  	s10 =	ssub.f32 $0.0e+00, s10;
	s18 =	smul.f32 s22, s22  }
0x2df: {  	s17 =	spop (v2sf);
	s15 =	ssub.f32 $1.500000000e+00, s15  }
0x2e0: {  	s1 =	ssub.f32 $1.500000000e+00, s1;
	s17 =	smul.f32 $1.562500000e-02, s17  }
0x2e1: {  	s25 =	spop (v2sf);
	s14 =	smul.f32 s14, s15  }
0x2e2: {  	s4 =	ssub.f32 $0.0e+00, s12;
	s15 =	smul.f32 $1.562500000e-02, s25  }
0x2e3: {  	s25 =	smul.f32 s28, s28;
	s17 =	ssub.f32 s17, s18  }
0x2e4: {  	s1 =	smul.f32 s1, s6;
	s18 =	ssub.f32 $0.0e+00, s31  }
0x2e5: {  	v8 =	vmul.f32 s11, v8;
	s6 =	smul.f32 s11, s21;
	s16 =	ssub.f32 s16, s25  }
0x2e6: {  	v27 =	vmul.f32 s29, v27;
	v23 =	vmul.f32 s29, v23;
	s25 =	smul.f32 s5, s5;
	s17 =	smax.f32 s17, $0.0e+00  }
0x2e7: {  	v22 =	vmul.f32 s29, v22;
	v24 =	vmul.f32 s29, v24;
	s31 =	smul.f32 s14, s2;
	s29 =	sadd.f32 $9.999999960e-13, s17  }
0x2e8: {  	v10 =	vmul.f32 s11, v10;
	v9 =	vmul.f32 s11, v9;
	v27 =	vadd.f32 s10, v27;
	s12 =	smul.f32 s3, s26;
	s15 =	ssub.f32 s15, s25  }
0x2e9: {  	v23 =	vadd.f32 s10, v23;
	v20 =	vmul.f32 s0, v20;
	v21 =	vmul.f32 s0, v21;
	s25 =	smul.f32 s31, s14;
	s16 =	smax.f32 s16, $0.0e+00  }
0x2ea: {  	v22 =	vadd.f32 s10, v22;
	v25 =	vmul.f32 s0, v25;
	v26 =	vmul.f32 s0, v26;
	s0 =	smul.f32 s0, s23;
	s21 =	sadd.f32 $9.999999960e-13, s16  }
0x2eb: {  	v11 =	vmul.f32 s11, v11;
	v24 =	vadd.f32 s10, v24;
	v35 =	vadd.f32 s4, v35;
	s11 =	smul.f32 $5.000000000e-01, s29;
	s31 =	ssub.f32 $1.500000000e+00, s25  }
0x2ec: {  	v27 =	vmul.f32 v27, v0;
	v17 =	vmul.f32 s3, v17;
	s6 =	ssub.f32 $0.0e+00, s6;
	v33 =	vadd.f32 s4, v33;
	s26 =	smul.f32 $5.000000000e-01, s21;
	s10 =	sshrl.u32 s21, $0x1  }
0x2ed: {  	v36 =	vadd.f32 s4, v36;
	v32 =	vadd.f32 s4, v32;
	v35 =	vmul.f32 v35, v2;
	s25 =	smax.f32 s15, $0.0e+00;
	s14 =	smul.f32 s31, s14;
	s4 =	ssub.s32 $0x5F3759DF, s10  }
0x2ee: {  	v27 =	vadd.f32 v27, v1;
	v18 =	vmul.f32 s3, v18;
	v16 =	vmul.f32 s3, v16;
	s31 =	sadd.f32 $9.999999960e-13, s25;
	s17 =	smul.f32 s4, s26  }
0x2ef: {  	v19 =	vmul.f32 s3, v19;
	v8 =	vadd.f32 s6, v8;
	v35 =	vadd.f32 v35, v5;
	s2 =	smul.f32 s14, s2  }
0x2f0: {  	v33 =	vmul.f32 v33, v3;
	v51 =	vadd.f32 s18, v51;
	v37 =	vadd.f32 s18, v37;
	s21 =	smul.f32 $5.000000000e-01, s31;
	s16 =	sshrl.u32 s31, $0x1  }
0x2f1: {  	v36 =	vmul.f32 v36, v4;
	v38 =	vadd.f32 s18, v38;
	v34 =	vadd.f32 s18, v34;
	s18 =	ssub.s32 $0x5F3759DF, s16;
	s2 =	smul.f32 s2, s14  }
0x2f2: {  	[tilespmem:s19+$0x104F0] =	vst v27;
	v10 =	vadd.f32 s6, v10;
	v32 =	vmul.f32 v32, v0;
	v33 =	vadd.f32 v33, v6;
	s15 =	sshrl.u32 s29, $0x1;
	s29 =	smul.f32 s18, s21  }
0x2f3: {  	v9 =	vadd.f32 s6, v9;
	v8 =	vmul.f32 v8, v2;
	v62 =	vadd.f32 v36, v7;
	[tilespmem:s9+$0x10440] =	vst v35;
	s31 =	smul.f32 s1, s24;
	s2 =	ssub.f32 $1.500000000e+00, s2  }
0x2f4: {  	v11 =	vadd.f32 s6, v11;
	v10 =	vmul.f32 v10, v3;
	v32 =	vadd.f32 v32, v1;
	[tilespmem:s9+$0x10450] =	vst v33;
	s3 =	smul.f32 s18, s29  }
0x2f5: {  	v9 =	vmul.f32 v9, v4;
	v8 =	vadd.f32 v8, v5;
	[tilespmem:s9+$0x10460] =	vst v62;
	s10 =	smul.f32 s2, s14  }
0x2f6: {  	v11 =	vmul.f32 v11, v0;
	v10 =	vadd.f32 v10, v6;
	[tilespmem:s9+$0x10470] =	vst v32;
	s2 =	ssub.s32 $0x5F3759DF, s15;
	s15 =	smul.f32 s4, s17  }
0x2f7: {  	v9 =	vadd.f32 v9, v7;
	[tilespmem:s9+$0x10480] =	vst v8;
	v51 =	vmul.f32 v51, v2;
	s3 =	ssub.f32 $1.500000000e+00, s3;
	s25 =	smul.f32 s2, s11  }
0x2f8: {  	v11 =	vadd.f32 v11, v1;
	[tilespmem:s9+$0x10490] =	vst v10;
	v37 =	vmul.f32 v37, v3;
	s30 =	smul.f32 s10, s30  }
0x2f9: {  	[tilespmem:s9+$0x104A0] =	vst v9;
	v38 =	vmul.f32 v38, v4;
	v51 =	vadd.f32 v51, v5;
	s15 =	ssub.f32 $1.500000000e+00, s15;
	s3 =	smul.f32 s18, s3  }
0x2fa: {  	[tilespmem:s9+$0x104B0] =	vst v11;
	v34 =	vmul.f32 v34, v0;
	v37 =	vadd.f32 v37, v6;
	s14 =	smul.f32 s2, s25  }
0x2fb: {  	v24 =	vmul.f32 v24, v4;
	s0 =	ssub.f32 $0.0e+00, s0;
	v38 =	vadd.f32 v38, v7;
	[tilespmem:s9+$0x10400] =	vst v51;
	s4 =	smul.f32 s4, s15  }
0x2fc: {  	v23 =	vmul.f32 v23, v2;
	v22 =	vmul.f32 v22, v3;
	v34 =	vadd.f32 v34, v1;
	[tilespmem:s9+$0x10410] =	vst v37;
	s29 =	smul.f32 s3, s21  }
0x2fd: {  	v24 =	vadd.f32 v24, v7;
	v13 =	vmul.f32 s1, v13;
	v60 =	vadd.f32 s0, v20;
	[tilespmem:s9+$0x10420] =	vst v38;
	s14 =	ssub.f32 $1.500000000e+00, s14;
	s24 =	smul.f32 s4, s26  }
0x2fe: {  	v23 =	vadd.f32 v23, v5;
	v12 =	vmul.f32 s1, v12;
	v14 =	vmul.f32 s1, v14;
	[tilespmem:s9+$0x10430] =	vst v34;
	s18 =	ssub.f32 $0.0e+00, s12;
	s12 =	smul.f32 s29, s3  }
0x2ff: {  	v22 =	vadd.f32 v22, v6;
	v15 =	vmul.f32 s1, v15;
	[tilespmem:s19+$0x104E0] =	vst v24;
	v24 =	vmul.f32 v60, v2;
	s2 =	smul.f32 s2, s14  }
0x300: {  	v61 =	vadd.f32 s0, v21;
	v26 =	vadd.f32 s0, v26;
	v63 =	vmul.f32 s10, v39;
	s6 =	smul.f32 s24, s4;
	s14 =	ssub.f32 $1.500000000e+00, s12  }
0x301: {  	v33 =	vadd.f32 v24, v5;
	v39 =	vmul.f32 s10, v31;
	v51 =	vmul.f32 s10, v30;
	s15 =	ssub.f32 $0.0e+00, s30;
	s25 =	smul.f32 s2, s11  }
0x302: {  	v30 =	vmul.f32 v26, v0;
	v17 =	vadd.f32 s18, v17;
	v18 =	vadd.f32 s18, v18;
	s6 =	ssub.f32 $1.500000000e+00, s6;
	s3 =	smul.f32 s14, s3  }
0x303: {  	v52 =	vmul.f32 s10, v29;
	s30 =	ssub.f32 $0.0e+00, s31;
	v16 =	vadd.f32 s18, v16;
	v55 =	vadd.f32 s18, v19;
	s31 =	smul.f32 s25, s2  }
0x304: {  	v35 =	vadd.f32 v30, v1;
	v37 =	vadd.f32 s15, v63;
	v53 =	vmul.f32 v17, v2;
	s1 =	smul.f32 s6, s4  }
0x305: {  	v54 =	vmul.f32 v18, v3;
	v13 =	vadd.f32 s30, v13;
	v58 =	vadd.f32 s15, v39;
	s18 =	smul.f32 s3, s21;
	s10 =	ssub.f32 $1.500000000e+00, s31  }
0x306: {  	v59 =	vadd.f32 s15, v51;
	v8 =	vadd.f32 s15, v52;
	v38 =	vmul.f32 v37, v0;
	s15 =	smul.f32 s1, s26  }
0x307: {  	v56 =	vmul.f32 v16, v4;
	v12 =	vadd.f32 s30, v12;
	v14 =	vadd.f32 s30, v14;
	s2 =	smul.f32 s10, s2  }
0x308: {  	[tilespmem:s19+$0x104C0] =	vst v23;
	v57 =	vmul.f32 v55, v0;
	v15 =	vadd.f32 s30, v15;
	v27 =	vadd.f32 v38, v1;
	s16 =	smul.f32 s15, s1  }
0x309: {  	[tilespmem:s19+$0x104D0] =	vst v22;
	v63 =	vadd.f32 s0, v25;
	v25 =	vmul.f32 v61, v3;
	v10 =	vadd.f32 v53, v5;
	s17 =	smul.f32 s2, s11  }
0x30a: {  	v13 =	vmul.f32 v13, v2;
	v12 =	vmul.f32 v12, v3;
	v17 =	vadd.f32 v54, v6;
	[tilespmem:s20+$0x104F0] =	vst v27;
	s24 =	smul.f32 s18, s3;
	s21 =	ssub.f32 $1.500000000e+00, s16  }
0x30b: {  	v14 =	vmul.f32 v14, v4;
	v9 =	vadd.f32 v56, v7;
	v15 =	vmul.f32 v15, v0;
	[tilespmem:s19+$0x10400] =	vst v10;
	s23 =	smul.f32 s17, s2  }
0x30c: {  	v16 =	vmul.f32 v58, v2;
	v62 =	vadd.f32 v57, v1;
	v11 =	vmul.f32 v63, v4;
	[tilespmem:s19+$0x10410] =	vst v17;
	s0 =	smul.f32 s21, s1  }
0x30d: {  	v32 =	vmul.f32 v59, v3;
	v34 =	vadd.f32 v25, v6;
	v12 =	vadd.f32 v12, v6;
	[tilespmem:s19+$0x10420] =	vst v9;
	s4 =	ssub.f32 $1.500000000e+00, s23  }
0x30e: {  	v8 =	vmul.f32 v8, v4;
	v29 =	vadd.f32 v14, v7;
	v31 =	vadd.f32 v15, v1;
	[tilespmem:s19+$0x10430] =	vst v62;
	s1 =	ssub.f32 $1.500000000e+00, s24;
	s25 =	smul.f32 s0, s28  }
0x30f: {  	v11 =	vadd.f32 v11, v7;
	[tilespmem:s19+$0x10450] =	vst v12;
	v37 =	vmul.f32 s0, v28;
	v38 =	vmul.f32 s0, v43;
	s2 =	smul.f32 s4, s2  }
0x310: {  	v36 =	vadd.f32 v16, v5;
	[tilespmem:s19+$0x10460] =	vst v29;
	v39 =	vmul.f32 s0, v40;
	v40 =	vmul.f32 s0, v41;
	s1 =	smul.f32 s1, s3  }
0x311: {  	v15 =	vadd.f32 v32, v6;
	[tilespmem:s19+$0x10470] =	vst v31;
	v41 =	vmul.f32 s2, v42;
	v42 =	vmul.f32 s2, v44  }
0x312: {  	v8 =	vadd.f32 v8, v7;
	[tilespmem:s19+$0x10480] =	vst v33;
	s26 =	ssub.f32 $0.0e+00, s25;
	s28 =	smul.f32 s1, s5;
	v43 =	vmul.f32 s2, v45;
	v44 =	vmul.f32 s2, v47  }
0x313: {  	v27 =	vadd.f32 v13, v5;
	[tilespmem:s19+$0x10490] =	vst v34;
	v45 =	vmul.f32 s1, v46;
	v46 =	vmul.f32 s1, v48  }
0x314: {  	[tilespmem:s19+$0x104A0] =	vst v11;
	s2 =	smul.f32 s2, s22;
	v47 =	vmul.f32 s1, v49;
	v13 =	vadd.f32 s26, v37;
	v16 =	vadd.f32 s26, v38;
	s0 =	ssub.f32 $0.0e+00, s28  }
0x315: {  	[tilespmem:s19+$0x104B0] =	vst v35;
	v48 =	vmul.f32 s1, v50;
	v14 =	vadd.f32 s26, v39;
	v18 =	vadd.f32 s26, v40  }
0x316: {  	[tilespmem:s19+$0x10440] =	vst v27;
	s2 =	ssub.f32 $0.0e+00, s2;
	v13 =	vmul.f32 v13, v2;
	v11 =	vadd.f32 s0, v45;
	v55 =	vadd.f32 s0, v46  }
0x317: {  	[tilespmem:s20+$0x104C0] =	vst v36;
	v16 =	vmul.f32 v16, v3;
	v12 =	vadd.f32 s0, v47;
	v60 =	vadd.f32 s0, v48  }
0x318: {  	[tilespmem:s20+$0x104D0] =	vst v15;
	v14 =	vmul.f32 v14, v4;
	v9 =	vadd.f32 s2, v41;
	v13 =	vadd.f32 v13, v5  }
0x319: {  	[tilespmem:s20+$0x104E0] =	vst v8;
	v49 =	vmul.f32 v18, v0;
	v50 =	vadd.f32 s2, v42;
	v16 =	vadd.f32 v16, v6  }
0x31a: {  	v17 =	vadd.f32 s2, v43;
	v51 =	vadd.f32 v14, v7;
	v57 =	vmul.f32 v11, v2;
	[tilespmem:s20+$0x10400] =	vst v13  }
0x31b: {  	v52 =	vadd.f32 s2, v44;
	v8 =	vadd.f32 v49, v1;
	v59 =	vmul.f32 v55, v3;
	[tilespmem:s20+$0x10410] =	vst v16  }
0x31c: {  	v62 =	vmul.f32 v12, v4;
	v9 =	vmul.f32 v9, v2;
	[tilespmem:s20+$0x10420] =	vst v51;
	v2 =	vadd.f32 v57, v5  }
0x31d: {  	v63 =	vmul.f32 v60, v0;
	v15 =	vmul.f32 v50, v3;
	[tilespmem:s20+$0x10430] =	vst v8;
	v3 =	vadd.f32 v59, v6  }
0x31e: {  	v53 =	vmul.f32 v17, v4;
	v4 =	vadd.f32 v62, v7;
	[tilespmem:s20+$0x10480] =	vst v2  }
0x31f: {  	v54 =	vmul.f32 v52, v0;
	v0 =	vadd.f32 v63, v1;
	[tilespmem:s20+$0x10490] =	vst v3  }
0x320: {  	v9 =	vadd.f32 v9, v5;
	[tilespmem:s20+$0x104A0] =	vst v4  }
0x321: {  	v56 =	vadd.f32 v15, v6;
	[tilespmem:s20+$0x104B0] =	vst v0  }
.Ltmp5:
0x322: {  	v58 =	vadd.f32 v53, v7;
	[tilespmem:s20+$0x10440] =	vst v9;
	(pc) =	sbr.rel @p0 .LBB2_10-.Ltmp5, $4  }
0x323: {  	v61 =	vadd.f32 v54, v1;
	[tilespmem:s20+$0x10450] =	vst v56  }
0x324: {  	s29 =	sshll.u32 s13, $0xD;
	s30 =	rddreg [dreg:$0xc];
	[tilespmem:s20+$0x10460] =	vst v58  }
0x325: {  	s31 =	simm.s32 $0x10400;
	s18 =	simm.s32 $0x0;
	s0 =	sadd.s32 s30, s29;
	[tilespmem:s20+$0x10470] =	vst v61  }
0x326: {  	[hbm4b:s0+s18] =	stream.linear.scatter [tilespmem:s31], [sflag:$0x3], $0x8000, $0x38;
	[tilespmem:$0x18480] =	vst v63  }
0x327: {  	s0 =	rddreg [dreg:$0xa]  }
0x328: {  	s0 =	sadd.s32 s8, s0  }
0x329: {  	s0 =	sshll.u32 s0, $0x4  }
0x32a: {  	s1 =	rddreg [dreg:$0x0];
	s0 =	sand.u32 $0x1FFFFFC0, s0  }
0x32b: {  	s22 =	simm.s32 $0x200;
	s23 =	simm.s32 $0x4;
	s0 =	sadd.s32 s1, s0  }
0x32c: {  	[tilespmem:s22], [sflag:$0x4] =	stream.linear.gather [hbm4b:s0+s18], $0x200, $0x38;
	[tilespmem:$0x18480] =	vst v63  }
0x32d: {  	_ =	swait.ge [sflag:s23], $0x200  }
0x32e: {  	[sflag:s23] =	ssyncset.done $0x0  }
0x32f: {  	[sflag:s23] =	ssyncadd.s32 $0xFFFFFE00  }
0x330: {  	v0 =	vld [tilespmem:$0x200]  }
0x331: {  	v1 =	vld [tilespmem:$0x210]  }
0x332: {  	v2 =	vld [tilespmem:$0x220]  }
0x333: {  	v3 =	vld [tilespmem:$0x230]  }
0x334: {  	v4 =	vld [tilespmem:$0x240]  }
0x335: {  	v5 =	vld [tilespmem:$0x250];
	v0 =	vshll.u32 v0, $0x1  }
0x336: {  	v8 =	vld [tilespmem:$0x260];
	v7 =	vshll.u32 v1, $0x1;
	[tilespmem:$0x200] =	vst v0  }
0x337: {  	v10 =	vld [tilespmem:$0x270];
	v9 =	vshll.u32 v2, $0x1;
	[tilespmem:$0x210] =	vst v7  }
0x338: {  	v12 =	vld [tilespmem:$0x280];
	v11 =	vshll.u32 v3, $0x1;
	[tilespmem:$0x220] =	vst v9  }
0x339: {  	v14 =	vld [tilespmem:$0x290];
	v13 =	vshll.u32 v4, $0x1;
	[tilespmem:$0x230] =	vst v11  }
0x33a: {  	v16 =	vld [tilespmem:$0x2A0];
	v15 =	vshll.u32 v5, $0x1;
	[tilespmem:$0x240] =	vst v13  }
0x33b: {  	v18 =	vld [tilespmem:$0x2B0];
	v17 =	vshll.u32 v8, $0x1;
	[tilespmem:$0x250] =	vst v15  }
0x33c: {  	v20 =	vld [tilespmem:$0x2C0];
	v19 =	vshll.u32 v10, $0x1;
	[tilespmem:$0x260] =	vst v17  }
0x33d: {  	v22 =	vld [tilespmem:$0x2D0];
	v21 =	vshll.u32 v12, $0x1;
	[tilespmem:$0x270] =	vst v19  }
0x33e: {  	v24 =	vld [tilespmem:$0x2E0];
	v23 =	vshll.u32 v14, $0x1;
	[tilespmem:$0x280] =	vst v21  }
0x33f: {  	v26 =	vld [tilespmem:$0x2F0];
	v25 =	vshll.u32 v16, $0x1;
	[tilespmem:$0x290] =	vst v23  }
0x340: {  	v28 =	vld [tilespmem:$0x300];
	v27 =	vshll.u32 v18, $0x1;
	[tilespmem:$0x2A0] =	vst v25  }
0x341: {  	v30 =	vld [tilespmem:$0x310];
	v29 =	vshll.u32 v20, $0x1;
	[tilespmem:$0x2B0] =	vst v27  }
0x342: {  	v32 =	vld [tilespmem:$0x320];
	v31 =	vshll.u32 v22, $0x1;
	[tilespmem:$0x2C0] =	vst v29  }
0x343: {  	v34 =	vld [tilespmem:$0x330];
	v33 =	vshll.u32 v24, $0x1;
	[tilespmem:$0x2D0] =	vst v31  }
0x344: {  	v36 =	vld [tilespmem:$0x340];
	v35 =	vshll.u32 v26, $0x1;
	[tilespmem:$0x2E0] =	vst v33  }
0x345: {  	v38 =	vld [tilespmem:$0x350];
	v37 =	vshll.u32 v28, $0x1;
	[tilespmem:$0x2F0] =	vst v35  }
0x346: {  	v40 =	vld [tilespmem:$0x360];
	v39 =	vshll.u32 v30, $0x1;
	[tilespmem:$0x300] =	vst v37  }
0x347: {  	v42 =	vld [tilespmem:$0x370];
	v41 =	vshll.u32 v32, $0x1;
	[tilespmem:$0x310] =	vst v39  }
0x348: {  	v44 =	vld [tilespmem:$0x380];
	v43 =	vshll.u32 v34, $0x1;
	[tilespmem:$0x320] =	vst v41  }
0x349: {  	v46 =	vld [tilespmem:$0x390];
	v45 =	vshll.u32 v36, $0x1;
	[tilespmem:$0x330] =	vst v43  }
0x34a: {  	v48 =	vld [tilespmem:$0x3A0];
	v47 =	vshll.u32 v38, $0x1;
	[tilespmem:$0x340] =	vst v45  }
0x34b: {  	v50 =	vld [tilespmem:$0x3B0];
	v49 =	vshll.u32 v40, $0x1;
	[tilespmem:$0x350] =	vst v47  }
0x34c: {  	v52 =	vld [tilespmem:$0x3C0];
	v51 =	vshll.u32 v42, $0x1;
	[tilespmem:$0x360] =	vst v49  }
0x34d: {  	v54 =	vld [tilespmem:$0x3D0];
	v53 =	vshll.u32 v44, $0x1;
	[tilespmem:$0x370] =	vst v51  }
0x34e: {  	v56 =	vld [tilespmem:$0x3E0];
	v55 =	vshll.u32 v46, $0x1;
	[tilespmem:$0x380] =	vst v53  }
0x34f: {  	v58 =	vld [tilespmem:$0x3F0];
	v57 =	vshll.u32 v48, $0x1;
	[tilespmem:$0x390] =	vst v55  }
0x350: {  	v59 =	vshll.u32 v50, $0x1;
	[tilespmem:$0x3A0] =	vst v57  }
0x351: {  	v60 =	vshll.u32 v52, $0x1;
	[tilespmem:$0x3B0] =	vst v59  }
0x352: {  	v61 =	vshll.u32 v54, $0x1;
	[tilespmem:$0x3C0] =	vst v60  }
0x353: {  	v62 =	vshll.u32 v56, $0x1;
	[tilespmem:$0x3D0] =	vst v61  }
0x354: {  	v63 =	vshll.u32 v58, $0x1;
	[tilespmem:$0x3E0] =	vst v62  }
0x355: {  	s24 =	simm.s32 $0x80;
	s2 =	simm.s32 $0x8400;
	[tilespmem:$0x3F0] =	vst v63  }
0x356: {  	[tilespmem:s2], [sflag:$0x2] =	stream.indirect.gather [hbm4b:s7+s24], $0x40, s22, s24, $0xb8;
	[tilespmem:$0x18480] =	vst v63  }
0x357: {  	s25 =	simm.s32 $0x280;
	s26 =	simm.s32 $0xA400  }
0x358: {  	[tilespmem:s26], [sflag:$0x2] =	stream.indirect.gather [hbm4b:s7+s24], $0x40, s25, s24, $0xb8;
	[tilespmem:$0x18480] =	vst v63  }
.Ltmp6:
0x359: {  	_ = 	snop;
	(pc) =	sbr.rel .LBB2_2-.Ltmp6, $4  }
0x35a: {  	s28 =	simm.s32 $0x300;
	s29 =	simm.s32 $0xC400  }
0x35b: {  	[tilespmem:s29], [sflag:$0x2] =	stream.indirect.gather [hbm4b:s7+s24], $0x40, s28, s24, $0xb8;
	[tilespmem:$0x18480] =	vst v63  }
0x35c: {  	s30 =	simm.s32 $0x380;
	s31 =	simm.s32 $0xE400;
	s13 =	sadd.s32 $0x1, s13  }
0x35d: {  	[tilespmem:s31], [sflag:$0x2] =	stream.indirect.gather [hbm4b:s7+s24], $0x40, s30, s24, $0xb8;
	[tilespmem:$0x18480] =	vst v63  }
.LBB2_11:
0x35e: {  	_ =	sfence.sel $0x180000  }
0x35f: {  	[bflag:$0x0] =	sbarrier.arrive $0xFFFF  }
0x360: {  	_ =	strace $0x90000047  }
0x361: {  	s0 =	stileid.u32;
	[bflag:$0x2] =	sbarrier.arrive $0xFFFF  }
0x362: {  	p0 =	sne.s32 s0, $0x0;
	s0 =	rddreg [dreg:$0x5]  }
0x363: {  	s0 =	sadd.s32 @!p0 $0x100000, s0  }
0x364: {  	[sflag:s0] =	ssyncadd.tile.s32 @!p0 $0x1;
	_ =	shalt  }
.Lfunc_end2:
_tile_overlayer_lowered:
.L_overlay_start_2:
0x365: {  	(tag) =	ssettag $0x2  }
0x366: {  	s0 =	rddreg [dreg:$0x0];
	s2 =	stileid.u32  }
0x367: {  	s1 =	rddreg [dreg:$0x1];
	p0 =	sne.s32 s2, $0x0  }
0x368: {  	s3 =	rddreg [dreg:$0x2];
	[bflag:$0x3] =	sbarrier.arrive $0xFFFF;
	s2 =	simm.s32 @!p0 $0x1C04  }
0x369: {  	[timem:s3], [sflag:s2] =	dma.local @!p0 [hbm:s0], s1  }
0x36a: {  	s0 =	simm.s32 @!p0 $0x4  }
0x36b: {  	_ =	swait.ge @!p0 [sflag:s0], s1  }
0x36c: {  	s1 =	ssub.s32 @!p0 $0x0, s1;
	[sflag:s0] =	ssyncset.done @!p0 $0x0  }
0x36d: {  	[sflag:s0] =	ssyncadd.s32 @!p0 s1  }
0x36e: {  	[bflag:$0x3] =	sbarrier.arrive $0xFFFF  }
0x36f: {  	_ =	shalt  }

</sc_bundles>
